<compile_context>
chip_gen: v7x
topology: tpu7x:2x2x1
jax: 0.10.2.dev20260603
libtpu: 0.0.44.dev20260713+nightly
codegen_flags: <defaults>
</compile_context>

<pallas_src>
import functools

import jax
import jax.numpy as jnp
import numpy as np
from jax import lax
from jax.experimental import pallas as pl
from jax.experimental.pallas import tpu as pltpu
from jax.experimental.pallas import tpu_sc as plsc

NC = 2
NS = 16
CHUNK = 128
GRP = 16


def _sc_agg(feat, src_all, dst_all, zrows, ones_c, want_counts):
    NPAD, D = feat.shape
    CH = src_all.shape[0] // (NC * NS)
    rpt = NPAD // NS

    full, tail = rpt // CHUNK, rpt % CHUNK
    pieces = [(k * CHUNK, CHUNK) for k in range(full)]
    if tail:
        pieces.append((full * CHUNK, tail))
    NW = len(pieces)
    NWP = -(-NW // 8) * 8

    own_np = np.zeros((NS * NWP, CHUNK), np.int32)
    lane = np.arange(CHUNK)
    for s in range(NS):
        for k, (off, ln) in enumerate(pieces):
            own_np[s * NWP + k] = s * rpt + off + np.minimum(lane, ln - 1)
    own_idx = jnp.asarray(own_np)

    mesh = plsc.VectorSubcoreMesh(
        core_axis_name="c", subcore_axis_name="s", num_cores=NC, num_subcores=NS)

    out_type = [jax.ShapeDtypeStruct((NC * NPAD, D), jnp.float32)]
    if want_counts:
        out_type.append(jax.ShapeDtypeStruct((NC * NPAD, D), jnp.float32))
    scratch = [
        pltpu.VMEM_SHARED((NPAD, D), jnp.float32),
        pltpu.VMEM((GRP, CHUNK), jnp.int32),
        pltpu.VMEM((GRP, CHUNK), jnp.int32),
        pltpu.VMEM((NWP, CHUNK), jnp.int32),
        pltpu.VMEM((2, CHUNK, D), jnp.float32),
        pltpu.SemaphoreType.DMA,
        pltpu.SemaphoreType.DMA,
        pltpu.SemaphoreType.DMA,
        pltpu.SemaphoreType.DMA,
    ]
    if want_counts:
        scratch.append(pltpu.SemaphoreType.DMA)
    FD = 16

    @functools.partial(pl.kernel, out_type=tuple(out_type), mesh=mesh,
                       scratch_types=scratch)
    def run(*refs):
        if want_counts:
            (feat_h, src_h, dst_h, own_h, zr_h, on_h,
             sums_h, cnts_h, acc, src_v, dst_v, own_v, rows_v, sem0, sem1,
             asem0, asem1, semc) = refs
        else:
            (feat_h, src_h, dst_h, own_h, zr_h, on_h,
             sums_h, acc, src_v, dst_v, own_v, rows_v, sem0, sem1,
             asem0, asem1) = refs
        c = lax.axis_index("c")
        s = lax.axis_index("s")
        r0 = s * rpt
        idx0 = (c * NS + s) * CH
        o0 = c * NPAD + r0
        sems = (sem0, sem1)
        asems = (asem0, asem1)

        pltpu.sync_copy(own_h.at[pl.ds(s * NWP, NWP)], own_v)

        def zero_acc():
            pltpu.sync_copy(zr_h, rows_v.at[0])
            for k in range(NW):
                pltpu.sync_copy(rows_v.at[0], acc.at[own_v.at[k]])

        def readback(dst_hbm):
            for k, (off, ln) in enumerate(pieces):
                pltpu.async_copy(acc.at[own_v.at[k]], rows_v.at[0], sem0).wait()
                pltpu.sync_copy(rows_v.at[0, pl.ds(0, ln)],
                                dst_hbm.at[pl.ds(o0 + off, ln)])

        if want_counts:
            zero_acc()
            pltpu.sync_copy(on_h, rows_v.at[0])
            plsc.subcore_barrier()

            @pl.loop(0, CH // GRP)
            def _cgroup(g):
                pltpu.sync_copy(dst_h.at[pl.ds(idx0 + g * GRP, GRP)], dst_v)

                @pl.loop(0, GRP // FD)
                def _half(h):
                    for t in range(FD):
                        pltpu.async_copy(rows_v.at[0],
                                         acc.at[dst_v.at[h * FD + t]],
                                         semc, add=True)
                    for t in range(FD):
                        pltpu.make_async_copy(rows_v.at[0],
                                              acc.at[dst_v.at[h * FD + t]],
                                              semc).wait()

            plsc.subcore_barrier()
            readback(cnts_h)

        zero_acc()
        plsc.subcore_barrier()

        @pl.loop(0, CH // GRP)
        def _group(g):
            pltpu.sync_copy(src_h.at[pl.ds(idx0 + g * GRP, GRP)], src_v)
            pltpu.sync_copy(dst_h.at[pl.ds(idx0 + g * GRP, GRP)], dst_v)

            for b in range(2):
                pltpu.async_copy(feat_h.at[src_v.at[b]], rows_v.at[b], sems[b])

            @pl.loop(0, GRP // 2 - 1)
            def _pipe(q):
                j = 2 * q
                for b in range(2):
                    pltpu.make_async_copy(feat_h.at[src_v.at[j + b]],
                                          rows_v.at[b], sems[b]).wait()
                    pltpu.async_copy(rows_v.at[b], acc.at[dst_v.at[j + b]],
                                     asems[b], add=True)
                for b in range(2):
                    pltpu.make_async_copy(rows_v.at[b],
                                          acc.at[dst_v.at[j + b]],
                                          asems[b]).wait()
                    pltpu.async_copy(feat_h.at[src_v.at[j + 2 + b]],
                                     rows_v.at[b], sems[b])

            jl = GRP - 2
            for b in range(2):
                pltpu.make_async_copy(feat_h.at[src_v.at[jl + b]],
                                      rows_v.at[b], sems[b]).wait()
                pltpu.async_copy(rows_v.at[b], acc.at[dst_v.at[jl + b]],
                                 asems[b], add=True)
            for b in range(2):
                pltpu.make_async_copy(rows_v.at[b], acc.at[dst_v.at[jl + b]],
                                      asems[b]).wait()

        plsc.subcore_barrier()
        readback(sums_h)

    return run(feat, src_all, dst_all, own_idx, zrows, ones_c)


def _tc_layer(sums, cnts, Wa, ba, Wb, bb, relu):
    NPAD, D = sums.shape[1], sums.shape[2]

    def body(s_ref, c_ref, wa_ref, ba_ref, wb_ref, bb_ref, o_ref):
        ca = c_ref[0][:, 0:1]
        cb = c_ref[1][:, 0:1]
        ma = s_ref[0] / jnp.maximum(ca, 1.0)
        mb = s_ref[1] / jnp.maximum(cb, 1.0)
        h = (jnp.dot(ma, wa_ref[...], preferred_element_type=jnp.float32)
             + jnp.dot(mb, wb_ref[...], preferred_element_type=jnp.float32)
             + jnp.where(ca > 0, 1.0, 0.0) * ba_ref[...]
             + jnp.where(cb > 0, 1.0, 0.0) * bb_ref[...])
        if relu:
            h = jnp.where(h >= 0, h, 0.01 * h)
        o_ref[...] = h

    return pl.pallas_call(
        body,
        out_shape=jax.ShapeDtypeStruct((NPAD, D), jnp.float32),
    )(sums, cnts, Wa, ba.reshape(1, D), Wb, bb.reshape(1, D))


def kernel(x, edge_index_a, edge_index_b, W1_a, b1_a, W1_b, b1_b,
           W2_a, b2_a, W2_b, b2_b):
    N, D = x.shape
    E = edge_index_a.shape[1]
    NPAD = -(-(N + 1) // (NS * 8)) * (NS * 8)
    per_tile = -(-E // (NS * CHUNK * GRP)) * CHUNK * GRP
    CH = per_tile // CHUNK
    EPAD = per_tile * NS

    def pad_idx(v):
        return jnp.concatenate(
            [v, jnp.full((EPAD - E,), N, jnp.int32)]).reshape(NS * CH, CHUNK)

    src_all = jnp.concatenate([pad_idx(edge_index_a[0]), pad_idx(edge_index_b[0])])
    dst_all = jnp.concatenate([pad_idx(edge_index_a[1]), pad_idx(edge_index_b[1])])

    x_pad = jnp.pad(x, ((0, NPAD - N), (0, 0)))
    zrows = jnp.zeros((CHUNK, D), jnp.float32)
    ones_c = jnp.ones((CHUNK, D), jnp.float32)

    sums1, cnts = _sc_agg(x_pad, src_all, dst_all, zrows, ones_c, True)
    sums1 = sums1.reshape(NC, NPAD, D)
    cnts = cnts.reshape(NC, NPAD, D)
    h = _tc_layer(sums1, cnts, W1_a, b1_a, W1_b, b1_b, relu=True)
    res2 = _sc_agg(h, src_all, dst_all, zrows, ones_c, False)
    sums2 = (res2[0] if isinstance(res2, (tuple, list)) else res2)
    sums2 = sums2.reshape(NC, NPAD, D)
    out = _tc_layer(sums2, cnts, W2_a, b2_a, W2_b, b2_b, relu=False)
    return out[:N]

# --- scband reference (transcript-rebuilt; emitter-appended) ---
"""Pipeline reference for scband-hetero-rgcn-86861418595103 (READ-ONLY COPY).

The authoritative reference and input builder live on the scoring server;
editing this copy changes nothing except your own understanding.
"""

import jax, jax.numpy as jnp
import numpy as np

N = 10000
E = 320000
D_IN = 128
D_H = 128
D_OUT = 128


def setup_inputs(seed: int = 0) -> dict:
    key = jax.random.key(seed)
    ks = jax.random.split(key, 12)
    x = jax.random.normal(ks[0], (N, D_IN), dtype=jnp.float32)
    edge_index_a = jax.random.randint(ks[1], (2, E), 0, N, dtype=jnp.int32)
    edge_index_b = jax.random.randint(ks[2], (2, E), 0, N, dtype=jnp.int32)
    s1 = 1.0 / np.sqrt(D_IN)
    s2 = 1.0 / np.sqrt(D_H)
    # Linear weights stored as (in, out) so forward is x @ W + b (equivalent to torch Linear)
    W1_a = jax.random.uniform(ks[3], (D_IN, D_H), jnp.float32, -s1, s1)
    b1_a = jax.random.uniform(ks[4], (D_H,), jnp.float32, -s1, s1)
    W1_b = jax.random.uniform(ks[5], (D_IN, D_H), jnp.float32, -s1, s1)
    b1_b = jax.random.uniform(ks[6], (D_H,), jnp.float32, -s1, s1)
    W2_a = jax.random.uniform(ks[7], (D_H, D_OUT), jnp.float32, -s2, s2)
    b2_a = jax.random.uniform(ks[8], (D_OUT,), jnp.float32, -s2, s2)
    W2_b = jax.random.uniform(ks[9], (D_H, D_OUT), jnp.float32, -s2, s2)
    b2_b = jax.random.uniform(ks[10], (D_OUT,), jnp.float32, -s2, s2)
    return {"x": x, "edge_index_a": edge_index_a, "edge_index_b": edge_index_b,
            "W1_a": W1_a, "b1_a": b1_a, "W1_b": W1_b, "b1_b": b1_b,
            "W2_a": W2_a, "b2_a": b2_a, "W2_b": W2_b, "b2_b": b2_b}


def _hetero_layer(x, edge_indices, Ws, bs):
    # HeteroRGCNLayer: per-etype Linear on src feats, message = Wh_src,
    # reduce = mean over mailbox (per dst node), cross-etype aggregation = sum.
    n = x.shape[0]
    out = None
    for ei, W, b in zip(edge_indices, Ws, bs):
        wh = x @ W + b
        src = ei[0]
        dst = ei[1]
        msg = jnp.take(wh, src, axis=0)
        sums = jax.ops.segment_sum(msg, dst, num_segments=n)
        cnt = jax.ops.segment_sum(jnp.ones((ei.shape[1],), dtype=wh.dtype), dst, num_segments=n)
        mean = sums / jnp.clip(cnt, 1.0, None)[:, None]
        out = mean if out is None else out + mean
    return out


def reference(x, edge_index_a, edge_index_b, W1_a, b1_a, W1_b, b1_b, W2_a, b2_a, W2_b, b2_b):
    h = _hetero_layer(x, [edge_index_a, edge_index_b], [W1_a, W1_b], [b1_a, b1_b])
    h = jax.nn.leaky_relu(h, negative_slope=0.01)
    out = _hetero_layer(h, [edge_index_a, edge_index_b], [W2_a, W2_b], [b2_a, b2_b])
    return out

if __name__ == "__main__":
    import jax
    _d = setup_inputs()
    print(jax.jit(kernel)(*tuple(_d.values())))

</pallas_src>

<mosaic_0001>
#map = affine_map<(d0, d1) -> (0, 0)>
module attributes {stable_mosaic.version = 14 : i64} {
  func.func @run(%arg0: i32, %arg1: i32, %arg2: memref<10112x128xf32, #tpu.memory_space<hbm>>, %arg3: memref<5120x128xi32, #tpu.memory_space<hbm>>, %arg4: memref<5120x128xi32, #tpu.memory_space<hbm>>, %arg5: memref<128x128xi32, #tpu.memory_space<hbm>>, %arg6: memref<128x128xf32, #tpu.memory_space<hbm>>, %arg7: memref<128x128xf32, #tpu.memory_space<hbm>>, %arg8: memref<20224x128xf32, #tpu.memory_space<hbm>>, %arg9: memref<20224x128xf32, #tpu.memory_space<hbm>>, %arg10: memref<10112x128xf32, #tpu.memory_space<vmem_shared>>, %arg11: memref<16x128xi32, #tpu.memory_space<vmem>>, %arg12: memref<16x128xi32, #tpu.memory_space<vmem>>, %arg13: memref<8x128xi32, #tpu.memory_space<vmem>>, %arg14: memref<2x128x128xf32, #tpu.memory_space<vmem>>, %arg15: memref<!tpu.dma_semaphore, #tpu.memory_space<semaphore_mem>>, %arg16: memref<!tpu.dma_semaphore, #tpu.memory_space<semaphore_mem>>, %arg17: memref<!tpu.dma_semaphore, #tpu.memory_space<semaphore_mem>>, %arg18: memref<!tpu.dma_semaphore, #tpu.memory_space<semaphore_mem>>, %arg19: memref<!tpu.dma_semaphore, #tpu.memory_space<semaphore_mem>>) attributes {dimension_semantics = [#tpu.dimension_semantics<core_parallel>, #tpu.dimension_semantics<subcore_parallel>], iteration_bounds = array<i64: 2, 16>, scalar_prefetch = 0 : i64, scratch_operands = 10 : i64, tpu.core_type = #tpu.core_type<sc_vector_subcore>, window_params = [{transform_indices = #map}, {transform_indices = #map}, {transform_indices = #map}, {transform_indices = #map}, {transform_indices = #map}, {transform_indices = #map}, {transform_indices = #map}, {transform_indices = #map}]} {
    %mul3A = arith.constant 632 : i32
    %mul3A_0 = arith.muli %arg1, %mul3A : i32
    %mul3A_1 = arith.constant 16 : i32
    %mul3A_2 = arith.muli %arg0, %mul3A_1 : i32
    %add3A = arith.addi %mul3A_2, %arg1 : i32
    %mul3A_3 = arith.constant 160 : i32
    %mul3A_4 = arith.muli %add3A, %mul3A_3 : i32
    %mul3A_5 = arith.constant 10112 : i32
    %mul3A_6 = arith.muli %arg0, %mul3A_5 : i32
    %add3A_7 = arith.addi %mul3A_6, %mul3A_0 : i32
    %mul3A_8 = arith.constant 8 : i32
    %mul3A_9 = arith.muli %arg1, %mul3A_8 : i32
    "tpu.region"() ({
      %run_scoped3A_312 = tpu.sem_alloc : memref<!tpu.dma_semaphore, #tpu.memory_space<semaphore_mem>>
      %dma_start3A_313 = arith.constant 0 : i32
      %dma_start3A_314 = tpu.memref_slice %arg5[%mul3A_9, %dma_start3A_313] : memref<128x128xi32, #tpu.memory_space<hbm>> -> memref<8x128xi32, #tpu.memory_space<hbm>>
      %dma_start3A_315 = arith.constant 0 : i32
      %dma_start3A_316 = tpu.memref_slice %arg5[%mul3A_9, %dma_start3A_315] : memref<128x128xi32, #tpu.memory_space<hbm>> -> memref<8x128xi32, #tpu.memory_space<hbm>>
      tpu.enqueue_dma source(%dma_start3A_316 : memref<8x128xi32, #tpu.memory_space<hbm>>) target(%arg13 : memref<8x128xi32, #tpu.memory_space<vmem>>) target_semaphore(%run_scoped3A_312 : memref<!tpu.dma_semaphore, #tpu.memory_space<semaphore_mem>>)
      %dma_wait3A_317 = arith.constant 0 : i32
      %dma_wait3A_318 = tpu.memref_slice %arg5[%mul3A_9, %dma_wait3A_317] : memref<128x128xi32, #tpu.memory_space<hbm>> -> memref<8x128xi32, #tpu.memory_space<hbm>>
      %dma_wait3A_319 = arith.constant 0 : i32
      %dma_wait3A_320 = tpu.memref_slice %arg5[%mul3A_9, %dma_wait3A_319] : memref<128x128xi32, #tpu.memory_space<hbm>> -> memref<8x128xi32, #tpu.memory_space<hbm>>
      tpu.wait_dma2 semaphore(%run_scoped3A_312 : memref<!tpu.dma_semaphore, #tpu.memory_space<semaphore_mem>>) src(%dma_wait3A_320 : memref<8x128xi32, #tpu.memory_space<hbm>>) dst(%arg13 : memref<8x128xi32, #tpu.memory_space<vmem>>)
      tpu.yield
    }) : () -> ()
    %run_scoped3A = arith.constant 0 : i32
    "tpu.region"() ({
      %run_scoped3A_312 = tpu.sem_alloc : memref<!tpu.dma_semaphore, #tpu.memory_space<semaphore_mem>>
      %dma_start3A_313 = arith.constant 0 : i32
      %dma_start3A_314 = arith.constant 0 : i32
      %dma_start3A_315 = tpu.memref_slice %arg14[%run_scoped3A, %dma_start3A_313, %dma_start3A_314] : memref<2x128x128xf32, #tpu.memory_space<vmem>> -> memref<1x128x128xf32, #tpu.memory_space<vmem>>
      %dma_start3A_316 = tpu.memref_squeeze %dma_start3A_315 : memref<1x128x128xf32, #tpu.memory_space<vmem>> -> memref<128x128xf32, #tpu.memory_space<vmem>>
      %dma_start3A_317 = arith.constant 0 : i32
      %dma_start3A_318 = arith.constant 0 : i32
      %dma_start3A_319 = tpu.memref_slice %arg14[%run_scoped3A, %dma_start3A_317, %dma_start3A_318] : memref<2x128x128xf32, #tpu.memory_space<vmem>> -> memref<1x128x128xf32, #tpu.memory_space<vmem>>
      %dma_start3A_320 = tpu.memref_squeeze %dma_start3A_319 : memref<1x128x128xf32, #tpu.memory_space<vmem>> -> memref<128x128xf32, #tpu.memory_space<vmem>>
      tpu.enqueue_dma source(%arg6 : memref<128x128xf32, #tpu.memory_space<hbm>>) target(%dma_start3A_320 : memref<128x128xf32, #tpu.memory_space<vmem>>) target_semaphore(%run_scoped3A_312 : memref<!tpu.dma_semaphore, #tpu.memory_space<semaphore_mem>>)
      %dma_wait3A_321 = arith.constant 0 : i32
      %dma_wait3A_322 = arith.constant 0 : i32
      %dma_wait3A_323 = tpu.memref_slice %arg14[%run_scoped3A, %dma_wait3A_321, %dma_wait3A_322] : memref<2x128x128xf32, #tpu.memory_space<vmem>> -> memref<1x128x128xf32, #tpu.memory_space<vmem>>
      %dma_wait3A_324 = tpu.memref_squeeze %dma_wait3A_323 : memref<1x128x128xf32, #tpu.memory_space<vmem>> -> memref<128x128xf32, #tpu.memory_space<vmem>>
      %dma_wait3A_325 = arith.constant 0 : i32
      %dma_wait3A_326 = arith.constant 0 : i32
      %dma_wait3A_327 = tpu.memref_slice %arg14[%run_scoped3A, %dma_wait3A_325, %dma_wait3A_326] : memref<2x128x128xf32, #tpu.memory_space<vmem>> -> memref<1x128x128xf32, #tpu.memory_space<vmem>>
      %dma_wait3A_328 = tpu.memref_squeeze %dma_wait3A_327 : memref<1x128x128xf32, #tpu.memory_space<vmem>> -> memref<128x128xf32, #tpu.memory_space<vmem>>
      tpu.wait_dma2 semaphore(%run_scoped3A_312 : memref<!tpu.dma_semaphore, #tpu.memory_space<semaphore_mem>>) src(%arg6 : memref<128x128xf32, #tpu.memory_space<hbm>>) dst(%dma_wait3A_328 : memref<128x128xf32, #tpu.memory_space<vmem>>)
      tpu.yield
    }) : () -> ()
    %run_scoped3A_10 = arith.constant 0 : i32
    %run_scoped3A_11 = arith.constant 0 : i32
    "tpu.region"() ({
      %run_scoped3A_312 = tpu.sem_alloc : memref<!tpu.dma_semaphore, #tpu.memory_space<semaphore_mem>>
      %dma_start3A_313 = arith.constant 0 : i32
      %dma_start3A_314 = arith.constant 0 : i32
      %dma_start3A_315 = tpu.memref_slice %arg14[%run_scoped3A_10, %dma_start3A_313, %dma_start3A_314] : memref<2x128x128xf32, #tpu.memory_space<vmem>> -> memref<1x128x128xf32, #tpu.memory_space<vmem>>
      %dma_start3A_316 = tpu.memref_squeeze %dma_start3A_315 : memref<1x128x128xf32, #tpu.memory_space<vmem>> -> memref<128x128xf32, #tpu.memory_space<vmem>>
      %dma_start3A_317 = arith.constant 0 : i32
      %dma_start3A_318 = tpu.memref_slice %arg13[%run_scoped3A_11, %dma_start3A_317] : memref<8x128xi32, #tpu.memory_space<vmem>> -> memref<1x128xi32, #tpu.memory_space<vmem>>
      %dma_start3A_319 = tpu.memref_squeeze %dma_start3A_318 : memref<1x128xi32, #tpu.memory_space<vmem>> -> memref<128xi32, #tpu.memory_space<vmem>>
      %dma_start3A_320 = arith.constant 0 : i32
      %dma_start3A_321 = arith.constant 0 : i32
      %dma_start3A_322 = tpu.memref_slice %arg10[%dma_start3A_320, %dma_start3A_321] : memref<10112x128xf32, #tpu.memory_space<vmem_shared>> -> memref<10112x128xf32, #tpu.memory_space<vmem_shared>>
      tpu.enqueue_indirect_dma source(%dma_start3A_316 : memref<128x128xf32, #tpu.memory_space<vmem>>) target(%dma_start3A_322 : memref<10112x128xf32, #tpu.memory_space<vmem_shared>>) offsets(%dma_start3A_319 : memref<128xi32, #tpu.memory_space<vmem>>) semaphore(%run_scoped3A_312 : memref<!tpu.dma_semaphore, #tpu.memory_space<semaphore_mem>>)
      %dma_wait3A_323 = arith.constant 0 : i32
      %dma_wait3A_324 = arith.constant 0 : i32
      %dma_wait3A_325 = tpu.memref_slice %arg14[%run_scoped3A_10, %dma_wait3A_323, %dma_wait3A_324] : memref<2x128x128xf32, #tpu.memory_space<vmem>> -> memref<1x128x128xf32, #tpu.memory_space<vmem>>
      %dma_wait3A_326 = tpu.memref_squeeze %dma_wait3A_325 : memref<1x128x128xf32, #tpu.memory_space<vmem>> -> memref<128x128xf32, #tpu.memory_space<vmem>>
      %dma_wait3A_327 = arith.constant 0 : i32
      %dma_wait3A_328 = tpu.memref_slice %arg13[%run_scoped3A_11, %dma_wait3A_327] : memref<8x128xi32, #tpu.memory_space<vmem>> -> memref<1x128xi32, #tpu.memory_space<vmem>>
      %dma_wait3A_329 = tpu.memref_squeeze %dma_wait3A_328 : memref<1x128xi32, #tpu.memory_space<vmem>> -> memref<128xi32, #tpu.memory_space<vmem>>
      %dma_wait3A_330 = arith.constant 0 : i32
      %dma_wait3A_331 = arith.constant 0 : i32
      %dma_wait3A_332 = tpu.memref_slice %arg10[%dma_wait3A_330, %dma_wait3A_331] : memref<10112x128xf32, #tpu.memory_space<vmem_shared>> -> memref<10112x128xf32, #tpu.memory_space<vmem_shared>>
      tpu.wait_indirect_dma semaphore(%run_scoped3A_312 : memref<!tpu.dma_semaphore, #tpu.memory_space<semaphore_mem>>) src(%dma_wait3A_326 : memref<128x128xf32, #tpu.memory_space<vmem>>) dst(%dma_wait3A_332 : memref<10112x128xf32, #tpu.memory_space<vmem_shared>>)
      tpu.yield
    }) : () -> ()
    %run_scoped3A_12 = arith.constant 0 : i32
    %run_scoped3A_13 = arith.constant 1 : i32
    "tpu.region"() ({
      %run_scoped3A_312 = tpu.sem_alloc : memref<!tpu.dma_semaphore, #tpu.memory_space<semaphore_mem>>
      %dma_start3A_313 = arith.constant 0 : i32
      %dma_start3A_314 = arith.constant 0 : i32
      %dma_start3A_315 = tpu.memref_slice %arg14[%run_scoped3A_12, %dma_start3A_313, %dma_start3A_314] : memref<2x128x128xf32, #tpu.memory_space<vmem>> -> memref<1x128x128xf32, #tpu.memory_space<vmem>>
      %dma_start3A_316 = tpu.memref_squeeze %dma_start3A_315 : memref<1x128x128xf32, #tpu.memory_space<vmem>> -> memref<128x128xf32, #tpu.memory_space<vmem>>
      %dma_start3A_317 = arith.constant 0 : i32
      %dma_start3A_318 = tpu.memref_slice %arg13[%run_scoped3A_13, %dma_start3A_317] : memref<8x128xi32, #tpu.memory_space<vmem>> -> memref<1x128xi32, #tpu.memory_space<vmem>>
      %dma_start3A_319 = tpu.memref_squeeze %dma_start3A_318 : memref<1x128xi32, #tpu.memory_space<vmem>> -> memref<128xi32, #tpu.memory_space<vmem>>
      %dma_start3A_320 = arith.constant 0 : i32
      %dma_start3A_321 = arith.constant 0 : i32
      %dma_start3A_322 = tpu.memref_slice %arg10[%dma_start3A_320, %dma_start3A_321] : memref<10112x128xf32, #tpu.memory_space<vmem_shared>> -> memref<10112x128xf32, #tpu.memory_space<vmem_shared>>
      tpu.enqueue_indirect_dma source(%dma_start3A_316 : memref<128x128xf32, #tpu.memory_space<vmem>>) target(%dma_start3A_322 : memref<10112x128xf32, #tpu.memory_space<vmem_shared>>) offsets(%dma_start3A_319 : memref<128xi32, #tpu.memory_space<vmem>>) semaphore(%run_scoped3A_312 : memref<!tpu.dma_semaphore, #tpu.memory_space<semaphore_mem>>)
      %dma_wait3A_323 = arith.constant 0 : i32
      %dma_wait3A_324 = arith.constant 0 : i32
      %dma_wait3A_325 = tpu.memref_slice %arg14[%run_scoped3A_12, %dma_wait3A_323, %dma_wait3A_324] : memref<2x128x128xf32, #tpu.memory_space<vmem>> -> memref<1x128x128xf32, #tpu.memory_space<vmem>>
      %dma_wait3A_326 = tpu.memref_squeeze %dma_wait3A_325 : memref<1x128x128xf32, #tpu.memory_space<vmem>> -> memref<128x128xf32, #tpu.memory_space<vmem>>
      %dma_wait3A_327 = arith.constant 0 : i32
      %dma_wait3A_328 = tpu.memref_slice %arg13[%run_scoped3A_13, %dma_wait3A_327] : memref<8x128xi32, #tpu.memory_space<vmem>> -> memref<1x128xi32, #tpu.memory_space<vmem>>
      %dma_wait3A_329 = tpu.memref_squeeze %dma_wait3A_328 : memref<1x128xi32, #tpu.memory_space<vmem>> -> memref<128xi32, #tpu.memory_space<vmem>>
      %dma_wait3A_330 = arith.constant 0 : i32
      %dma_wait3A_331 = arith.constant 0 : i32
      %dma_wait3A_332 = tpu.memref_slice %arg10[%dma_wait3A_330, %dma_wait3A_331] : memref<10112x128xf32, #tpu.memory_space<vmem_shared>> -> memref<10112x128xf32, #tpu.memory_space<vmem_shared>>
      tpu.wait_indirect_dma semaphore(%run_scoped3A_312 : memref<!tpu.dma_semaphore, #tpu.memory_space<semaphore_mem>>) src(%dma_wait3A_326 : memref<128x128xf32, #tpu.memory_space<vmem>>) dst(%dma_wait3A_332 : memref<10112x128xf32, #tpu.memory_space<vmem_shared>>)
      tpu.yield
    }) : () -> ()
    %run_scoped3A_14 = arith.constant 0 : i32
    %run_scoped3A_15 = arith.constant 2 : i32
    "tpu.region"() ({
      %run_scoped3A_312 = tpu.sem_alloc : memref<!tpu.dma_semaphore, #tpu.memory_space<semaphore_mem>>
      %dma_start3A_313 = arith.constant 0 : i32
      %dma_start3A_314 = arith.constant 0 : i32
      %dma_start3A_315 = tpu.memref_slice %arg14[%run_scoped3A_14, %dma_start3A_313, %dma_start3A_314] : memref<2x128x128xf32, #tpu.memory_space<vmem>> -> memref<1x128x128xf32, #tpu.memory_space<vmem>>
      %dma_start3A_316 = tpu.memref_squeeze %dma_start3A_315 : memref<1x128x128xf32, #tpu.memory_space<vmem>> -> memref<128x128xf32, #tpu.memory_space<vmem>>
      %dma_start3A_317 = arith.constant 0 : i32
      %dma_start3A_318 = tpu.memref_slice %arg13[%run_scoped3A_15, %dma_start3A_317] : memref<8x128xi32, #tpu.memory_space<vmem>> -> memref<1x128xi32, #tpu.memory_space<vmem>>
      %dma_start3A_319 = tpu.memref_squeeze %dma_start3A_318 : memref<1x128xi32, #tpu.memory_space<vmem>> -> memref<128xi32, #tpu.memory_space<vmem>>
      %dma_start3A_320 = arith.constant 0 : i32
      %dma_start3A_321 = arith.constant 0 : i32
      %dma_start3A_322 = tpu.memref_slice %arg10[%dma_start3A_320, %dma_start3A_321] : memref<10112x128xf32, #tpu.memory_space<vmem_shared>> -> memref<10112x128xf32, #tpu.memory_space<vmem_shared>>
      tpu.enqueue_indirect_dma source(%dma_start3A_316 : memref<128x128xf32, #tpu.memory_space<vmem>>) target(%dma_start3A_322 : memref<10112x128xf32, #tpu.memory_space<vmem_shared>>) offsets(%dma_start3A_319 : memref<128xi32, #tpu.memory_space<vmem>>) semaphore(%run_scoped3A_312 : memref<!tpu.dma_semaphore, #tpu.memory_space<semaphore_mem>>)
      %dma_wait3A_323 = arith.constant 0 : i32
      %dma_wait3A_324 = arith.constant 0 : i32
      %dma_wait3A_325 = tpu.memref_slice %arg14[%run_scoped3A_14, %dma_wait3A_323, %dma_wait3A_324] : memref<2x128x128xf32, #tpu.memory_space<vmem>> -> memref<1x128x128xf32, #tpu.memory_space<vmem>>
      %dma_wait3A_326 = tpu.memref_squeeze %dma_wait3A_325 : memref<1x128x128xf32, #tpu.memory_space<vmem>> -> memref<128x128xf32, #tpu.memory_space<vmem>>
      %dma_wait3A_327 = arith.constant 0 : i32
      %dma_wait3A_328 = tpu.memref_slice %arg13[%run_scoped3A_15, %dma_wait3A_327] : memref<8x128xi32, #tpu.memory_space<vmem>> -> memref<1x128xi32, #tpu.memory_space<vmem>>
      %dma_wait3A_329 = tpu.memref_squeeze %dma_wait3A_328 : memref<1x128xi32, #tpu.memory_space<vmem>> -> memref<128xi32, #tpu.memory_space<vmem>>
      %dma_wait3A_330 = arith.constant 0 : i32
      %dma_wait3A_331 = arith.constant 0 : i32
      %dma_wait3A_332 = tpu.memref_slice %arg10[%dma_wait3A_330, %dma_wait3A_331] : memref<10112x128xf32, #tpu.memory_space<vmem_shared>> -> memref<10112x128xf32, #tpu.memory_space<vmem_shared>>
      tpu.wait_indirect_dma semaphore(%run_scoped3A_312 : memref<!tpu.dma_semaphore, #tpu.memory_space<semaphore_mem>>) src(%dma_wait3A_326 : memref<128x128xf32, #tpu.memory_space<vmem>>) dst(%dma_wait3A_332 : memref<10112x128xf32, #tpu.memory_space<vmem_shared>>)
      tpu.yield
    }) : () -> ()
    %run_scoped3A_16 = arith.constant 0 : i32
    %run_scoped3A_17 = arith.constant 3 : i32
    "tpu.region"() ({
      %run_scoped3A_312 = tpu.sem_alloc : memref<!tpu.dma_semaphore, #tpu.memory_space<semaphore_mem>>
      %dma_start3A_313 = arith.constant 0 : i32
      %dma_start3A_314 = arith.constant 0 : i32
      %dma_start3A_315 = tpu.memref_slice %arg14[%run_scoped3A_16, %dma_start3A_313, %dma_start3A_314] : memref<2x128x128xf32, #tpu.memory_space<vmem>> -> memref<1x128x128xf32, #tpu.memory_space<vmem>>
      %dma_start3A_316 = tpu.memref_squeeze %dma_start3A_315 : memref<1x128x128xf32, #tpu.memory_space<vmem>> -> memref<128x128xf32, #tpu.memory_space<vmem>>
      %dma_start3A_317 = arith.constant 0 : i32
      %dma_start3A_318 = tpu.memref_slice %arg13[%run_scoped3A_17, %dma_start3A_317] : memref<8x128xi32, #tpu.memory_space<vmem>> -> memref<1x128xi32, #tpu.memory_space<vmem>>
      %dma_start3A_319 = tpu.memref_squeeze %dma_start3A_318 : memref<1x128xi32, #tpu.memory_space<vmem>> -> memref<128xi32, #tpu.memory_space<vmem>>
      %dma_start3A_320 = arith.constant 0 : i32
      %dma_start3A_321 = arith.constant 0 : i32
      %dma_start3A_322 = tpu.memref_slice %arg10[%dma_start3A_320, %dma_start3A_321] : memref<10112x128xf32, #tpu.memory_space<vmem_shared>> -> memref<10112x128xf32, #tpu.memory_space<vmem_shared>>
      tpu.enqueue_indirect_dma source(%dma_start3A_316 : memref<128x128xf32, #tpu.memory_space<vmem>>) target(%dma_start3A_322 : memref<10112x128xf32, #tpu.memory_space<vmem_shared>>) offsets(%dma_start3A_319 : memref<128xi32, #tpu.memory_space<vmem>>) semaphore(%run_scoped3A_312 : memref<!tpu.dma_semaphore, #tpu.memory_space<semaphore_mem>>)
      %dma_wait3A_323 = arith.constant 0 : i32
      %dma_wait3A_324 = arith.constant 0 : i32
      %dma_wait3A_325 = tpu.memref_slice %arg14[%run_scoped3A_16, %dma_wait3A_323, %dma_wait3A_324] : memref<2x128x128xf32, #tpu.memory_space<vmem>> -> memref<1x128x128xf32, #tpu.memory_space<vmem>>
      %dma_wait3A_326 = tpu.memref_squeeze %dma_wait3A_325 : memref<1x128x128xf32, #tpu.memory_space<vmem>> -> memref<128x128xf32, #tpu.memory_space<vmem>>
      %dma_wait3A_327 = arith.constant 0 : i32
      %dma_wait3A_328 = tpu.memref_slice %arg13[%run_scoped3A_17, %dma_wait3A_327] : memref<8x128xi32, #tpu.memory_space<vmem>> -> memref<1x128xi32, #tpu.memory_space<vmem>>
      %dma_wait3A_329 = tpu.memref_squeeze %dma_wait3A_328 : memref<1x128xi32, #tpu.memory_space<vmem>> -> memref<128xi32, #tpu.memory_space<vmem>>
      %dma_wait3A_330 = arith.constant 0 : i32
      %dma_wait3A_331 = arith.constant 0 : i32
      %dma_wait3A_332 = tpu.memref_slice %arg10[%dma_wait3A_330, %dma_wait3A_331] : memref<10112x128xf32, #tpu.memory_space<vmem_shared>> -> memref<10112x128xf32, #tpu.memory_space<vmem_shared>>
      tpu.wait_indirect_dma semaphore(%run_scoped3A_312 : memref<!tpu.dma_semaphore, #tpu.memory_space<semaphore_mem>>) src(%dma_wait3A_326 : memref<128x128xf32, #tpu.memory_space<vmem>>) dst(%dma_wait3A_332 : memref<10112x128xf32, #tpu.memory_space<vmem_shared>>)
      tpu.yield
    }) : () -> ()
    %run_scoped3A_18 = arith.constant 0 : i32
    %run_scoped3A_19 = arith.constant 4 : i32
    "tpu.region"() ({
      %run_scoped3A_312 = tpu.sem_alloc : memref<!tpu.dma_semaphore, #tpu.memory_space<semaphore_mem>>
      %dma_start3A_313 = arith.constant 0 : i32
      %dma_start3A_314 = arith.constant 0 : i32
      %dma_start3A_315 = tpu.memref_slice %arg14[%run_scoped3A_18, %dma_start3A_313, %dma_start3A_314] : memref<2x128x128xf32, #tpu.memory_space<vmem>> -> memref<1x128x128xf32, #tpu.memory_space<vmem>>
      %dma_start3A_316 = tpu.memref_squeeze %dma_start3A_315 : memref<1x128x128xf32, #tpu.memory_space<vmem>> -> memref<128x128xf32, #tpu.memory_space<vmem>>
      %dma_start3A_317 = arith.constant 0 : i32
      %dma_start3A_318 = tpu.memref_slice %arg13[%run_scoped3A_19, %dma_start3A_317] : memref<8x128xi32, #tpu.memory_space<vmem>> -> memref<1x128xi32, #tpu.memory_space<vmem>>
      %dma_start3A_319 = tpu.memref_squeeze %dma_start3A_318 : memref<1x128xi32, #tpu.memory_space<vmem>> -> memref<128xi32, #tpu.memory_space<vmem>>
      %dma_start3A_320 = arith.constant 0 : i32
      %dma_start3A_321 = arith.constant 0 : i32
      %dma_start3A_322 = tpu.memref_slice %arg10[%dma_start3A_320, %dma_start3A_321] : memref<10112x128xf32, #tpu.memory_space<vmem_shared>> -> memref<10112x128xf32, #tpu.memory_space<vmem_shared>>
      tpu.enqueue_indirect_dma source(%dma_start3A_316 : memref<128x128xf32, #tpu.memory_space<vmem>>) target(%dma_start3A_322 : memref<10112x128xf32, #tpu.memory_space<vmem_shared>>) offsets(%dma_start3A_319 : memref<128xi32, #tpu.memory_space<vmem>>) semaphore(%run_scoped3A_312 : memref<!tpu.dma_semaphore, #tpu.memory_space<semaphore_mem>>)
      %dma_wait3A_323 = arith.constant 0 : i32
      %dma_wait3A_324 = arith.constant 0 : i32
      %dma_wait3A_325 = tpu.memref_slice %arg14[%run_scoped3A_18, %dma_wait3A_323, %dma_wait3A_324] : memref<2x128x128xf32, #tpu.memory_space<vmem>> -> memref<1x128x128xf32, #tpu.memory_space<vmem>>
      %dma_wait3A_326 = tpu.memref_squeeze %dma_wait3A_325 : memref<1x128x128xf32, #tpu.memory_space<vmem>> -> memref<128x128xf32, #tpu.memory_space<vmem>>
      %dma_wait3A_327 = arith.constant 0 : i32
      %dma_wait3A_328 = tpu.memref_slice %arg13[%run_scoped3A_19, %dma_wait3A_327] : memref<8x128xi32, #tpu.memory_space<vmem>> -> memref<1x128xi32, #tpu.memory_space<vmem>>
      %dma_wait3A_329 = tpu.memref_squeeze %dma_wait3A_328 : memref<1x128xi32, #tpu.memory_space<vmem>> -> memref<128xi32, #tpu.memory_space<vmem>>
      %dma_wait3A_330 = arith.constant 0 : i32
      %dma_wait3A_331 = arith.constant 0 : i32
      %dma_wait3A_332 = tpu.memref_slice %arg10[%dma_wait3A_330, %dma_wait3A_331] : memref<10112x128xf32, #tpu.memory_space<vmem_shared>> -> memref<10112x128xf32, #tpu.memory_space<vmem_shared>>
      tpu.wait_indirect_dma semaphore(%run_scoped3A_312 : memref<!tpu.dma_semaphore, #tpu.memory_space<semaphore_mem>>) src(%dma_wait3A_326 : memref<128x128xf32, #tpu.memory_space<vmem>>) dst(%dma_wait3A_332 : memref<10112x128xf32, #tpu.memory_space<vmem_shared>>)
      tpu.yield
    }) : () -> ()
    %run_scoped3A_20 = arith.constant 0 : i32
    "tpu.region"() ({
      %run_scoped3A_312 = tpu.sem_alloc : memref<!tpu.dma_semaphore, #tpu.memory_space<semaphore_mem>>
      %dma_start3A_313 = arith.constant 0 : i32
      %dma_start3A_314 = arith.constant 0 : i32
      %dma_start3A_315 = tpu.memref_slice %arg14[%run_scoped3A_20, %dma_start3A_313, %dma_start3A_314] : memref<2x128x128xf32, #tpu.memory_space<vmem>> -> memref<1x128x128xf32, #tpu.memory_space<vmem>>
      %dma_start3A_316 = tpu.memref_squeeze %dma_start3A_315 : memref<1x128x128xf32, #tpu.memory_space<vmem>> -> memref<128x128xf32, #tpu.memory_space<vmem>>
      %dma_start3A_317 = arith.constant 0 : i32
      %dma_start3A_318 = arith.constant 0 : i32
      %dma_start3A_319 = tpu.memref_slice %arg14[%run_scoped3A_20, %dma_start3A_317, %dma_start3A_318] : memref<2x128x128xf32, #tpu.memory_space<vmem>> -> memref<1x128x128xf32, #tpu.memory_space<vmem>>
      %dma_start3A_320 = tpu.memref_squeeze %dma_start3A_319 : memref<1x128x128xf32, #tpu.memory_space<vmem>> -> memref<128x128xf32, #tpu.memory_space<vmem>>
      tpu.enqueue_dma source(%arg7 : memref<128x128xf32, #tpu.memory_space<hbm>>) target(%dma_start3A_320 : memref<128x128xf32, #tpu.memory_space<vmem>>) target_semaphore(%run_scoped3A_312 : memref<!tpu.dma_semaphore, #tpu.memory_space<semaphore_mem>>)
      %dma_wait3A_321 = arith.constant 0 : i32
      %dma_wait3A_322 = arith.constant 0 : i32
      %dma_wait3A_323 = tpu.memref_slice %arg14[%run_scoped3A_20, %dma_wait3A_321, %dma_wait3A_322] : memref<2x128x128xf32, #tpu.memory_space<vmem>> -> memref<1x128x128xf32, #tpu.memory_space<vmem>>
      %dma_wait3A_324 = tpu.memref_squeeze %dma_wait3A_323 : memref<1x128x128xf32, #tpu.memory_space<vmem>> -> memref<128x128xf32, #tpu.memory_space<vmem>>
      %dma_wait3A_325 = arith.constant 0 : i32
      %dma_wait3A_326 = arith.constant 0 : i32
      %dma_wait3A_327 = tpu.memref_slice %arg14[%run_scoped3A_20, %dma_wait3A_325, %dma_wait3A_326] : memref<2x128x128xf32, #tpu.memory_space<vmem>> -> memref<1x128x128xf32, #tpu.memory_space<vmem>>
      %dma_wait3A_328 = tpu.memref_squeeze %dma_wait3A_327 : memref<1x128x128xf32, #tpu.memory_space<vmem>> -> memref<128x128xf32, #tpu.memory_space<vmem>>
      tpu.wait_dma2 semaphore(%run_scoped3A_312 : memref<!tpu.dma_semaphore, #tpu.memory_space<semaphore_mem>>) src(%arg7 : memref<128x128xf32, #tpu.memory_space<hbm>>) dst(%dma_wait3A_328 : memref<128x128xf32, #tpu.memory_space<vmem>>)
      tpu.yield
    }) : () -> ()
    %barrier3A = arith.constant 0 : index
    tpu.barrier barrier_id(%barrier3A)
    %scan3A = arith.constant 0 : i32
    %scan3A_21 = arith.constant 10 : i32
    %scan3A_22 = arith.addi %scan3A, %scan3A_21 : i32
    %scan3A_23 = arith.constant 1 : i32
    scf.for %scan3A_312 = %scan3A to %scan3A_22 step %scan3A_23  : i32 {
      %mul3A_313 = arith.constant 1 : i32
      %mul3A_314 = arith.muli %scan3A_312, %mul3A_313 : i32
      %add3A_315 = arith.constant 0 : i32
      %add3A_316 = arith.addi %add3A_315, %mul3A_314 : i32
      %mul3A_317 = arith.constant 16 : i32
      %mul3A_318 = arith.muli %add3A_316, %mul3A_317 : i32
      %add3A_319 = arith.addi %mul3A_4, %mul3A_318 : i32
      "tpu.region"() ({
        %run_scoped3A_806 = tpu.sem_alloc : memref<!tpu.dma_semaphore, #tpu.memory_space<semaphore_mem>>
        %dma_start3A_807 = arith.constant 0 : i32
        %dma_start3A_808 = tpu.memref_slice %arg4[%add3A_319, %dma_start3A_807] : memref<5120x128xi32, #tpu.memory_space<hbm>> -> memref<16x128xi32, #tpu.memory_space<hbm>>
        %dma_start3A_809 = arith.constant 0 : i32
        %dma_start3A_810 = tpu.memref_slice %arg4[%add3A_319, %dma_start3A_809] : memref<5120x128xi32, #tpu.memory_space<hbm>> -> memref<16x128xi32, #tpu.memory_space<hbm>>
        tpu.enqueue_dma source(%dma_start3A_810 : memref<16x128xi32, #tpu.memory_space<hbm>>) target(%arg12 : memref<16x128xi32, #tpu.memory_space<vmem>>) target_semaphore(%run_scoped3A_806 : memref<!tpu.dma_semaphore, #tpu.memory_space<semaphore_mem>>)
        %dma_wait3A_811 = arith.constant 0 : i32
        %dma_wait3A_812 = tpu.memref_slice %arg4[%add3A_319, %dma_wait3A_811] : memref<5120x128xi32, #tpu.memory_space<hbm>> -> memref<16x128xi32, #tpu.memory_space<hbm>>
        %dma_wait3A_813 = arith.constant 0 : i32
        %dma_wait3A_814 = tpu.memref_slice %arg4[%add3A_319, %dma_wait3A_813] : memref<5120x128xi32, #tpu.memory_space<hbm>> -> memref<16x128xi32, #tpu.memory_space<hbm>>
        tpu.wait_dma2 semaphore(%run_scoped3A_806 : memref<!tpu.dma_semaphore, #tpu.memory_space<semaphore_mem>>) src(%dma_wait3A_814 : memref<16x128xi32, #tpu.memory_space<hbm>>) dst(%arg12 : memref<16x128xi32, #tpu.memory_space<vmem>>)
        tpu.yield
      }) : () -> ()
      %scan3A_320 = arith.constant 0 : i32
      %mul3A_321 = arith.constant 1 : i32
      %mul3A_322 = arith.muli %scan3A_320, %mul3A_321 : i32
      %add3A_323 = arith.constant 0 : i32
      %add3A_324 = arith.addi %add3A_323, %mul3A_322 : i32
      %mul3A_325 = arith.constant 16 : i32
      %mul3A_326 = arith.muli %add3A_324, %mul3A_325 : i32
      %add3A_327 = arith.constant 0 : i32
      %add3A_328 = arith.addi %mul3A_326, %add3A_327 : i32
      %dma_start3A_329 = arith.constant 0 : i32
      %dma_start3A_330 = arith.constant 0 : i32
      %dma_start3A_331 = arith.constant 0 : i32
      %dma_start3A_332 = tpu.memref_slice %arg14[%dma_start3A_329, %dma_start3A_330, %dma_start3A_331] : memref<2x128x128xf32, #tpu.memory_space<vmem>> -> memref<1x128x128xf32, #tpu.memory_space<vmem>>
      %dma_start3A_333 = tpu.memref_squeeze %dma_start3A_332 : memref<1x128x128xf32, #tpu.memory_space<vmem>> -> memref<128x128xf32, #tpu.memory_space<vmem>>
      %dma_start3A_334 = arith.constant 0 : i32
      %dma_start3A_335 = tpu.memref_slice %arg12[%add3A_328, %dma_start3A_334] : memref<16x128xi32, #tpu.memory_space<vmem>> -> memref<1x128xi32, #tpu.memory_space<vmem>>
      %dma_start3A_336 = tpu.memref_squeeze %dma_start3A_335 : memref<1x128xi32, #tpu.memory_space<vmem>> -> memref<128xi32, #tpu.memory_space<vmem>>
      %dma_start3A_337 = arith.constant 0 : i32
      %dma_start3A_338 = arith.constant 0 : i32
      %dma_start3A_339 = tpu.memref_slice %arg10[%dma_start3A_337, %dma_start3A_338] : memref<10112x128xf32, #tpu.memory_space<vmem_shared>> -> memref<10112x128xf32, #tpu.memory_space<vmem_shared>>
      tpu.enqueue_indirect_dma source(%dma_start3A_333 : memref<128x128xf32, #tpu.memory_space<vmem>>) target(%dma_start3A_339 : memref<10112x128xf32, #tpu.memory_space<vmem_shared>>) offsets(%dma_start3A_336 : memref<128xi32, #tpu.memory_space<vmem>>) semaphore(%arg19 : memref<!tpu.dma_semaphore, #tpu.memory_space<semaphore_mem>>) {add = true}
      %mul3A_340 = arith.constant 16 : i32
      %mul3A_341 = arith.muli %add3A_324, %mul3A_340 : i32
      %add3A_342 = arith.constant 1 : i32
      %add3A_343 = arith.addi %mul3A_341, %add3A_342 : i32
      %dma_start3A_344 = arith.constant 0 : i32
      %dma_start3A_345 = arith.constant 0 : i32
      %dma_start3A_346 = arith.constant 0 : i32
      %dma_start3A_347 = tpu.memref_slice %arg14[%dma_start3A_344, %dma_start3A_345, %dma_start3A_346] : memref<2x128x128xf32, #tpu.memory_space<vmem>> -> memref<1x128x128xf32, #tpu.memory_space<vmem>>
      %dma_start3A_348 = tpu.memref_squeeze %dma_start3A_347 : memref<1x128x128xf32, #tpu.memory_space<vmem>> -> memref<128x128xf32, #tpu.memory_space<vmem>>
      %dma_start3A_349 = arith.constant 0 : i32
      %dma_start3A_350 = tpu.memref_slice %arg12[%add3A_343, %dma_start3A_349] : memref<16x128xi32, #tpu.memory_space<vmem>> -> memref<1x128xi32, #tpu.memory_space<vmem>>
      %dma_start3A_351 = tpu.memref_squeeze %dma_start3A_350 : memref<1x128xi32, #tpu.memory_space<vmem>> -> memref<128xi32, #tpu.memory_space<vmem>>
      %dma_start3A_352 = arith.constant 0 : i32
      %dma_start3A_353 = arith.constant 0 : i32
      %dma_start3A_354 = tpu.memref_slice %arg10[%dma_start3A_352, %dma_start3A_353] : memref<10112x128xf32, #tpu.memory_space<vmem_shared>> -> memref<10112x128xf32, #tpu.memory_space<vmem_shared>>
      tpu.enqueue_indirect_dma source(%dma_start3A_348 : memref<128x128xf32, #tpu.memory_space<vmem>>) target(%dma_start3A_354 : memref<10112x128xf32, #tpu.memory_space<vmem_shared>>) offsets(%dma_start3A_351 : memref<128xi32, #tpu.memory_space<vmem>>) semaphore(%arg19 : memref<!tpu.dma_semaphore, #tpu.memory_space<semaphore_mem>>) {add = true}
      %mul3A_355 = arith.constant 16 : i32
      %mul3A_356 = arith.muli %add3A_324, %mul3A_355 : i32
      %add3A_357 = arith.constant 2 : i32
      %add3A_358 = arith.addi %mul3A_356, %add3A_357 : i32
      %dma_start3A_359 = arith.constant 0 : i32
      %dma_start3A_360 = arith.constant 0 : i32
      %dma_start3A_361 = arith.constant 0 : i32
      %dma_start3A_362 = tpu.memref_slice %arg14[%dma_start3A_359, %dma_start3A_360, %dma_start3A_361] : memref<2x128x128xf32, #tpu.memory_space<vmem>> -> memref<1x128x128xf32, #tpu.memory_space<vmem>>
      %dma_start3A_363 = tpu.memref_squeeze %dma_start3A_362 : memref<1x128x128xf32, #tpu.memory_space<vmem>> -> memref<128x128xf32, #tpu.memory_space<vmem>>
      %dma_start3A_364 = arith.constant 0 : i32
      %dma_start3A_365 = tpu.memref_slice %arg12[%add3A_358, %dma_start3A_364] : memref<16x128xi32, #tpu.memory_space<vmem>> -> memref<1x128xi32, #tpu.memory_space<vmem>>
      %dma_start3A_366 = tpu.memref_squeeze %dma_start3A_365 : memref<1x128xi32, #tpu.memory_space<vmem>> -> memref<128xi32, #tpu.memory_space<vmem>>
      %dma_start3A_367 = arith.constant 0 : i32
      %dma_start3A_368 = arith.constant 0 : i32
      %dma_start3A_369 = tpu.memref_slice %arg10[%dma_start3A_367, %dma_start3A_368] : memref<10112x128xf32, #tpu.memory_space<vmem_shared>> -> memref<10112x128xf32, #tpu.memory_space<vmem_shared>>
      tpu.enqueue_indirect_dma source(%dma_start3A_363 : memref<128x128xf32, #tpu.memory_space<vmem>>) target(%dma_start3A_369 : memref<10112x128xf32, #tpu.memory_space<vmem_shared>>) offsets(%dma_start3A_366 : memref<128xi32, #tpu.memory_space<vmem>>) semaphore(%arg19 : memref<!tpu.dma_semaphore, #tpu.memory_space<semaphore_mem>>) {add = true}
      %mul3A_370 = arith.constant 16 : i32
      %mul3A_371 = arith.muli %add3A_324, %mul3A_370 : i32
      %add3A_372 = arith.constant 3 : i32
      %add3A_373 = arith.addi %mul3A_371, %add3A_372 : i32
      %dma_start3A_374 = arith.constant 0 : i32
      %dma_start3A_375 = arith.constant 0 : i32
      %dma_start3A_376 = arith.constant 0 : i32
      %dma_start3A_377 = tpu.memref_slice %arg14[%dma_start3A_374, %dma_start3A_375, %dma_start3A_376] : memref<2x128x128xf32, #tpu.memory_space<vmem>> -> memref<1x128x128xf32, #tpu.memory_space<vmem>>
      %dma_start3A_378 = tpu.memref_squeeze %dma_start3A_377 : memref<1x128x128xf32, #tpu.memory_space<vmem>> -> memref<128x128xf32, #tpu.memory_space<vmem>>
      %dma_start3A_379 = arith.constant 0 : i32
      %dma_start3A_380 = tpu.memref_slice %arg12[%add3A_373, %dma_start3A_379] : memref<16x128xi32, #tpu.memory_space<vmem>> -> memref<1x128xi32, #tpu.memory_space<vmem>>
      %dma_start3A_381 = tpu.memref_squeeze %dma_start3A_380 : memref<1x128xi32, #tpu.memory_space<vmem>> -> memref<128xi32, #tpu.memory_space<vmem>>
      %dma_start3A_382 = arith.constant 0 : i32
      %dma_start3A_383 = arith.constant 0 : i32
      %dma_start3A_384 = tpu.memref_slice %arg10[%dma_start3A_382, %dma_start3A_383] : memref<10112x128xf32, #tpu.memory_space<vmem_shared>> -> memref<10112x128xf32, #tpu.memory_space<vmem_shared>>
      tpu.enqueue_indirect_dma source(%dma_start3A_378 : memref<128x128xf32, #tpu.memory_space<vmem>>) target(%dma_start3A_384 : memref<10112x128xf32, #tpu.memory_space<vmem_shared>>) offsets(%dma_start3A_381 : memref<128xi32, #tpu.memory_space<vmem>>) semaphore(%arg19 : memref<!tpu.dma_semaphore, #tpu.memory_space<semaphore_mem>>) {add = true}
      %mul3A_385 = arith.constant 16 : i32
      %mul3A_386 = arith.muli %add3A_324, %mul3A_385 : i32
      %add3A_387 = arith.constant 4 : i32
      %add3A_388 = arith.addi %mul3A_386, %add3A_387 : i32
      %dma_start3A_389 = arith.constant 0 : i32
      %dma_start3A_390 = arith.constant 0 : i32
      %dma_start3A_391 = arith.constant 0 : i32
      %dma_start3A_392 = tpu.memref_slice %arg14[%dma_start3A_389, %dma_start3A_390, %dma_start3A_391] : memref<2x128x128xf32, #tpu.memory_space<vmem>> -> memref<1x128x128xf32, #tpu.memory_space<vmem>>
      %dma_start3A_393 = tpu.memref_squeeze %dma_start3A_392 : memref<1x128x128xf32, #tpu.memory_space<vmem>> -> memref<128x128xf32, #tpu.memory_space<vmem>>
      %dma_start3A_394 = arith.constant 0 : i32
      %dma_start3A_395 = tpu.memref_slice %arg12[%add3A_388, %dma_start3A_394] : memref<16x128xi32, #tpu.memory_space<vmem>> -> memref<1x128xi32, #tpu.memory_space<vmem>>
      %dma_start3A_396 = tpu.memref_squeeze %dma_start3A_395 : memref<1x128xi32, #tpu.memory_space<vmem>> -> memref<128xi32, #tpu.memory_space<vmem>>
      %dma_start3A_397 = arith.constant 0 : i32
      %dma_start3A_398 = arith.constant 0 : i32
      %dma_start3A_399 = tpu.memref_slice %arg10[%dma_start3A_397, %dma_start3A_398] : memref<10112x128xf32, #tpu.memory_space<vmem_shared>> -> memref<10112x128xf32, #tpu.memory_space<vmem_shared>>
      tpu.enqueue_indirect_dma source(%dma_start3A_393 : memref<128x128xf32, #tpu.memory_space<vmem>>) target(%dma_start3A_399 : memref<10112x128xf32, #tpu.memory_space<vmem_shared>>) offsets(%dma_start3A_396 : memref<128xi32, #tpu.memory_space<vmem>>) semaphore(%arg19 : memref<!tpu.dma_semaphore, #tpu.memory_space<semaphore_mem>>) {add = true}
      %mul3A_400 = arith.constant 16 : i32
      %mul3A_401 = arith.muli %add3A_324, %mul3A_400 : i32
      %add3A_402 = arith.constant 5 : i32
      %add3A_403 = arith.addi %mul3A_401, %add3A_402 : i32
      %dma_start3A_404 = arith.constant 0 : i32
      %dma_start3A_405 = arith.constant 0 : i32
      %dma_start3A_406 = arith.constant 0 : i32
      %dma_start3A_407 = tpu.memref_slice %arg14[%dma_start3A_404, %dma_start3A_405, %dma_start3A_406] : memref<2x128x128xf32, #tpu.memory_space<vmem>> -> memref<1x128x128xf32, #tpu.memory_space<vmem>>
      %dma_start3A_408 = tpu.memref_squeeze %dma_start3A_407 : memref<1x128x128xf32, #tpu.memory_space<vmem>> -> memref<128x128xf32, #tpu.memory_space<vmem>>
      %dma_start3A_409 = arith.constant 0 : i32
      %dma_start3A_410 = tpu.memref_slice %arg12[%add3A_403, %dma_start3A_409] : memref<16x128xi32, #tpu.memory_space<vmem>> -> memref<1x128xi32, #tpu.memory_space<vmem>>
      %dma_start3A_411 = tpu.memref_squeeze %dma_start3A_410 : memref<1x128xi32, #tpu.memory_space<vmem>> -> memref<128xi32, #tpu.memory_space<vmem>>
      %dma_start3A_412 = arith.constant 0 : i32
      %dma_start3A_413 = arith.constant 0 : i32
      %dma_start3A_414 = tpu.memref_slice %arg10[%dma_start3A_412, %dma_start3A_413] : memref<10112x128xf32, #tpu.memory_space<vmem_shared>> -> memref<10112x128xf32, #tpu.memory_space<vmem_shared>>
      tpu.enqueue_indirect_dma source(%dma_start3A_408 : memref<128x128xf32, #tpu.memory_space<vmem>>) target(%dma_start3A_414 : memref<10112x128xf32, #tpu.memory_space<vmem_shared>>) offsets(%dma_start3A_411 : memref<128xi32, #tpu.memory_space<vmem>>) semaphore(%arg19 : memref<!tpu.dma_semaphore, #tpu.memory_space<semaphore_mem>>) {add = true}
      %mul3A_415 = arith.constant 16 : i32
      %mul3A_416 = arith.muli %add3A_324, %mul3A_415 : i32
      %add3A_417 = arith.constant 6 : i32
      %add3A_418 = arith.addi %mul3A_416, %add3A_417 : i32
      %dma_start3A_419 = arith.constant 0 : i32
      %dma_start3A_420 = arith.constant 0 : i32
      %dma_start3A_421 = arith.constant 0 : i32
      %dma_start3A_422 = tpu.memref_slice %arg14[%dma_start3A_419, %dma_start3A_420, %dma_start3A_421] : memref<2x128x128xf32, #tpu.memory_space<vmem>> -> memref<1x128x128xf32, #tpu.memory_space<vmem>>
      %dma_start3A_423 = tpu.memref_squeeze %dma_start3A_422 : memref<1x128x128xf32, #tpu.memory_space<vmem>> -> memref<128x128xf32, #tpu.memory_space<vmem>>
      %dma_start3A_424 = arith.constant 0 : i32
      %dma_start3A_425 = tpu.memref_slice %arg12[%add3A_418, %dma_start3A_424] : memref<16x128xi32, #tpu.memory_space<vmem>> -> memref<1x128xi32, #tpu.memory_space<vmem>>
      %dma_start3A_426 = tpu.memref_squeeze %dma_start3A_425 : memref<1x128xi32, #tpu.memory_space<vmem>> -> memref<128xi32, #tpu.memory_space<vmem>>
      %dma_start3A_427 = arith.constant 0 : i32
      %dma_start3A_428 = arith.constant 0 : i32
      %dma_start3A_429 = tpu.memref_slice %arg10[%dma_start3A_427, %dma_start3A_428] : memref<10112x128xf32, #tpu.memory_space<vmem_shared>> -> memref<10112x128xf32, #tpu.memory_space<vmem_shared>>
      tpu.enqueue_indirect_dma source(%dma_start3A_423 : memref<128x128xf32, #tpu.memory_space<vmem>>) target(%dma_start3A_429 : memref<10112x128xf32, #tpu.memory_space<vmem_shared>>) offsets(%dma_start3A_426 : memref<128xi32, #tpu.memory_space<vmem>>) semaphore(%arg19 : memref<!tpu.dma_semaphore, #tpu.memory_space<semaphore_mem>>) {add = true}
      %mul3A_430 = arith.constant 16 : i32
      %mul3A_431 = arith.muli %add3A_324, %mul3A_430 : i32
      %add3A_432 = arith.constant 7 : i32
      %add3A_433 = arith.addi %mul3A_431, %add3A_432 : i32
      %dma_start3A_434 = arith.constant 0 : i32
      %dma_start3A_435 = arith.constant 0 : i32
      %dma_start3A_436 = arith.constant 0 : i32
      %dma_start3A_437 = tpu.memref_slice %arg14[%dma_start3A_434, %dma_start3A_435, %dma_start3A_436] : memref<2x128x128xf32, #tpu.memory_space<vmem>> -> memref<1x128x128xf32, #tpu.memory_space<vmem>>
      %dma_start3A_438 = tpu.memref_squeeze %dma_start3A_437 : memref<1x128x128xf32, #tpu.memory_space<vmem>> -> memref<128x128xf32, #tpu.memory_space<vmem>>
      %dma_start3A_439 = arith.constant 0 : i32
      %dma_start3A_440 = tpu.memref_slice %arg12[%add3A_433, %dma_start3A_439] : memref<16x128xi32, #tpu.memory_space<vmem>> -> memref<1x128xi32, #tpu.memory_space<vmem>>
      %dma_start3A_441 = tpu.memref_squeeze %dma_start3A_440 : memref<1x128xi32, #tpu.memory_space<vmem>> -> memref<128xi32, #tpu.memory_space<vmem>>
      %dma_start3A_442 = arith.constant 0 : i32
      %dma_start3A_443 = arith.constant 0 : i32
      %dma_start3A_444 = tpu.memref_slice %arg10[%dma_start3A_442, %dma_start3A_443] : memref<10112x128xf32, #tpu.memory_space<vmem_shared>> -> memref<10112x128xf32, #tpu.memory_space<vmem_shared>>
      tpu.enqueue_indirect_dma source(%dma_start3A_438 : memref<128x128xf32, #tpu.memory_space<vmem>>) target(%dma_start3A_444 : memref<10112x128xf32, #tpu.memory_space<vmem_shared>>) offsets(%dma_start3A_441 : memref<128xi32, #tpu.memory_space<vmem>>) semaphore(%arg19 : memref<!tpu.dma_semaphore, #tpu.memory_space<semaphore_mem>>) {add = true}
      %mul3A_445 = arith.constant 16 : i32
      %mul3A_446 = arith.muli %add3A_324, %mul3A_445 : i32
      %add3A_447 = arith.constant 8 : i32
      %add3A_448 = arith.addi %mul3A_446, %add3A_447 : i32
      %dma_start3A_449 = arith.constant 0 : i32
      %dma_start3A_450 = arith.constant 0 : i32
      %dma_start3A_451 = arith.constant 0 : i32
      %dma_start3A_452 = tpu.memref_slice %arg14[%dma_start3A_449, %dma_start3A_450, %dma_start3A_451] : memref<2x128x128xf32, #tpu.memory_space<vmem>> -> memref<1x128x128xf32, #tpu.memory_space<vmem>>
      %dma_start3A_453 = tpu.memref_squeeze %dma_start3A_452 : memref<1x128x128xf32, #tpu.memory_space<vmem>> -> memref<128x128xf32, #tpu.memory_space<vmem>>
      %dma_start3A_454 = arith.constant 0 : i32
      %dma_start3A_455 = tpu.memref_slice %arg12[%add3A_448, %dma_start3A_454] : memref<16x128xi32, #tpu.memory_space<vmem>> -> memref<1x128xi32, #tpu.memory_space<vmem>>
      %dma_start3A_456 = tpu.memref_squeeze %dma_start3A_455 : memref<1x128xi32, #tpu.memory_space<vmem>> -> memref<128xi32, #tpu.memory_space<vmem>>
      %dma_start3A_457 = arith.constant 0 : i32
      %dma_start3A_458 = arith.constant 0 : i32
      %dma_start3A_459 = tpu.memref_slice %arg10[%dma_start3A_457, %dma_start3A_458] : memref<10112x128xf32, #tpu.memory_space<vmem_shared>> -> memref<10112x128xf32, #tpu.memory_space<vmem_shared>>
      tpu.enqueue_indirect_dma source(%dma_start3A_453 : memref<128x128xf32, #tpu.memory_space<vmem>>) target(%dma_start3A_459 : memref<10112x128xf32, #tpu.memory_space<vmem_shared>>) offsets(%dma_start3A_456 : memref<128xi32, #tpu.memory_space<vmem>>) semaphore(%arg19 : memref<!tpu.dma_semaphore, #tpu.memory_space<semaphore_mem>>) {add = true}
      %mul3A_460 = arith.constant 16 : i32
      %mul3A_461 = arith.muli %add3A_324, %mul3A_460 : i32
      %add3A_462 = arith.constant 9 : i32
      %add3A_463 = arith.addi %mul3A_461, %add3A_462 : i32
      %dma_start3A_464 = arith.constant 0 : i32
      %dma_start3A_465 = arith.constant 0 : i32
      %dma_start3A_466 = arith.constant 0 : i32
      %dma_start3A_467 = tpu.memref_slice %arg14[%dma_start3A_464, %dma_start3A_465, %dma_start3A_466] : memref<2x128x128xf32, #tpu.memory_space<vmem>> -> memref<1x128x128xf32, #tpu.memory_space<vmem>>
      %dma_start3A_468 = tpu.memref_squeeze %dma_start3A_467 : memref<1x128x128xf32, #tpu.memory_space<vmem>> -> memref<128x128xf32, #tpu.memory_space<vmem>>
      %dma_start3A_469 = arith.constant 0 : i32
      %dma_start3A_470 = tpu.memref_slice %arg12[%add3A_463, %dma_start3A_469] : memref<16x128xi32, #tpu.memory_space<vmem>> -> memref<1x128xi32, #tpu.memory_space<vmem>>
      %dma_start3A_471 = tpu.memref_squeeze %dma_start3A_470 : memref<1x128xi32, #tpu.memory_space<vmem>> -> memref<128xi32, #tpu.memory_space<vmem>>
      %dma_start3A_472 = arith.constant 0 : i32
      %dma_start3A_473 = arith.constant 0 : i32
      %dma_start3A_474 = tpu.memref_slice %arg10[%dma_start3A_472, %dma_start3A_473] : memref<10112x128xf32, #tpu.memory_space<vmem_shared>> -> memref<10112x128xf32, #tpu.memory_space<vmem_shared>>
      tpu.enqueue_indirect_dma source(%dma_start3A_468 : memref<128x128xf32, #tpu.memory_space<vmem>>) target(%dma_start3A_474 : memref<10112x128xf32, #tpu.memory_space<vmem_shared>>) offsets(%dma_start3A_471 : memref<128xi32, #tpu.memory_space<vmem>>) semaphore(%arg19 : memref<!tpu.dma_semaphore, #tpu.memory_space<semaphore_mem>>) {add = true}
      %mul3A_475 = arith.constant 16 : i32
      %mul3A_476 = arith.muli %add3A_324, %mul3A_475 : i32
      %add3A_477 = arith.constant 10 : i32
      %add3A_478 = arith.addi %mul3A_476, %add3A_477 : i32
      %dma_start3A_479 = arith.constant 0 : i32
      %dma_start3A_480 = arith.constant 0 : i32
      %dma_start3A_481 = arith.constant 0 : i32
      %dma_start3A_482 = tpu.memref_slice %arg14[%dma_start3A_479, %dma_start3A_480, %dma_start3A_481] : memref<2x128x128xf32, #tpu.memory_space<vmem>> -> memref<1x128x128xf32, #tpu.memory_space<vmem>>
      %dma_start3A_483 = tpu.memref_squeeze %dma_start3A_482 : memref<1x128x128xf32, #tpu.memory_space<vmem>> -> memref<128x128xf32, #tpu.memory_space<vmem>>
      %dma_start3A_484 = arith.constant 0 : i32
      %dma_start3A_485 = tpu.memref_slice %arg12[%add3A_478, %dma_start3A_484] : memref<16x128xi32, #tpu.memory_space<vmem>> -> memref<1x128xi32, #tpu.memory_space<vmem>>
      %dma_start3A_486 = tpu.memref_squeeze %dma_start3A_485 : memref<1x128xi32, #tpu.memory_space<vmem>> -> memref<128xi32, #tpu.memory_space<vmem>>
      %dma_start3A_487 = arith.constant 0 : i32
      %dma_start3A_488 = arith.constant 0 : i32
      %dma_start3A_489 = tpu.memref_slice %arg10[%dma_start3A_487, %dma_start3A_488] : memref<10112x128xf32, #tpu.memory_space<vmem_shared>> -> memref<10112x128xf32, #tpu.memory_space<vmem_shared>>
      tpu.enqueue_indirect_dma source(%dma_start3A_483 : memref<128x128xf32, #tpu.memory_space<vmem>>) target(%dma_start3A_489 : memref<10112x128xf32, #tpu.memory_space<vmem_shared>>) offsets(%dma_start3A_486 : memref<128xi32, #tpu.memory_space<vmem>>) semaphore(%arg19 : memref<!tpu.dma_semaphore, #tpu.memory_space<semaphore_mem>>) {add = true}
      %mul3A_490 = arith.constant 16 : i32
      %mul3A_491 = arith.muli %add3A_324, %mul3A_490 : i32
      %add3A_492 = arith.constant 11 : i32
      %add3A_493 = arith.addi %mul3A_491, %add3A_492 : i32
      %dma_start3A_494 = arith.constant 0 : i32
      %dma_start3A_495 = arith.constant 0 : i32
      %dma_start3A_496 = arith.constant 0 : i32
      %dma_start3A_497 = tpu.memref_slice %arg14[%dma_start3A_494, %dma_start3A_495, %dma_start3A_496] : memref<2x128x128xf32, #tpu.memory_space<vmem>> -> memref<1x128x128xf32, #tpu.memory_space<vmem>>
      %dma_start3A_498 = tpu.memref_squeeze %dma_start3A_497 : memref<1x128x128xf32, #tpu.memory_space<vmem>> -> memref<128x128xf32, #tpu.memory_space<vmem>>
      %dma_start3A_499 = arith.constant 0 : i32
      %dma_start3A_500 = tpu.memref_slice %arg12[%add3A_493, %dma_start3A_499] : memref<16x128xi32, #tpu.memory_space<vmem>> -> memref<1x128xi32, #tpu.memory_space<vmem>>
      %dma_start3A_501 = tpu.memref_squeeze %dma_start3A_500 : memref<1x128xi32, #tpu.memory_space<vmem>> -> memref<128xi32, #tpu.memory_space<vmem>>
      %dma_start3A_502 = arith.constant 0 : i32
      %dma_start3A_503 = arith.constant 0 : i32
      %dma_start3A_504 = tpu.memref_slice %arg10[%dma_start3A_502, %dma_start3A_503] : memref<10112x128xf32, #tpu.memory_space<vmem_shared>> -> memref<10112x128xf32, #tpu.memory_space<vmem_shared>>
      tpu.enqueue_indirect_dma source(%dma_start3A_498 : memref<128x128xf32, #tpu.memory_space<vmem>>) target(%dma_start3A_504 : memref<10112x128xf32, #tpu.memory_space<vmem_shared>>) offsets(%dma_start3A_501 : memref<128xi32, #tpu.memory_space<vmem>>) semaphore(%arg19 : memref<!tpu.dma_semaphore, #tpu.memory_space<semaphore_mem>>) {add = true}
      %mul3A_505 = arith.constant 16 : i32
      %mul3A_506 = arith.muli %add3A_324, %mul3A_505 : i32
      %add3A_507 = arith.constant 12 : i32
      %add3A_508 = arith.addi %mul3A_506, %add3A_507 : i32
      %dma_start3A_509 = arith.constant 0 : i32
      %dma_start3A_510 = arith.constant 0 : i32
      %dma_start3A_511 = arith.constant 0 : i32
      %dma_start3A_512 = tpu.memref_slice %arg14[%dma_start3A_509, %dma_start3A_510, %dma_start3A_511] : memref<2x128x128xf32, #tpu.memory_space<vmem>> -> memref<1x128x128xf32, #tpu.memory_space<vmem>>
      %dma_start3A_513 = tpu.memref_squeeze %dma_start3A_512 : memref<1x128x128xf32, #tpu.memory_space<vmem>> -> memref<128x128xf32, #tpu.memory_space<vmem>>
      %dma_start3A_514 = arith.constant 0 : i32
      %dma_start3A_515 = tpu.memref_slice %arg12[%add3A_508, %dma_start3A_514] : memref<16x128xi32, #tpu.memory_space<vmem>> -> memref<1x128xi32, #tpu.memory_space<vmem>>
      %dma_start3A_516 = tpu.memref_squeeze %dma_start3A_515 : memref<1x128xi32, #tpu.memory_space<vmem>> -> memref<128xi32, #tpu.memory_space<vmem>>
      %dma_start3A_517 = arith.constant 0 : i32
      %dma_start3A_518 = arith.constant 0 : i32
      %dma_start3A_519 = tpu.memref_slice %arg10[%dma_start3A_517, %dma_start3A_518] : memref<10112x128xf32, #tpu.memory_space<vmem_shared>> -> memref<10112x128xf32, #tpu.memory_space<vmem_shared>>
      tpu.enqueue_indirect_dma source(%dma_start3A_513 : memref<128x128xf32, #tpu.memory_space<vmem>>) target(%dma_start3A_519 : memref<10112x128xf32, #tpu.memory_space<vmem_shared>>) offsets(%dma_start3A_516 : memref<128xi32, #tpu.memory_space<vmem>>) semaphore(%arg19 : memref<!tpu.dma_semaphore, #tpu.memory_space<semaphore_mem>>) {add = true}
      %mul3A_520 = arith.constant 16 : i32
      %mul3A_521 = arith.muli %add3A_324, %mul3A_520 : i32
      %add3A_522 = arith.constant 13 : i32
      %add3A_523 = arith.addi %mul3A_521, %add3A_522 : i32
      %dma_start3A_524 = arith.constant 0 : i32
      %dma_start3A_525 = arith.constant 0 : i32
      %dma_start3A_526 = arith.constant 0 : i32
      %dma_start3A_527 = tpu.memref_slice %arg14[%dma_start3A_524, %dma_start3A_525, %dma_start3A_526] : memref<2x128x128xf32, #tpu.memory_space<vmem>> -> memref<1x128x128xf32, #tpu.memory_space<vmem>>
      %dma_start3A_528 = tpu.memref_squeeze %dma_start3A_527 : memref<1x128x128xf32, #tpu.memory_space<vmem>> -> memref<128x128xf32, #tpu.memory_space<vmem>>
      %dma_start3A_529 = arith.constant 0 : i32
      %dma_start3A_530 = tpu.memref_slice %arg12[%add3A_523, %dma_start3A_529] : memref<16x128xi32, #tpu.memory_space<vmem>> -> memref<1x128xi32, #tpu.memory_space<vmem>>
      %dma_start3A_531 = tpu.memref_squeeze %dma_start3A_530 : memref<1x128xi32, #tpu.memory_space<vmem>> -> memref<128xi32, #tpu.memory_space<vmem>>
      %dma_start3A_532 = arith.constant 0 : i32
      %dma_start3A_533 = arith.constant 0 : i32
      %dma_start3A_534 = tpu.memref_slice %arg10[%dma_start3A_532, %dma_start3A_533] : memref<10112x128xf32, #tpu.memory_space<vmem_shared>> -> memref<10112x128xf32, #tpu.memory_space<vmem_shared>>
      tpu.enqueue_indirect_dma source(%dma_start3A_528 : memref<128x128xf32, #tpu.memory_space<vmem>>) target(%dma_start3A_534 : memref<10112x128xf32, #tpu.memory_space<vmem_shared>>) offsets(%dma_start3A_531 : memref<128xi32, #tpu.memory_space<vmem>>) semaphore(%arg19 : memref<!tpu.dma_semaphore, #tpu.memory_space<semaphore_mem>>) {add = true}
      %mul3A_535 = arith.constant 16 : i32
      %mul3A_536 = arith.muli %add3A_324, %mul3A_535 : i32
      %add3A_537 = arith.constant 14 : i32
      %add3A_538 = arith.addi %mul3A_536, %add3A_537 : i32
      %dma_start3A_539 = arith.constant 0 : i32
      %dma_start3A_540 = arith.constant 0 : i32
      %dma_start3A_541 = arith.constant 0 : i32
      %dma_start3A_542 = tpu.memref_slice %arg14[%dma_start3A_539, %dma_start3A_540, %dma_start3A_541] : memref<2x128x128xf32, #tpu.memory_space<vmem>> -> memref<1x128x128xf32, #tpu.memory_space<vmem>>
      %dma_start3A_543 = tpu.memref_squeeze %dma_start3A_542 : memref<1x128x128xf32, #tpu.memory_space<vmem>> -> memref<128x128xf32, #tpu.memory_space<vmem>>
      %dma_start3A_544 = arith.constant 0 : i32
      %dma_start3A_545 = tpu.memref_slice %arg12[%add3A_538, %dma_start3A_544] : memref<16x128xi32, #tpu.memory_space<vmem>> -> memref<1x128xi32, #tpu.memory_space<vmem>>
      %dma_start3A_546 = tpu.memref_squeeze %dma_start3A_545 : memref<1x128xi32, #tpu.memory_space<vmem>> -> memref<128xi32, #tpu.memory_space<vmem>>
      %dma_start3A_547 = arith.constant 0 : i32
      %dma_start3A_548 = arith.constant 0 : i32
      %dma_start3A_549 = tpu.memref_slice %arg10[%dma_start3A_547, %dma_start3A_548] : memref<10112x128xf32, #tpu.memory_space<vmem_shared>> -> memref<10112x128xf32, #tpu.memory_space<vmem_shared>>
      tpu.enqueue_indirect_dma source(%dma_start3A_543 : memref<128x128xf32, #tpu.memory_space<vmem>>) target(%dma_start3A_549 : memref<10112x128xf32, #tpu.memory_space<vmem_shared>>) offsets(%dma_start3A_546 : memref<128xi32, #tpu.memory_space<vmem>>) semaphore(%arg19 : memref<!tpu.dma_semaphore, #tpu.memory_space<semaphore_mem>>) {add = true}
      %mul3A_550 = arith.constant 16 : i32
      %mul3A_551 = arith.muli %add3A_324, %mul3A_550 : i32
      %add3A_552 = arith.constant 15 : i32
      %add3A_553 = arith.addi %mul3A_551, %add3A_552 : i32
      %dma_start3A_554 = arith.constant 0 : i32
      %dma_start3A_555 = arith.constant 0 : i32
      %dma_start3A_556 = arith.constant 0 : i32
      %dma_start3A_557 = tpu.memref_slice %arg14[%dma_start3A_554, %dma_start3A_555, %dma_start3A_556] : memref<2x128x128xf32, #tpu.memory_space<vmem>> -> memref<1x128x128xf32, #tpu.memory_space<vmem>>
      %dma_start3A_558 = tpu.memref_squeeze %dma_start3A_557 : memref<1x128x128xf32, #tpu.memory_space<vmem>> -> memref<128x128xf32, #tpu.memory_space<vmem>>
      %dma_start3A_559 = arith.constant 0 : i32
      %dma_start3A_560 = tpu.memref_slice %arg12[%add3A_553, %dma_start3A_559] : memref<16x128xi32, #tpu.memory_space<vmem>> -> memref<1x128xi32, #tpu.memory_space<vmem>>
      %dma_start3A_561 = tpu.memref_squeeze %dma_start3A_560 : memref<1x128xi32, #tpu.memory_space<vmem>> -> memref<128xi32, #tpu.memory_space<vmem>>
      %dma_start3A_562 = arith.constant 0 : i32
      %dma_start3A_563 = arith.constant 0 : i32
      %dma_start3A_564 = tpu.memref_slice %arg10[%dma_start3A_562, %dma_start3A_563] : memref<10112x128xf32, #tpu.memory_space<vmem_shared>> -> memref<10112x128xf32, #tpu.memory_space<vmem_shared>>
      tpu.enqueue_indirect_dma source(%dma_start3A_558 : memref<128x128xf32, #tpu.memory_space<vmem>>) target(%dma_start3A_564 : memref<10112x128xf32, #tpu.memory_space<vmem_shared>>) offsets(%dma_start3A_561 : memref<128xi32, #tpu.memory_space<vmem>>) semaphore(%arg19 : memref<!tpu.dma_semaphore, #tpu.memory_space<semaphore_mem>>) {add = true}
      %mul3A_565 = arith.constant 16 : i32
      %mul3A_566 = arith.muli %add3A_324, %mul3A_565 : i32
      %add3A_567 = arith.constant 0 : i32
      %add3A_568 = arith.addi %mul3A_566, %add3A_567 : i32
      %dma_wait3A_569 = arith.constant 0 : i32
      %dma_wait3A_570 = arith.constant 0 : i32
      %dma_wait3A_571 = arith.constant 0 : i32
      %dma_wait3A_572 = tpu.memref_slice %arg14[%dma_wait3A_569, %dma_wait3A_570, %dma_wait3A_571] : memref<2x128x128xf32, #tpu.memory_space<vmem>> -> memref<1x128x128xf32, #tpu.memory_space<vmem>>
      %dma_wait3A_573 = tpu.memref_squeeze %dma_wait3A_572 : memref<1x128x128xf32, #tpu.memory_space<vmem>> -> memref<128x128xf32, #tpu.memory_space<vmem>>
      %dma_wait3A_574 = arith.constant 0 : i32
      %dma_wait3A_575 = tpu.memref_slice %arg12[%add3A_568, %dma_wait3A_574] : memref<16x128xi32, #tpu.memory_space<vmem>> -> memref<1x128xi32, #tpu.memory_space<vmem>>
      %dma_wait3A_576 = tpu.memref_squeeze %dma_wait3A_575 : memref<1x128xi32, #tpu.memory_space<vmem>> -> memref<128xi32, #tpu.memory_space<vmem>>
      %dma_wait3A_577 = arith.constant 0 : i32
      %dma_wait3A_578 = arith.constant 0 : i32
      %dma_wait3A_579 = tpu.memref_slice %arg10[%dma_wait3A_577, %dma_wait3A_578] : memref<10112x128xf32, #tpu.memory_space<vmem_shared>> -> memref<10112x128xf32, #tpu.memory_space<vmem_shared>>
      tpu.wait_indirect_dma semaphore(%arg19 : memref<!tpu.dma_semaphore, #tpu.memory_space<semaphore_mem>>) src(%dma_wait3A_573 : memref<128x128xf32, #tpu.memory_space<vmem>>) dst(%dma_wait3A_579 : memref<10112x128xf32, #tpu.memory_space<vmem_shared>>)
      %mul3A_580 = arith.constant 16 : i32
      %mul3A_581 = arith.muli %add3A_324, %mul3A_580 : i32
      %add3A_582 = arith.constant 1 : i32
      %add3A_583 = arith.addi %mul3A_581, %add3A_582 : i32
      %dma_wait3A_584 = arith.constant 0 : i32
      %dma_wait3A_585 = arith.constant 0 : i32
      %dma_wait3A_586 = arith.constant 0 : i32
      %dma_wait3A_587 = tpu.memref_slice %arg14[%dma_wait3A_584, %dma_wait3A_585, %dma_wait3A_586] : memref<2x128x128xf32, #tpu.memory_space<vmem>> -> memref<1x128x128xf32, #tpu.memory_space<vmem>>
      %dma_wait3A_588 = tpu.memref_squeeze %dma_wait3A_587 : memref<1x128x128xf32, #tpu.memory_space<vmem>> -> memref<128x128xf32, #tpu.memory_space<vmem>>
      %dma_wait3A_589 = arith.constant 0 : i32
      %dma_wait3A_590 = tpu.memref_slice %arg12[%add3A_583, %dma_wait3A_589] : memref<16x128xi32, #tpu.memory_space<vmem>> -> memref<1x128xi32, #tpu.memory_space<vmem>>
      %dma_wait3A_591 = tpu.memref_squeeze %dma_wait3A_590 : memref<1x128xi32, #tpu.memory_space<vmem>> -> memref<128xi32, #tpu.memory_space<vmem>>
      %dma_wait3A_592 = arith.constant 0 : i32
      %dma_wait3A_593 = arith.constant 0 : i32
      %dma_wait3A_594 = tpu.memref_slice %arg10[%dma_wait3A_592, %dma_wait3A_593] : memref<10112x128xf32, #tpu.memory_space<vmem_shared>> -> memref<10112x128xf32, #tpu.memory_space<vmem_shared>>
      tpu.wait_indirect_dma semaphore(%arg19 : memref<!tpu.dma_semaphore, #tpu.memory_space<semaphore_mem>>) src(%dma_wait3A_588 : memref<128x128xf32, #tpu.memory_space<vmem>>) dst(%dma_wait3A_594 : memref<10112x128xf32, #tpu.memory_space<vmem_shared>>)
      %mul3A_595 = arith.constant 16 : i32
      %mul3A_596 = arith.muli %add3A_324, %mul3A_595 : i32
      %add3A_597 = arith.constant 2 : i32
      %add3A_598 = arith.addi %mul3A_596, %add3A_597 : i32
      %dma_wait3A_599 = arith.constant 0 : i32
      %dma_wait3A_600 = arith.constant 0 : i32
      %dma_wait3A_601 = arith.constant 0 : i32
      %dma_wait3A_602 = tpu.memref_slice %arg14[%dma_wait3A_599, %dma_wait3A_600, %dma_wait3A_601] : memref<2x128x128xf32, #tpu.memory_space<vmem>> -> memref<1x128x128xf32, #tpu.memory_space<vmem>>
      %dma_wait3A_603 = tpu.memref_squeeze %dma_wait3A_602 : memref<1x128x128xf32, #tpu.memory_space<vmem>> -> memref<128x128xf32, #tpu.memory_space<vmem>>
      %dma_wait3A_604 = arith.constant 0 : i32
      %dma_wait3A_605 = tpu.memref_slice %arg12[%add3A_598, %dma_wait3A_604] : memref<16x128xi32, #tpu.memory_space<vmem>> -> memref<1x128xi32, #tpu.memory_space<vmem>>
      %dma_wait3A_606 = tpu.memref_squeeze %dma_wait3A_605 : memref<1x128xi32, #tpu.memory_space<vmem>> -> memref<128xi32, #tpu.memory_space<vmem>>
      %dma_wait3A_607 = arith.constant 0 : i32
      %dma_wait3A_608 = arith.constant 0 : i32
      %dma_wait3A_609 = tpu.memref_slice %arg10[%dma_wait3A_607, %dma_wait3A_608] : memref<10112x128xf32, #tpu.memory_space<vmem_shared>> -> memref<10112x128xf32, #tpu.memory_space<vmem_shared>>
      tpu.wait_indirect_dma semaphore(%arg19 : memref<!tpu.dma_semaphore, #tpu.memory_space<semaphore_mem>>) src(%dma_wait3A_603 : memref<128x128xf32, #tpu.memory_space<vmem>>) dst(%dma_wait3A_609 : memref<10112x128xf32, #tpu.memory_space<vmem_shared>>)
      %mul3A_610 = arith.constant 16 : i32
      %mul3A_611 = arith.muli %add3A_324, %mul3A_610 : i32
      %add3A_612 = arith.constant 3 : i32
      %add3A_613 = arith.addi %mul3A_611, %add3A_612 : i32
      %dma_wait3A_614 = arith.constant 0 : i32
      %dma_wait3A_615 = arith.constant 0 : i32
      %dma_wait3A_616 = arith.constant 0 : i32
      %dma_wait3A_617 = tpu.memref_slice %arg14[%dma_wait3A_614, %dma_wait3A_615, %dma_wait3A_616] : memref<2x128x128xf32, #tpu.memory_space<vmem>> -> memref<1x128x128xf32, #tpu.memory_space<vmem>>
      %dma_wait3A_618 = tpu.memref_squeeze %dma_wait3A_617 : memref<1x128x128xf32, #tpu.memory_space<vmem>> -> memref<128x128xf32, #tpu.memory_space<vmem>>
      %dma_wait3A_619 = arith.constant 0 : i32
      %dma_wait3A_620 = tpu.memref_slice %arg12[%add3A_613, %dma_wait3A_619] : memref<16x128xi32, #tpu.memory_space<vmem>> -> memref<1x128xi32, #tpu.memory_space<vmem>>
      %dma_wait3A_621 = tpu.memref_squeeze %dma_wait3A_620 : memref<1x128xi32, #tpu.memory_space<vmem>> -> memref<128xi32, #tpu.memory_space<vmem>>
      %dma_wait3A_622 = arith.constant 0 : i32
      %dma_wait3A_623 = arith.constant 0 : i32
      %dma_wait3A_624 = tpu.memref_slice %arg10[%dma_wait3A_622, %dma_wait3A_623] : memref<10112x128xf32, #tpu.memory_space<vmem_shared>> -> memref<10112x128xf32, #tpu.memory_space<vmem_shared>>
      tpu.wait_indirect_dma semaphore(%arg19 : memref<!tpu.dma_semaphore, #tpu.memory_space<semaphore_mem>>) src(%dma_wait3A_618 : memref<128x128xf32, #tpu.memory_space<vmem>>) dst(%dma_wait3A_624 : memref<10112x128xf32, #tpu.memory_space<vmem_shared>>)
      %mul3A_625 = arith.constant 16 : i32
      %mul3A_626 = arith.muli %add3A_324, %mul3A_625 : i32
      %add3A_627 = arith.constant 4 : i32
      %add3A_628 = arith.addi %mul3A_626, %add3A_627 : i32
      %dma_wait3A_629 = arith.constant 0 : i32
      %dma_wait3A_630 = arith.constant 0 : i32
      %dma_wait3A_631 = arith.constant 0 : i32
      %dma_wait3A_632 = tpu.memref_slice %arg14[%dma_wait3A_629, %dma_wait3A_630, %dma_wait3A_631] : memref<2x128x128xf32, #tpu.memory_space<vmem>> -> memref<1x128x128xf32, #tpu.memory_space<vmem>>
      %dma_wait3A_633 = tpu.memref_squeeze %dma_wait3A_632 : memref<1x128x128xf32, #tpu.memory_space<vmem>> -> memref<128x128xf32, #tpu.memory_space<vmem>>
      %dma_wait3A_634 = arith.constant 0 : i32
      %dma_wait3A_635 = tpu.memref_slice %arg12[%add3A_628, %dma_wait3A_634] : memref<16x128xi32, #tpu.memory_space<vmem>> -> memref<1x128xi32, #tpu.memory_space<vmem>>
      %dma_wait3A_636 = tpu.memref_squeeze %dma_wait3A_635 : memref<1x128xi32, #tpu.memory_space<vmem>> -> memref<128xi32, #tpu.memory_space<vmem>>
      %dma_wait3A_637 = arith.constant 0 : i32
      %dma_wait3A_638 = arith.constant 0 : i32
      %dma_wait3A_639 = tpu.memref_slice %arg10[%dma_wait3A_637, %dma_wait3A_638] : memref<10112x128xf32, #tpu.memory_space<vmem_shared>> -> memref<10112x128xf32, #tpu.memory_space<vmem_shared>>
      tpu.wait_indirect_dma semaphore(%arg19 : memref<!tpu.dma_semaphore, #tpu.memory_space<semaphore_mem>>) src(%dma_wait3A_633 : memref<128x128xf32, #tpu.memory_space<vmem>>) dst(%dma_wait3A_639 : memref<10112x128xf32, #tpu.memory_space<vmem_shared>>)
      %mul3A_640 = arith.constant 16 : i32
      %mul3A_641 = arith.muli %add3A_324, %mul3A_640 : i32
      %add3A_642 = arith.constant 5 : i32
      %add3A_643 = arith.addi %mul3A_641, %add3A_642 : i32
      %dma_wait3A_644 = arith.constant 0 : i32
      %dma_wait3A_645 = arith.constant 0 : i32
      %dma_wait3A_646 = arith.constant 0 : i32
      %dma_wait3A_647 = tpu.memref_slice %arg14[%dma_wait3A_644, %dma_wait3A_645, %dma_wait3A_646] : memref<2x128x128xf32, #tpu.memory_space<vmem>> -> memref<1x128x128xf32, #tpu.memory_space<vmem>>
      %dma_wait3A_648 = tpu.memref_squeeze %dma_wait3A_647 : memref<1x128x128xf32, #tpu.memory_space<vmem>> -> memref<128x128xf32, #tpu.memory_space<vmem>>
      %dma_wait3A_649 = arith.constant 0 : i32
      %dma_wait3A_650 = tpu.memref_slice %arg12[%add3A_643, %dma_wait3A_649] : memref<16x128xi32, #tpu.memory_space<vmem>> -> memref<1x128xi32, #tpu.memory_space<vmem>>
      %dma_wait3A_651 = tpu.memref_squeeze %dma_wait3A_650 : memref<1x128xi32, #tpu.memory_space<vmem>> -> memref<128xi32, #tpu.memory_space<vmem>>
      %dma_wait3A_652 = arith.constant 0 : i32
      %dma_wait3A_653 = arith.constant 0 : i32
      %dma_wait3A_654 = tpu.memref_slice %arg10[%dma_wait3A_652, %dma_wait3A_653] : memref<10112x128xf32, #tpu.memory_space<vmem_shared>> -> memref<10112x128xf32, #tpu.memory_space<vmem_shared>>
      tpu.wait_indirect_dma semaphore(%arg19 : memref<!tpu.dma_semaphore, #tpu.memory_space<semaphore_mem>>) src(%dma_wait3A_648 : memref<128x128xf32, #tpu.memory_space<vmem>>) dst(%dma_wait3A_654 : memref<10112x128xf32, #tpu.memory_space<vmem_shared>>)
      %mul3A_655 = arith.constant 16 : i32
      %mul3A_656 = arith.muli %add3A_324, %mul3A_655 : i32
      %add3A_657 = arith.constant 6 : i32
      %add3A_658 = arith.addi %mul3A_656, %add3A_657 : i32
      %dma_wait3A_659 = arith.constant 0 : i32
      %dma_wait3A_660 = arith.constant 0 : i32
      %dma_wait3A_661 = arith.constant 0 : i32
      %dma_wait3A_662 = tpu.memref_slice %arg14[%dma_wait3A_659, %dma_wait3A_660, %dma_wait3A_661] : memref<2x128x128xf32, #tpu.memory_space<vmem>> -> memref<1x128x128xf32, #tpu.memory_space<vmem>>
      %dma_wait3A_663 = tpu.memref_squeeze %dma_wait3A_662 : memref<1x128x128xf32, #tpu.memory_space<vmem>> -> memref<128x128xf32, #tpu.memory_space<vmem>>
      %dma_wait3A_664 = arith.constant 0 : i32
      %dma_wait3A_665 = tpu.memref_slice %arg12[%add3A_658, %dma_wait3A_664] : memref<16x128xi32, #tpu.memory_space<vmem>> -> memref<1x128xi32, #tpu.memory_space<vmem>>
      %dma_wait3A_666 = tpu.memref_squeeze %dma_wait3A_665 : memref<1x128xi32, #tpu.memory_space<vmem>> -> memref<128xi32, #tpu.memory_space<vmem>>
      %dma_wait3A_667 = arith.constant 0 : i32
      %dma_wait3A_668 = arith.constant 0 : i32
      %dma_wait3A_669 = tpu.memref_slice %arg10[%dma_wait3A_667, %dma_wait3A_668] : memref<10112x128xf32, #tpu.memory_space<vmem_shared>> -> memref<10112x128xf32, #tpu.memory_space<vmem_shared>>
      tpu.wait_indirect_dma semaphore(%arg19 : memref<!tpu.dma_semaphore, #tpu.memory_space<semaphore_mem>>) src(%dma_wait3A_663 : memref<128x128xf32, #tpu.memory_space<vmem>>) dst(%dma_wait3A_669 : memref<10112x128xf32, #tpu.memory_space<vmem_shared>>)
      %mul3A_670 = arith.constant 16 : i32
      %mul3A_671 = arith.muli %add3A_324, %mul3A_670 : i32
      %add3A_672 = arith.constant 7 : i32
      %add3A_673 = arith.addi %mul3A_671, %add3A_672 : i32
      %dma_wait3A_674 = arith.constant 0 : i32
      %dma_wait3A_675 = arith.constant 0 : i32
      %dma_wait3A_676 = arith.constant 0 : i32
      %dma_wait3A_677 = tpu.memref_slice %arg14[%dma_wait3A_674, %dma_wait3A_675, %dma_wait3A_676] : memref<2x128x128xf32, #tpu.memory_space<vmem>> -> memref<1x128x128xf32, #tpu.memory_space<vmem>>
      %dma_wait3A_678 = tpu.memref_squeeze %dma_wait3A_677 : memref<1x128x128xf32, #tpu.memory_space<vmem>> -> memref<128x128xf32, #tpu.memory_space<vmem>>
      %dma_wait3A_679 = arith.constant 0 : i32
      %dma_wait3A_680 = tpu.memref_slice %arg12[%add3A_673, %dma_wait3A_679] : memref<16x128xi32, #tpu.memory_space<vmem>> -> memref<1x128xi32, #tpu.memory_space<vmem>>
      %dma_wait3A_681 = tpu.memref_squeeze %dma_wait3A_680 : memref<1x128xi32, #tpu.memory_space<vmem>> -> memref<128xi32, #tpu.memory_space<vmem>>
      %dma_wait3A_682 = arith.constant 0 : i32
      %dma_wait3A_683 = arith.constant 0 : i32
      %dma_wait3A_684 = tpu.memref_slice %arg10[%dma_wait3A_682, %dma_wait3A_683] : memref<10112x128xf32, #tpu.memory_space<vmem_shared>> -> memref<10112x128xf32, #tpu.memory_space<vmem_shared>>
      tpu.wait_indirect_dma semaphore(%arg19 : memref<!tpu.dma_semaphore, #tpu.memory_space<semaphore_mem>>) src(%dma_wait3A_678 : memref<128x128xf32, #tpu.memory_space<vmem>>) dst(%dma_wait3A_684 : memref<10112x128xf32, #tpu.memory_space<vmem_shared>>)
      %mul3A_685 = arith.constant 16 : i32
      %mul3A_686 = arith.muli %add3A_324, %mul3A_685 : i32
      %add3A_687 = arith.constant 8 : i32
      %add3A_688 = arith.addi %mul3A_686, %add3A_687 : i32
      %dma_wait3A_689 = arith.constant 0 : i32
      %dma_wait3A_690 = arith.constant 0 : i32
      %dma_wait3A_691 = arith.constant 0 : i32
      %dma_wait3A_692 = tpu.memref_slice %arg14[%dma_wait3A_689, %dma_wait3A_690, %dma_wait3A_691] : memref<2x128x128xf32, #tpu.memory_space<vmem>> -> memref<1x128x128xf32, #tpu.memory_space<vmem>>
      %dma_wait3A_693 = tpu.memref_squeeze %dma_wait3A_692 : memref<1x128x128xf32, #tpu.memory_space<vmem>> -> memref<128x128xf32, #tpu.memory_space<vmem>>
      %dma_wait3A_694 = arith.constant 0 : i32
      %dma_wait3A_695 = tpu.memref_slice %arg12[%add3A_688, %dma_wait3A_694] : memref<16x128xi32, #tpu.memory_space<vmem>> -> memref<1x128xi32, #tpu.memory_space<vmem>>
      %dma_wait3A_696 = tpu.memref_squeeze %dma_wait3A_695 : memref<1x128xi32, #tpu.memory_space<vmem>> -> memref<128xi32, #tpu.memory_space<vmem>>
      %dma_wait3A_697 = arith.constant 0 : i32
      %dma_wait3A_698 = arith.constant 0 : i32
      %dma_wait3A_699 = tpu.memref_slice %arg10[%dma_wait3A_697, %dma_wait3A_698] : memref<10112x128xf32, #tpu.memory_space<vmem_shared>> -> memref<10112x128xf32, #tpu.memory_space<vmem_shared>>
      tpu.wait_indirect_dma semaphore(%arg19 : memref<!tpu.dma_semaphore, #tpu.memory_space<semaphore_mem>>) src(%dma_wait3A_693 : memref<128x128xf32, #tpu.memory_space<vmem>>) dst(%dma_wait3A_699 : memref<10112x128xf32, #tpu.memory_space<vmem_shared>>)
      %mul3A_700 = arith.constant 16 : i32
      %mul3A_701 = arith.muli %add3A_324, %mul3A_700 : i32
      %add3A_702 = arith.constant 9 : i32
      %add3A_703 = arith.addi %mul3A_701, %add3A_702 : i32
      %dma_wait3A_704 = arith.constant 0 : i32
      %dma_wait3A_705 = arith.constant 0 : i32
      %dma_wait3A_706 = arith.constant 0 : i32
      %dma_wait3A_707 = tpu.memref_slice %arg14[%dma_wait3A_704, %dma_wait3A_705, %dma_wait3A_706] : memref<2x128x128xf32, #tpu.memory_space<vmem>> -> memref<1x128x128xf32, #tpu.memory_space<vmem>>
      %dma_wait3A_708 = tpu.memref_squeeze %dma_wait3A_707 : memref<1x128x128xf32, #tpu.memory_space<vmem>> -> memref<128x128xf32, #tpu.memory_space<vmem>>
      %dma_wait3A_709 = arith.constant 0 : i32
      %dma_wait3A_710 = tpu.memref_slice %arg12[%add3A_703, %dma_wait3A_709] : memref<16x128xi32, #tpu.memory_space<vmem>> -> memref<1x128xi32, #tpu.memory_space<vmem>>
      %dma_wait3A_711 = tpu.memref_squeeze %dma_wait3A_710 : memref<1x128xi32, #tpu.memory_space<vmem>> -> memref<128xi32, #tpu.memory_space<vmem>>
      %dma_wait3A_712 = arith.constant 0 : i32
      %dma_wait3A_713 = arith.constant 0 : i32
      %dma_wait3A_714 = tpu.memref_slice %arg10[%dma_wait3A_712, %dma_wait3A_713] : memref<10112x128xf32, #tpu.memory_space<vmem_shared>> -> memref<10112x128xf32, #tpu.memory_space<vmem_shared>>
      tpu.wait_indirect_dma semaphore(%arg19 : memref<!tpu.dma_semaphore, #tpu.memory_space<semaphore_mem>>) src(%dma_wait3A_708 : memref<128x128xf32, #tpu.memory_space<vmem>>) dst(%dma_wait3A_714 : memref<10112x128xf32, #tpu.memory_space<vmem_shared>>)
      %mul3A_715 = arith.constant 16 : i32
      %mul3A_716 = arith.muli %add3A_324, %mul3A_715 : i32
      %add3A_717 = arith.constant 10 : i32
      %add3A_718 = arith.addi %mul3A_716, %add3A_717 : i32
      %dma_wait3A_719 = arith.constant 0 : i32
      %dma_wait3A_720 = arith.constant 0 : i32
      %dma_wait3A_721 = arith.constant 0 : i32
      %dma_wait3A_722 = tpu.memref_slice %arg14[%dma_wait3A_719, %dma_wait3A_720, %dma_wait3A_721] : memref<2x128x128xf32, #tpu.memory_space<vmem>> -> memref<1x128x128xf32, #tpu.memory_space<vmem>>
      %dma_wait3A_723 = tpu.memref_squeeze %dma_wait3A_722 : memref<1x128x128xf32, #tpu.memory_space<vmem>> -> memref<128x128xf32, #tpu.memory_space<vmem>>
      %dma_wait3A_724 = arith.constant 0 : i32
      %dma_wait3A_725 = tpu.memref_slice %arg12[%add3A_718, %dma_wait3A_724] : memref<16x128xi32, #tpu.memory_space<vmem>> -> memref<1x128xi32, #tpu.memory_space<vmem>>
      %dma_wait3A_726 = tpu.memref_squeeze %dma_wait3A_725 : memref<1x128xi32, #tpu.memory_space<vmem>> -> memref<128xi32, #tpu.memory_space<vmem>>
      %dma_wait3A_727 = arith.constant 0 : i32
      %dma_wait3A_728 = arith.constant 0 : i32
      %dma_wait3A_729 = tpu.memref_slice %arg10[%dma_wait3A_727, %dma_wait3A_728] : memref<10112x128xf32, #tpu.memory_space<vmem_shared>> -> memref<10112x128xf32, #tpu.memory_space<vmem_shared>>
      tpu.wait_indirect_dma semaphore(%arg19 : memref<!tpu.dma_semaphore, #tpu.memory_space<semaphore_mem>>) src(%dma_wait3A_723 : memref<128x128xf32, #tpu.memory_space<vmem>>) dst(%dma_wait3A_729 : memref<10112x128xf32, #tpu.memory_space<vmem_shared>>)
      %mul3A_730 = arith.constant 16 : i32
      %mul3A_731 = arith.muli %add3A_324, %mul3A_730 : i32
      %add3A_732 = arith.constant 11 : i32
      %add3A_733 = arith.addi %mul3A_731, %add3A_732 : i32
      %dma_wait3A_734 = arith.constant 0 : i32
      %dma_wait3A_735 = arith.constant 0 : i32
      %dma_wait3A_736 = arith.constant 0 : i32
      %dma_wait3A_737 = tpu.memref_slice %arg14[%dma_wait3A_734, %dma_wait3A_735, %dma_wait3A_736] : memref<2x128x128xf32, #tpu.memory_space<vmem>> -> memref<1x128x128xf32, #tpu.memory_space<vmem>>
      %dma_wait3A_738 = tpu.memref_squeeze %dma_wait3A_737 : memref<1x128x128xf32, #tpu.memory_space<vmem>> -> memref<128x128xf32, #tpu.memory_space<vmem>>
      %dma_wait3A_739 = arith.constant 0 : i32
      %dma_wait3A_740 = tpu.memref_slice %arg12[%add3A_733, %dma_wait3A_739] : memref<16x128xi32, #tpu.memory_space<vmem>> -> memref<1x128xi32, #tpu.memory_space<vmem>>
      %dma_wait3A_741 = tpu.memref_squeeze %dma_wait3A_740 : memref<1x128xi32, #tpu.memory_space<vmem>> -> memref<128xi32, #tpu.memory_space<vmem>>
      %dma_wait3A_742 = arith.constant 0 : i32
      %dma_wait3A_743 = arith.constant 0 : i32
      %dma_wait3A_744 = tpu.memref_slice %arg10[%dma_wait3A_742, %dma_wait3A_743] : memref<10112x128xf32, #tpu.memory_space<vmem_shared>> -> memref<10112x128xf32, #tpu.memory_space<vmem_shared>>
      tpu.wait_indirect_dma semaphore(%arg19 : memref<!tpu.dma_semaphore, #tpu.memory_space<semaphore_mem>>) src(%dma_wait3A_738 : memref<128x128xf32, #tpu.memory_space<vmem>>) dst(%dma_wait3A_744 : memref<10112x128xf32, #tpu.memory_space<vmem_shared>>)
      %mul3A_745 = arith.constant 16 : i32
      %mul3A_746 = arith.muli %add3A_324, %mul3A_745 : i32
      %add3A_747 = arith.constant 12 : i32
      %add3A_748 = arith.addi %mul3A_746, %add3A_747 : i32
      %dma_wait3A_749 = arith.constant 0 : i32
      %dma_wait3A_750 = arith.constant 0 : i32
      %dma_wait3A_751 = arith.constant 0 : i32
      %dma_wait3A_752 = tpu.memref_slice %arg14[%dma_wait3A_749, %dma_wait3A_750, %dma_wait3A_751] : memref<2x128x128xf32, #tpu.memory_space<vmem>> -> memref<1x128x128xf32, #tpu.memory_space<vmem>>
      %dma_wait3A_753 = tpu.memref_squeeze %dma_wait3A_752 : memref<1x128x128xf32, #tpu.memory_space<vmem>> -> memref<128x128xf32, #tpu.memory_space<vmem>>
      %dma_wait3A_754 = arith.constant 0 : i32
      %dma_wait3A_755 = tpu.memref_slice %arg12[%add3A_748, %dma_wait3A_754] : memref<16x128xi32, #tpu.memory_space<vmem>> -> memref<1x128xi32, #tpu.memory_space<vmem>>
      %dma_wait3A_756 = tpu.memref_squeeze %dma_wait3A_755 : memref<1x128xi32, #tpu.memory_space<vmem>> -> memref<128xi32, #tpu.memory_space<vmem>>
      %dma_wait3A_757 = arith.constant 0 : i32
      %dma_wait3A_758 = arith.constant 0 : i32
      %dma_wait3A_759 = tpu.memref_slice %arg10[%dma_wait3A_757, %dma_wait3A_758] : memref<10112x128xf32, #tpu.memory_space<vmem_shared>> -> memref<10112x128xf32, #tpu.memory_space<vmem_shared>>
      tpu.wait_indirect_dma semaphore(%arg19 : memref<!tpu.dma_semaphore, #tpu.memory_space<semaphore_mem>>) src(%dma_wait3A_753 : memref<128x128xf32, #tpu.memory_space<vmem>>) dst(%dma_wait3A_759 : memref<10112x128xf32, #tpu.memory_space<vmem_shared>>)
      %mul3A_760 = arith.constant 16 : i32
      %mul3A_761 = arith.muli %add3A_324, %mul3A_760 : i32
      %add3A_762 = arith.constant 13 : i32
      %add3A_763 = arith.addi %mul3A_761, %add3A_762 : i32
      %dma_wait3A_764 = arith.constant 0 : i32
      %dma_wait3A_765 = arith.constant 0 : i32
      %dma_wait3A_766 = arith.constant 0 : i32
      %dma_wait3A_767 = tpu.memref_slice %arg14[%dma_wait3A_764, %dma_wait3A_765, %dma_wait3A_766] : memref<2x128x128xf32, #tpu.memory_space<vmem>> -> memref<1x128x128xf32, #tpu.memory_space<vmem>>
      %dma_wait3A_768 = tpu.memref_squeeze %dma_wait3A_767 : memref<1x128x128xf32, #tpu.memory_space<vmem>> -> memref<128x128xf32, #tpu.memory_space<vmem>>
      %dma_wait3A_769 = arith.constant 0 : i32
      %dma_wait3A_770 = tpu.memref_slice %arg12[%add3A_763, %dma_wait3A_769] : memref<16x128xi32, #tpu.memory_space<vmem>> -> memref<1x128xi32, #tpu.memory_space<vmem>>
      %dma_wait3A_771 = tpu.memref_squeeze %dma_wait3A_770 : memref<1x128xi32, #tpu.memory_space<vmem>> -> memref<128xi32, #tpu.memory_space<vmem>>
      %dma_wait3A_772 = arith.constant 0 : i32
      %dma_wait3A_773 = arith.constant 0 : i32
      %dma_wait3A_774 = tpu.memref_slice %arg10[%dma_wait3A_772, %dma_wait3A_773] : memref<10112x128xf32, #tpu.memory_space<vmem_shared>> -> memref<10112x128xf32, #tpu.memory_space<vmem_shared>>
      tpu.wait_indirect_dma semaphore(%arg19 : memref<!tpu.dma_semaphore, #tpu.memory_space<semaphore_mem>>) src(%dma_wait3A_768 : memref<128x128xf32, #tpu.memory_space<vmem>>) dst(%dma_wait3A_774 : memref<10112x128xf32, #tpu.memory_space<vmem_shared>>)
      %mul3A_775 = arith.constant 16 : i32
      %mul3A_776 = arith.muli %add3A_324, %mul3A_775 : i32
      %add3A_777 = arith.constant 14 : i32
      %add3A_778 = arith.addi %mul3A_776, %add3A_777 : i32
      %dma_wait3A_779 = arith.constant 0 : i32
      %dma_wait3A_780 = arith.constant 0 : i32
      %dma_wait3A_781 = arith.constant 0 : i32
      %dma_wait3A_782 = tpu.memref_slice %arg14[%dma_wait3A_779, %dma_wait3A_780, %dma_wait3A_781] : memref<2x128x128xf32, #tpu.memory_space<vmem>> -> memref<1x128x128xf32, #tpu.memory_space<vmem>>
      %dma_wait3A_783 = tpu.memref_squeeze %dma_wait3A_782 : memref<1x128x128xf32, #tpu.memory_space<vmem>> -> memref<128x128xf32, #tpu.memory_space<vmem>>
      %dma_wait3A_784 = arith.constant 0 : i32
      %dma_wait3A_785 = tpu.memref_slice %arg12[%add3A_778, %dma_wait3A_784] : memref<16x128xi32, #tpu.memory_space<vmem>> -> memref<1x128xi32, #tpu.memory_space<vmem>>
      %dma_wait3A_786 = tpu.memref_squeeze %dma_wait3A_785 : memref<1x128xi32, #tpu.memory_space<vmem>> -> memref<128xi32, #tpu.memory_space<vmem>>
      %dma_wait3A_787 = arith.constant 0 : i32
      %dma_wait3A_788 = arith.constant 0 : i32
      %dma_wait3A_789 = tpu.memref_slice %arg10[%dma_wait3A_787, %dma_wait3A_788] : memref<10112x128xf32, #tpu.memory_space<vmem_shared>> -> memref<10112x128xf32, #tpu.memory_space<vmem_shared>>
      tpu.wait_indirect_dma semaphore(%arg19 : memref<!tpu.dma_semaphore, #tpu.memory_space<semaphore_mem>>) src(%dma_wait3A_783 : memref<128x128xf32, #tpu.memory_space<vmem>>) dst(%dma_wait3A_789 : memref<10112x128xf32, #tpu.memory_space<vmem_shared>>)
      %mul3A_790 = arith.constant 16 : i32
      %mul3A_791 = arith.muli %add3A_324, %mul3A_790 : i32
      %add3A_792 = arith.constant 15 : i32
      %add3A_793 = arith.addi %mul3A_791, %add3A_792 : i32
      %dma_wait3A_794 = arith.constant 0 : i32
      %dma_wait3A_795 = arith.constant 0 : i32
      %dma_wait3A_796 = arith.constant 0 : i32
      %dma_wait3A_797 = tpu.memref_slice %arg14[%dma_wait3A_794, %dma_wait3A_795, %dma_wait3A_796] : memref<2x128x128xf32, #tpu.memory_space<vmem>> -> memref<1x128x128xf32, #tpu.memory_space<vmem>>
      %dma_wait3A_798 = tpu.memref_squeeze %dma_wait3A_797 : memref<1x128x128xf32, #tpu.memory_space<vmem>> -> memref<128x128xf32, #tpu.memory_space<vmem>>
      %dma_wait3A_799 = arith.constant 0 : i32
      %dma_wait3A_800 = tpu.memref_slice %arg12[%add3A_793, %dma_wait3A_799] : memref<16x128xi32, #tpu.memory_space<vmem>> -> memref<1x128xi32, #tpu.memory_space<vmem>>
      %dma_wait3A_801 = tpu.memref_squeeze %dma_wait3A_800 : memref<1x128xi32, #tpu.memory_space<vmem>> -> memref<128xi32, #tpu.memory_space<vmem>>
      %dma_wait3A_802 = arith.constant 0 : i32
      %dma_wait3A_803 = arith.constant 0 : i32
      %dma_wait3A_804 = tpu.memref_slice %arg10[%dma_wait3A_802, %dma_wait3A_803] : memref<10112x128xf32, #tpu.memory_space<vmem_shared>> -> memref<10112x128xf32, #tpu.memory_space<vmem_shared>>
      tpu.wait_indirect_dma semaphore(%arg19 : memref<!tpu.dma_semaphore, #tpu.memory_space<semaphore_mem>>) src(%dma_wait3A_798 : memref<128x128xf32, #tpu.memory_space<vmem>>) dst(%dma_wait3A_804 : memref<10112x128xf32, #tpu.memory_space<vmem_shared>>)
      %scan3A_805 = arith.constant 1 : i32
    }
    %scan3A_24 = arith.constant 10 : i32
    %barrier3A_25 = arith.constant 0 : index
    tpu.barrier barrier_id(%barrier3A_25)
    %dma_start3A = arith.constant 0 : i32
    %dma_start3A_26 = arith.constant 0 : i32
    %dma_start3A_27 = arith.constant 0 : i32
    %dma_start3A_28 = arith.constant 0 : i32
    %dma_start3A_29 = tpu.memref_slice %arg14[%dma_start3A_26, %dma_start3A_27, %dma_start3A_28] : memref<2x128x128xf32, #tpu.memory_space<vmem>> -> memref<1x128x128xf32, #tpu.memory_space<vmem>>
    %dma_start3A_30 = tpu.memref_squeeze %dma_start3A_29 : memref<1x128x128xf32, #tpu.memory_space<vmem>> -> memref<128x128xf32, #tpu.memory_space<vmem>>
    %dma_start3A_31 = arith.constant 0 : i32
    %dma_start3A_32 = tpu.memref_slice %arg13[%dma_start3A, %dma_start3A_31] : memref<8x128xi32, #tpu.memory_space<vmem>> -> memref<1x128xi32, #tpu.memory_space<vmem>>
    %dma_start3A_33 = tpu.memref_squeeze %dma_start3A_32 : memref<1x128xi32, #tpu.memory_space<vmem>> -> memref<128xi32, #tpu.memory_space<vmem>>
    %dma_start3A_34 = arith.constant 0 : i32
    %dma_start3A_35 = arith.constant 0 : i32
    %dma_start3A_36 = tpu.memref_slice %arg10[%dma_start3A_34, %dma_start3A_35] : memref<10112x128xf32, #tpu.memory_space<vmem_shared>> -> memref<10112x128xf32, #tpu.memory_space<vmem_shared>>
    tpu.enqueue_indirect_dma source(%dma_start3A_36 : memref<10112x128xf32, #tpu.memory_space<vmem_shared>>) target(%dma_start3A_30 : memref<128x128xf32, #tpu.memory_space<vmem>>) offsets(%dma_start3A_33 : memref<128xi32, #tpu.memory_space<vmem>>) semaphore(%arg15 : memref<!tpu.dma_semaphore, #tpu.memory_space<semaphore_mem>>)
    %dma_wait3A = arith.constant 0 : i32
    %dma_wait3A_37 = arith.constant 0 : i32
    %dma_wait3A_38 = arith.constant 0 : i32
    %dma_wait3A_39 = arith.constant 0 : i32
    %dma_wait3A_40 = tpu.memref_slice %arg14[%dma_wait3A_37, %dma_wait3A_38, %dma_wait3A_39] : memref<2x128x128xf32, #tpu.memory_space<vmem>> -> memref<1x128x128xf32, #tpu.memory_space<vmem>>
    %dma_wait3A_41 = tpu.memref_squeeze %dma_wait3A_40 : memref<1x128x128xf32, #tpu.memory_space<vmem>> -> memref<128x128xf32, #tpu.memory_space<vmem>>
    %dma_wait3A_42 = arith.constant 0 : i32
    %dma_wait3A_43 = tpu.memref_slice %arg13[%dma_wait3A, %dma_wait3A_42] : memref<8x128xi32, #tpu.memory_space<vmem>> -> memref<1x128xi32, #tpu.memory_space<vmem>>
    %dma_wait3A_44 = tpu.memref_squeeze %dma_wait3A_43 : memref<1x128xi32, #tpu.memory_space<vmem>> -> memref<128xi32, #tpu.memory_space<vmem>>
    %dma_wait3A_45 = arith.constant 0 : i32
    %dma_wait3A_46 = arith.constant 0 : i32
    %dma_wait3A_47 = tpu.memref_slice %arg10[%dma_wait3A_45, %dma_wait3A_46] : memref<10112x128xf32, #tpu.memory_space<vmem_shared>> -> memref<10112x128xf32, #tpu.memory_space<vmem_shared>>
    tpu.wait_indirect_dma semaphore(%arg15 : memref<!tpu.dma_semaphore, #tpu.memory_space<semaphore_mem>>) src(%dma_wait3A_47 : memref<10112x128xf32, #tpu.memory_space<vmem_shared>>) dst(%dma_wait3A_41 : memref<128x128xf32, #tpu.memory_space<vmem>>)
    %add3A_48 = arith.constant 0 : i32
    %add3A_49 = arith.addi %add3A_7, %add3A_48 : i32
    %run_scoped3A_50 = arith.constant 0 : i32
    "tpu.region"() ({
      %run_scoped3A_312 = tpu.sem_alloc : memref<!tpu.dma_semaphore, #tpu.memory_space<semaphore_mem>>
      %dma_start3A_313 = arith.constant 0 : i32
      %dma_start3A_314 = arith.constant 0 : i32
      %dma_start3A_315 = tpu.memref_slice %arg14[%run_scoped3A_50, %dma_start3A_313, %dma_start3A_314] : memref<2x128x128xf32, #tpu.memory_space<vmem>> -> memref<1x128x128xf32, #tpu.memory_space<vmem>>
      %dma_start3A_316 = tpu.memref_squeeze %dma_start3A_315 : memref<1x128x128xf32, #tpu.memory_space<vmem>> -> memref<128x128xf32, #tpu.memory_space<vmem>>
      %dma_start3A_317 = arith.constant 0 : i32
      %dma_start3A_318 = tpu.memref_slice %arg9[%add3A_49, %dma_start3A_317] : memref<20224x128xf32, #tpu.memory_space<hbm>> -> memref<128x128xf32, #tpu.memory_space<hbm>>
      %dma_start3A_319 = arith.constant 0 : i32
      %dma_start3A_320 = tpu.memref_slice %arg9[%add3A_49, %dma_start3A_319] : memref<20224x128xf32, #tpu.memory_space<hbm>> -> memref<128x128xf32, #tpu.memory_space<hbm>>
      %dma_start3A_321 = arith.constant 0 : i32
      %dma_start3A_322 = arith.constant 0 : i32
      %dma_start3A_323 = tpu.memref_slice %arg14[%run_scoped3A_50, %dma_start3A_321, %dma_start3A_322] : memref<2x128x128xf32, #tpu.memory_space<vmem>> -> memref<1x128x128xf32, #tpu.memory_space<vmem>>
      %dma_start3A_324 = tpu.memref_squeeze %dma_start3A_323 : memref<1x128x128xf32, #tpu.memory_space<vmem>> -> memref<128x128xf32, #tpu.memory_space<vmem>>
      tpu.enqueue_dma source(%dma_start3A_324 : memref<128x128xf32, #tpu.memory_space<vmem>>) target(%dma_start3A_320 : memref<128x128xf32, #tpu.memory_space<hbm>>) target_semaphore(%run_scoped3A_312 : memref<!tpu.dma_semaphore, #tpu.memory_space<semaphore_mem>>)
      %dma_wait3A_325 = arith.constant 0 : i32
      %dma_wait3A_326 = arith.constant 0 : i32
      %dma_wait3A_327 = tpu.memref_slice %arg14[%run_scoped3A_50, %dma_wait3A_325, %dma_wait3A_326] : memref<2x128x128xf32, #tpu.memory_space<vmem>> -> memref<1x128x128xf32, #tpu.memory_space<vmem>>
      %dma_wait3A_328 = tpu.memref_squeeze %dma_wait3A_327 : memref<1x128x128xf32, #tpu.memory_space<vmem>> -> memref<128x128xf32, #tpu.memory_space<vmem>>
      %dma_wait3A_329 = arith.constant 0 : i32
      %dma_wait3A_330 = tpu.memref_slice %arg9[%add3A_49, %dma_wait3A_329] : memref<20224x128xf32, #tpu.memory_space<hbm>> -> memref<128x128xf32, #tpu.memory_space<hbm>>
      %dma_wait3A_331 = arith.constant 0 : i32
      %dma_wait3A_332 = tpu.memref_slice %arg9[%add3A_49, %dma_wait3A_331] : memref<20224x128xf32, #tpu.memory_space<hbm>> -> memref<128x128xf32, #tpu.memory_space<hbm>>
      %dma_wait3A_333 = arith.constant 0 : i32
      %dma_wait3A_334 = arith.constant 0 : i32
      %dma_wait3A_335 = tpu.memref_slice %arg14[%run_scoped3A_50, %dma_wait3A_333, %dma_wait3A_334] : memref<2x128x128xf32, #tpu.memory_space<vmem>> -> memref<1x128x128xf32, #tpu.memory_space<vmem>>
      %dma_wait3A_336 = tpu.memref_squeeze %dma_wait3A_335 : memref<1x128x128xf32, #tpu.memory_space<vmem>> -> memref<128x128xf32, #tpu.memory_space<vmem>>
      tpu.wait_dma2 semaphore(%run_scoped3A_312 : memref<!tpu.dma_semaphore, #tpu.memory_space<semaphore_mem>>) src(%dma_wait3A_336 : memref<128x128xf32, #tpu.memory_space<vmem>>) dst(%dma_wait3A_332 : memref<128x128xf32, #tpu.memory_space<hbm>>)
      tpu.yield
    }) : () -> ()
    %dma_start3A_51 = arith.constant 1 : i32
    %dma_start3A_52 = arith.constant 0 : i32
    %dma_start3A_53 = arith.constant 0 : i32
    %dma_start3A_54 = arith.constant 0 : i32
    %dma_start3A_55 = tpu.memref_slice %arg14[%dma_start3A_52, %dma_start3A_53, %dma_start3A_54] : memref<2x128x128xf32, #tpu.memory_space<vmem>> -> memref<1x128x128xf32, #tpu.memory_space<vmem>>
    %dma_start3A_56 = tpu.memref_squeeze %dma_start3A_55 : memref<1x128x128xf32, #tpu.memory_space<vmem>> -> memref<128x128xf32, #tpu.memory_space<vmem>>
    %dma_start3A_57 = arith.constant 0 : i32
    %dma_start3A_58 = tpu.memref_slice %arg13[%dma_start3A_51, %dma_start3A_57] : memref<8x128xi32, #tpu.memory_space<vmem>> -> memref<1x128xi32, #tpu.memory_space<vmem>>
    %dma_start3A_59 = tpu.memref_squeeze %dma_start3A_58 : memref<1x128xi32, #tpu.memory_space<vmem>> -> memref<128xi32, #tpu.memory_space<vmem>>
    %dma_start3A_60 = arith.constant 0 : i32
    %dma_start3A_61 = arith.constant 0 : i32
    %dma_start3A_62 = tpu.memref_slice %arg10[%dma_start3A_60, %dma_start3A_61] : memref<10112x128xf32, #tpu.memory_space<vmem_shared>> -> memref<10112x128xf32, #tpu.memory_space<vmem_shared>>
    tpu.enqueue_indirect_dma source(%dma_start3A_62 : memref<10112x128xf32, #tpu.memory_space<vmem_shared>>) target(%dma_start3A_56 : memref<128x128xf32, #tpu.memory_space<vmem>>) offsets(%dma_start3A_59 : memref<128xi32, #tpu.memory_space<vmem>>) semaphore(%arg15 : memref<!tpu.dma_semaphore, #tpu.memory_space<semaphore_mem>>)
    %dma_wait3A_63 = arith.constant 1 : i32
    %dma_wait3A_64 = arith.constant 0 : i32
    %dma_wait3A_65 = arith.constant 0 : i32
    %dma_wait3A_66 = arith.constant 0 : i32
    %dma_wait3A_67 = tpu.memref_slice %arg14[%dma_wait3A_64, %dma_wait3A_65, %dma_wait3A_66] : memref<2x128x128xf32, #tpu.memory_space<vmem>> -> memref<1x128x128xf32, #tpu.memory_space<vmem>>
    %dma_wait3A_68 = tpu.memref_squeeze %dma_wait3A_67 : memref<1x128x128xf32, #tpu.memory_space<vmem>> -> memref<128x128xf32, #tpu.memory_space<vmem>>
    %dma_wait3A_69 = arith.constant 0 : i32
    %dma_wait3A_70 = tpu.memref_slice %arg13[%dma_wait3A_63, %dma_wait3A_69] : memref<8x128xi32, #tpu.memory_space<vmem>> -> memref<1x128xi32, #tpu.memory_space<vmem>>
    %dma_wait3A_71 = tpu.memref_squeeze %dma_wait3A_70 : memref<1x128xi32, #tpu.memory_space<vmem>> -> memref<128xi32, #tpu.memory_space<vmem>>
    %dma_wait3A_72 = arith.constant 0 : i32
    %dma_wait3A_73 = arith.constant 0 : i32
    %dma_wait3A_74 = tpu.memref_slice %arg10[%dma_wait3A_72, %dma_wait3A_73] : memref<10112x128xf32, #tpu.memory_space<vmem_shared>> -> memref<10112x128xf32, #tpu.memory_space<vmem_shared>>
    tpu.wait_indirect_dma semaphore(%arg15 : memref<!tpu.dma_semaphore, #tpu.memory_space<semaphore_mem>>) src(%dma_wait3A_74 : memref<10112x128xf32, #tpu.memory_space<vmem_shared>>) dst(%dma_wait3A_68 : memref<128x128xf32, #tpu.memory_space<vmem>>)
    %add3A_75 = arith.constant 128 : i32
    %add3A_76 = arith.addi %add3A_7, %add3A_75 : i32
    %run_scoped3A_77 = arith.constant 0 : i32
    "tpu.region"() ({
      %run_scoped3A_312 = tpu.sem_alloc : memref<!tpu.dma_semaphore, #tpu.memory_space<semaphore_mem>>
      %dma_start3A_313 = arith.constant 0 : i32
      %dma_start3A_314 = arith.constant 0 : i32
      %dma_start3A_315 = tpu.memref_slice %arg14[%run_scoped3A_77, %dma_start3A_313, %dma_start3A_314] : memref<2x128x128xf32, #tpu.memory_space<vmem>> -> memref<1x128x128xf32, #tpu.memory_space<vmem>>
      %dma_start3A_316 = tpu.memref_squeeze %dma_start3A_315 : memref<1x128x128xf32, #tpu.memory_space<vmem>> -> memref<128x128xf32, #tpu.memory_space<vmem>>
      %dma_start3A_317 = arith.constant 0 : i32
      %dma_start3A_318 = tpu.memref_slice %arg9[%add3A_76, %dma_start3A_317] : memref<20224x128xf32, #tpu.memory_space<hbm>> -> memref<128x128xf32, #tpu.memory_space<hbm>>
      %dma_start3A_319 = arith.constant 0 : i32
      %dma_start3A_320 = tpu.memref_slice %arg9[%add3A_76, %dma_start3A_319] : memref<20224x128xf32, #tpu.memory_space<hbm>> -> memref<128x128xf32, #tpu.memory_space<hbm>>
      %dma_start3A_321 = arith.constant 0 : i32
      %dma_start3A_322 = arith.constant 0 : i32
      %dma_start3A_323 = tpu.memref_slice %arg14[%run_scoped3A_77, %dma_start3A_321, %dma_start3A_322] : memref<2x128x128xf32, #tpu.memory_space<vmem>> -> memref<1x128x128xf32, #tpu.memory_space<vmem>>
      %dma_start3A_324 = tpu.memref_squeeze %dma_start3A_323 : memref<1x128x128xf32, #tpu.memory_space<vmem>> -> memref<128x128xf32, #tpu.memory_space<vmem>>
      tpu.enqueue_dma source(%dma_start3A_324 : memref<128x128xf32, #tpu.memory_space<vmem>>) target(%dma_start3A_320 : memref<128x128xf32, #tpu.memory_space<hbm>>) target_semaphore(%run_scoped3A_312 : memref<!tpu.dma_semaphore, #tpu.memory_space<semaphore_mem>>)
      %dma_wait3A_325 = arith.constant 0 : i32
      %dma_wait3A_326 = arith.constant 0 : i32
      %dma_wait3A_327 = tpu.memref_slice %arg14[%run_scoped3A_77, %dma_wait3A_325, %dma_wait3A_326] : memref<2x128x128xf32, #tpu.memory_space<vmem>> -> memref<1x128x128xf32, #tpu.memory_space<vmem>>
      %dma_wait3A_328 = tpu.memref_squeeze %dma_wait3A_327 : memref<1x128x128xf32, #tpu.memory_space<vmem>> -> memref<128x128xf32, #tpu.memory_space<vmem>>
      %dma_wait3A_329 = arith.constant 0 : i32
      %dma_wait3A_330 = tpu.memref_slice %arg9[%add3A_76, %dma_wait3A_329] : memref<20224x128xf32, #tpu.memory_space<hbm>> -> memref<128x128xf32, #tpu.memory_space<hbm>>
      %dma_wait3A_331 = arith.constant 0 : i32
      %dma_wait3A_332 = tpu.memref_slice %arg9[%add3A_76, %dma_wait3A_331] : memref<20224x128xf32, #tpu.memory_space<hbm>> -> memref<128x128xf32, #tpu.memory_space<hbm>>
      %dma_wait3A_333 = arith.constant 0 : i32
      %dma_wait3A_334 = arith.constant 0 : i32
      %dma_wait3A_335 = tpu.memref_slice %arg14[%run_scoped3A_77, %dma_wait3A_333, %dma_wait3A_334] : memref<2x128x128xf32, #tpu.memory_space<vmem>> -> memref<1x128x128xf32, #tpu.memory_space<vmem>>
      %dma_wait3A_336 = tpu.memref_squeeze %dma_wait3A_335 : memref<1x128x128xf32, #tpu.memory_space<vmem>> -> memref<128x128xf32, #tpu.memory_space<vmem>>
      tpu.wait_dma2 semaphore(%run_scoped3A_312 : memref<!tpu.dma_semaphore, #tpu.memory_space<semaphore_mem>>) src(%dma_wait3A_336 : memref<128x128xf32, #tpu.memory_space<vmem>>) dst(%dma_wait3A_332 : memref<128x128xf32, #tpu.memory_space<hbm>>)
      tpu.yield
    }) : () -> ()
    %dma_start3A_78 = arith.constant 2 : i32
    %dma_start3A_79 = arith.constant 0 : i32
    %dma_start3A_80 = arith.constant 0 : i32
    %dma_start3A_81 = arith.constant 0 : i32
    %dma_start3A_82 = tpu.memref_slice %arg14[%dma_start3A_79, %dma_start3A_80, %dma_start3A_81] : memref<2x128x128xf32, #tpu.memory_space<vmem>> -> memref<1x128x128xf32, #tpu.memory_space<vmem>>
    %dma_start3A_83 = tpu.memref_squeeze %dma_start3A_82 : memref<1x128x128xf32, #tpu.memory_space<vmem>> -> memref<128x128xf32, #tpu.memory_space<vmem>>
    %dma_start3A_84 = arith.constant 0 : i32
    %dma_start3A_85 = tpu.memref_slice %arg13[%dma_start3A_78, %dma_start3A_84] : memref<8x128xi32, #tpu.memory_space<vmem>> -> memref<1x128xi32, #tpu.memory_space<vmem>>
    %dma_start3A_86 = tpu.memref_squeeze %dma_start3A_85 : memref<1x128xi32, #tpu.memory_space<vmem>> -> memref<128xi32, #tpu.memory_space<vmem>>
    %dma_start3A_87 = arith.constant 0 : i32
    %dma_start3A_88 = arith.constant 0 : i32
    %dma_start3A_89 = tpu.memref_slice %arg10[%dma_start3A_87, %dma_start3A_88] : memref<10112x128xf32, #tpu.memory_space<vmem_shared>> -> memref<10112x128xf32, #tpu.memory_space<vmem_shared>>
    tpu.enqueue_indirect_dma source(%dma_start3A_89 : memref<10112x128xf32, #tpu.memory_space<vmem_shared>>) target(%dma_start3A_83 : memref<128x128xf32, #tpu.memory_space<vmem>>) offsets(%dma_start3A_86 : memref<128xi32, #tpu.memory_space<vmem>>) semaphore(%arg15 : memref<!tpu.dma_semaphore, #tpu.memory_space<semaphore_mem>>)
    %dma_wait3A_90 = arith.constant 2 : i32
    %dma_wait3A_91 = arith.constant 0 : i32
    %dma_wait3A_92 = arith.constant 0 : i32
    %dma_wait3A_93 = arith.constant 0 : i32
    %dma_wait3A_94 = tpu.memref_slice %arg14[%dma_wait3A_91, %dma_wait3A_92, %dma_wait3A_93] : memref<2x128x128xf32, #tpu.memory_space<vmem>> -> memref<1x128x128xf32, #tpu.memory_space<vmem>>
    %dma_wait3A_95 = tpu.memref_squeeze %dma_wait3A_94 : memref<1x128x128xf32, #tpu.memory_space<vmem>> -> memref<128x128xf32, #tpu.memory_space<vmem>>
    %dma_wait3A_96 = arith.constant 0 : i32
    %dma_wait3A_97 = tpu.memref_slice %arg13[%dma_wait3A_90, %dma_wait3A_96] : memref<8x128xi32, #tpu.memory_space<vmem>> -> memref<1x128xi32, #tpu.memory_space<vmem>>
    %dma_wait3A_98 = tpu.memref_squeeze %dma_wait3A_97 : memref<1x128xi32, #tpu.memory_space<vmem>> -> memref<128xi32, #tpu.memory_space<vmem>>
    %dma_wait3A_99 = arith.constant 0 : i32
    %dma_wait3A_100 = arith.constant 0 : i32
    %dma_wait3A_101 = tpu.memref_slice %arg10[%dma_wait3A_99, %dma_wait3A_100] : memref<10112x128xf32, #tpu.memory_space<vmem_shared>> -> memref<10112x128xf32, #tpu.memory_space<vmem_shared>>
    tpu.wait_indirect_dma semaphore(%arg15 : memref<!tpu.dma_semaphore, #tpu.memory_space<semaphore_mem>>) src(%dma_wait3A_101 : memref<10112x128xf32, #tpu.memory_space<vmem_shared>>) dst(%dma_wait3A_95 : memref<128x128xf32, #tpu.memory_space<vmem>>)
    %add3A_102 = arith.constant 256 : i32
    %add3A_103 = arith.addi %add3A_7, %add3A_102 : i32
    %run_scoped3A_104 = arith.constant 0 : i32
    "tpu.region"() ({
      %run_scoped3A_312 = tpu.sem_alloc : memref<!tpu.dma_semaphore, #tpu.memory_space<semaphore_mem>>
      %dma_start3A_313 = arith.constant 0 : i32
      %dma_start3A_314 = arith.constant 0 : i32
      %dma_start3A_315 = tpu.memref_slice %arg14[%run_scoped3A_104, %dma_start3A_313, %dma_start3A_314] : memref<2x128x128xf32, #tpu.memory_space<vmem>> -> memref<1x128x128xf32, #tpu.memory_space<vmem>>
      %dma_start3A_316 = tpu.memref_squeeze %dma_start3A_315 : memref<1x128x128xf32, #tpu.memory_space<vmem>> -> memref<128x128xf32, #tpu.memory_space<vmem>>
      %dma_start3A_317 = arith.constant 0 : i32
      %dma_start3A_318 = tpu.memref_slice %arg9[%add3A_103, %dma_start3A_317] : memref<20224x128xf32, #tpu.memory_space<hbm>> -> memref<128x128xf32, #tpu.memory_space<hbm>>
      %dma_start3A_319 = arith.constant 0 : i32
      %dma_start3A_320 = tpu.memref_slice %arg9[%add3A_103, %dma_start3A_319] : memref<20224x128xf32, #tpu.memory_space<hbm>> -> memref<128x128xf32, #tpu.memory_space<hbm>>
      %dma_start3A_321 = arith.constant 0 : i32
      %dma_start3A_322 = arith.constant 0 : i32
      %dma_start3A_323 = tpu.memref_slice %arg14[%run_scoped3A_104, %dma_start3A_321, %dma_start3A_322] : memref<2x128x128xf32, #tpu.memory_space<vmem>> -> memref<1x128x128xf32, #tpu.memory_space<vmem>>
      %dma_start3A_324 = tpu.memref_squeeze %dma_start3A_323 : memref<1x128x128xf32, #tpu.memory_space<vmem>> -> memref<128x128xf32, #tpu.memory_space<vmem>>
      tpu.enqueue_dma source(%dma_start3A_324 : memref<128x128xf32, #tpu.memory_space<vmem>>) target(%dma_start3A_320 : memref<128x128xf32, #tpu.memory_space<hbm>>) target_semaphore(%run_scoped3A_312 : memref<!tpu.dma_semaphore, #tpu.memory_space<semaphore_mem>>)
      %dma_wait3A_325 = arith.constant 0 : i32
      %dma_wait3A_326 = arith.constant 0 : i32
      %dma_wait3A_327 = tpu.memref_slice %arg14[%run_scoped3A_104, %dma_wait3A_325, %dma_wait3A_326] : memref<2x128x128xf32, #tpu.memory_space<vmem>> -> memref<1x128x128xf32, #tpu.memory_space<vmem>>
      %dma_wait3A_328 = tpu.memref_squeeze %dma_wait3A_327 : memref<1x128x128xf32, #tpu.memory_space<vmem>> -> memref<128x128xf32, #tpu.memory_space<vmem>>
      %dma_wait3A_329 = arith.constant 0 : i32
      %dma_wait3A_330 = tpu.memref_slice %arg9[%add3A_103, %dma_wait3A_329] : memref<20224x128xf32, #tpu.memory_space<hbm>> -> memref<128x128xf32, #tpu.memory_space<hbm>>
      %dma_wait3A_331 = arith.constant 0 : i32
      %dma_wait3A_332 = tpu.memref_slice %arg9[%add3A_103, %dma_wait3A_331] : memref<20224x128xf32, #tpu.memory_space<hbm>> -> memref<128x128xf32, #tpu.memory_space<hbm>>
      %dma_wait3A_333 = arith.constant 0 : i32
      %dma_wait3A_334 = arith.constant 0 : i32
      %dma_wait3A_335 = tpu.memref_slice %arg14[%run_scoped3A_104, %dma_wait3A_333, %dma_wait3A_334] : memref<2x128x128xf32, #tpu.memory_space<vmem>> -> memref<1x128x128xf32, #tpu.memory_space<vmem>>
      %dma_wait3A_336 = tpu.memref_squeeze %dma_wait3A_335 : memref<1x128x128xf32, #tpu.memory_space<vmem>> -> memref<128x128xf32, #tpu.memory_space<vmem>>
      tpu.wait_dma2 semaphore(%run_scoped3A_312 : memref<!tpu.dma_semaphore, #tpu.memory_space<semaphore_mem>>) src(%dma_wait3A_336 : memref<128x128xf32, #tpu.memory_space<vmem>>) dst(%dma_wait3A_332 : memref<128x128xf32, #tpu.memory_space<hbm>>)
      tpu.yield
    }) : () -> ()
    %dma_start3A_105 = arith.constant 3 : i32
    %dma_start3A_106 = arith.constant 0 : i32
    %dma_start3A_107 = arith.constant 0 : i32
    %dma_start3A_108 = arith.constant 0 : i32
    %dma_start3A_109 = tpu.memref_slice %arg14[%dma_start3A_106, %dma_start3A_107, %dma_start3A_108] : memref<2x128x128xf32, #tpu.memory_space<vmem>> -> memref<1x128x128xf32, #tpu.memory_space<vmem>>
    %dma_start3A_110 = tpu.memref_squeeze %dma_start3A_109 : memref<1x128x128xf32, #tpu.memory_space<vmem>> -> memref<128x128xf32, #tpu.memory_space<vmem>>
    %dma_start3A_111 = arith.constant 0 : i32
    %dma_start3A_112 = tpu.memref_slice %arg13[%dma_start3A_105, %dma_start3A_111] : memref<8x128xi32, #tpu.memory_space<vmem>> -> memref<1x128xi32, #tpu.memory_space<vmem>>
    %dma_start3A_113 = tpu.memref_squeeze %dma_start3A_112 : memref<1x128xi32, #tpu.memory_space<vmem>> -> memref<128xi32, #tpu.memory_space<vmem>>
    %dma_start3A_114 = arith.constant 0 : i32
    %dma_start3A_115 = arith.constant 0 : i32
    %dma_start3A_116 = tpu.memref_slice %arg10[%dma_start3A_114, %dma_start3A_115] : memref<10112x128xf32, #tpu.memory_space<vmem_shared>> -> memref<10112x128xf32, #tpu.memory_space<vmem_shared>>
    tpu.enqueue_indirect_dma source(%dma_start3A_116 : memref<10112x128xf32, #tpu.memory_space<vmem_shared>>) target(%dma_start3A_110 : memref<128x128xf32, #tpu.memory_space<vmem>>) offsets(%dma_start3A_113 : memref<128xi32, #tpu.memory_space<vmem>>) semaphore(%arg15 : memref<!tpu.dma_semaphore, #tpu.memory_space<semaphore_mem>>)
    %dma_wait3A_117 = arith.constant 3 : i32
    %dma_wait3A_118 = arith.constant 0 : i32
    %dma_wait3A_119 = arith.constant 0 : i32
    %dma_wait3A_120 = arith.constant 0 : i32
    %dma_wait3A_121 = tpu.memref_slice %arg14[%dma_wait3A_118, %dma_wait3A_119, %dma_wait3A_120] : memref<2x128x128xf32, #tpu.memory_space<vmem>> -> memref<1x128x128xf32, #tpu.memory_space<vmem>>
    %dma_wait3A_122 = tpu.memref_squeeze %dma_wait3A_121 : memref<1x128x128xf32, #tpu.memory_space<vmem>> -> memref<128x128xf32, #tpu.memory_space<vmem>>
    %dma_wait3A_123 = arith.constant 0 : i32
    %dma_wait3A_124 = tpu.memref_slice %arg13[%dma_wait3A_117, %dma_wait3A_123] : memref<8x128xi32, #tpu.memory_space<vmem>> -> memref<1x128xi32, #tpu.memory_space<vmem>>
    %dma_wait3A_125 = tpu.memref_squeeze %dma_wait3A_124 : memref<1x128xi32, #tpu.memory_space<vmem>> -> memref<128xi32, #tpu.memory_space<vmem>>
    %dma_wait3A_126 = arith.constant 0 : i32
    %dma_wait3A_127 = arith.constant 0 : i32
    %dma_wait3A_128 = tpu.memref_slice %arg10[%dma_wait3A_126, %dma_wait3A_127] : memref<10112x128xf32, #tpu.memory_space<vmem_shared>> -> memref<10112x128xf32, #tpu.memory_space<vmem_shared>>
    tpu.wait_indirect_dma semaphore(%arg15 : memref<!tpu.dma_semaphore, #tpu.memory_space<semaphore_mem>>) src(%dma_wait3A_128 : memref<10112x128xf32, #tpu.memory_space<vmem_shared>>) dst(%dma_wait3A_122 : memref<128x128xf32, #tpu.memory_space<vmem>>)
    %add3A_129 = arith.constant 384 : i32
    %add3A_130 = arith.addi %add3A_7, %add3A_129 : i32
    %run_scoped3A_131 = arith.constant 0 : i32
    "tpu.region"() ({
      %run_scoped3A_312 = tpu.sem_alloc : memref<!tpu.dma_semaphore, #tpu.memory_space<semaphore_mem>>
      %dma_start3A_313 = arith.constant 0 : i32
      %dma_start3A_314 = arith.constant 0 : i32
      %dma_start3A_315 = tpu.memref_slice %arg14[%run_scoped3A_131, %dma_start3A_313, %dma_start3A_314] : memref<2x128x128xf32, #tpu.memory_space<vmem>> -> memref<1x128x128xf32, #tpu.memory_space<vmem>>
      %dma_start3A_316 = tpu.memref_squeeze %dma_start3A_315 : memref<1x128x128xf32, #tpu.memory_space<vmem>> -> memref<128x128xf32, #tpu.memory_space<vmem>>
      %dma_start3A_317 = arith.constant 0 : i32
      %dma_start3A_318 = tpu.memref_slice %arg9[%add3A_130, %dma_start3A_317] : memref<20224x128xf32, #tpu.memory_space<hbm>> -> memref<128x128xf32, #tpu.memory_space<hbm>>
      %dma_start3A_319 = arith.constant 0 : i32
      %dma_start3A_320 = tpu.memref_slice %arg9[%add3A_130, %dma_start3A_319] : memref<20224x128xf32, #tpu.memory_space<hbm>> -> memref<128x128xf32, #tpu.memory_space<hbm>>
      %dma_start3A_321 = arith.constant 0 : i32
      %dma_start3A_322 = arith.constant 0 : i32
      %dma_start3A_323 = tpu.memref_slice %arg14[%run_scoped3A_131, %dma_start3A_321, %dma_start3A_322] : memref<2x128x128xf32, #tpu.memory_space<vmem>> -> memref<1x128x128xf32, #tpu.memory_space<vmem>>
      %dma_start3A_324 = tpu.memref_squeeze %dma_start3A_323 : memref<1x128x128xf32, #tpu.memory_space<vmem>> -> memref<128x128xf32, #tpu.memory_space<vmem>>
      tpu.enqueue_dma source(%dma_start3A_324 : memref<128x128xf32, #tpu.memory_space<vmem>>) target(%dma_start3A_320 : memref<128x128xf32, #tpu.memory_space<hbm>>) target_semaphore(%run_scoped3A_312 : memref<!tpu.dma_semaphore, #tpu.memory_space<semaphore_mem>>)
      %dma_wait3A_325 = arith.constant 0 : i32
      %dma_wait3A_326 = arith.constant 0 : i32
      %dma_wait3A_327 = tpu.memref_slice %arg14[%run_scoped3A_131, %dma_wait3A_325, %dma_wait3A_326] : memref<2x128x128xf32, #tpu.memory_space<vmem>> -> memref<1x128x128xf32, #tpu.memory_space<vmem>>
      %dma_wait3A_328 = tpu.memref_squeeze %dma_wait3A_327 : memref<1x128x128xf32, #tpu.memory_space<vmem>> -> memref<128x128xf32, #tpu.memory_space<vmem>>
      %dma_wait3A_329 = arith.constant 0 : i32
      %dma_wait3A_330 = tpu.memref_slice %arg9[%add3A_130, %dma_wait3A_329] : memref<20224x128xf32, #tpu.memory_space<hbm>> -> memref<128x128xf32, #tpu.memory_space<hbm>>
      %dma_wait3A_331 = arith.constant 0 : i32
      %dma_wait3A_332 = tpu.memref_slice %arg9[%add3A_130, %dma_wait3A_331] : memref<20224x128xf32, #tpu.memory_space<hbm>> -> memref<128x128xf32, #tpu.memory_space<hbm>>
      %dma_wait3A_333 = arith.constant 0 : i32
      %dma_wait3A_334 = arith.constant 0 : i32
      %dma_wait3A_335 = tpu.memref_slice %arg14[%run_scoped3A_131, %dma_wait3A_333, %dma_wait3A_334] : memref<2x128x128xf32, #tpu.memory_space<vmem>> -> memref<1x128x128xf32, #tpu.memory_space<vmem>>
      %dma_wait3A_336 = tpu.memref_squeeze %dma_wait3A_335 : memref<1x128x128xf32, #tpu.memory_space<vmem>> -> memref<128x128xf32, #tpu.memory_space<vmem>>
      tpu.wait_dma2 semaphore(%run_scoped3A_312 : memref<!tpu.dma_semaphore, #tpu.memory_space<semaphore_mem>>) src(%dma_wait3A_336 : memref<128x128xf32, #tpu.memory_space<vmem>>) dst(%dma_wait3A_332 : memref<128x128xf32, #tpu.memory_space<hbm>>)
      tpu.yield
    }) : () -> ()
    %dma_start3A_132 = arith.constant 4 : i32
    %dma_start3A_133 = arith.constant 0 : i32
    %dma_start3A_134 = arith.constant 0 : i32
    %dma_start3A_135 = arith.constant 0 : i32
    %dma_start3A_136 = tpu.memref_slice %arg14[%dma_start3A_133, %dma_start3A_134, %dma_start3A_135] : memref<2x128x128xf32, #tpu.memory_space<vmem>> -> memref<1x128x128xf32, #tpu.memory_space<vmem>>
    %dma_start3A_137 = tpu.memref_squeeze %dma_start3A_136 : memref<1x128x128xf32, #tpu.memory_space<vmem>> -> memref<128x128xf32, #tpu.memory_space<vmem>>
    %dma_start3A_138 = arith.constant 0 : i32
    %dma_start3A_139 = tpu.memref_slice %arg13[%dma_start3A_132, %dma_start3A_138] : memref<8x128xi32, #tpu.memory_space<vmem>> -> memref<1x128xi32, #tpu.memory_space<vmem>>
    %dma_start3A_140 = tpu.memref_squeeze %dma_start3A_139 : memref<1x128xi32, #tpu.memory_space<vmem>> -> memref<128xi32, #tpu.memory_space<vmem>>
    %dma_start3A_141 = arith.constant 0 : i32
    %dma_start3A_142 = arith.constant 0 : i32
    %dma_start3A_143 = tpu.memref_slice %arg10[%dma_start3A_141, %dma_start3A_142] : memref<10112x128xf32, #tpu.memory_space<vmem_shared>> -> memref<10112x128xf32, #tpu.memory_space<vmem_shared>>
    tpu.enqueue_indirect_dma source(%dma_start3A_143 : memref<10112x128xf32, #tpu.memory_space<vmem_shared>>) target(%dma_start3A_137 : memref<128x128xf32, #tpu.memory_space<vmem>>) offsets(%dma_start3A_140 : memref<128xi32, #tpu.memory_space<vmem>>) semaphore(%arg15 : memref<!tpu.dma_semaphore, #tpu.memory_space<semaphore_mem>>)
    %dma_wait3A_144 = arith.constant 4 : i32
    %dma_wait3A_145 = arith.constant 0 : i32
    %dma_wait3A_146 = arith.constant 0 : i32
    %dma_wait3A_147 = arith.constant 0 : i32
    %dma_wait3A_148 = tpu.memref_slice %arg14[%dma_wait3A_145, %dma_wait3A_146, %dma_wait3A_147] : memref<2x128x128xf32, #tpu.memory_space<vmem>> -> memref<1x128x128xf32, #tpu.memory_space<vmem>>
    %dma_wait3A_149 = tpu.memref_squeeze %dma_wait3A_148 : memref<1x128x128xf32, #tpu.memory_space<vmem>> -> memref<128x128xf32, #tpu.memory_space<vmem>>
    %dma_wait3A_150 = arith.constant 0 : i32
    %dma_wait3A_151 = tpu.memref_slice %arg13[%dma_wait3A_144, %dma_wait3A_150] : memref<8x128xi32, #tpu.memory_space<vmem>> -> memref<1x128xi32, #tpu.memory_space<vmem>>
    %dma_wait3A_152 = tpu.memref_squeeze %dma_wait3A_151 : memref<1x128xi32, #tpu.memory_space<vmem>> -> memref<128xi32, #tpu.memory_space<vmem>>
    %dma_wait3A_153 = arith.constant 0 : i32
    %dma_wait3A_154 = arith.constant 0 : i32
    %dma_wait3A_155 = tpu.memref_slice %arg10[%dma_wait3A_153, %dma_wait3A_154] : memref<10112x128xf32, #tpu.memory_space<vmem_shared>> -> memref<10112x128xf32, #tpu.memory_space<vmem_shared>>
    tpu.wait_indirect_dma semaphore(%arg15 : memref<!tpu.dma_semaphore, #tpu.memory_space<semaphore_mem>>) src(%dma_wait3A_155 : memref<10112x128xf32, #tpu.memory_space<vmem_shared>>) dst(%dma_wait3A_149 : memref<128x128xf32, #tpu.memory_space<vmem>>)
    %add3A_156 = arith.constant 512 : i32
    %add3A_157 = arith.addi %add3A_7, %add3A_156 : i32
    %run_scoped3A_158 = arith.constant 0 : i32
    "tpu.region"() ({
      %run_scoped3A_312 = tpu.sem_alloc : memref<!tpu.dma_semaphore, #tpu.memory_space<semaphore_mem>>
      %dma_start3A_313 = arith.constant 0 : i32
      %dma_start3A_314 = arith.constant 0 : i32
      %dma_start3A_315 = tpu.memref_slice %arg14[%run_scoped3A_158, %dma_start3A_313, %dma_start3A_314] : memref<2x128x128xf32, #tpu.memory_space<vmem>> -> memref<1x120x128xf32, #tpu.memory_space<vmem>>
      %dma_start3A_316 = tpu.memref_squeeze %dma_start3A_315 : memref<1x120x128xf32, #tpu.memory_space<vmem>> -> memref<120x128xf32, #tpu.memory_space<vmem>>
      %dma_start3A_317 = arith.constant 0 : i32
      %dma_start3A_318 = tpu.memref_slice %arg9[%add3A_157, %dma_start3A_317] : memref<20224x128xf32, #tpu.memory_space<hbm>> -> memref<120x128xf32, #tpu.memory_space<hbm>>
      %dma_start3A_319 = arith.constant 0 : i32
      %dma_start3A_320 = tpu.memref_slice %arg9[%add3A_157, %dma_start3A_319] : memref<20224x128xf32, #tpu.memory_space<hbm>> -> memref<120x128xf32, #tpu.memory_space<hbm>>
      %dma_start3A_321 = arith.constant 0 : i32
      %dma_start3A_322 = arith.constant 0 : i32
      %dma_start3A_323 = tpu.memref_slice %arg14[%run_scoped3A_158, %dma_start3A_321, %dma_start3A_322] : memref<2x128x128xf32, #tpu.memory_space<vmem>> -> memref<1x120x128xf32, #tpu.memory_space<vmem>>
      %dma_start3A_324 = tpu.memref_squeeze %dma_start3A_323 : memref<1x120x128xf32, #tpu.memory_space<vmem>> -> memref<120x128xf32, #tpu.memory_space<vmem>>
      tpu.enqueue_dma source(%dma_start3A_324 : memref<120x128xf32, #tpu.memory_space<vmem>>) target(%dma_start3A_320 : memref<120x128xf32, #tpu.memory_space<hbm>>) target_semaphore(%run_scoped3A_312 : memref<!tpu.dma_semaphore, #tpu.memory_space<semaphore_mem>>)
      %dma_wait3A_325 = arith.constant 0 : i32
      %dma_wait3A_326 = arith.constant 0 : i32
      %dma_wait3A_327 = tpu.memref_slice %arg14[%run_scoped3A_158, %dma_wait3A_325, %dma_wait3A_326] : memref<2x128x128xf32, #tpu.memory_space<vmem>> -> memref<1x120x128xf32, #tpu.memory_space<vmem>>
      %dma_wait3A_328 = tpu.memref_squeeze %dma_wait3A_327 : memref<1x120x128xf32, #tpu.memory_space<vmem>> -> memref<120x128xf32, #tpu.memory_space<vmem>>
      %dma_wait3A_329 = arith.constant 0 : i32
      %dma_wait3A_330 = tpu.memref_slice %arg9[%add3A_157, %dma_wait3A_329] : memref<20224x128xf32, #tpu.memory_space<hbm>> -> memref<120x128xf32, #tpu.memory_space<hbm>>
      %dma_wait3A_331 = arith.constant 0 : i32
      %dma_wait3A_332 = tpu.memref_slice %arg9[%add3A_157, %dma_wait3A_331] : memref<20224x128xf32, #tpu.memory_space<hbm>> -> memref<120x128xf32, #tpu.memory_space<hbm>>
      %dma_wait3A_333 = arith.constant 0 : i32
      %dma_wait3A_334 = arith.constant 0 : i32
      %dma_wait3A_335 = tpu.memref_slice %arg14[%run_scoped3A_158, %dma_wait3A_333, %dma_wait3A_334] : memref<2x128x128xf32, #tpu.memory_space<vmem>> -> memref<1x120x128xf32, #tpu.memory_space<vmem>>
      %dma_wait3A_336 = tpu.memref_squeeze %dma_wait3A_335 : memref<1x120x128xf32, #tpu.memory_space<vmem>> -> memref<120x128xf32, #tpu.memory_space<vmem>>
      tpu.wait_dma2 semaphore(%run_scoped3A_312 : memref<!tpu.dma_semaphore, #tpu.memory_space<semaphore_mem>>) src(%dma_wait3A_336 : memref<120x128xf32, #tpu.memory_space<vmem>>) dst(%dma_wait3A_332 : memref<120x128xf32, #tpu.memory_space<hbm>>)
      tpu.yield
    }) : () -> ()
    %run_scoped3A_159 = arith.constant 0 : i32
    "tpu.region"() ({
      %run_scoped3A_312 = tpu.sem_alloc : memref<!tpu.dma_semaphore, #tpu.memory_space<semaphore_mem>>
      %dma_start3A_313 = arith.constant 0 : i32
      %dma_start3A_314 = arith.constant 0 : i32
      %dma_start3A_315 = tpu.memref_slice %arg14[%run_scoped3A_159, %dma_start3A_313, %dma_start3A_314] : memref<2x128x128xf32, #tpu.memory_space<vmem>> -> memref<1x128x128xf32, #tpu.memory_space<vmem>>
      %dma_start3A_316 = tpu.memref_squeeze %dma_start3A_315 : memref<1x128x128xf32, #tpu.memory_space<vmem>> -> memref<128x128xf32, #tpu.memory_space<vmem>>
      %dma_start3A_317 = arith.constant 0 : i32
      %dma_start3A_318 = arith.constant 0 : i32
      %dma_start3A_319 = tpu.memref_slice %arg14[%run_scoped3A_159, %dma_start3A_317, %dma_start3A_318] : memref<2x128x128xf32, #tpu.memory_space<vmem>> -> memref<1x128x128xf32, #tpu.memory_space<vmem>>
      %dma_start3A_320 = tpu.memref_squeeze %dma_start3A_319 : memref<1x128x128xf32, #tpu.memory_space<vmem>> -> memref<128x128xf32, #tpu.memory_space<vmem>>
      tpu.enqueue_dma source(%arg6 : memref<128x128xf32, #tpu.memory_space<hbm>>) target(%dma_start3A_320 : memref<128x128xf32, #tpu.memory_space<vmem>>) target_semaphore(%run_scoped3A_312 : memref<!tpu.dma_semaphore, #tpu.memory_space<semaphore_mem>>)
      %dma_wait3A_321 = arith.constant 0 : i32
      %dma_wait3A_322 = arith.constant 0 : i32
      %dma_wait3A_323 = tpu.memref_slice %arg14[%run_scoped3A_159, %dma_wait3A_321, %dma_wait3A_322] : memref<2x128x128xf32, #tpu.memory_space<vmem>> -> memref<1x128x128xf32, #tpu.memory_space<vmem>>
      %dma_wait3A_324 = tpu.memref_squeeze %dma_wait3A_323 : memref<1x128x128xf32, #tpu.memory_space<vmem>> -> memref<128x128xf32, #tpu.memory_space<vmem>>
      %dma_wait3A_325 = arith.constant 0 : i32
      %dma_wait3A_326 = arith.constant 0 : i32
      %dma_wait3A_327 = tpu.memref_slice %arg14[%run_scoped3A_159, %dma_wait3A_325, %dma_wait3A_326] : memref<2x128x128xf32, #tpu.memory_space<vmem>> -> memref<1x128x128xf32, #tpu.memory_space<vmem>>
      %dma_wait3A_328 = tpu.memref_squeeze %dma_wait3A_327 : memref<1x128x128xf32, #tpu.memory_space<vmem>> -> memref<128x128xf32, #tpu.memory_space<vmem>>
      tpu.wait_dma2 semaphore(%run_scoped3A_312 : memref<!tpu.dma_semaphore, #tpu.memory_space<semaphore_mem>>) src(%arg6 : memref<128x128xf32, #tpu.memory_space<hbm>>) dst(%dma_wait3A_328 : memref<128x128xf32, #tpu.memory_space<vmem>>)
      tpu.yield
    }) : () -> ()
    %run_scoped3A_160 = arith.constant 0 : i32
    %run_scoped3A_161 = arith.constant 0 : i32
    "tpu.region"() ({
      %run_scoped3A_312 = tpu.sem_alloc : memref<!tpu.dma_semaphore, #tpu.memory_space<semaphore_mem>>
      %dma_start3A_313 = arith.constant 0 : i32
      %dma_start3A_314 = arith.constant 0 : i32
      %dma_start3A_315 = tpu.memref_slice %arg14[%run_scoped3A_160, %dma_start3A_313, %dma_start3A_314] : memref<2x128x128xf32, #tpu.memory_space<vmem>> -> memref<1x128x128xf32, #tpu.memory_space<vmem>>
      %dma_start3A_316 = tpu.memref_squeeze %dma_start3A_315 : memref<1x128x128xf32, #tpu.memory_space<vmem>> -> memref<128x128xf32, #tpu.memory_space<vmem>>
      %dma_start3A_317 = arith.constant 0 : i32
      %dma_start3A_318 = tpu.memref_slice %arg13[%run_scoped3A_161, %dma_start3A_317] : memref<8x128xi32, #tpu.memory_space<vmem>> -> memref<1x128xi32, #tpu.memory_space<vmem>>
      %dma_start3A_319 = tpu.memref_squeeze %dma_start3A_318 : memref<1x128xi32, #tpu.memory_space<vmem>> -> memref<128xi32, #tpu.memory_space<vmem>>
      %dma_start3A_320 = arith.constant 0 : i32
      %dma_start3A_321 = arith.constant 0 : i32
      %dma_start3A_322 = tpu.memref_slice %arg10[%dma_start3A_320, %dma_start3A_321] : memref<10112x128xf32, #tpu.memory_space<vmem_shared>> -> memref<10112x128xf32, #tpu.memory_space<vmem_shared>>
      tpu.enqueue_indirect_dma source(%dma_start3A_316 : memref<128x128xf32, #tpu.memory_space<vmem>>) target(%dma_start3A_322 : memref<10112x128xf32, #tpu.memory_space<vmem_shared>>) offsets(%dma_start3A_319 : memref<128xi32, #tpu.memory_space<vmem>>) semaphore(%run_scoped3A_312 : memref<!tpu.dma_semaphore, #tpu.memory_space<semaphore_mem>>)
      %dma_wait3A_323 = arith.constant 0 : i32
      %dma_wait3A_324 = arith.constant 0 : i32
      %dma_wait3A_325 = tpu.memref_slice %arg14[%run_scoped3A_160, %dma_wait3A_323, %dma_wait3A_324] : memref<2x128x128xf32, #tpu.memory_space<vmem>> -> memref<1x128x128xf32, #tpu.memory_space<vmem>>
      %dma_wait3A_326 = tpu.memref_squeeze %dma_wait3A_325 : memref<1x128x128xf32, #tpu.memory_space<vmem>> -> memref<128x128xf32, #tpu.memory_space<vmem>>
      %dma_wait3A_327 = arith.constant 0 : i32
      %dma_wait3A_328 = tpu.memref_slice %arg13[%run_scoped3A_161, %dma_wait3A_327] : memref<8x128xi32, #tpu.memory_space<vmem>> -> memref<1x128xi32, #tpu.memory_space<vmem>>
      %dma_wait3A_329 = tpu.memref_squeeze %dma_wait3A_328 : memref<1x128xi32, #tpu.memory_space<vmem>> -> memref<128xi32, #tpu.memory_space<vmem>>
      %dma_wait3A_330 = arith.constant 0 : i32
      %dma_wait3A_331 = arith.constant 0 : i32
      %dma_wait3A_332 = tpu.memref_slice %arg10[%dma_wait3A_330, %dma_wait3A_331] : memref<10112x128xf32, #tpu.memory_space<vmem_shared>> -> memref<10112x128xf32, #tpu.memory_space<vmem_shared>>
      tpu.wait_indirect_dma semaphore(%run_scoped3A_312 : memref<!tpu.dma_semaphore, #tpu.memory_space<semaphore_mem>>) src(%dma_wait3A_326 : memref<128x128xf32, #tpu.memory_space<vmem>>) dst(%dma_wait3A_332 : memref<10112x128xf32, #tpu.memory_space<vmem_shared>>)
      tpu.yield
    }) : () -> ()
    %run_scoped3A_162 = arith.constant 0 : i32
    %run_scoped3A_163 = arith.constant 1 : i32
    "tpu.region"() ({
      %run_scoped3A_312 = tpu.sem_alloc : memref<!tpu.dma_semaphore, #tpu.memory_space<semaphore_mem>>
      %dma_start3A_313 = arith.constant 0 : i32
      %dma_start3A_314 = arith.constant 0 : i32
      %dma_start3A_315 = tpu.memref_slice %arg14[%run_scoped3A_162, %dma_start3A_313, %dma_start3A_314] : memref<2x128x128xf32, #tpu.memory_space<vmem>> -> memref<1x128x128xf32, #tpu.memory_space<vmem>>
      %dma_start3A_316 = tpu.memref_squeeze %dma_start3A_315 : memref<1x128x128xf32, #tpu.memory_space<vmem>> -> memref<128x128xf32, #tpu.memory_space<vmem>>
      %dma_start3A_317 = arith.constant 0 : i32
      %dma_start3A_318 = tpu.memref_slice %arg13[%run_scoped3A_163, %dma_start3A_317] : memref<8x128xi32, #tpu.memory_space<vmem>> -> memref<1x128xi32, #tpu.memory_space<vmem>>
      %dma_start3A_319 = tpu.memref_squeeze %dma_start3A_318 : memref<1x128xi32, #tpu.memory_space<vmem>> -> memref<128xi32, #tpu.memory_space<vmem>>
      %dma_start3A_320 = arith.constant 0 : i32
      %dma_start3A_321 = arith.constant 0 : i32
      %dma_start3A_322 = tpu.memref_slice %arg10[%dma_start3A_320, %dma_start3A_321] : memref<10112x128xf32, #tpu.memory_space<vmem_shared>> -> memref<10112x128xf32, #tpu.memory_space<vmem_shared>>
      tpu.enqueue_indirect_dma source(%dma_start3A_316 : memref<128x128xf32, #tpu.memory_space<vmem>>) target(%dma_start3A_322 : memref<10112x128xf32, #tpu.memory_space<vmem_shared>>) offsets(%dma_start3A_319 : memref<128xi32, #tpu.memory_space<vmem>>) semaphore(%run_scoped3A_312 : memref<!tpu.dma_semaphore, #tpu.memory_space<semaphore_mem>>)
      %dma_wait3A_323 = arith.constant 0 : i32
      %dma_wait3A_324 = arith.constant 0 : i32
      %dma_wait3A_325 = tpu.memref_slice %arg14[%run_scoped3A_162, %dma_wait3A_323, %dma_wait3A_324] : memref<2x128x128xf32, #tpu.memory_space<vmem>> -> memref<1x128x128xf32, #tpu.memory_space<vmem>>
      %dma_wait3A_326 = tpu.memref_squeeze %dma_wait3A_325 : memref<1x128x128xf32, #tpu.memory_space<vmem>> -> memref<128x128xf32, #tpu.memory_space<vmem>>
      %dma_wait3A_327 = arith.constant 0 : i32
      %dma_wait3A_328 = tpu.memref_slice %arg13[%run_scoped3A_163, %dma_wait3A_327] : memref<8x128xi32, #tpu.memory_space<vmem>> -> memref<1x128xi32, #tpu.memory_space<vmem>>
      %dma_wait3A_329 = tpu.memref_squeeze %dma_wait3A_328 : memref<1x128xi32, #tpu.memory_space<vmem>> -> memref<128xi32, #tpu.memory_space<vmem>>
      %dma_wait3A_330 = arith.constant 0 : i32
      %dma_wait3A_331 = arith.constant 0 : i32
      %dma_wait3A_332 = tpu.memref_slice %arg10[%dma_wait3A_330, %dma_wait3A_331] : memref<10112x128xf32, #tpu.memory_space<vmem_shared>> -> memref<10112x128xf32, #tpu.memory_space<vmem_shared>>
      tpu.wait_indirect_dma semaphore(%run_scoped3A_312 : memref<!tpu.dma_semaphore, #tpu.memory_space<semaphore_mem>>) src(%dma_wait3A_326 : memref<128x128xf32, #tpu.memory_space<vmem>>) dst(%dma_wait3A_332 : memref<10112x128xf32, #tpu.memory_space<vmem_shared>>)
      tpu.yield
    }) : () -> ()
    %run_scoped3A_164 = arith.constant 0 : i32
    %run_scoped3A_165 = arith.constant 2 : i32
    "tpu.region"() ({
      %run_scoped3A_312 = tpu.sem_alloc : memref<!tpu.dma_semaphore, #tpu.memory_space<semaphore_mem>>
      %dma_start3A_313 = arith.constant 0 : i32
      %dma_start3A_314 = arith.constant 0 : i32
      %dma_start3A_315 = tpu.memref_slice %arg14[%run_scoped3A_164, %dma_start3A_313, %dma_start3A_314] : memref<2x128x128xf32, #tpu.memory_space<vmem>> -> memref<1x128x128xf32, #tpu.memory_space<vmem>>
      %dma_start3A_316 = tpu.memref_squeeze %dma_start3A_315 : memref<1x128x128xf32, #tpu.memory_space<vmem>> -> memref<128x128xf32, #tpu.memory_space<vmem>>
      %dma_start3A_317 = arith.constant 0 : i32
      %dma_start3A_318 = tpu.memref_slice %arg13[%run_scoped3A_165, %dma_start3A_317] : memref<8x128xi32, #tpu.memory_space<vmem>> -> memref<1x128xi32, #tpu.memory_space<vmem>>
      %dma_start3A_319 = tpu.memref_squeeze %dma_start3A_318 : memref<1x128xi32, #tpu.memory_space<vmem>> -> memref<128xi32, #tpu.memory_space<vmem>>
      %dma_start3A_320 = arith.constant 0 : i32
      %dma_start3A_321 = arith.constant 0 : i32
      %dma_start3A_322 = tpu.memref_slice %arg10[%dma_start3A_320, %dma_start3A_321] : memref<10112x128xf32, #tpu.memory_space<vmem_shared>> -> memref<10112x128xf32, #tpu.memory_space<vmem_shared>>
      tpu.enqueue_indirect_dma source(%dma_start3A_316 : memref<128x128xf32, #tpu.memory_space<vmem>>) target(%dma_start3A_322 : memref<10112x128xf32, #tpu.memory_space<vmem_shared>>) offsets(%dma_start3A_319 : memref<128xi32, #tpu.memory_space<vmem>>) semaphore(%run_scoped3A_312 : memref<!tpu.dma_semaphore, #tpu.memory_space<semaphore_mem>>)
      %dma_wait3A_323 = arith.constant 0 : i32
      %dma_wait3A_324 = arith.constant 0 : i32
      %dma_wait3A_325 = tpu.memref_slice %arg14[%run_scoped3A_164, %dma_wait3A_323, %dma_wait3A_324] : memref<2x128x128xf32, #tpu.memory_space<vmem>> -> memref<1x128x128xf32, #tpu.memory_space<vmem>>
      %dma_wait3A_326 = tpu.memref_squeeze %dma_wait3A_325 : memref<1x128x128xf32, #tpu.memory_space<vmem>> -> memref<128x128xf32, #tpu.memory_space<vmem>>
      %dma_wait3A_327 = arith.constant 0 : i32
      %dma_wait3A_328 = tpu.memref_slice %arg13[%run_scoped3A_165, %dma_wait3A_327] : memref<8x128xi32, #tpu.memory_space<vmem>> -> memref<1x128xi32, #tpu.memory_space<vmem>>
      %dma_wait3A_329 = tpu.memref_squeeze %dma_wait3A_328 : memref<1x128xi32, #tpu.memory_space<vmem>> -> memref<128xi32, #tpu.memory_space<vmem>>
      %dma_wait3A_330 = arith.constant 0 : i32
      %dma_wait3A_331 = arith.constant 0 : i32
      %dma_wait3A_332 = tpu.memref_slice %arg10[%dma_wait3A_330, %dma_wait3A_331] : memref<10112x128xf32, #tpu.memory_space<vmem_shared>> -> memref<10112x128xf32, #tpu.memory_space<vmem_shared>>
      tpu.wait_indirect_dma semaphore(%run_scoped3A_312 : memref<!tpu.dma_semaphore, #tpu.memory_space<semaphore_mem>>) src(%dma_wait3A_326 : memref<128x128xf32, #tpu.memory_space<vmem>>) dst(%dma_wait3A_332 : memref<10112x128xf32, #tpu.memory_space<vmem_shared>>)
      tpu.yield
    }) : () -> ()
    %run_scoped3A_166 = arith.constant 0 : i32
    %run_scoped3A_167 = arith.constant 3 : i32
    "tpu.region"() ({
      %run_scoped3A_312 = tpu.sem_alloc : memref<!tpu.dma_semaphore, #tpu.memory_space<semaphore_mem>>
      %dma_start3A_313 = arith.constant 0 : i32
      %dma_start3A_314 = arith.constant 0 : i32
      %dma_start3A_315 = tpu.memref_slice %arg14[%run_scoped3A_166, %dma_start3A_313, %dma_start3A_314] : memref<2x128x128xf32, #tpu.memory_space<vmem>> -> memref<1x128x128xf32, #tpu.memory_space<vmem>>
      %dma_start3A_316 = tpu.memref_squeeze %dma_start3A_315 : memref<1x128x128xf32, #tpu.memory_space<vmem>> -> memref<128x128xf32, #tpu.memory_space<vmem>>
      %dma_start3A_317 = arith.constant 0 : i32
      %dma_start3A_318 = tpu.memref_slice %arg13[%run_scoped3A_167, %dma_start3A_317] : memref<8x128xi32, #tpu.memory_space<vmem>> -> memref<1x128xi32, #tpu.memory_space<vmem>>
      %dma_start3A_319 = tpu.memref_squeeze %dma_start3A_318 : memref<1x128xi32, #tpu.memory_space<vmem>> -> memref<128xi32, #tpu.memory_space<vmem>>
      %dma_start3A_320 = arith.constant 0 : i32
      %dma_start3A_321 = arith.constant 0 : i32
      %dma_start3A_322 = tpu.memref_slice %arg10[%dma_start3A_320, %dma_start3A_321] : memref<10112x128xf32, #tpu.memory_space<vmem_shared>> -> memref<10112x128xf32, #tpu.memory_space<vmem_shared>>
      tpu.enqueue_indirect_dma source(%dma_start3A_316 : memref<128x128xf32, #tpu.memory_space<vmem>>) target(%dma_start3A_322 : memref<10112x128xf32, #tpu.memory_space<vmem_shared>>) offsets(%dma_start3A_319 : memref<128xi32, #tpu.memory_space<vmem>>) semaphore(%run_scoped3A_312 : memref<!tpu.dma_semaphore, #tpu.memory_space<semaphore_mem>>)
      %dma_wait3A_323 = arith.constant 0 : i32
      %dma_wait3A_324 = arith.constant 0 : i32
      %dma_wait3A_325 = tpu.memref_slice %arg14[%run_scoped3A_166, %dma_wait3A_323, %dma_wait3A_324] : memref<2x128x128xf32, #tpu.memory_space<vmem>> -> memref<1x128x128xf32, #tpu.memory_space<vmem>>
      %dma_wait3A_326 = tpu.memref_squeeze %dma_wait3A_325 : memref<1x128x128xf32, #tpu.memory_space<vmem>> -> memref<128x128xf32, #tpu.memory_space<vmem>>
      %dma_wait3A_327 = arith.constant 0 : i32
      %dma_wait3A_328 = tpu.memref_slice %arg13[%run_scoped3A_167, %dma_wait3A_327] : memref<8x128xi32, #tpu.memory_space<vmem>> -> memref<1x128xi32, #tpu.memory_space<vmem>>
      %dma_wait3A_329 = tpu.memref_squeeze %dma_wait3A_328 : memref<1x128xi32, #tpu.memory_space<vmem>> -> memref<128xi32, #tpu.memory_space<vmem>>
      %dma_wait3A_330 = arith.constant 0 : i32
      %dma_wait3A_331 = arith.constant 0 : i32
      %dma_wait3A_332 = tpu.memref_slice %arg10[%dma_wait3A_330, %dma_wait3A_331] : memref<10112x128xf32, #tpu.memory_space<vmem_shared>> -> memref<10112x128xf32, #tpu.memory_space<vmem_shared>>
      tpu.wait_indirect_dma semaphore(%run_scoped3A_312 : memref<!tpu.dma_semaphore, #tpu.memory_space<semaphore_mem>>) src(%dma_wait3A_326 : memref<128x128xf32, #tpu.memory_space<vmem>>) dst(%dma_wait3A_332 : memref<10112x128xf32, #tpu.memory_space<vmem_shared>>)
      tpu.yield
    }) : () -> ()
    %run_scoped3A_168 = arith.constant 0 : i32
    %run_scoped3A_169 = arith.constant 4 : i32
    "tpu.region"() ({
      %run_scoped3A_312 = tpu.sem_alloc : memref<!tpu.dma_semaphore, #tpu.memory_space<semaphore_mem>>
      %dma_start3A_313 = arith.constant 0 : i32
      %dma_start3A_314 = arith.constant 0 : i32
      %dma_start3A_315 = tpu.memref_slice %arg14[%run_scoped3A_168, %dma_start3A_313, %dma_start3A_314] : memref<2x128x128xf32, #tpu.memory_space<vmem>> -> memref<1x128x128xf32, #tpu.memory_space<vmem>>
      %dma_start3A_316 = tpu.memref_squeeze %dma_start3A_315 : memref<1x128x128xf32, #tpu.memory_space<vmem>> -> memref<128x128xf32, #tpu.memory_space<vmem>>
      %dma_start3A_317 = arith.constant 0 : i32
      %dma_start3A_318 = tpu.memref_slice %arg13[%run_scoped3A_169, %dma_start3A_317] : memref<8x128xi32, #tpu.memory_space<vmem>> -> memref<1x128xi32, #tpu.memory_space<vmem>>
      %dma_start3A_319 = tpu.memref_squeeze %dma_start3A_318 : memref<1x128xi32, #tpu.memory_space<vmem>> -> memref<128xi32, #tpu.memory_space<vmem>>
      %dma_start3A_320 = arith.constant 0 : i32
      %dma_start3A_321 = arith.constant 0 : i32
      %dma_start3A_322 = tpu.memref_slice %arg10[%dma_start3A_320, %dma_start3A_321] : memref<10112x128xf32, #tpu.memory_space<vmem_shared>> -> memref<10112x128xf32, #tpu.memory_space<vmem_shared>>
      tpu.enqueue_indirect_dma source(%dma_start3A_316 : memref<128x128xf32, #tpu.memory_space<vmem>>) target(%dma_start3A_322 : memref<10112x128xf32, #tpu.memory_space<vmem_shared>>) offsets(%dma_start3A_319 : memref<128xi32, #tpu.memory_space<vmem>>) semaphore(%run_scoped3A_312 : memref<!tpu.dma_semaphore, #tpu.memory_space<semaphore_mem>>)
      %dma_wait3A_323 = arith.constant 0 : i32
      %dma_wait3A_324 = arith.constant 0 : i32
      %dma_wait3A_325 = tpu.memref_slice %arg14[%run_scoped3A_168, %dma_wait3A_323, %dma_wait3A_324] : memref<2x128x128xf32, #tpu.memory_space<vmem>> -> memref<1x128x128xf32, #tpu.memory_space<vmem>>
      %dma_wait3A_326 = tpu.memref_squeeze %dma_wait3A_325 : memref<1x128x128xf32, #tpu.memory_space<vmem>> -> memref<128x128xf32, #tpu.memory_space<vmem>>
      %dma_wait3A_327 = arith.constant 0 : i32
      %dma_wait3A_328 = tpu.memref_slice %arg13[%run_scoped3A_169, %dma_wait3A_327] : memref<8x128xi32, #tpu.memory_space<vmem>> -> memref<1x128xi32, #tpu.memory_space<vmem>>
      %dma_wait3A_329 = tpu.memref_squeeze %dma_wait3A_328 : memref<1x128xi32, #tpu.memory_space<vmem>> -> memref<128xi32, #tpu.memory_space<vmem>>
      %dma_wait3A_330 = arith.constant 0 : i32
      %dma_wait3A_331 = arith.constant 0 : i32
      %dma_wait3A_332 = tpu.memref_slice %arg10[%dma_wait3A_330, %dma_wait3A_331] : memref<10112x128xf32, #tpu.memory_space<vmem_shared>> -> memref<10112x128xf32, #tpu.memory_space<vmem_shared>>
      tpu.wait_indirect_dma semaphore(%run_scoped3A_312 : memref<!tpu.dma_semaphore, #tpu.memory_space<semaphore_mem>>) src(%dma_wait3A_326 : memref<128x128xf32, #tpu.memory_space<vmem>>) dst(%dma_wait3A_332 : memref<10112x128xf32, #tpu.memory_space<vmem_shared>>)
      tpu.yield
    }) : () -> ()
    %barrier3A_170 = arith.constant 0 : index
    tpu.barrier barrier_id(%barrier3A_170)
    %scan3A_171 = arith.constant 0 : i32
    %scan3A_172 = arith.constant 10 : i32
    %scan3A_173 = arith.addi %scan3A_171, %scan3A_172 : i32
    %scan3A_174 = arith.constant 1 : i32
    scf.for %scan3A_312 = %scan3A_171 to %scan3A_173 step %scan3A_174  : i32 {
      %mul3A_313 = arith.constant 1 : i32
      %mul3A_314 = arith.muli %scan3A_312, %mul3A_313 : i32
      %add3A_315 = arith.constant 0 : i32
      %add3A_316 = arith.addi %add3A_315, %mul3A_314 : i32
      %mul3A_317 = arith.constant 16 : i32
      %mul3A_318 = arith.muli %add3A_316, %mul3A_317 : i32
      %add3A_319 = arith.addi %mul3A_4, %mul3A_318 : i32
      "tpu.region"() ({
        %run_scoped3A_424 = tpu.sem_alloc : memref<!tpu.dma_semaphore, #tpu.memory_space<semaphore_mem>>
        %dma_start3A_425 = arith.constant 0 : i32
        %dma_start3A_426 = tpu.memref_slice %arg3[%add3A_319, %dma_start3A_425] : memref<5120x128xi32, #tpu.memory_space<hbm>> -> memref<16x128xi32, #tpu.memory_space<hbm>>
        %dma_start3A_427 = arith.constant 0 : i32
        %dma_start3A_428 = tpu.memref_slice %arg3[%add3A_319, %dma_start3A_427] : memref<5120x128xi32, #tpu.memory_space<hbm>> -> memref<16x128xi32, #tpu.memory_space<hbm>>
        tpu.enqueue_dma source(%dma_start3A_428 : memref<16x128xi32, #tpu.memory_space<hbm>>) target(%arg11 : memref<16x128xi32, #tpu.memory_space<vmem>>) target_semaphore(%run_scoped3A_424 : memref<!tpu.dma_semaphore, #tpu.memory_space<semaphore_mem>>)
        %dma_wait3A_429 = arith.constant 0 : i32
        %dma_wait3A_430 = tpu.memref_slice %arg3[%add3A_319, %dma_wait3A_429] : memref<5120x128xi32, #tpu.memory_space<hbm>> -> memref<16x128xi32, #tpu.memory_space<hbm>>
        %dma_wait3A_431 = arith.constant 0 : i32
        %dma_wait3A_432 = tpu.memref_slice %arg3[%add3A_319, %dma_wait3A_431] : memref<5120x128xi32, #tpu.memory_space<hbm>> -> memref<16x128xi32, #tpu.memory_space<hbm>>
        tpu.wait_dma2 semaphore(%run_scoped3A_424 : memref<!tpu.dma_semaphore, #tpu.memory_space<semaphore_mem>>) src(%dma_wait3A_432 : memref<16x128xi32, #tpu.memory_space<hbm>>) dst(%arg11 : memref<16x128xi32, #tpu.memory_space<vmem>>)
        tpu.yield
      }) : () -> ()
      %mul3A_320 = arith.constant 16 : i32
      %mul3A_321 = arith.muli %add3A_316, %mul3A_320 : i32
      %add3A_322 = arith.addi %mul3A_4, %mul3A_321 : i32
      "tpu.region"() ({
        %run_scoped3A_424 = tpu.sem_alloc : memref<!tpu.dma_semaphore, #tpu.memory_space<semaphore_mem>>
        %dma_start3A_425 = arith.constant 0 : i32
        %dma_start3A_426 = tpu.memref_slice %arg4[%add3A_322, %dma_start3A_425] : memref<5120x128xi32, #tpu.memory_space<hbm>> -> memref<16x128xi32, #tpu.memory_space<hbm>>
        %dma_start3A_427 = arith.constant 0 : i32
        %dma_start3A_428 = tpu.memref_slice %arg4[%add3A_322, %dma_start3A_427] : memref<5120x128xi32, #tpu.memory_space<hbm>> -> memref<16x128xi32, #tpu.memory_space<hbm>>
        tpu.enqueue_dma source(%dma_start3A_428 : memref<16x128xi32, #tpu.memory_space<hbm>>) target(%arg12 : memref<16x128xi32, #tpu.memory_space<vmem>>) target_semaphore(%run_scoped3A_424 : memref<!tpu.dma_semaphore, #tpu.memory_space<semaphore_mem>>)
        %dma_wait3A_429 = arith.constant 0 : i32
        %dma_wait3A_430 = tpu.memref_slice %arg4[%add3A_322, %dma_wait3A_429] : memref<5120x128xi32, #tpu.memory_space<hbm>> -> memref<16x128xi32, #tpu.memory_space<hbm>>
        %dma_wait3A_431 = arith.constant 0 : i32
        %dma_wait3A_432 = tpu.memref_slice %arg4[%add3A_322, %dma_wait3A_431] : memref<5120x128xi32, #tpu.memory_space<hbm>> -> memref<16x128xi32, #tpu.memory_space<hbm>>
        tpu.wait_dma2 semaphore(%run_scoped3A_424 : memref<!tpu.dma_semaphore, #tpu.memory_space<semaphore_mem>>) src(%dma_wait3A_432 : memref<16x128xi32, #tpu.memory_space<hbm>>) dst(%arg12 : memref<16x128xi32, #tpu.memory_space<vmem>>)
        tpu.yield
      }) : () -> ()
      %dma_start3A_323 = arith.constant 0 : i32
      %dma_start3A_324 = arith.constant 0 : i32
      %dma_start3A_325 = arith.constant 0 : i32
      %dma_start3A_326 = arith.constant 0 : i32
      %dma_start3A_327 = tpu.memref_slice %arg14[%dma_start3A_324, %dma_start3A_325, %dma_start3A_326] : memref<2x128x128xf32, #tpu.memory_space<vmem>> -> memref<1x128x128xf32, #tpu.memory_space<vmem>>
      %dma_start3A_328 = tpu.memref_squeeze %dma_start3A_327 : memref<1x128x128xf32, #tpu.memory_space<vmem>> -> memref<128x128xf32, #tpu.memory_space<vmem>>
      %dma_start3A_329 = arith.constant 0 : i32
      %dma_start3A_330 = tpu.memref_slice %arg11[%dma_start3A_323, %dma_start3A_329] : memref<16x128xi32, #tpu.memory_space<vmem>> -> memref<1x128xi32, #tpu.memory_space<vmem>>
      %dma_start3A_331 = tpu.memref_squeeze %dma_start3A_330 : memref<1x128xi32, #tpu.memory_space<vmem>> -> memref<128xi32, #tpu.memory_space<vmem>>
      %dma_start3A_332 = arith.constant 0 : i32
      %dma_start3A_333 = arith.constant 0 : i32
      %dma_start3A_334 = tpu.memref_slice %arg2[%dma_start3A_332, %dma_start3A_333] : memref<10112x128xf32, #tpu.memory_space<hbm>> -> memref<10112x128xf32, #tpu.memory_space<hbm>>
      tpu.enqueue_indirect_dma source(%dma_start3A_334 : memref<10112x128xf32, #tpu.memory_space<hbm>>) target(%dma_start3A_328 : memref<128x128xf32, #tpu.memory_space<vmem>>) offsets(%dma_start3A_331 : memref<128xi32, #tpu.memory_space<vmem>>) semaphore(%arg15 : memref<!tpu.dma_semaphore, #tpu.memory_space<semaphore_mem>>)
      %dma_start3A_335 = arith.constant 1 : i32
      %dma_start3A_336 = arith.constant 1 : i32
      %dma_start3A_337 = arith.constant 0 : i32
      %dma_start3A_338 = arith.constant 0 : i32
      %dma_start3A_339 = tpu.memref_slice %arg14[%dma_start3A_336, %dma_start3A_337, %dma_start3A_338] : memref<2x128x128xf32, #tpu.memory_space<vmem>> -> memref<1x128x128xf32, #tpu.memory_space<vmem>>
      %dma_start3A_340 = tpu.memref_squeeze %dma_start3A_339 : memref<1x128x128xf32, #tpu.memory_space<vmem>> -> memref<128x128xf32, #tpu.memory_space<vmem>>
      %dma_start3A_341 = arith.constant 0 : i32
      %dma_start3A_342 = tpu.memref_slice %arg11[%dma_start3A_335, %dma_start3A_341] : memref<16x128xi32, #tpu.memory_space<vmem>> -> memref<1x128xi32, #tpu.memory_space<vmem>>
      %dma_start3A_343 = tpu.memref_squeeze %dma_start3A_342 : memref<1x128xi32, #tpu.memory_space<vmem>> -> memref<128xi32, #tpu.memory_space<vmem>>
      %dma_start3A_344 = arith.constant 0 : i32
      %dma_start3A_345 = arith.constant 0 : i32
      %dma_start3A_346 = tpu.memref_slice %arg2[%dma_start3A_344, %dma_start3A_345] : memref<10112x128xf32, #tpu.memory_space<hbm>> -> memref<10112x128xf32, #tpu.memory_space<hbm>>
      tpu.enqueue_indirect_dma source(%dma_start3A_346 : memref<10112x128xf32, #tpu.memory_space<hbm>>) target(%dma_start3A_340 : memref<128x128xf32, #tpu.memory_space<vmem>>) offsets(%dma_start3A_343 : memref<128xi32, #tpu.memory_space<vmem>>) semaphore(%arg16 : memref<!tpu.dma_semaphore, #tpu.memory_space<semaphore_mem>>)
      %scan3A_347 = arith.constant 0 : i32
      %scan3A_348 = arith.constant 7 : i32
      %scan3A_349 = arith.addi %scan3A_347, %scan3A_348 : i32
      %scan3A_350 = arith.constant 1 : i32
      scf.for %scan3A_424 = %scan3A_347 to %scan3A_349 step %scan3A_350  : i32 {
        %mul3A_425 = arith.constant 1 : i32
        %mul3A_426 = arith.muli %scan3A_424, %mul3A_425 : i32
        %add3A_427 = arith.constant 0 : i32
        %add3A_428 = arith.addi %add3A_427, %mul3A_426 : i32
        %mul3A_429 = arith.constant 2 : i32
        %mul3A_430 = arith.muli %mul3A_429, %add3A_428 : i32
        %add3A_431 = arith.constant 0 : i32
        %add3A_432 = arith.addi %mul3A_430, %add3A_431 : i32
        %dma_wait3A_433 = arith.constant 0 : i32
        %dma_wait3A_434 = arith.constant 0 : i32
        %dma_wait3A_435 = arith.constant 0 : i32
        %dma_wait3A_436 = tpu.memref_slice %arg14[%dma_wait3A_433, %dma_wait3A_434, %dma_wait3A_435] : memref<2x128x128xf32, #tpu.memory_space<vmem>> -> memref<1x128x128xf32, #tpu.memory_space<vmem>>
        %dma_wait3A_437 = tpu.memref_squeeze %dma_wait3A_436 : memref<1x128x128xf32, #tpu.memory_space<vmem>> -> memref<128x128xf32, #tpu.memory_space<vmem>>
        %dma_wait3A_438 = arith.constant 0 : i32
        %dma_wait3A_439 = tpu.memref_slice %arg11[%add3A_432, %dma_wait3A_438] : memref<16x128xi32, #tpu.memory_space<vmem>> -> memref<1x128xi32, #tpu.memory_space<vmem>>
        %dma_wait3A_440 = tpu.memref_squeeze %dma_wait3A_439 : memref<1x128xi32, #tpu.memory_space<vmem>> -> memref<128xi32, #tpu.memory_space<vmem>>
        %dma_wait3A_441 = arith.constant 0 : i32
        %dma_wait3A_442 = arith.constant 0 : i32
        %dma_wait3A_443 = tpu.memref_slice %arg2[%dma_wait3A_441, %dma_wait3A_442] : memref<10112x128xf32, #tpu.memory_space<hbm>> -> memref<10112x128xf32, #tpu.memory_space<hbm>>
        tpu.wait_indirect_dma semaphore(%arg15 : memref<!tpu.dma_semaphore, #tpu.memory_space<semaphore_mem>>) src(%dma_wait3A_443 : memref<10112x128xf32, #tpu.memory_space<hbm>>) dst(%dma_wait3A_437 : memref<128x128xf32, #tpu.memory_space<vmem>>)
        %add3A_444 = arith.constant 0 : i32
        %add3A_445 = arith.addi %mul3A_430, %add3A_444 : i32
        %dma_start3A_446 = arith.constant 0 : i32
        %dma_start3A_447 = arith.constant 0 : i32
        %dma_start3A_448 = arith.constant 0 : i32
        %dma_start3A_449 = tpu.memref_slice %arg14[%dma_start3A_446, %dma_start3A_447, %dma_start3A_448] : memref<2x128x128xf32, #tpu.memory_space<vmem>> -> memref<1x128x128xf32, #tpu.memory_space<vmem>>
        %dma_start3A_450 = tpu.memref_squeeze %dma_start3A_449 : memref<1x128x128xf32, #tpu.memory_space<vmem>> -> memref<128x128xf32, #tpu.memory_space<vmem>>
        %dma_start3A_451 = arith.constant 0 : i32
        %dma_start3A_452 = tpu.memref_slice %arg12[%add3A_445, %dma_start3A_451] : memref<16x128xi32, #tpu.memory_space<vmem>> -> memref<1x128xi32, #tpu.memory_space<vmem>>
        %dma_start3A_453 = tpu.memref_squeeze %dma_start3A_452 : memref<1x128xi32, #tpu.memory_space<vmem>> -> memref<128xi32, #tpu.memory_space<vmem>>
        %dma_start3A_454 = arith.constant 0 : i32
        %dma_start3A_455 = arith.constant 0 : i32
        %dma_start3A_456 = tpu.memref_slice %arg10[%dma_start3A_454, %dma_start3A_455] : memref<10112x128xf32, #tpu.memory_space<vmem_shared>> -> memref<10112x128xf32, #tpu.memory_space<vmem_shared>>
        tpu.enqueue_indirect_dma source(%dma_start3A_450 : memref<128x128xf32, #tpu.memory_space<vmem>>) target(%dma_start3A_456 : memref<10112x128xf32, #tpu.memory_space<vmem_shared>>) offsets(%dma_start3A_453 : memref<128xi32, #tpu.memory_space<vmem>>) semaphore(%arg17 : memref<!tpu.dma_semaphore, #tpu.memory_space<semaphore_mem>>) {add = true}
        %add3A_457 = arith.constant 1 : i32
        %add3A_458 = arith.addi %mul3A_430, %add3A_457 : i32
        %dma_wait3A_459 = arith.constant 1 : i32
        %dma_wait3A_460 = arith.constant 0 : i32
        %dma_wait3A_461 = arith.constant 0 : i32
        %dma_wait3A_462 = tpu.memref_slice %arg14[%dma_wait3A_459, %dma_wait3A_460, %dma_wait3A_461] : memref<2x128x128xf32, #tpu.memory_space<vmem>> -> memref<1x128x128xf32, #tpu.memory_space<vmem>>
        %dma_wait3A_463 = tpu.memref_squeeze %dma_wait3A_462 : memref<1x128x128xf32, #tpu.memory_space<vmem>> -> memref<128x128xf32, #tpu.memory_space<vmem>>
        %dma_wait3A_464 = arith.constant 0 : i32
        %dma_wait3A_465 = tpu.memref_slice %arg11[%add3A_458, %dma_wait3A_464] : memref<16x128xi32, #tpu.memory_space<vmem>> -> memref<1x128xi32, #tpu.memory_space<vmem>>
        %dma_wait3A_466 = tpu.memref_squeeze %dma_wait3A_465 : memref<1x128xi32, #tpu.memory_space<vmem>> -> memref<128xi32, #tpu.memory_space<vmem>>
        %dma_wait3A_467 = arith.constant 0 : i32
        %dma_wait3A_468 = arith.constant 0 : i32
        %dma_wait3A_469 = tpu.memref_slice %arg2[%dma_wait3A_467, %dma_wait3A_468] : memref<10112x128xf32, #tpu.memory_space<hbm>> -> memref<10112x128xf32, #tpu.memory_space<hbm>>
        tpu.wait_indirect_dma semaphore(%arg16 : memref<!tpu.dma_semaphore, #tpu.memory_space<semaphore_mem>>) src(%dma_wait3A_469 : memref<10112x128xf32, #tpu.memory_space<hbm>>) dst(%dma_wait3A_463 : memref<128x128xf32, #tpu.memory_space<vmem>>)
        %add3A_470 = arith.constant 1 : i32
        %add3A_471 = arith.addi %mul3A_430, %add3A_470 : i32
        %dma_start3A_472 = arith.constant 1 : i32
        %dma_start3A_473 = arith.constant 0 : i32
        %dma_start3A_474 = arith.constant 0 : i32
        %dma_start3A_475 = tpu.memref_slice %arg14[%dma_start3A_472, %dma_start3A_473, %dma_start3A_474] : memref<2x128x128xf32, #tpu.memory_space<vmem>> -> memref<1x128x128xf32, #tpu.memory_space<vmem>>
        %dma_start3A_476 = tpu.memref_squeeze %dma_start3A_475 : memref<1x128x128xf32, #tpu.memory_space<vmem>> -> memref<128x128xf32, #tpu.memory_space<vmem>>
        %dma_start3A_477 = arith.constant 0 : i32
        %dma_start3A_478 = tpu.memref_slice %arg12[%add3A_471, %dma_start3A_477] : memref<16x128xi32, #tpu.memory_space<vmem>> -> memref<1x128xi32, #tpu.memory_space<vmem>>
        %dma_start3A_479 = tpu.memref_squeeze %dma_start3A_478 : memref<1x128xi32, #tpu.memory_space<vmem>> -> memref<128xi32, #tpu.memory_space<vmem>>
        %dma_start3A_480 = arith.constant 0 : i32
        %dma_start3A_481 = arith.constant 0 : i32
        %dma_start3A_482 = tpu.memref_slice %arg10[%dma_start3A_480, %dma_start3A_481] : memref<10112x128xf32, #tpu.memory_space<vmem_shared>> -> memref<10112x128xf32, #tpu.memory_space<vmem_shared>>
        tpu.enqueue_indirect_dma source(%dma_start3A_476 : memref<128x128xf32, #tpu.memory_space<vmem>>) target(%dma_start3A_482 : memref<10112x128xf32, #tpu.memory_space<vmem_shared>>) offsets(%dma_start3A_479 : memref<128xi32, #tpu.memory_space<vmem>>) semaphore(%arg18 : memref<!tpu.dma_semaphore, #tpu.memory_space<semaphore_mem>>) {add = true}
        %add3A_483 = arith.constant 0 : i32
        %add3A_484 = arith.addi %mul3A_430, %add3A_483 : i32
        %dma_wait3A_485 = arith.constant 0 : i32
        %dma_wait3A_486 = arith.constant 0 : i32
        %dma_wait3A_487 = arith.constant 0 : i32
        %dma_wait3A_488 = tpu.memref_slice %arg14[%dma_wait3A_485, %dma_wait3A_486, %dma_wait3A_487] : memref<2x128x128xf32, #tpu.memory_space<vmem>> -> memref<1x128x128xf32, #tpu.memory_space<vmem>>
        %dma_wait3A_489 = tpu.memref_squeeze %dma_wait3A_488 : memref<1x128x128xf32, #tpu.memory_space<vmem>> -> memref<128x128xf32, #tpu.memory_space<vmem>>
        %dma_wait3A_490 = arith.constant 0 : i32
        %dma_wait3A_491 = tpu.memref_slice %arg12[%add3A_484, %dma_wait3A_490] : memref<16x128xi32, #tpu.memory_space<vmem>> -> memref<1x128xi32, #tpu.memory_space<vmem>>
        %dma_wait3A_492 = tpu.memref_squeeze %dma_wait3A_491 : memref<1x128xi32, #tpu.memory_space<vmem>> -> memref<128xi32, #tpu.memory_space<vmem>>
        %dma_wait3A_493 = arith.constant 0 : i32
        %dma_wait3A_494 = arith.constant 0 : i32
        %dma_wait3A_495 = tpu.memref_slice %arg10[%dma_wait3A_493, %dma_wait3A_494] : memref<10112x128xf32, #tpu.memory_space<vmem_shared>> -> memref<10112x128xf32, #tpu.memory_space<vmem_shared>>
        tpu.wait_indirect_dma semaphore(%arg17 : memref<!tpu.dma_semaphore, #tpu.memory_space<semaphore_mem>>) src(%dma_wait3A_489 : memref<128x128xf32, #tpu.memory_space<vmem>>) dst(%dma_wait3A_495 : memref<10112x128xf32, #tpu.memory_space<vmem_shared>>)
        %add3A_496 = arith.constant 2 : i32
        %add3A_497 = arith.addi %mul3A_430, %add3A_496 : i32
        %add3A_498 = arith.constant 0 : i32
        %add3A_499 = arith.addi %add3A_497, %add3A_498 : i32
        %dma_start3A_500 = arith.constant 0 : i32
        %dma_start3A_501 = arith.constant 0 : i32
        %dma_start3A_502 = arith.constant 0 : i32
        %dma_start3A_503 = tpu.memref_slice %arg14[%dma_start3A_500, %dma_start3A_501, %dma_start3A_502] : memref<2x128x128xf32, #tpu.memory_space<vmem>> -> memref<1x128x128xf32, #tpu.memory_space<vmem>>
        %dma_start3A_504 = tpu.memref_squeeze %dma_start3A_503 : memref<1x128x128xf32, #tpu.memory_space<vmem>> -> memref<128x128xf32, #tpu.memory_space<vmem>>
        %dma_start3A_505 = arith.constant 0 : i32
        %dma_start3A_506 = tpu.memref_slice %arg11[%add3A_499, %dma_start3A_505] : memref<16x128xi32, #tpu.memory_space<vmem>> -> memref<1x128xi32, #tpu.memory_space<vmem>>
        %dma_start3A_507 = tpu.memref_squeeze %dma_start3A_506 : memref<1x128xi32, #tpu.memory_space<vmem>> -> memref<128xi32, #tpu.memory_space<vmem>>
        %dma_start3A_508 = arith.constant 0 : i32
        %dma_start3A_509 = arith.constant 0 : i32
        %dma_start3A_510 = tpu.memref_slice %arg2[%dma_start3A_508, %dma_start3A_509] : memref<10112x128xf32, #tpu.memory_space<hbm>> -> memref<10112x128xf32, #tpu.memory_space<hbm>>
        tpu.enqueue_indirect_dma source(%dma_start3A_510 : memref<10112x128xf32, #tpu.memory_space<hbm>>) target(%dma_start3A_504 : memref<128x128xf32, #tpu.memory_space<vmem>>) offsets(%dma_start3A_507 : memref<128xi32, #tpu.memory_space<vmem>>) semaphore(%arg15 : memref<!tpu.dma_semaphore, #tpu.memory_space<semaphore_mem>>)
        %add3A_511 = arith.constant 1 : i32
        %add3A_512 = arith.addi %mul3A_430, %add3A_511 : i32
        %dma_wait3A_513 = arith.constant 1 : i32
        %dma_wait3A_514 = arith.constant 0 : i32
        %dma_wait3A_515 = arith.constant 0 : i32
        %dma_wait3A_516 = tpu.memref_slice %arg14[%dma_wait3A_513, %dma_wait3A_514, %dma_wait3A_515] : memref<2x128x128xf32, #tpu.memory_space<vmem>> -> memref<1x128x128xf32, #tpu.memory_space<vmem>>
        %dma_wait3A_517 = tpu.memref_squeeze %dma_wait3A_516 : memref<1x128x128xf32, #tpu.memory_space<vmem>> -> memref<128x128xf32, #tpu.memory_space<vmem>>
        %dma_wait3A_518 = arith.constant 0 : i32
        %dma_wait3A_519 = tpu.memref_slice %arg12[%add3A_512, %dma_wait3A_518] : memref<16x128xi32, #tpu.memory_space<vmem>> -> memref<1x128xi32, #tpu.memory_space<vmem>>
        %dma_wait3A_520 = tpu.memref_squeeze %dma_wait3A_519 : memref<1x128xi32, #tpu.memory_space<vmem>> -> memref<128xi32, #tpu.memory_space<vmem>>
        %dma_wait3A_521 = arith.constant 0 : i32
        %dma_wait3A_522 = arith.constant 0 : i32
        %dma_wait3A_523 = tpu.memref_slice %arg10[%dma_wait3A_521, %dma_wait3A_522] : memref<10112x128xf32, #tpu.memory_space<vmem_shared>> -> memref<10112x128xf32, #tpu.memory_space<vmem_shared>>
        tpu.wait_indirect_dma semaphore(%arg18 : memref<!tpu.dma_semaphore, #tpu.memory_space<semaphore_mem>>) src(%dma_wait3A_517 : memref<128x128xf32, #tpu.memory_space<vmem>>) dst(%dma_wait3A_523 : memref<10112x128xf32, #tpu.memory_space<vmem_shared>>)
        %add3A_524 = arith.constant 2 : i32
        %add3A_525 = arith.addi %mul3A_430, %add3A_524 : i32
        %add3A_526 = arith.constant 1 : i32
        %add3A_527 = arith.addi %add3A_525, %add3A_526 : i32
        %dma_start3A_528 = arith.constant 1 : i32
        %dma_start3A_529 = arith.constant 0 : i32
        %dma_start3A_530 = arith.constant 0 : i32
        %dma_start3A_531 = tpu.memref_slice %arg14[%dma_start3A_528, %dma_start3A_529, %dma_start3A_530] : memref<2x128x128xf32, #tpu.memory_space<vmem>> -> memref<1x128x128xf32, #tpu.memory_space<vmem>>
        %dma_start3A_532 = tpu.memref_squeeze %dma_start3A_531 : memref<1x128x128xf32, #tpu.memory_space<vmem>> -> memref<128x128xf32, #tpu.memory_space<vmem>>
        %dma_start3A_533 = arith.constant 0 : i32
        %dma_start3A_534 = tpu.memref_slice %arg11[%add3A_527, %dma_start3A_533] : memref<16x128xi32, #tpu.memory_space<vmem>> -> memref<1x128xi32, #tpu.memory_space<vmem>>
        %dma_start3A_535 = tpu.memref_squeeze %dma_start3A_534 : memref<1x128xi32, #tpu.memory_space<vmem>> -> memref<128xi32, #tpu.memory_space<vmem>>
        %dma_start3A_536 = arith.constant 0 : i32
        %dma_start3A_537 = arith.constant 0 : i32
        %dma_start3A_538 = tpu.memref_slice %arg2[%dma_start3A_536, %dma_start3A_537] : memref<10112x128xf32, #tpu.memory_space<hbm>> -> memref<10112x128xf32, #tpu.memory_space<hbm>>
        tpu.enqueue_indirect_dma source(%dma_start3A_538 : memref<10112x128xf32, #tpu.memory_space<hbm>>) target(%dma_start3A_532 : memref<128x128xf32, #tpu.memory_space<vmem>>) offsets(%dma_start3A_535 : memref<128xi32, #tpu.memory_space<vmem>>) semaphore(%arg16 : memref<!tpu.dma_semaphore, #tpu.memory_space<semaphore_mem>>)
      }
      %scan3A_351 = arith.constant 7 : i32
      %dma_wait3A_352 = arith.constant 14 : i32
      %dma_wait3A_353 = arith.constant 0 : i32
      %dma_wait3A_354 = arith.constant 0 : i32
      %dma_wait3A_355 = arith.constant 0 : i32
      %dma_wait3A_356 = tpu.memref_slice %arg14[%dma_wait3A_353, %dma_wait3A_354, %dma_wait3A_355] : memref<2x128x128xf32, #tpu.memory_space<vmem>> -> memref<1x128x128xf32, #tpu.memory_space<vmem>>
      %dma_wait3A_357 = tpu.memref_squeeze %dma_wait3A_356 : memref<1x128x128xf32, #tpu.memory_space<vmem>> -> memref<128x128xf32, #tpu.memory_space<vmem>>
      %dma_wait3A_358 = arith.constant 0 : i32
      %dma_wait3A_359 = tpu.memref_slice %arg11[%dma_wait3A_352, %dma_wait3A_358] : memref<16x128xi32, #tpu.memory_space<vmem>> -> memref<1x128xi32, #tpu.memory_space<vmem>>
      %dma_wait3A_360 = tpu.memref_squeeze %dma_wait3A_359 : memref<1x128xi32, #tpu.memory_space<vmem>> -> memref<128xi32, #tpu.memory_space<vmem>>
      %dma_wait3A_361 = arith.constant 0 : i32
      %dma_wait3A_362 = arith.constant 0 : i32
      %dma_wait3A_363 = tpu.memref_slice %arg2[%dma_wait3A_361, %dma_wait3A_362] : memref<10112x128xf32, #tpu.memory_space<hbm>> -> memref<10112x128xf32, #tpu.memory_space<hbm>>
      tpu.wait_indirect_dma semaphore(%arg15 : memref<!tpu.dma_semaphore, #tpu.memory_space<semaphore_mem>>) src(%dma_wait3A_363 : memref<10112x128xf32, #tpu.memory_space<hbm>>) dst(%dma_wait3A_357 : memref<128x128xf32, #tpu.memory_space<vmem>>)
      %dma_start3A_364 = arith.constant 0 : i32
      %dma_start3A_365 = arith.constant 14 : i32
      %dma_start3A_366 = arith.constant 0 : i32
      %dma_start3A_367 = arith.constant 0 : i32
      %dma_start3A_368 = tpu.memref_slice %arg14[%dma_start3A_364, %dma_start3A_366, %dma_start3A_367] : memref<2x128x128xf32, #tpu.memory_space<vmem>> -> memref<1x128x128xf32, #tpu.memory_space<vmem>>
      %dma_start3A_369 = tpu.memref_squeeze %dma_start3A_368 : memref<1x128x128xf32, #tpu.memory_space<vmem>> -> memref<128x128xf32, #tpu.memory_space<vmem>>
      %dma_start3A_370 = arith.constant 0 : i32
      %dma_start3A_371 = tpu.memref_slice %arg12[%dma_start3A_365, %dma_start3A_370] : memref<16x128xi32, #tpu.memory_space<vmem>> -> memref<1x128xi32, #tpu.memory_space<vmem>>
      %dma_start3A_372 = tpu.memref_squeeze %dma_start3A_371 : memref<1x128xi32, #tpu.memory_space<vmem>> -> memref<128xi32, #tpu.memory_space<vmem>>
      %dma_start3A_373 = arith.constant 0 : i32
      %dma_start3A_374 = arith.constant 0 : i32
      %dma_start3A_375 = tpu.memref_slice %arg10[%dma_start3A_373, %dma_start3A_374] : memref<10112x128xf32, #tpu.memory_space<vmem_shared>> -> memref<10112x128xf32, #tpu.memory_space<vmem_shared>>
      tpu.enqueue_indirect_dma source(%dma_start3A_369 : memref<128x128xf32, #tpu.memory_space<vmem>>) target(%dma_start3A_375 : memref<10112x128xf32, #tpu.memory_space<vmem_shared>>) offsets(%dma_start3A_372 : memref<128xi32, #tpu.memory_space<vmem>>) semaphore(%arg17 : memref<!tpu.dma_semaphore, #tpu.memory_space<semaphore_mem>>) {add = true}
      %dma_wait3A_376 = arith.constant 15 : i32
      %dma_wait3A_377 = arith.constant 1 : i32
      %dma_wait3A_378 = arith.constant 0 : i32
      %dma_wait3A_379 = arith.constant 0 : i32
      %dma_wait3A_380 = tpu.memref_slice %arg14[%dma_wait3A_377, %dma_wait3A_378, %dma_wait3A_379] : memref<2x128x128xf32, #tpu.memory_space<vmem>> -> memref<1x128x128xf32, #tpu.memory_space<vmem>>
      %dma_wait3A_381 = tpu.memref_squeeze %dma_wait3A_380 : memref<1x128x128xf32, #tpu.memory_space<vmem>> -> memref<128x128xf32, #tpu.memory_space<vmem>>
      %dma_wait3A_382 = arith.constant 0 : i32
      %dma_wait3A_383 = tpu.memref_slice %arg11[%dma_wait3A_376, %dma_wait3A_382] : memref<16x128xi32, #tpu.memory_space<vmem>> -> memref<1x128xi32, #tpu.memory_space<vmem>>
      %dma_wait3A_384 = tpu.memref_squeeze %dma_wait3A_383 : memref<1x128xi32, #tpu.memory_space<vmem>> -> memref<128xi32, #tpu.memory_space<vmem>>
      %dma_wait3A_385 = arith.constant 0 : i32
      %dma_wait3A_386 = arith.constant 0 : i32
      %dma_wait3A_387 = tpu.memref_slice %arg2[%dma_wait3A_385, %dma_wait3A_386] : memref<10112x128xf32, #tpu.memory_space<hbm>> -> memref<10112x128xf32, #tpu.memory_space<hbm>>
      tpu.wait_indirect_dma semaphore(%arg16 : memref<!tpu.dma_semaphore, #tpu.memory_space<semaphore_mem>>) src(%dma_wait3A_387 : memref<10112x128xf32, #tpu.memory_space<hbm>>) dst(%dma_wait3A_381 : memref<128x128xf32, #tpu.memory_space<vmem>>)
      %dma_start3A_388 = arith.constant 1 : i32
      %dma_start3A_389 = arith.constant 15 : i32
      %dma_start3A_390 = arith.constant 0 : i32
      %dma_start3A_391 = arith.constant 0 : i32
      %dma_start3A_392 = tpu.memref_slice %arg14[%dma_start3A_388, %dma_start3A_390, %dma_start3A_391] : memref<2x128x128xf32, #tpu.memory_space<vmem>> -> memref<1x128x128xf32, #tpu.memory_space<vmem>>
      %dma_start3A_393 = tpu.memref_squeeze %dma_start3A_392 : memref<1x128x128xf32, #tpu.memory_space<vmem>> -> memref<128x128xf32, #tpu.memory_space<vmem>>
      %dma_start3A_394 = arith.constant 0 : i32
      %dma_start3A_395 = tpu.memref_slice %arg12[%dma_start3A_389, %dma_start3A_394] : memref<16x128xi32, #tpu.memory_space<vmem>> -> memref<1x128xi32, #tpu.memory_space<vmem>>
      %dma_start3A_396 = tpu.memref_squeeze %dma_start3A_395 : memref<1x128xi32, #tpu.memory_space<vmem>> -> memref<128xi32, #tpu.memory_space<vmem>>
      %dma_start3A_397 = arith.constant 0 : i32
      %dma_start3A_398 = arith.constant 0 : i32
      %dma_start3A_399 = tpu.memref_slice %arg10[%dma_start3A_397, %dma_start3A_398] : memref<10112x128xf32, #tpu.memory_space<vmem_shared>> -> memref<10112x128xf32, #tpu.memory_space<vmem_shared>>
      tpu.enqueue_indirect_dma source(%dma_start3A_393 : memref<128x128xf32, #tpu.memory_space<vmem>>) target(%dma_start3A_399 : memref<10112x128xf32, #tpu.memory_space<vmem_shared>>) offsets(%dma_start3A_396 : memref<128xi32, #tpu.memory_space<vmem>>) semaphore(%arg18 : memref<!tpu.dma_semaphore, #tpu.memory_space<semaphore_mem>>) {add = true}
      %dma_wait3A_400 = arith.constant 0 : i32
      %dma_wait3A_401 = arith.constant 14 : i32
      %dma_wait3A_402 = arith.constant 0 : i32
      %dma_wait3A_403 = arith.constant 0 : i32
      %dma_wait3A_404 = tpu.memref_slice %arg14[%dma_wait3A_400, %dma_wait3A_402, %dma_wait3A_403] : memref<2x128x128xf32, #tpu.memory_space<vmem>> -> memref<1x128x128xf32, #tpu.memory_space<vmem>>
      %dma_wait3A_405 = tpu.memref_squeeze %dma_wait3A_404 : memref<1x128x128xf32, #tpu.memory_space<vmem>> -> memref<128x128xf32, #tpu.memory_space<vmem>>
      %dma_wait3A_406 = arith.constant 0 : i32
      %dma_wait3A_407 = tpu.memref_slice %arg12[%dma_wait3A_401, %dma_wait3A_406] : memref<16x128xi32, #tpu.memory_space<vmem>> -> memref<1x128xi32, #tpu.memory_space<vmem>>
      %dma_wait3A_408 = tpu.memref_squeeze %dma_wait3A_407 : memref<1x128xi32, #tpu.memory_space<vmem>> -> memref<128xi32, #tpu.memory_space<vmem>>
      %dma_wait3A_409 = arith.constant 0 : i32
      %dma_wait3A_410 = arith.constant 0 : i32
      %dma_wait3A_411 = tpu.memref_slice %arg10[%dma_wait3A_409, %dma_wait3A_410] : memref<10112x128xf32, #tpu.memory_space<vmem_shared>> -> memref<10112x128xf32, #tpu.memory_space<vmem_shared>>
      tpu.wait_indirect_dma semaphore(%arg17 : memref<!tpu.dma_semaphore, #tpu.memory_space<semaphore_mem>>) src(%dma_wait3A_405 : memref<128x128xf32, #tpu.memory_space<vmem>>) dst(%dma_wait3A_411 : memref<10112x128xf32, #tpu.memory_space<vmem_shared>>)
      %dma_wait3A_412 = arith.constant 1 : i32
      %dma_wait3A_413 = arith.constant 15 : i32
      %dma_wait3A_414 = arith.constant 0 : i32
      %dma_wait3A_415 = arith.constant 0 : i32
      %dma_wait3A_416 = tpu.memref_slice %arg14[%dma_wait3A_412, %dma_wait3A_414, %dma_wait3A_415] : memref<2x128x128xf32, #tpu.memory_space<vmem>> -> memref<1x128x128xf32, #tpu.memory_space<vmem>>
      %dma_wait3A_417 = tpu.memref_squeeze %dma_wait3A_416 : memref<1x128x128xf32, #tpu.memory_space<vmem>> -> memref<128x128xf32, #tpu.memory_space<vmem>>
      %dma_wait3A_418 = arith.constant 0 : i32
      %dma_wait3A_419 = tpu.memref_slice %arg12[%dma_wait3A_413, %dma_wait3A_418] : memref<16x128xi32, #tpu.memory_space<vmem>> -> memref<1x128xi32, #tpu.memory_space<vmem>>
      %dma_wait3A_420 = tpu.memref_squeeze %dma_wait3A_419 : memref<1x128xi32, #tpu.memory_space<vmem>> -> memref<128xi32, #tpu.memory_space<vmem>>
      %dma_wait3A_421 = arith.constant 0 : i32
      %dma_wait3A_422 = arith.constant 0 : i32
      %dma_wait3A_423 = tpu.memref_slice %arg10[%dma_wait3A_421, %dma_wait3A_422] : memref<10112x128xf32, #tpu.memory_space<vmem_shared>> -> memref<10112x128xf32, #tpu.memory_space<vmem_shared>>
      tpu.wait_indirect_dma semaphore(%arg18 : memref<!tpu.dma_semaphore, #tpu.memory_space<semaphore_mem>>) src(%dma_wait3A_417 : memref<128x128xf32, #tpu.memory_space<vmem>>) dst(%dma_wait3A_423 : memref<10112x128xf32, #tpu.memory_space<vmem_shared>>)
    }
    %scan3A_175 = arith.constant 10 : i32
    %barrier3A_176 = arith.constant 0 : index
    tpu.barrier barrier_id(%barrier3A_176)
    %dma_start3A_177 = arith.constant 0 : i32
    %dma_start3A_178 = arith.constant 0 : i32
    %dma_start3A_179 = arith.constant 0 : i32
    %dma_start3A_180 = arith.constant 0 : i32
    %dma_start3A_181 = tpu.memref_slice %arg14[%dma_start3A_178, %dma_start3A_179, %dma_start3A_180] : memref<2x128x128xf32, #tpu.memory_space<vmem>> -> memref<1x128x128xf32, #tpu.memory_space<vmem>>
    %dma_start3A_182 = tpu.memref_squeeze %dma_start3A_181 : memref<1x128x128xf32, #tpu.memory_space<vmem>> -> memref<128x128xf32, #tpu.memory_space<vmem>>
    %dma_start3A_183 = arith.constant 0 : i32
    %dma_start3A_184 = tpu.memref_slice %arg13[%dma_start3A_177, %dma_start3A_183] : memref<8x128xi32, #tpu.memory_space<vmem>> -> memref<1x128xi32, #tpu.memory_space<vmem>>
    %dma_start3A_185 = tpu.memref_squeeze %dma_start3A_184 : memref<1x128xi32, #tpu.memory_space<vmem>> -> memref<128xi32, #tpu.memory_space<vmem>>
    %dma_start3A_186 = arith.constant 0 : i32
    %dma_start3A_187 = arith.constant 0 : i32
    %dma_start3A_188 = tpu.memref_slice %arg10[%dma_start3A_186, %dma_start3A_187] : memref<10112x128xf32, #tpu.memory_space<vmem_shared>> -> memref<10112x128xf32, #tpu.memory_space<vmem_shared>>
    tpu.enqueue_indirect_dma source(%dma_start3A_188 : memref<10112x128xf32, #tpu.memory_space<vmem_shared>>) target(%dma_start3A_182 : memref<128x128xf32, #tpu.memory_space<vmem>>) offsets(%dma_start3A_185 : memref<128xi32, #tpu.memory_space<vmem>>) semaphore(%arg15 : memref<!tpu.dma_semaphore, #tpu.memory_space<semaphore_mem>>)
    %dma_wait3A_189 = arith.constant 0 : i32
    %dma_wait3A_190 = arith.constant 0 : i32
    %dma_wait3A_191 = arith.constant 0 : i32
    %dma_wait3A_192 = arith.constant 0 : i32
    %dma_wait3A_193 = tpu.memref_slice %arg14[%dma_wait3A_190, %dma_wait3A_191, %dma_wait3A_192] : memref<2x128x128xf32, #tpu.memory_space<vmem>> -> memref<1x128x128xf32, #tpu.memory_space<vmem>>
    %dma_wait3A_194 = tpu.memref_squeeze %dma_wait3A_193 : memref<1x128x128xf32, #tpu.memory_space<vmem>> -> memref<128x128xf32, #tpu.memory_space<vmem>>
    %dma_wait3A_195 = arith.constant 0 : i32
    %dma_wait3A_196 = tpu.memref_slice %arg13[%dma_wait3A_189, %dma_wait3A_195] : memref<8x128xi32, #tpu.memory_space<vmem>> -> memref<1x128xi32, #tpu.memory_space<vmem>>
    %dma_wait3A_197 = tpu.memref_squeeze %dma_wait3A_196 : memref<1x128xi32, #tpu.memory_space<vmem>> -> memref<128xi32, #tpu.memory_space<vmem>>
    %dma_wait3A_198 = arith.constant 0 : i32
    %dma_wait3A_199 = arith.constant 0 : i32
    %dma_wait3A_200 = tpu.memref_slice %arg10[%dma_wait3A_198, %dma_wait3A_199] : memref<10112x128xf32, #tpu.memory_space<vmem_shared>> -> memref<10112x128xf32, #tpu.memory_space<vmem_shared>>
    tpu.wait_indirect_dma semaphore(%arg15 : memref<!tpu.dma_semaphore, #tpu.memory_space<semaphore_mem>>) src(%dma_wait3A_200 : memref<10112x128xf32, #tpu.memory_space<vmem_shared>>) dst(%dma_wait3A_194 : memref<128x128xf32, #tpu.memory_space<vmem>>)
    %add3A_201 = arith.constant 0 : i32
    %add3A_202 = arith.addi %add3A_7, %add3A_201 : i32
    %run_scoped3A_203 = arith.constant 0 : i32
    "tpu.region"() ({
      %run_scoped3A_312 = tpu.sem_alloc : memref<!tpu.dma_semaphore, #tpu.memory_space<semaphore_mem>>
      %dma_start3A_313 = arith.constant 0 : i32
      %dma_start3A_314 = arith.constant 0 : i32
      %dma_start3A_315 = tpu.memref_slice %arg14[%run_scoped3A_203, %dma_start3A_313, %dma_start3A_314] : memref<2x128x128xf32, #tpu.memory_space<vmem>> -> memref<1x128x128xf32, #tpu.memory_space<vmem>>
      %dma_start3A_316 = tpu.memref_squeeze %dma_start3A_315 : memref<1x128x128xf32, #tpu.memory_space<vmem>> -> memref<128x128xf32, #tpu.memory_space<vmem>>
      %dma_start3A_317 = arith.constant 0 : i32
      %dma_start3A_318 = tpu.memref_slice %arg8[%add3A_202, %dma_start3A_317] : memref<20224x128xf32, #tpu.memory_space<hbm>> -> memref<128x128xf32, #tpu.memory_space<hbm>>
      %dma_start3A_319 = arith.constant 0 : i32
      %dma_start3A_320 = tpu.memref_slice %arg8[%add3A_202, %dma_start3A_319] : memref<20224x128xf32, #tpu.memory_space<hbm>> -> memref<128x128xf32, #tpu.memory_space<hbm>>
      %dma_start3A_321 = arith.constant 0 : i32
      %dma_start3A_322 = arith.constant 0 : i32
      %dma_start3A_323 = tpu.memref_slice %arg14[%run_scoped3A_203, %dma_start3A_321, %dma_start3A_322] : memref<2x128x128xf32, #tpu.memory_space<vmem>> -> memref<1x128x128xf32, #tpu.memory_space<vmem>>
      %dma_start3A_324 = tpu.memref_squeeze %dma_start3A_323 : memref<1x128x128xf32, #tpu.memory_space<vmem>> -> memref<128x128xf32, #tpu.memory_space<vmem>>
      tpu.enqueue_dma source(%dma_start3A_324 : memref<128x128xf32, #tpu.memory_space<vmem>>) target(%dma_start3A_320 : memref<128x128xf32, #tpu.memory_space<hbm>>) target_semaphore(%run_scoped3A_312 : memref<!tpu.dma_semaphore, #tpu.memory_space<semaphore_mem>>)
      %dma_wait3A_325 = arith.constant 0 : i32
      %dma_wait3A_326 = arith.constant 0 : i32
      %dma_wait3A_327 = tpu.memref_slice %arg14[%run_scoped3A_203, %dma_wait3A_325, %dma_wait3A_326] : memref<2x128x128xf32, #tpu.memory_space<vmem>> -> memref<1x128x128xf32, #tpu.memory_space<vmem>>
      %dma_wait3A_328 = tpu.memref_squeeze %dma_wait3A_327 : memref<1x128x128xf32, #tpu.memory_space<vmem>> -> memref<128x128xf32, #tpu.memory_space<vmem>>
      %dma_wait3A_329 = arith.constant 0 : i32
      %dma_wait3A_330 = tpu.memref_slice %arg8[%add3A_202, %dma_wait3A_329] : memref<20224x128xf32, #tpu.memory_space<hbm>> -> memref<128x128xf32, #tpu.memory_space<hbm>>
      %dma_wait3A_331 = arith.constant 0 : i32
      %dma_wait3A_332 = tpu.memref_slice %arg8[%add3A_202, %dma_wait3A_331] : memref<20224x128xf32, #tpu.memory_space<hbm>> -> memref<128x128xf32, #tpu.memory_space<hbm>>
      %dma_wait3A_333 = arith.constant 0 : i32
      %dma_wait3A_334 = arith.constant 0 : i32
      %dma_wait3A_335 = tpu.memref_slice %arg14[%run_scoped3A_203, %dma_wait3A_333, %dma_wait3A_334] : memref<2x128x128xf32, #tpu.memory_space<vmem>> -> memref<1x128x128xf32, #tpu.memory_space<vmem>>
      %dma_wait3A_336 = tpu.memref_squeeze %dma_wait3A_335 : memref<1x128x128xf32, #tpu.memory_space<vmem>> -> memref<128x128xf32, #tpu.memory_space<vmem>>
      tpu.wait_dma2 semaphore(%run_scoped3A_312 : memref<!tpu.dma_semaphore, #tpu.memory_space<semaphore_mem>>) src(%dma_wait3A_336 : memref<128x128xf32, #tpu.memory_space<vmem>>) dst(%dma_wait3A_332 : memref<128x128xf32, #tpu.memory_space<hbm>>)
      tpu.yield
    }) : () -> ()
    %dma_start3A_204 = arith.constant 1 : i32
    %dma_start3A_205 = arith.constant 0 : i32
    %dma_start3A_206 = arith.constant 0 : i32
    %dma_start3A_207 = arith.constant 0 : i32
    %dma_start3A_208 = tpu.memref_slice %arg14[%dma_start3A_205, %dma_start3A_206, %dma_start3A_207] : memref<2x128x128xf32, #tpu.memory_space<vmem>> -> memref<1x128x128xf32, #tpu.memory_space<vmem>>
    %dma_start3A_209 = tpu.memref_squeeze %dma_start3A_208 : memref<1x128x128xf32, #tpu.memory_space<vmem>> -> memref<128x128xf32, #tpu.memory_space<vmem>>
    %dma_start3A_210 = arith.constant 0 : i32
    %dma_start3A_211 = tpu.memref_slice %arg13[%dma_start3A_204, %dma_start3A_210] : memref<8x128xi32, #tpu.memory_space<vmem>> -> memref<1x128xi32, #tpu.memory_space<vmem>>
    %dma_start3A_212 = tpu.memref_squeeze %dma_start3A_211 : memref<1x128xi32, #tpu.memory_space<vmem>> -> memref<128xi32, #tpu.memory_space<vmem>>
    %dma_start3A_213 = arith.constant 0 : i32
    %dma_start3A_214 = arith.constant 0 : i32
    %dma_start3A_215 = tpu.memref_slice %arg10[%dma_start3A_213, %dma_start3A_214] : memref<10112x128xf32, #tpu.memory_space<vmem_shared>> -> memref<10112x128xf32, #tpu.memory_space<vmem_shared>>
    tpu.enqueue_indirect_dma source(%dma_start3A_215 : memref<10112x128xf32, #tpu.memory_space<vmem_shared>>) target(%dma_start3A_209 : memref<128x128xf32, #tpu.memory_space<vmem>>) offsets(%dma_start3A_212 : memref<128xi32, #tpu.memory_space<vmem>>) semaphore(%arg15 : memref<!tpu.dma_semaphore, #tpu.memory_space<semaphore_mem>>)
    %dma_wait3A_216 = arith.constant 1 : i32
    %dma_wait3A_217 = arith.constant 0 : i32
    %dma_wait3A_218 = arith.constant 0 : i32
    %dma_wait3A_219 = arith.constant 0 : i32
    %dma_wait3A_220 = tpu.memref_slice %arg14[%dma_wait3A_217, %dma_wait3A_218, %dma_wait3A_219] : memref<2x128x128xf32, #tpu.memory_space<vmem>> -> memref<1x128x128xf32, #tpu.memory_space<vmem>>
    %dma_wait3A_221 = tpu.memref_squeeze %dma_wait3A_220 : memref<1x128x128xf32, #tpu.memory_space<vmem>> -> memref<128x128xf32, #tpu.memory_space<vmem>>
    %dma_wait3A_222 = arith.constant 0 : i32
    %dma_wait3A_223 = tpu.memref_slice %arg13[%dma_wait3A_216, %dma_wait3A_222] : memref<8x128xi32, #tpu.memory_space<vmem>> -> memref<1x128xi32, #tpu.memory_space<vmem>>
    %dma_wait3A_224 = tpu.memref_squeeze %dma_wait3A_223 : memref<1x128xi32, #tpu.memory_space<vmem>> -> memref<128xi32, #tpu.memory_space<vmem>>
    %dma_wait3A_225 = arith.constant 0 : i32
    %dma_wait3A_226 = arith.constant 0 : i32
    %dma_wait3A_227 = tpu.memref_slice %arg10[%dma_wait3A_225, %dma_wait3A_226] : memref<10112x128xf32, #tpu.memory_space<vmem_shared>> -> memref<10112x128xf32, #tpu.memory_space<vmem_shared>>
    tpu.wait_indirect_dma semaphore(%arg15 : memref<!tpu.dma_semaphore, #tpu.memory_space<semaphore_mem>>) src(%dma_wait3A_227 : memref<10112x128xf32, #tpu.memory_space<vmem_shared>>) dst(%dma_wait3A_221 : memref<128x128xf32, #tpu.memory_space<vmem>>)
    %add3A_228 = arith.constant 128 : i32
    %add3A_229 = arith.addi %add3A_7, %add3A_228 : i32
    %run_scoped3A_230 = arith.constant 0 : i32
    "tpu.region"() ({
      %run_scoped3A_312 = tpu.sem_alloc : memref<!tpu.dma_semaphore, #tpu.memory_space<semaphore_mem>>
      %dma_start3A_313 = arith.constant 0 : i32
      %dma_start3A_314 = arith.constant 0 : i32
      %dma_start3A_315 = tpu.memref_slice %arg14[%run_scoped3A_230, %dma_start3A_313, %dma_start3A_314] : memref<2x128x128xf32, #tpu.memory_space<vmem>> -> memref<1x128x128xf32, #tpu.memory_space<vmem>>
      %dma_start3A_316 = tpu.memref_squeeze %dma_start3A_315 : memref<1x128x128xf32, #tpu.memory_space<vmem>> -> memref<128x128xf32, #tpu.memory_space<vmem>>
      %dma_start3A_317 = arith.constant 0 : i32
      %dma_start3A_318 = tpu.memref_slice %arg8[%add3A_229, %dma_start3A_317] : memref<20224x128xf32, #tpu.memory_space<hbm>> -> memref<128x128xf32, #tpu.memory_space<hbm>>
      %dma_start3A_319 = arith.constant 0 : i32
      %dma_start3A_320 = tpu.memref_slice %arg8[%add3A_229, %dma_start3A_319] : memref<20224x128xf32, #tpu.memory_space<hbm>> -> memref<128x128xf32, #tpu.memory_space<hbm>>
      %dma_start3A_321 = arith.constant 0 : i32
      %dma_start3A_322 = arith.constant 0 : i32
      %dma_start3A_323 = tpu.memref_slice %arg14[%run_scoped3A_230, %dma_start3A_321, %dma_start3A_322] : memref<2x128x128xf32, #tpu.memory_space<vmem>> -> memref<1x128x128xf32, #tpu.memory_space<vmem>>
      %dma_start3A_324 = tpu.memref_squeeze %dma_start3A_323 : memref<1x128x128xf32, #tpu.memory_space<vmem>> -> memref<128x128xf32, #tpu.memory_space<vmem>>
      tpu.enqueue_dma source(%dma_start3A_324 : memref<128x128xf32, #tpu.memory_space<vmem>>) target(%dma_start3A_320 : memref<128x128xf32, #tpu.memory_space<hbm>>) target_semaphore(%run_scoped3A_312 : memref<!tpu.dma_semaphore, #tpu.memory_space<semaphore_mem>>)
      %dma_wait3A_325 = arith.constant 0 : i32
      %dma_wait3A_326 = arith.constant 0 : i32
      %dma_wait3A_327 = tpu.memref_slice %arg14[%run_scoped3A_230, %dma_wait3A_325, %dma_wait3A_326] : memref<2x128x128xf32, #tpu.memory_space<vmem>> -> memref<1x128x128xf32, #tpu.memory_space<vmem>>
      %dma_wait3A_328 = tpu.memref_squeeze %dma_wait3A_327 : memref<1x128x128xf32, #tpu.memory_space<vmem>> -> memref<128x128xf32, #tpu.memory_space<vmem>>
      %dma_wait3A_329 = arith.constant 0 : i32
      %dma_wait3A_330 = tpu.memref_slice %arg8[%add3A_229, %dma_wait3A_329] : memref<20224x128xf32, #tpu.memory_space<hbm>> -> memref<128x128xf32, #tpu.memory_space<hbm>>
      %dma_wait3A_331 = arith.constant 0 : i32
      %dma_wait3A_332 = tpu.memref_slice %arg8[%add3A_229, %dma_wait3A_331] : memref<20224x128xf32, #tpu.memory_space<hbm>> -> memref<128x128xf32, #tpu.memory_space<hbm>>
      %dma_wait3A_333 = arith.constant 0 : i32
      %dma_wait3A_334 = arith.constant 0 : i32
      %dma_wait3A_335 = tpu.memref_slice %arg14[%run_scoped3A_230, %dma_wait3A_333, %dma_wait3A_334] : memref<2x128x128xf32, #tpu.memory_space<vmem>> -> memref<1x128x128xf32, #tpu.memory_space<vmem>>
      %dma_wait3A_336 = tpu.memref_squeeze %dma_wait3A_335 : memref<1x128x128xf32, #tpu.memory_space<vmem>> -> memref<128x128xf32, #tpu.memory_space<vmem>>
      tpu.wait_dma2 semaphore(%run_scoped3A_312 : memref<!tpu.dma_semaphore, #tpu.memory_space<semaphore_mem>>) src(%dma_wait3A_336 : memref<128x128xf32, #tpu.memory_space<vmem>>) dst(%dma_wait3A_332 : memref<128x128xf32, #tpu.memory_space<hbm>>)
      tpu.yield
    }) : () -> ()
    %dma_start3A_231 = arith.constant 2 : i32
    %dma_start3A_232 = arith.constant 0 : i32
    %dma_start3A_233 = arith.constant 0 : i32
    %dma_start3A_234 = arith.constant 0 : i32
    %dma_start3A_235 = tpu.memref_slice %arg14[%dma_start3A_232, %dma_start3A_233, %dma_start3A_234] : memref<2x128x128xf32, #tpu.memory_space<vmem>> -> memref<1x128x128xf32, #tpu.memory_space<vmem>>
    %dma_start3A_236 = tpu.memref_squeeze %dma_start3A_235 : memref<1x128x128xf32, #tpu.memory_space<vmem>> -> memref<128x128xf32, #tpu.memory_space<vmem>>
    %dma_start3A_237 = arith.constant 0 : i32
    %dma_start3A_238 = tpu.memref_slice %arg13[%dma_start3A_231, %dma_start3A_237] : memref<8x128xi32, #tpu.memory_space<vmem>> -> memref<1x128xi32, #tpu.memory_space<vmem>>
    %dma_start3A_239 = tpu.memref_squeeze %dma_start3A_238 : memref<1x128xi32, #tpu.memory_space<vmem>> -> memref<128xi32, #tpu.memory_space<vmem>>
    %dma_start3A_240 = arith.constant 0 : i32
    %dma_start3A_241 = arith.constant 0 : i32
    %dma_start3A_242 = tpu.memref_slice %arg10[%dma_start3A_240, %dma_start3A_241] : memref<10112x128xf32, #tpu.memory_space<vmem_shared>> -> memref<10112x128xf32, #tpu.memory_space<vmem_shared>>
    tpu.enqueue_indirect_dma source(%dma_start3A_242 : memref<10112x128xf32, #tpu.memory_space<vmem_shared>>) target(%dma_start3A_236 : memref<128x128xf32, #tpu.memory_space<vmem>>) offsets(%dma_start3A_239 : memref<128xi32, #tpu.memory_space<vmem>>) semaphore(%arg15 : memref<!tpu.dma_semaphore, #tpu.memory_space<semaphore_mem>>)
    %dma_wait3A_243 = arith.constant 2 : i32
    %dma_wait3A_244 = arith.constant 0 : i32
    %dma_wait3A_245 = arith.constant 0 : i32
    %dma_wait3A_246 = arith.constant 0 : i32
    %dma_wait3A_247 = tpu.memref_slice %arg14[%dma_wait3A_244, %dma_wait3A_245, %dma_wait3A_246] : memref<2x128x128xf32, #tpu.memory_space<vmem>> -> memref<1x128x128xf32, #tpu.memory_space<vmem>>
    %dma_wait3A_248 = tpu.memref_squeeze %dma_wait3A_247 : memref<1x128x128xf32, #tpu.memory_space<vmem>> -> memref<128x128xf32, #tpu.memory_space<vmem>>
    %dma_wait3A_249 = arith.constant 0 : i32
    %dma_wait3A_250 = tpu.memref_slice %arg13[%dma_wait3A_243, %dma_wait3A_249] : memref<8x128xi32, #tpu.memory_space<vmem>> -> memref<1x128xi32, #tpu.memory_space<vmem>>
    %dma_wait3A_251 = tpu.memref_squeeze %dma_wait3A_250 : memref<1x128xi32, #tpu.memory_space<vmem>> -> memref<128xi32, #tpu.memory_space<vmem>>
    %dma_wait3A_252 = arith.constant 0 : i32
    %dma_wait3A_253 = arith.constant 0 : i32
    %dma_wait3A_254 = tpu.memref_slice %arg10[%dma_wait3A_252, %dma_wait3A_253] : memref<10112x128xf32, #tpu.memory_space<vmem_shared>> -> memref<10112x128xf32, #tpu.memory_space<vmem_shared>>
    tpu.wait_indirect_dma semaphore(%arg15 : memref<!tpu.dma_semaphore, #tpu.memory_space<semaphore_mem>>) src(%dma_wait3A_254 : memref<10112x128xf32, #tpu.memory_space<vmem_shared>>) dst(%dma_wait3A_248 : memref<128x128xf32, #tpu.memory_space<vmem>>)
    %add3A_255 = arith.constant 256 : i32
    %add3A_256 = arith.addi %add3A_7, %add3A_255 : i32
    %run_scoped3A_257 = arith.constant 0 : i32
    "tpu.region"() ({
      %run_scoped3A_312 = tpu.sem_alloc : memref<!tpu.dma_semaphore, #tpu.memory_space<semaphore_mem>>
      %dma_start3A_313 = arith.constant 0 : i32
      %dma_start3A_314 = arith.constant 0 : i32
      %dma_start3A_315 = tpu.memref_slice %arg14[%run_scoped3A_257, %dma_start3A_313, %dma_start3A_314] : memref<2x128x128xf32, #tpu.memory_space<vmem>> -> memref<1x128x128xf32, #tpu.memory_space<vmem>>
      %dma_start3A_316 = tpu.memref_squeeze %dma_start3A_315 : memref<1x128x128xf32, #tpu.memory_space<vmem>> -> memref<128x128xf32, #tpu.memory_space<vmem>>
      %dma_start3A_317 = arith.constant 0 : i32
      %dma_start3A_318 = tpu.memref_slice %arg8[%add3A_256, %dma_start3A_317] : memref<20224x128xf32, #tpu.memory_space<hbm>> -> memref<128x128xf32, #tpu.memory_space<hbm>>
      %dma_start3A_319 = arith.constant 0 : i32
      %dma_start3A_320 = tpu.memref_slice %arg8[%add3A_256, %dma_start3A_319] : memref<20224x128xf32, #tpu.memory_space<hbm>> -> memref<128x128xf32, #tpu.memory_space<hbm>>
      %dma_start3A_321 = arith.constant 0 : i32
      %dma_start3A_322 = arith.constant 0 : i32
      %dma_start3A_323 = tpu.memref_slice %arg14[%run_scoped3A_257, %dma_start3A_321, %dma_start3A_322] : memref<2x128x128xf32, #tpu.memory_space<vmem>> -> memref<1x128x128xf32, #tpu.memory_space<vmem>>
      %dma_start3A_324 = tpu.memref_squeeze %dma_start3A_323 : memref<1x128x128xf32, #tpu.memory_space<vmem>> -> memref<128x128xf32, #tpu.memory_space<vmem>>
      tpu.enqueue_dma source(%dma_start3A_324 : memref<128x128xf32, #tpu.memory_space<vmem>>) target(%dma_start3A_320 : memref<128x128xf32, #tpu.memory_space<hbm>>) target_semaphore(%run_scoped3A_312 : memref<!tpu.dma_semaphore, #tpu.memory_space<semaphore_mem>>)
      %dma_wait3A_325 = arith.constant 0 : i32
      %dma_wait3A_326 = arith.constant 0 : i32
      %dma_wait3A_327 = tpu.memref_slice %arg14[%run_scoped3A_257, %dma_wait3A_325, %dma_wait3A_326] : memref<2x128x128xf32, #tpu.memory_space<vmem>> -> memref<1x128x128xf32, #tpu.memory_space<vmem>>
      %dma_wait3A_328 = tpu.memref_squeeze %dma_wait3A_327 : memref<1x128x128xf32, #tpu.memory_space<vmem>> -> memref<128x128xf32, #tpu.memory_space<vmem>>
      %dma_wait3A_329 = arith.constant 0 : i32
      %dma_wait3A_330 = tpu.memref_slice %arg8[%add3A_256, %dma_wait3A_329] : memref<20224x128xf32, #tpu.memory_space<hbm>> -> memref<128x128xf32, #tpu.memory_space<hbm>>
      %dma_wait3A_331 = arith.constant 0 : i32
      %dma_wait3A_332 = tpu.memref_slice %arg8[%add3A_256, %dma_wait3A_331] : memref<20224x128xf32, #tpu.memory_space<hbm>> -> memref<128x128xf32, #tpu.memory_space<hbm>>
      %dma_wait3A_333 = arith.constant 0 : i32
      %dma_wait3A_334 = arith.constant 0 : i32
      %dma_wait3A_335 = tpu.memref_slice %arg14[%run_scoped3A_257, %dma_wait3A_333, %dma_wait3A_334] : memref<2x128x128xf32, #tpu.memory_space<vmem>> -> memref<1x128x128xf32, #tpu.memory_space<vmem>>
      %dma_wait3A_336 = tpu.memref_squeeze %dma_wait3A_335 : memref<1x128x128xf32, #tpu.memory_space<vmem>> -> memref<128x128xf32, #tpu.memory_space<vmem>>
      tpu.wait_dma2 semaphore(%run_scoped3A_312 : memref<!tpu.dma_semaphore, #tpu.memory_space<semaphore_mem>>) src(%dma_wait3A_336 : memref<128x128xf32, #tpu.memory_space<vmem>>) dst(%dma_wait3A_332 : memref<128x128xf32, #tpu.memory_space<hbm>>)
      tpu.yield
    }) : () -> ()
    %dma_start3A_258 = arith.constant 3 : i32
    %dma_start3A_259 = arith.constant 0 : i32
    %dma_start3A_260 = arith.constant 0 : i32
    %dma_start3A_261 = arith.constant 0 : i32
    %dma_start3A_262 = tpu.memref_slice %arg14[%dma_start3A_259, %dma_start3A_260, %dma_start3A_261] : memref<2x128x128xf32, #tpu.memory_space<vmem>> -> memref<1x128x128xf32, #tpu.memory_space<vmem>>
    %dma_start3A_263 = tpu.memref_squeeze %dma_start3A_262 : memref<1x128x128xf32, #tpu.memory_space<vmem>> -> memref<128x128xf32, #tpu.memory_space<vmem>>
    %dma_start3A_264 = arith.constant 0 : i32
    %dma_start3A_265 = tpu.memref_slice %arg13[%dma_start3A_258, %dma_start3A_264] : memref<8x128xi32, #tpu.memory_space<vmem>> -> memref<1x128xi32, #tpu.memory_space<vmem>>
    %dma_start3A_266 = tpu.memref_squeeze %dma_start3A_265 : memref<1x128xi32, #tpu.memory_space<vmem>> -> memref<128xi32, #tpu.memory_space<vmem>>
    %dma_start3A_267 = arith.constant 0 : i32
    %dma_start3A_268 = arith.constant 0 : i32
    %dma_start3A_269 = tpu.memref_slice %arg10[%dma_start3A_267, %dma_start3A_268] : memref<10112x128xf32, #tpu.memory_space<vmem_shared>> -> memref<10112x128xf32, #tpu.memory_space<vmem_shared>>
    tpu.enqueue_indirect_dma source(%dma_start3A_269 : memref<10112x128xf32, #tpu.memory_space<vmem_shared>>) target(%dma_start3A_263 : memref<128x128xf32, #tpu.memory_space<vmem>>) offsets(%dma_start3A_266 : memref<128xi32, #tpu.memory_space<vmem>>) semaphore(%arg15 : memref<!tpu.dma_semaphore, #tpu.memory_space<semaphore_mem>>)
    %dma_wait3A_270 = arith.constant 3 : i32
    %dma_wait3A_271 = arith.constant 0 : i32
    %dma_wait3A_272 = arith.constant 0 : i32
    %dma_wait3A_273 = arith.constant 0 : i32
    %dma_wait3A_274 = tpu.memref_slice %arg14[%dma_wait3A_271, %dma_wait3A_272, %dma_wait3A_273] : memref<2x128x128xf32, #tpu.memory_space<vmem>> -> memref<1x128x128xf32, #tpu.memory_space<vmem>>
    %dma_wait3A_275 = tpu.memref_squeeze %dma_wait3A_274 : memref<1x128x128xf32, #tpu.memory_space<vmem>> -> memref<128x128xf32, #tpu.memory_space<vmem>>
    %dma_wait3A_276 = arith.constant 0 : i32
    %dma_wait3A_277 = tpu.memref_slice %arg13[%dma_wait3A_270, %dma_wait3A_276] : memref<8x128xi32, #tpu.memory_space<vmem>> -> memref<1x128xi32, #tpu.memory_space<vmem>>
    %dma_wait3A_278 = tpu.memref_squeeze %dma_wait3A_277 : memref<1x128xi32, #tpu.memory_space<vmem>> -> memref<128xi32, #tpu.memory_space<vmem>>
    %dma_wait3A_279 = arith.constant 0 : i32
    %dma_wait3A_280 = arith.constant 0 : i32
    %dma_wait3A_281 = tpu.memref_slice %arg10[%dma_wait3A_279, %dma_wait3A_280] : memref<10112x128xf32, #tpu.memory_space<vmem_shared>> -> memref<10112x128xf32, #tpu.memory_space<vmem_shared>>
    tpu.wait_indirect_dma semaphore(%arg15 : memref<!tpu.dma_semaphore, #tpu.memory_space<semaphore_mem>>) src(%dma_wait3A_281 : memref<10112x128xf32, #tpu.memory_space<vmem_shared>>) dst(%dma_wait3A_275 : memref<128x128xf32, #tpu.memory_space<vmem>>)
    %add3A_282 = arith.constant 384 : i32
    %add3A_283 = arith.addi %add3A_7, %add3A_282 : i32
    %run_scoped3A_284 = arith.constant 0 : i32
    "tpu.region"() ({
      %run_scoped3A_312 = tpu.sem_alloc : memref<!tpu.dma_semaphore, #tpu.memory_space<semaphore_mem>>
      %dma_start3A_313 = arith.constant 0 : i32
      %dma_start3A_314 = arith.constant 0 : i32
      %dma_start3A_315 = tpu.memref_slice %arg14[%run_scoped3A_284, %dma_start3A_313, %dma_start3A_314] : memref<2x128x128xf32, #tpu.memory_space<vmem>> -> memref<1x128x128xf32, #tpu.memory_space<vmem>>
      %dma_start3A_316 = tpu.memref_squeeze %dma_start3A_315 : memref<1x128x128xf32, #tpu.memory_space<vmem>> -> memref<128x128xf32, #tpu.memory_space<vmem>>
      %dma_start3A_317 = arith.constant 0 : i32
      %dma_start3A_318 = tpu.memref_slice %arg8[%add3A_283, %dma_start3A_317] : memref<20224x128xf32, #tpu.memory_space<hbm>> -> memref<128x128xf32, #tpu.memory_space<hbm>>
      %dma_start3A_319 = arith.constant 0 : i32
      %dma_start3A_320 = tpu.memref_slice %arg8[%add3A_283, %dma_start3A_319] : memref<20224x128xf32, #tpu.memory_space<hbm>> -> memref<128x128xf32, #tpu.memory_space<hbm>>
      %dma_start3A_321 = arith.constant 0 : i32
      %dma_start3A_322 = arith.constant 0 : i32
      %dma_start3A_323 = tpu.memref_slice %arg14[%run_scoped3A_284, %dma_start3A_321, %dma_start3A_322] : memref<2x128x128xf32, #tpu.memory_space<vmem>> -> memref<1x128x128xf32, #tpu.memory_space<vmem>>
      %dma_start3A_324 = tpu.memref_squeeze %dma_start3A_323 : memref<1x128x128xf32, #tpu.memory_space<vmem>> -> memref<128x128xf32, #tpu.memory_space<vmem>>
      tpu.enqueue_dma source(%dma_start3A_324 : memref<128x128xf32, #tpu.memory_space<vmem>>) target(%dma_start3A_320 : memref<128x128xf32, #tpu.memory_space<hbm>>) target_semaphore(%run_scoped3A_312 : memref<!tpu.dma_semaphore, #tpu.memory_space<semaphore_mem>>)
      %dma_wait3A_325 = arith.constant 0 : i32
      %dma_wait3A_326 = arith.constant 0 : i32
      %dma_wait3A_327 = tpu.memref_slice %arg14[%run_scoped3A_284, %dma_wait3A_325, %dma_wait3A_326] : memref<2x128x128xf32, #tpu.memory_space<vmem>> -> memref<1x128x128xf32, #tpu.memory_space<vmem>>
      %dma_wait3A_328 = tpu.memref_squeeze %dma_wait3A_327 : memref<1x128x128xf32, #tpu.memory_space<vmem>> -> memref<128x128xf32, #tpu.memory_space<vmem>>
      %dma_wait3A_329 = arith.constant 0 : i32
      %dma_wait3A_330 = tpu.memref_slice %arg8[%add3A_283, %dma_wait3A_329] : memref<20224x128xf32, #tpu.memory_space<hbm>> -> memref<128x128xf32, #tpu.memory_space<hbm>>
      %dma_wait3A_331 = arith.constant 0 : i32
      %dma_wait3A_332 = tpu.memref_slice %arg8[%add3A_283, %dma_wait3A_331] : memref<20224x128xf32, #tpu.memory_space<hbm>> -> memref<128x128xf32, #tpu.memory_space<hbm>>
      %dma_wait3A_333 = arith.constant 0 : i32
      %dma_wait3A_334 = arith.constant 0 : i32
      %dma_wait3A_335 = tpu.memref_slice %arg14[%run_scoped3A_284, %dma_wait3A_333, %dma_wait3A_334] : memref<2x128x128xf32, #tpu.memory_space<vmem>> -> memref<1x128x128xf32, #tpu.memory_space<vmem>>
      %dma_wait3A_336 = tpu.memref_squeeze %dma_wait3A_335 : memref<1x128x128xf32, #tpu.memory_space<vmem>> -> memref<128x128xf32, #tpu.memory_space<vmem>>
      tpu.wait_dma2 semaphore(%run_scoped3A_312 : memref<!tpu.dma_semaphore, #tpu.memory_space<semaphore_mem>>) src(%dma_wait3A_336 : memref<128x128xf32, #tpu.memory_space<vmem>>) dst(%dma_wait3A_332 : memref<128x128xf32, #tpu.memory_space<hbm>>)
      tpu.yield
    }) : () -> ()
    %dma_start3A_285 = arith.constant 4 : i32
    %dma_start3A_286 = arith.constant 0 : i32
    %dma_start3A_287 = arith.constant 0 : i32
    %dma_start3A_288 = arith.constant 0 : i32
    %dma_start3A_289 = tpu.memref_slice %arg14[%dma_start3A_286, %dma_start3A_287, %dma_start3A_288] : memref<2x128x128xf32, #tpu.memory_space<vmem>> -> memref<1x128x128xf32, #tpu.memory_space<vmem>>
    %dma_start3A_290 = tpu.memref_squeeze %dma_start3A_289 : memref<1x128x128xf32, #tpu.memory_space<vmem>> -> memref<128x128xf32, #tpu.memory_space<vmem>>
    %dma_start3A_291 = arith.constant 0 : i32
    %dma_start3A_292 = tpu.memref_slice %arg13[%dma_start3A_285, %dma_start3A_291] : memref<8x128xi32, #tpu.memory_space<vmem>> -> memref<1x128xi32, #tpu.memory_space<vmem>>
    %dma_start3A_293 = tpu.memref_squeeze %dma_start3A_292 : memref<1x128xi32, #tpu.memory_space<vmem>> -> memref<128xi32, #tpu.memory_space<vmem>>
    %dma_start3A_294 = arith.constant 0 : i32
    %dma_start3A_295 = arith.constant 0 : i32
    %dma_start3A_296 = tpu.memref_slice %arg10[%dma_start3A_294, %dma_start3A_295] : memref<10112x128xf32, #tpu.memory_space<vmem_shared>> -> memref<10112x128xf32, #tpu.memory_space<vmem_shared>>
    tpu.enqueue_indirect_dma source(%dma_start3A_296 : memref<10112x128xf32, #tpu.memory_space<vmem_shared>>) target(%dma_start3A_290 : memref<128x128xf32, #tpu.memory_space<vmem>>) offsets(%dma_start3A_293 : memref<128xi32, #tpu.memory_space<vmem>>) semaphore(%arg15 : memref<!tpu.dma_semaphore, #tpu.memory_space<semaphore_mem>>)
    %dma_wait3A_297 = arith.constant 4 : i32
    %dma_wait3A_298 = arith.constant 0 : i32
    %dma_wait3A_299 = arith.constant 0 : i32
    %dma_wait3A_300 = arith.constant 0 : i32
    %dma_wait3A_301 = tpu.memref_slice %arg14[%dma_wait3A_298, %dma_wait3A_299, %dma_wait3A_300] : memref<2x128x128xf32, #tpu.memory_space<vmem>> -> memref<1x128x128xf32, #tpu.memory_space<vmem>>
    %dma_wait3A_302 = tpu.memref_squeeze %dma_wait3A_301 : memref<1x128x128xf32, #tpu.memory_space<vmem>> -> memref<128x128xf32, #tpu.memory_space<vmem>>
    %dma_wait3A_303 = arith.constant 0 : i32
    %dma_wait3A_304 = tpu.memref_slice %arg13[%dma_wait3A_297, %dma_wait3A_303] : memref<8x128xi32, #tpu.memory_space<vmem>> -> memref<1x128xi32, #tpu.memory_space<vmem>>
    %dma_wait3A_305 = tpu.memref_squeeze %dma_wait3A_304 : memref<1x128xi32, #tpu.memory_space<vmem>> -> memref<128xi32, #tpu.memory_space<vmem>>
    %dma_wait3A_306 = arith.constant 0 : i32
    %dma_wait3A_307 = arith.constant 0 : i32
    %dma_wait3A_308 = tpu.memref_slice %arg10[%dma_wait3A_306, %dma_wait3A_307] : memref<10112x128xf32, #tpu.memory_space<vmem_shared>> -> memref<10112x128xf32, #tpu.memory_space<vmem_shared>>
    tpu.wait_indirect_dma semaphore(%arg15 : memref<!tpu.dma_semaphore, #tpu.memory_space<semaphore_mem>>) src(%dma_wait3A_308 : memref<10112x128xf32, #tpu.memory_space<vmem_shared>>) dst(%dma_wait3A_302 : memref<128x128xf32, #tpu.memory_space<vmem>>)
    %add3A_309 = arith.constant 512 : i32
    %add3A_310 = arith.addi %add3A_7, %add3A_309 : i32
    %run_scoped3A_311 = arith.constant 0 : i32
    "tpu.region"() ({
      %run_scoped3A_312 = tpu.sem_alloc : memref<!tpu.dma_semaphore, #tpu.memory_space<semaphore_mem>>
      %dma_start3A_313 = arith.constant 0 : i32
      %dma_start3A_314 = arith.constant 0 : i32
      %dma_start3A_315 = tpu.memref_slice %arg14[%run_scoped3A_311, %dma_start3A_313, %dma_start3A_314] : memref<2x128x128xf32, #tpu.memory_space<vmem>> -> memref<1x120x128xf32, #tpu.memory_space<vmem>>
      %dma_start3A_316 = tpu.memref_squeeze %dma_start3A_315 : memref<1x120x128xf32, #tpu.memory_space<vmem>> -> memref<120x128xf32, #tpu.memory_space<vmem>>
      %dma_start3A_317 = arith.constant 0 : i32
      %dma_start3A_318 = tpu.memref_slice %arg8[%add3A_310, %dma_start3A_317] : memref<20224x128xf32, #tpu.memory_space<hbm>> -> memref<120x128xf32, #tpu.memory_space<hbm>>
      %dma_start3A_319 = arith.constant 0 : i32
      %dma_start3A_320 = tpu.memref_slice %arg8[%add3A_310, %dma_start3A_319] : memref<20224x128xf32, #tpu.memory_space<hbm>> -> memref<120x128xf32, #tpu.memory_space<hbm>>
      %dma_start3A_321 = arith.constant 0 : i32
      %dma_start3A_322 = arith.constant 0 : i32
      %dma_start3A_323 = tpu.memref_slice %arg14[%run_scoped3A_311, %dma_start3A_321, %dma_start3A_322] : memref<2x128x128xf32, #tpu.memory_space<vmem>> -> memref<1x120x128xf32, #tpu.memory_space<vmem>>
      %dma_start3A_324 = tpu.memref_squeeze %dma_start3A_323 : memref<1x120x128xf32, #tpu.memory_space<vmem>> -> memref<120x128xf32, #tpu.memory_space<vmem>>
      tpu.enqueue_dma source(%dma_start3A_324 : memref<120x128xf32, #tpu.memory_space<vmem>>) target(%dma_start3A_320 : memref<120x128xf32, #tpu.memory_space<hbm>>) target_semaphore(%run_scoped3A_312 : memref<!tpu.dma_semaphore, #tpu.memory_space<semaphore_mem>>)
      %dma_wait3A_325 = arith.constant 0 : i32
      %dma_wait3A_326 = arith.constant 0 : i32
      %dma_wait3A_327 = tpu.memref_slice %arg14[%run_scoped3A_311, %dma_wait3A_325, %dma_wait3A_326] : memref<2x128x128xf32, #tpu.memory_space<vmem>> -> memref<1x120x128xf32, #tpu.memory_space<vmem>>
      %dma_wait3A_328 = tpu.memref_squeeze %dma_wait3A_327 : memref<1x120x128xf32, #tpu.memory_space<vmem>> -> memref<120x128xf32, #tpu.memory_space<vmem>>
      %dma_wait3A_329 = arith.constant 0 : i32
      %dma_wait3A_330 = tpu.memref_slice %arg8[%add3A_310, %dma_wait3A_329] : memref<20224x128xf32, #tpu.memory_space<hbm>> -> memref<120x128xf32, #tpu.memory_space<hbm>>
      %dma_wait3A_331 = arith.constant 0 : i32
      %dma_wait3A_332 = tpu.memref_slice %arg8[%add3A_310, %dma_wait3A_331] : memref<20224x128xf32, #tpu.memory_space<hbm>> -> memref<120x128xf32, #tpu.memory_space<hbm>>
      %dma_wait3A_333 = arith.constant 0 : i32
      %dma_wait3A_334 = arith.constant 0 : i32
      %dma_wait3A_335 = tpu.memref_slice %arg14[%run_scoped3A_311, %dma_wait3A_333, %dma_wait3A_334] : memref<2x128x128xf32, #tpu.memory_space<vmem>> -> memref<1x120x128xf32, #tpu.memory_space<vmem>>
      %dma_wait3A_336 = tpu.memref_squeeze %dma_wait3A_335 : memref<1x120x128xf32, #tpu.memory_space<vmem>> -> memref<120x128xf32, #tpu.memory_space<vmem>>
      tpu.wait_dma2 semaphore(%run_scoped3A_312 : memref<!tpu.dma_semaphore, #tpu.memory_space<semaphore_mem>>) src(%dma_wait3A_336 : memref<120x128xf32, #tpu.memory_space<vmem>>) dst(%dma_wait3A_332 : memref<120x128xf32, #tpu.memory_space<hbm>>)
      tpu.yield
    }) : () -> ()
    return
  }
}

#map = affine_map<(d0, d1) -> (0, 0)>
module attributes {stable_mosaic.version = 14 : i64} {
  func.func @run(%arg0: i32, %arg1: i32, %arg2: memref<10112x128xf32, #tpu.memory_space<hbm>>, %arg3: memref<5120x128xi32, #tpu.memory_space<hbm>>, %arg4: memref<5120x128xi32, #tpu.memory_space<hbm>>, %arg5: memref<128x128xi32, #tpu.memory_space<hbm>>, %arg6: memref<128x128xf32, #tpu.memory_space<hbm>>, %arg7: memref<128x128xf32, #tpu.memory_space<hbm>>, %arg8: memref<20224x128xf32, #tpu.memory_space<hbm>>, %arg9: memref<10112x128xf32, #tpu.memory_space<vmem_shared>>, %arg10: memref<16x128xi32, #tpu.memory_space<vmem>>, %arg11: memref<16x128xi32, #tpu.memory_space<vmem>>, %arg12: memref<8x128xi32, #tpu.memory_space<vmem>>, %arg13: memref<2x128x128xf32, #tpu.memory_space<vmem>>, %arg14: memref<!tpu.dma_semaphore, #tpu.memory_space<semaphore_mem>>, %arg15: memref<!tpu.dma_semaphore, #tpu.memory_space<semaphore_mem>>, %arg16: memref<!tpu.dma_semaphore, #tpu.memory_space<semaphore_mem>>, %arg17: memref<!tpu.dma_semaphore, #tpu.memory_space<semaphore_mem>>) attributes {dimension_semantics = [#tpu.dimension_semantics<core_parallel>, #tpu.dimension_semantics<subcore_parallel>], iteration_bounds = array<i64: 2, 16>, scalar_prefetch = 0 : i64, scratch_operands = 9 : i64, tpu.core_type = #tpu.core_type<sc_vector_subcore>, window_params = [{transform_indices = #map}, {transform_indices = #map}, {transform_indices = #map}, {transform_indices = #map}, {transform_indices = #map}, {transform_indices = #map}, {transform_indices = #map}]} {
    %mul3A = arith.constant 632 : i32
    %mul3A_0 = arith.muli %arg1, %mul3A : i32
    %mul3A_1 = arith.constant 16 : i32
    %mul3A_2 = arith.muli %arg0, %mul3A_1 : i32
    %add3A = arith.addi %mul3A_2, %arg1 : i32
    %mul3A_3 = arith.constant 160 : i32
    %mul3A_4 = arith.muli %add3A, %mul3A_3 : i32
    %mul3A_5 = arith.constant 10112 : i32
    %mul3A_6 = arith.muli %arg0, %mul3A_5 : i32
    %add3A_7 = arith.addi %mul3A_6, %mul3A_0 : i32
    %mul3A_8 = arith.constant 8 : i32
    %mul3A_9 = arith.muli %arg1, %mul3A_8 : i32
    "tpu.region"() ({
      %run_scoped3A_158 = tpu.sem_alloc : memref<!tpu.dma_semaphore, #tpu.memory_space<semaphore_mem>>
      %dma_start3A_159 = arith.constant 0 : i32
      %dma_start3A_160 = tpu.memref_slice %arg5[%mul3A_9, %dma_start3A_159] : memref<128x128xi32, #tpu.memory_space<hbm>> -> memref<8x128xi32, #tpu.memory_space<hbm>>
      %dma_start3A_161 = arith.constant 0 : i32
      %dma_start3A_162 = tpu.memref_slice %arg5[%mul3A_9, %dma_start3A_161] : memref<128x128xi32, #tpu.memory_space<hbm>> -> memref<8x128xi32, #tpu.memory_space<hbm>>
      tpu.enqueue_dma source(%dma_start3A_162 : memref<8x128xi32, #tpu.memory_space<hbm>>) target(%arg12 : memref<8x128xi32, #tpu.memory_space<vmem>>) target_semaphore(%run_scoped3A_158 : memref<!tpu.dma_semaphore, #tpu.memory_space<semaphore_mem>>)
      %dma_wait3A_163 = arith.constant 0 : i32
      %dma_wait3A_164 = tpu.memref_slice %arg5[%mul3A_9, %dma_wait3A_163] : memref<128x128xi32, #tpu.memory_space<hbm>> -> memref<8x128xi32, #tpu.memory_space<hbm>>
      %dma_wait3A_165 = arith.constant 0 : i32
      %dma_wait3A_166 = tpu.memref_slice %arg5[%mul3A_9, %dma_wait3A_165] : memref<128x128xi32, #tpu.memory_space<hbm>> -> memref<8x128xi32, #tpu.memory_space<hbm>>
      tpu.wait_dma2 semaphore(%run_scoped3A_158 : memref<!tpu.dma_semaphore, #tpu.memory_space<semaphore_mem>>) src(%dma_wait3A_166 : memref<8x128xi32, #tpu.memory_space<hbm>>) dst(%arg12 : memref<8x128xi32, #tpu.memory_space<vmem>>)
      tpu.yield
    }) : () -> ()
    %run_scoped3A = arith.constant 0 : i32
    "tpu.region"() ({
      %run_scoped3A_158 = tpu.sem_alloc : memref<!tpu.dma_semaphore, #tpu.memory_space<semaphore_mem>>
      %dma_start3A_159 = arith.constant 0 : i32
      %dma_start3A_160 = arith.constant 0 : i32
      %dma_start3A_161 = tpu.memref_slice %arg13[%run_scoped3A, %dma_start3A_159, %dma_start3A_160] : memref<2x128x128xf32, #tpu.memory_space<vmem>> -> memref<1x128x128xf32, #tpu.memory_space<vmem>>
      %dma_start3A_162 = tpu.memref_squeeze %dma_start3A_161 : memref<1x128x128xf32, #tpu.memory_space<vmem>> -> memref<128x128xf32, #tpu.memory_space<vmem>>
      %dma_start3A_163 = arith.constant 0 : i32
      %dma_start3A_164 = arith.constant 0 : i32
      %dma_start3A_165 = tpu.memref_slice %arg13[%run_scoped3A, %dma_start3A_163, %dma_start3A_164] : memref<2x128x128xf32, #tpu.memory_space<vmem>> -> memref<1x128x128xf32, #tpu.memory_space<vmem>>
      %dma_start3A_166 = tpu.memref_squeeze %dma_start3A_165 : memref<1x128x128xf32, #tpu.memory_space<vmem>> -> memref<128x128xf32, #tpu.memory_space<vmem>>
      tpu.enqueue_dma source(%arg6 : memref<128x128xf32, #tpu.memory_space<hbm>>) target(%dma_start3A_166 : memref<128x128xf32, #tpu.memory_space<vmem>>) target_semaphore(%run_scoped3A_158 : memref<!tpu.dma_semaphore, #tpu.memory_space<semaphore_mem>>)
      %dma_wait3A_167 = arith.constant 0 : i32
      %dma_wait3A_168 = arith.constant 0 : i32
      %dma_wait3A_169 = tpu.memref_slice %arg13[%run_scoped3A, %dma_wait3A_167, %dma_wait3A_168] : memref<2x128x128xf32, #tpu.memory_space<vmem>> -> memref<1x128x128xf32, #tpu.memory_space<vmem>>
      %dma_wait3A_170 = tpu.memref_squeeze %dma_wait3A_169 : memref<1x128x128xf32, #tpu.memory_space<vmem>> -> memref<128x128xf32, #tpu.memory_space<vmem>>
      %dma_wait3A_171 = arith.constant 0 : i32
      %dma_wait3A_172 = arith.constant 0 : i32
      %dma_wait3A_173 = tpu.memref_slice %arg13[%run_scoped3A, %dma_wait3A_171, %dma_wait3A_172] : memref<2x128x128xf32, #tpu.memory_space<vmem>> -> memref<1x128x128xf32, #tpu.memory_space<vmem>>
      %dma_wait3A_174 = tpu.memref_squeeze %dma_wait3A_173 : memref<1x128x128xf32, #tpu.memory_space<vmem>> -> memref<128x128xf32, #tpu.memory_space<vmem>>
      tpu.wait_dma2 semaphore(%run_scoped3A_158 : memref<!tpu.dma_semaphore, #tpu.memory_space<semaphore_mem>>) src(%arg6 : memref<128x128xf32, #tpu.memory_space<hbm>>) dst(%dma_wait3A_174 : memref<128x128xf32, #tpu.memory_space<vmem>>)
      tpu.yield
    }) : () -> ()
    %run_scoped3A_10 = arith.constant 0 : i32
    %run_scoped3A_11 = arith.constant 0 : i32
    "tpu.region"() ({
      %run_scoped3A_158 = tpu.sem_alloc : memref<!tpu.dma_semaphore, #tpu.memory_space<semaphore_mem>>
      %dma_start3A_159 = arith.constant 0 : i32
      %dma_start3A_160 = arith.constant 0 : i32
      %dma_start3A_161 = tpu.memref_slice %arg13[%run_scoped3A_10, %dma_start3A_159, %dma_start3A_160] : memref<2x128x128xf32, #tpu.memory_space<vmem>> -> memref<1x128x128xf32, #tpu.memory_space<vmem>>
      %dma_start3A_162 = tpu.memref_squeeze %dma_start3A_161 : memref<1x128x128xf32, #tpu.memory_space<vmem>> -> memref<128x128xf32, #tpu.memory_space<vmem>>
      %dma_start3A_163 = arith.constant 0 : i32
      %dma_start3A_164 = tpu.memref_slice %arg12[%run_scoped3A_11, %dma_start3A_163] : memref<8x128xi32, #tpu.memory_space<vmem>> -> memref<1x128xi32, #tpu.memory_space<vmem>>
      %dma_start3A_165 = tpu.memref_squeeze %dma_start3A_164 : memref<1x128xi32, #tpu.memory_space<vmem>> -> memref<128xi32, #tpu.memory_space<vmem>>
      %dma_start3A_166 = arith.constant 0 : i32
      %dma_start3A_167 = arith.constant 0 : i32
      %dma_start3A_168 = tpu.memref_slice %arg9[%dma_start3A_166, %dma_start3A_167] : memref<10112x128xf32, #tpu.memory_space<vmem_shared>> -> memref<10112x128xf32, #tpu.memory_space<vmem_shared>>
      tpu.enqueue_indirect_dma source(%dma_start3A_162 : memref<128x128xf32, #tpu.memory_space<vmem>>) target(%dma_start3A_168 : memref<10112x128xf32, #tpu.memory_space<vmem_shared>>) offsets(%dma_start3A_165 : memref<128xi32, #tpu.memory_space<vmem>>) semaphore(%run_scoped3A_158 : memref<!tpu.dma_semaphore, #tpu.memory_space<semaphore_mem>>)
      %dma_wait3A_169 = arith.constant 0 : i32
      %dma_wait3A_170 = arith.constant 0 : i32
      %dma_wait3A_171 = tpu.memref_slice %arg13[%run_scoped3A_10, %dma_wait3A_169, %dma_wait3A_170] : memref<2x128x128xf32, #tpu.memory_space<vmem>> -> memref<1x128x128xf32, #tpu.memory_space<vmem>>
      %dma_wait3A_172 = tpu.memref_squeeze %dma_wait3A_171 : memref<1x128x128xf32, #tpu.memory_space<vmem>> -> memref<128x128xf32, #tpu.memory_space<vmem>>
      %dma_wait3A_173 = arith.constant 0 : i32
      %dma_wait3A_174 = tpu.memref_slice %arg12[%run_scoped3A_11, %dma_wait3A_173] : memref<8x128xi32, #tpu.memory_space<vmem>> -> memref<1x128xi32, #tpu.memory_space<vmem>>
      %dma_wait3A_175 = tpu.memref_squeeze %dma_wait3A_174 : memref<1x128xi32, #tpu.memory_space<vmem>> -> memref<128xi32, #tpu.memory_space<vmem>>
      %dma_wait3A_176 = arith.constant 0 : i32
      %dma_wait3A_177 = arith.constant 0 : i32
      %dma_wait3A_178 = tpu.memref_slice %arg9[%dma_wait3A_176, %dma_wait3A_177] : memref<10112x128xf32, #tpu.memory_space<vmem_shared>> -> memref<10112x128xf32, #tpu.memory_space<vmem_shared>>
      tpu.wait_indirect_dma semaphore(%run_scoped3A_158 : memref<!tpu.dma_semaphore, #tpu.memory_space<semaphore_mem>>) src(%dma_wait3A_172 : memref<128x128xf32, #tpu.memory_space<vmem>>) dst(%dma_wait3A_178 : memref<10112x128xf32, #tpu.memory_space<vmem_shared>>)
      tpu.yield
    }) : () -> ()
    %run_scoped3A_12 = arith.constant 0 : i32
    %run_scoped3A_13 = arith.constant 1 : i32
    "tpu.region"() ({
      %run_scoped3A_158 = tpu.sem_alloc : memref<!tpu.dma_semaphore, #tpu.memory_space<semaphore_mem>>
      %dma_start3A_159 = arith.constant 0 : i32
      %dma_start3A_160 = arith.constant 0 : i32
      %dma_start3A_161 = tpu.memref_slice %arg13[%run_scoped3A_12, %dma_start3A_159, %dma_start3A_160] : memref<2x128x128xf32, #tpu.memory_space<vmem>> -> memref<1x128x128xf32, #tpu.memory_space<vmem>>
      %dma_start3A_162 = tpu.memref_squeeze %dma_start3A_161 : memref<1x128x128xf32, #tpu.memory_space<vmem>> -> memref<128x128xf32, #tpu.memory_space<vmem>>
      %dma_start3A_163 = arith.constant 0 : i32
      %dma_start3A_164 = tpu.memref_slice %arg12[%run_scoped3A_13, %dma_start3A_163] : memref<8x128xi32, #tpu.memory_space<vmem>> -> memref<1x128xi32, #tpu.memory_space<vmem>>
      %dma_start3A_165 = tpu.memref_squeeze %dma_start3A_164 : memref<1x128xi32, #tpu.memory_space<vmem>> -> memref<128xi32, #tpu.memory_space<vmem>>
      %dma_start3A_166 = arith.constant 0 : i32
      %dma_start3A_167 = arith.constant 0 : i32
      %dma_start3A_168 = tpu.memref_slice %arg9[%dma_start3A_166, %dma_start3A_167] : memref<10112x128xf32, #tpu.memory_space<vmem_shared>> -> memref<10112x128xf32, #tpu.memory_space<vmem_shared>>
      tpu.enqueue_indirect_dma source(%dma_start3A_162 : memref<128x128xf32, #tpu.memory_space<vmem>>) target(%dma_start3A_168 : memref<10112x128xf32, #tpu.memory_space<vmem_shared>>) offsets(%dma_start3A_165 : memref<128xi32, #tpu.memory_space<vmem>>) semaphore(%run_scoped3A_158 : memref<!tpu.dma_semaphore, #tpu.memory_space<semaphore_mem>>)
      %dma_wait3A_169 = arith.constant 0 : i32
      %dma_wait3A_170 = arith.constant 0 : i32
      %dma_wait3A_171 = tpu.memref_slice %arg13[%run_scoped3A_12, %dma_wait3A_169, %dma_wait3A_170] : memref<2x128x128xf32, #tpu.memory_space<vmem>> -> memref<1x128x128xf32, #tpu.memory_space<vmem>>
      %dma_wait3A_172 = tpu.memref_squeeze %dma_wait3A_171 : memref<1x128x128xf32, #tpu.memory_space<vmem>> -> memref<128x128xf32, #tpu.memory_space<vmem>>
      %dma_wait3A_173 = arith.constant 0 : i32
      %dma_wait3A_174 = tpu.memref_slice %arg12[%run_scoped3A_13, %dma_wait3A_173] : memref<8x128xi32, #tpu.memory_space<vmem>> -> memref<1x128xi32, #tpu.memory_space<vmem>>
      %dma_wait3A_175 = tpu.memref_squeeze %dma_wait3A_174 : memref<1x128xi32, #tpu.memory_space<vmem>> -> memref<128xi32, #tpu.memory_space<vmem>>
      %dma_wait3A_176 = arith.constant 0 : i32
      %dma_wait3A_177 = arith.constant 0 : i32
      %dma_wait3A_178 = tpu.memref_slice %arg9[%dma_wait3A_176, %dma_wait3A_177] : memref<10112x128xf32, #tpu.memory_space<vmem_shared>> -> memref<10112x128xf32, #tpu.memory_space<vmem_shared>>
      tpu.wait_indirect_dma semaphore(%run_scoped3A_158 : memref<!tpu.dma_semaphore, #tpu.memory_space<semaphore_mem>>) src(%dma_wait3A_172 : memref<128x128xf32, #tpu.memory_space<vmem>>) dst(%dma_wait3A_178 : memref<10112x128xf32, #tpu.memory_space<vmem_shared>>)
      tpu.yield
    }) : () -> ()
    %run_scoped3A_14 = arith.constant 0 : i32
    %run_scoped3A_15 = arith.constant 2 : i32
    "tpu.region"() ({
      %run_scoped3A_158 = tpu.sem_alloc : memref<!tpu.dma_semaphore, #tpu.memory_space<semaphore_mem>>
      %dma_start3A_159 = arith.constant 0 : i32
      %dma_start3A_160 = arith.constant 0 : i32
      %dma_start3A_161 = tpu.memref_slice %arg13[%run_scoped3A_14, %dma_start3A_159, %dma_start3A_160] : memref<2x128x128xf32, #tpu.memory_space<vmem>> -> memref<1x128x128xf32, #tpu.memory_space<vmem>>
      %dma_start3A_162 = tpu.memref_squeeze %dma_start3A_161 : memref<1x128x128xf32, #tpu.memory_space<vmem>> -> memref<128x128xf32, #tpu.memory_space<vmem>>
      %dma_start3A_163 = arith.constant 0 : i32
      %dma_start3A_164 = tpu.memref_slice %arg12[%run_scoped3A_15, %dma_start3A_163] : memref<8x128xi32, #tpu.memory_space<vmem>> -> memref<1x128xi32, #tpu.memory_space<vmem>>
      %dma_start3A_165 = tpu.memref_squeeze %dma_start3A_164 : memref<1x128xi32, #tpu.memory_space<vmem>> -> memref<128xi32, #tpu.memory_space<vmem>>
      %dma_start3A_166 = arith.constant 0 : i32
      %dma_start3A_167 = arith.constant 0 : i32
      %dma_start3A_168 = tpu.memref_slice %arg9[%dma_start3A_166, %dma_start3A_167] : memref<10112x128xf32, #tpu.memory_space<vmem_shared>> -> memref<10112x128xf32, #tpu.memory_space<vmem_shared>>
      tpu.enqueue_indirect_dma source(%dma_start3A_162 : memref<128x128xf32, #tpu.memory_space<vmem>>) target(%dma_start3A_168 : memref<10112x128xf32, #tpu.memory_space<vmem_shared>>) offsets(%dma_start3A_165 : memref<128xi32, #tpu.memory_space<vmem>>) semaphore(%run_scoped3A_158 : memref<!tpu.dma_semaphore, #tpu.memory_space<semaphore_mem>>)
      %dma_wait3A_169 = arith.constant 0 : i32
      %dma_wait3A_170 = arith.constant 0 : i32
      %dma_wait3A_171 = tpu.memref_slice %arg13[%run_scoped3A_14, %dma_wait3A_169, %dma_wait3A_170] : memref<2x128x128xf32, #tpu.memory_space<vmem>> -> memref<1x128x128xf32, #tpu.memory_space<vmem>>
      %dma_wait3A_172 = tpu.memref_squeeze %dma_wait3A_171 : memref<1x128x128xf32, #tpu.memory_space<vmem>> -> memref<128x128xf32, #tpu.memory_space<vmem>>
      %dma_wait3A_173 = arith.constant 0 : i32
      %dma_wait3A_174 = tpu.memref_slice %arg12[%run_scoped3A_15, %dma_wait3A_173] : memref<8x128xi32, #tpu.memory_space<vmem>> -> memref<1x128xi32, #tpu.memory_space<vmem>>
      %dma_wait3A_175 = tpu.memref_squeeze %dma_wait3A_174 : memref<1x128xi32, #tpu.memory_space<vmem>> -> memref<128xi32, #tpu.memory_space<vmem>>
      %dma_wait3A_176 = arith.constant 0 : i32
      %dma_wait3A_177 = arith.constant 0 : i32
      %dma_wait3A_178 = tpu.memref_slice %arg9[%dma_wait3A_176, %dma_wait3A_177] : memref<10112x128xf32, #tpu.memory_space<vmem_shared>> -> memref<10112x128xf32, #tpu.memory_space<vmem_shared>>
      tpu.wait_indirect_dma semaphore(%run_scoped3A_158 : memref<!tpu.dma_semaphore, #tpu.memory_space<semaphore_mem>>) src(%dma_wait3A_172 : memref<128x128xf32, #tpu.memory_space<vmem>>) dst(%dma_wait3A_178 : memref<10112x128xf32, #tpu.memory_space<vmem_shared>>)
      tpu.yield
    }) : () -> ()
    %run_scoped3A_16 = arith.constant 0 : i32
    %run_scoped3A_17 = arith.constant 3 : i32
    "tpu.region"() ({
      %run_scoped3A_158 = tpu.sem_alloc : memref<!tpu.dma_semaphore, #tpu.memory_space<semaphore_mem>>
      %dma_start3A_159 = arith.constant 0 : i32
      %dma_start3A_160 = arith.constant 0 : i32
      %dma_start3A_161 = tpu.memref_slice %arg13[%run_scoped3A_16, %dma_start3A_159, %dma_start3A_160] : memref<2x128x128xf32, #tpu.memory_space<vmem>> -> memref<1x128x128xf32, #tpu.memory_space<vmem>>
      %dma_start3A_162 = tpu.memref_squeeze %dma_start3A_161 : memref<1x128x128xf32, #tpu.memory_space<vmem>> -> memref<128x128xf32, #tpu.memory_space<vmem>>
      %dma_start3A_163 = arith.constant 0 : i32
      %dma_start3A_164 = tpu.memref_slice %arg12[%run_scoped3A_17, %dma_start3A_163] : memref<8x128xi32, #tpu.memory_space<vmem>> -> memref<1x128xi32, #tpu.memory_space<vmem>>
      %dma_start3A_165 = tpu.memref_squeeze %dma_start3A_164 : memref<1x128xi32, #tpu.memory_space<vmem>> -> memref<128xi32, #tpu.memory_space<vmem>>
      %dma_start3A_166 = arith.constant 0 : i32
      %dma_start3A_167 = arith.constant 0 : i32
      %dma_start3A_168 = tpu.memref_slice %arg9[%dma_start3A_166, %dma_start3A_167] : memref<10112x128xf32, #tpu.memory_space<vmem_shared>> -> memref<10112x128xf32, #tpu.memory_space<vmem_shared>>
      tpu.enqueue_indirect_dma source(%dma_start3A_162 : memref<128x128xf32, #tpu.memory_space<vmem>>) target(%dma_start3A_168 : memref<10112x128xf32, #tpu.memory_space<vmem_shared>>) offsets(%dma_start3A_165 : memref<128xi32, #tpu.memory_space<vmem>>) semaphore(%run_scoped3A_158 : memref<!tpu.dma_semaphore, #tpu.memory_space<semaphore_mem>>)
      %dma_wait3A_169 = arith.constant 0 : i32
      %dma_wait3A_170 = arith.constant 0 : i32
      %dma_wait3A_171 = tpu.memref_slice %arg13[%run_scoped3A_16, %dma_wait3A_169, %dma_wait3A_170] : memref<2x128x128xf32, #tpu.memory_space<vmem>> -> memref<1x128x128xf32, #tpu.memory_space<vmem>>
      %dma_wait3A_172 = tpu.memref_squeeze %dma_wait3A_171 : memref<1x128x128xf32, #tpu.memory_space<vmem>> -> memref<128x128xf32, #tpu.memory_space<vmem>>
      %dma_wait3A_173 = arith.constant 0 : i32
      %dma_wait3A_174 = tpu.memref_slice %arg12[%run_scoped3A_17, %dma_wait3A_173] : memref<8x128xi32, #tpu.memory_space<vmem>> -> memref<1x128xi32, #tpu.memory_space<vmem>>
      %dma_wait3A_175 = tpu.memref_squeeze %dma_wait3A_174 : memref<1x128xi32, #tpu.memory_space<vmem>> -> memref<128xi32, #tpu.memory_space<vmem>>
      %dma_wait3A_176 = arith.constant 0 : i32
      %dma_wait3A_177 = arith.constant 0 : i32
      %dma_wait3A_178 = tpu.memref_slice %arg9[%dma_wait3A_176, %dma_wait3A_177] : memref<10112x128xf32, #tpu.memory_space<vmem_shared>> -> memref<10112x128xf32, #tpu.memory_space<vmem_shared>>
      tpu.wait_indirect_dma semaphore(%run_scoped3A_158 : memref<!tpu.dma_semaphore, #tpu.memory_space<semaphore_mem>>) src(%dma_wait3A_172 : memref<128x128xf32, #tpu.memory_space<vmem>>) dst(%dma_wait3A_178 : memref<10112x128xf32, #tpu.memory_space<vmem_shared>>)
      tpu.yield
    }) : () -> ()
    %run_scoped3A_18 = arith.constant 0 : i32
    %run_scoped3A_19 = arith.constant 4 : i32
    "tpu.region"() ({
      %run_scoped3A_158 = tpu.sem_alloc : memref<!tpu.dma_semaphore, #tpu.memory_space<semaphore_mem>>
      %dma_start3A_159 = arith.constant 0 : i32
      %dma_start3A_160 = arith.constant 0 : i32
      %dma_start3A_161 = tpu.memref_slice %arg13[%run_scoped3A_18, %dma_start3A_159, %dma_start3A_160] : memref<2x128x128xf32, #tpu.memory_space<vmem>> -> memref<1x128x128xf32, #tpu.memory_space<vmem>>
      %dma_start3A_162 = tpu.memref_squeeze %dma_start3A_161 : memref<1x128x128xf32, #tpu.memory_space<vmem>> -> memref<128x128xf32, #tpu.memory_space<vmem>>
      %dma_start3A_163 = arith.constant 0 : i32
      %dma_start3A_164 = tpu.memref_slice %arg12[%run_scoped3A_19, %dma_start3A_163] : memref<8x128xi32, #tpu.memory_space<vmem>> -> memref<1x128xi32, #tpu.memory_space<vmem>>
      %dma_start3A_165 = tpu.memref_squeeze %dma_start3A_164 : memref<1x128xi32, #tpu.memory_space<vmem>> -> memref<128xi32, #tpu.memory_space<vmem>>
      %dma_start3A_166 = arith.constant 0 : i32
      %dma_start3A_167 = arith.constant 0 : i32
      %dma_start3A_168 = tpu.memref_slice %arg9[%dma_start3A_166, %dma_start3A_167] : memref<10112x128xf32, #tpu.memory_space<vmem_shared>> -> memref<10112x128xf32, #tpu.memory_space<vmem_shared>>
      tpu.enqueue_indirect_dma source(%dma_start3A_162 : memref<128x128xf32, #tpu.memory_space<vmem>>) target(%dma_start3A_168 : memref<10112x128xf32, #tpu.memory_space<vmem_shared>>) offsets(%dma_start3A_165 : memref<128xi32, #tpu.memory_space<vmem>>) semaphore(%run_scoped3A_158 : memref<!tpu.dma_semaphore, #tpu.memory_space<semaphore_mem>>)
      %dma_wait3A_169 = arith.constant 0 : i32
      %dma_wait3A_170 = arith.constant 0 : i32
      %dma_wait3A_171 = tpu.memref_slice %arg13[%run_scoped3A_18, %dma_wait3A_169, %dma_wait3A_170] : memref<2x128x128xf32, #tpu.memory_space<vmem>> -> memref<1x128x128xf32, #tpu.memory_space<vmem>>
      %dma_wait3A_172 = tpu.memref_squeeze %dma_wait3A_171 : memref<1x128x128xf32, #tpu.memory_space<vmem>> -> memref<128x128xf32, #tpu.memory_space<vmem>>
      %dma_wait3A_173 = arith.constant 0 : i32
      %dma_wait3A_174 = tpu.memref_slice %arg12[%run_scoped3A_19, %dma_wait3A_173] : memref<8x128xi32, #tpu.memory_space<vmem>> -> memref<1x128xi32, #tpu.memory_space<vmem>>
      %dma_wait3A_175 = tpu.memref_squeeze %dma_wait3A_174 : memref<1x128xi32, #tpu.memory_space<vmem>> -> memref<128xi32, #tpu.memory_space<vmem>>
      %dma_wait3A_176 = arith.constant 0 : i32
      %dma_wait3A_177 = arith.constant 0 : i32
      %dma_wait3A_178 = tpu.memref_slice %arg9[%dma_wait3A_176, %dma_wait3A_177] : memref<10112x128xf32, #tpu.memory_space<vmem_shared>> -> memref<10112x128xf32, #tpu.memory_space<vmem_shared>>
      tpu.wait_indirect_dma semaphore(%run_scoped3A_158 : memref<!tpu.dma_semaphore, #tpu.memory_space<semaphore_mem>>) src(%dma_wait3A_172 : memref<128x128xf32, #tpu.memory_space<vmem>>) dst(%dma_wait3A_178 : memref<10112x128xf32, #tpu.memory_space<vmem_shared>>)
      tpu.yield
    }) : () -> ()
    %barrier3A = arith.constant 0 : index
    tpu.barrier barrier_id(%barrier3A)
    %scan3A = arith.constant 0 : i32
    %scan3A_20 = arith.constant 10 : i32
    %scan3A_21 = arith.addi %scan3A, %scan3A_20 : i32
    %scan3A_22 = arith.constant 1 : i32
    scf.for %scan3A_158 = %scan3A to %scan3A_21 step %scan3A_22  : i32 {
      %mul3A_159 = arith.constant 1 : i32
      %mul3A_160 = arith.muli %scan3A_158, %mul3A_159 : i32
      %add3A_161 = arith.constant 0 : i32
      %add3A_162 = arith.addi %add3A_161, %mul3A_160 : i32
      %mul3A_163 = arith.constant 16 : i32
      %mul3A_164 = arith.muli %add3A_162, %mul3A_163 : i32
      %add3A_165 = arith.addi %mul3A_4, %mul3A_164 : i32
      "tpu.region"() ({
        %run_scoped3A_270 = tpu.sem_alloc : memref<!tpu.dma_semaphore, #tpu.memory_space<semaphore_mem>>
        %dma_start3A_271 = arith.constant 0 : i32
        %dma_start3A_272 = tpu.memref_slice %arg3[%add3A_165, %dma_start3A_271] : memref<5120x128xi32, #tpu.memory_space<hbm>> -> memref<16x128xi32, #tpu.memory_space<hbm>>
        %dma_start3A_273 = arith.constant 0 : i32
        %dma_start3A_274 = tpu.memref_slice %arg3[%add3A_165, %dma_start3A_273] : memref<5120x128xi32, #tpu.memory_space<hbm>> -> memref<16x128xi32, #tpu.memory_space<hbm>>
        tpu.enqueue_dma source(%dma_start3A_274 : memref<16x128xi32, #tpu.memory_space<hbm>>) target(%arg10 : memref<16x128xi32, #tpu.memory_space<vmem>>) target_semaphore(%run_scoped3A_270 : memref<!tpu.dma_semaphore, #tpu.memory_space<semaphore_mem>>)
        %dma_wait3A_275 = arith.constant 0 : i32
        %dma_wait3A_276 = tpu.memref_slice %arg3[%add3A_165, %dma_wait3A_275] : memref<5120x128xi32, #tpu.memory_space<hbm>> -> memref<16x128xi32, #tpu.memory_space<hbm>>
        %dma_wait3A_277 = arith.constant 0 : i32
        %dma_wait3A_278 = tpu.memref_slice %arg3[%add3A_165, %dma_wait3A_277] : memref<5120x128xi32, #tpu.memory_space<hbm>> -> memref<16x128xi32, #tpu.memory_space<hbm>>
        tpu.wait_dma2 semaphore(%run_scoped3A_270 : memref<!tpu.dma_semaphore, #tpu.memory_space<semaphore_mem>>) src(%dma_wait3A_278 : memref<16x128xi32, #tpu.memory_space<hbm>>) dst(%arg10 : memref<16x128xi32, #tpu.memory_space<vmem>>)
        tpu.yield
      }) : () -> ()
      %mul3A_166 = arith.constant 16 : i32
      %mul3A_167 = arith.muli %add3A_162, %mul3A_166 : i32
      %add3A_168 = arith.addi %mul3A_4, %mul3A_167 : i32
      "tpu.region"() ({
        %run_scoped3A_270 = tpu.sem_alloc : memref<!tpu.dma_semaphore, #tpu.memory_space<semaphore_mem>>
        %dma_start3A_271 = arith.constant 0 : i32
        %dma_start3A_272 = tpu.memref_slice %arg4[%add3A_168, %dma_start3A_271] : memref<5120x128xi32, #tpu.memory_space<hbm>> -> memref<16x128xi32, #tpu.memory_space<hbm>>
        %dma_start3A_273 = arith.constant 0 : i32
        %dma_start3A_274 = tpu.memref_slice %arg4[%add3A_168, %dma_start3A_273] : memref<5120x128xi32, #tpu.memory_space<hbm>> -> memref<16x128xi32, #tpu.memory_space<hbm>>
        tpu.enqueue_dma source(%dma_start3A_274 : memref<16x128xi32, #tpu.memory_space<hbm>>) target(%arg11 : memref<16x128xi32, #tpu.memory_space<vmem>>) target_semaphore(%run_scoped3A_270 : memref<!tpu.dma_semaphore, #tpu.memory_space<semaphore_mem>>)
        %dma_wait3A_275 = arith.constant 0 : i32
        %dma_wait3A_276 = tpu.memref_slice %arg4[%add3A_168, %dma_wait3A_275] : memref<5120x128xi32, #tpu.memory_space<hbm>> -> memref<16x128xi32, #tpu.memory_space<hbm>>
        %dma_wait3A_277 = arith.constant 0 : i32
        %dma_wait3A_278 = tpu.memref_slice %arg4[%add3A_168, %dma_wait3A_277] : memref<5120x128xi32, #tpu.memory_space<hbm>> -> memref<16x128xi32, #tpu.memory_space<hbm>>
        tpu.wait_dma2 semaphore(%run_scoped3A_270 : memref<!tpu.dma_semaphore, #tpu.memory_space<semaphore_mem>>) src(%dma_wait3A_278 : memref<16x128xi32, #tpu.memory_space<hbm>>) dst(%arg11 : memref<16x128xi32, #tpu.memory_space<vmem>>)
        tpu.yield
      }) : () -> ()
      %dma_start3A_169 = arith.constant 0 : i32
      %dma_start3A_170 = arith.constant 0 : i32
      %dma_start3A_171 = arith.constant 0 : i32
      %dma_start3A_172 = arith.constant 0 : i32
      %dma_start3A_173 = tpu.memref_slice %arg13[%dma_start3A_170, %dma_start3A_171, %dma_start3A_172] : memref<2x128x128xf32, #tpu.memory_space<vmem>> -> memref<1x128x128xf32, #tpu.memory_space<vmem>>
      %dma_start3A_174 = tpu.memref_squeeze %dma_start3A_173 : memref<1x128x128xf32, #tpu.memory_space<vmem>> -> memref<128x128xf32, #tpu.memory_space<vmem>>
      %dma_start3A_175 = arith.constant 0 : i32
      %dma_start3A_176 = tpu.memref_slice %arg10[%dma_start3A_169, %dma_start3A_175] : memref<16x128xi32, #tpu.memory_space<vmem>> -> memref<1x128xi32, #tpu.memory_space<vmem>>
      %dma_start3A_177 = tpu.memref_squeeze %dma_start3A_176 : memref<1x128xi32, #tpu.memory_space<vmem>> -> memref<128xi32, #tpu.memory_space<vmem>>
      %dma_start3A_178 = arith.constant 0 : i32
      %dma_start3A_179 = arith.constant 0 : i32
      %dma_start3A_180 = tpu.memref_slice %arg2[%dma_start3A_178, %dma_start3A_179] : memref<10112x128xf32, #tpu.memory_space<hbm>> -> memref<10112x128xf32, #tpu.memory_space<hbm>>
      tpu.enqueue_indirect_dma source(%dma_start3A_180 : memref<10112x128xf32, #tpu.memory_space<hbm>>) target(%dma_start3A_174 : memref<128x128xf32, #tpu.memory_space<vmem>>) offsets(%dma_start3A_177 : memref<128xi32, #tpu.memory_space<vmem>>) semaphore(%arg14 : memref<!tpu.dma_semaphore, #tpu.memory_space<semaphore_mem>>)
      %dma_start3A_181 = arith.constant 1 : i32
      %dma_start3A_182 = arith.constant 1 : i32
      %dma_start3A_183 = arith.constant 0 : i32
      %dma_start3A_184 = arith.constant 0 : i32
      %dma_start3A_185 = tpu.memref_slice %arg13[%dma_start3A_182, %dma_start3A_183, %dma_start3A_184] : memref<2x128x128xf32, #tpu.memory_space<vmem>> -> memref<1x128x128xf32, #tpu.memory_space<vmem>>
      %dma_start3A_186 = tpu.memref_squeeze %dma_start3A_185 : memref<1x128x128xf32, #tpu.memory_space<vmem>> -> memref<128x128xf32, #tpu.memory_space<vmem>>
      %dma_start3A_187 = arith.constant 0 : i32
      %dma_start3A_188 = tpu.memref_slice %arg10[%dma_start3A_181, %dma_start3A_187] : memref<16x128xi32, #tpu.memory_space<vmem>> -> memref<1x128xi32, #tpu.memory_space<vmem>>
      %dma_start3A_189 = tpu.memref_squeeze %dma_start3A_188 : memref<1x128xi32, #tpu.memory_space<vmem>> -> memref<128xi32, #tpu.memory_space<vmem>>
      %dma_start3A_190 = arith.constant 0 : i32
      %dma_start3A_191 = arith.constant 0 : i32
      %dma_start3A_192 = tpu.memref_slice %arg2[%dma_start3A_190, %dma_start3A_191] : memref<10112x128xf32, #tpu.memory_space<hbm>> -> memref<10112x128xf32, #tpu.memory_space<hbm>>
      tpu.enqueue_indirect_dma source(%dma_start3A_192 : memref<10112x128xf32, #tpu.memory_space<hbm>>) target(%dma_start3A_186 : memref<128x128xf32, #tpu.memory_space<vmem>>) offsets(%dma_start3A_189 : memref<128xi32, #tpu.memory_space<vmem>>) semaphore(%arg15 : memref<!tpu.dma_semaphore, #tpu.memory_space<semaphore_mem>>)
      %scan3A_193 = arith.constant 0 : i32
      %scan3A_194 = arith.constant 7 : i32
      %scan3A_195 = arith.addi %scan3A_193, %scan3A_194 : i32
      %scan3A_196 = arith.constant 1 : i32
      scf.for %scan3A_270 = %scan3A_193 to %scan3A_195 step %scan3A_196  : i32 {
        %mul3A_271 = arith.constant 1 : i32
        %mul3A_272 = arith.muli %scan3A_270, %mul3A_271 : i32
        %add3A_273 = arith.constant 0 : i32
        %add3A_274 = arith.addi %add3A_273, %mul3A_272 : i32
        %mul3A_275 = arith.constant 2 : i32
        %mul3A_276 = arith.muli %mul3A_275, %add3A_274 : i32
        %add3A_277 = arith.constant 0 : i32
        %add3A_278 = arith.addi %mul3A_276, %add3A_277 : i32
        %dma_wait3A_279 = arith.constant 0 : i32
        %dma_wait3A_280 = arith.constant 0 : i32
        %dma_wait3A_281 = arith.constant 0 : i32
        %dma_wait3A_282 = tpu.memref_slice %arg13[%dma_wait3A_279, %dma_wait3A_280, %dma_wait3A_281] : memref<2x128x128xf32, #tpu.memory_space<vmem>> -> memref<1x128x128xf32, #tpu.memory_space<vmem>>
        %dma_wait3A_283 = tpu.memref_squeeze %dma_wait3A_282 : memref<1x128x128xf32, #tpu.memory_space<vmem>> -> memref<128x128xf32, #tpu.memory_space<vmem>>
        %dma_wait3A_284 = arith.constant 0 : i32
        %dma_wait3A_285 = tpu.memref_slice %arg10[%add3A_278, %dma_wait3A_284] : memref<16x128xi32, #tpu.memory_space<vmem>> -> memref<1x128xi32, #tpu.memory_space<vmem>>
        %dma_wait3A_286 = tpu.memref_squeeze %dma_wait3A_285 : memref<1x128xi32, #tpu.memory_space<vmem>> -> memref<128xi32, #tpu.memory_space<vmem>>
        %dma_wait3A_287 = arith.constant 0 : i32
        %dma_wait3A_288 = arith.constant 0 : i32
        %dma_wait3A_289 = tpu.memref_slice %arg2[%dma_wait3A_287, %dma_wait3A_288] : memref<10112x128xf32, #tpu.memory_space<hbm>> -> memref<10112x128xf32, #tpu.memory_space<hbm>>
        tpu.wait_indirect_dma semaphore(%arg14 : memref<!tpu.dma_semaphore, #tpu.memory_space<semaphore_mem>>) src(%dma_wait3A_289 : memref<10112x128xf32, #tpu.memory_space<hbm>>) dst(%dma_wait3A_283 : memref<128x128xf32, #tpu.memory_space<vmem>>)
        %add3A_290 = arith.constant 0 : i32
        %add3A_291 = arith.addi %mul3A_276, %add3A_290 : i32
        %dma_start3A_292 = arith.constant 0 : i32
        %dma_start3A_293 = arith.constant 0 : i32
        %dma_start3A_294 = arith.constant 0 : i32
        %dma_start3A_295 = tpu.memref_slice %arg13[%dma_start3A_292, %dma_start3A_293, %dma_start3A_294] : memref<2x128x128xf32, #tpu.memory_space<vmem>> -> memref<1x128x128xf32, #tpu.memory_space<vmem>>
        %dma_start3A_296 = tpu.memref_squeeze %dma_start3A_295 : memref<1x128x128xf32, #tpu.memory_space<vmem>> -> memref<128x128xf32, #tpu.memory_space<vmem>>
        %dma_start3A_297 = arith.constant 0 : i32
        %dma_start3A_298 = tpu.memref_slice %arg11[%add3A_291, %dma_start3A_297] : memref<16x128xi32, #tpu.memory_space<vmem>> -> memref<1x128xi32, #tpu.memory_space<vmem>>
        %dma_start3A_299 = tpu.memref_squeeze %dma_start3A_298 : memref<1x128xi32, #tpu.memory_space<vmem>> -> memref<128xi32, #tpu.memory_space<vmem>>
        %dma_start3A_300 = arith.constant 0 : i32
        %dma_start3A_301 = arith.constant 0 : i32
        %dma_start3A_302 = tpu.memref_slice %arg9[%dma_start3A_300, %dma_start3A_301] : memref<10112x128xf32, #tpu.memory_space<vmem_shared>> -> memref<10112x128xf32, #tpu.memory_space<vmem_shared>>
        tpu.enqueue_indirect_dma source(%dma_start3A_296 : memref<128x128xf32, #tpu.memory_space<vmem>>) target(%dma_start3A_302 : memref<10112x128xf32, #tpu.memory_space<vmem_shared>>) offsets(%dma_start3A_299 : memref<128xi32, #tpu.memory_space<vmem>>) semaphore(%arg16 : memref<!tpu.dma_semaphore, #tpu.memory_space<semaphore_mem>>) {add = true}
        %add3A_303 = arith.constant 1 : i32
        %add3A_304 = arith.addi %mul3A_276, %add3A_303 : i32
        %dma_wait3A_305 = arith.constant 1 : i32
        %dma_wait3A_306 = arith.constant 0 : i32
        %dma_wait3A_307 = arith.constant 0 : i32
        %dma_wait3A_308 = tpu.memref_slice %arg13[%dma_wait3A_305, %dma_wait3A_306, %dma_wait3A_307] : memref<2x128x128xf32, #tpu.memory_space<vmem>> -> memref<1x128x128xf32, #tpu.memory_space<vmem>>
        %dma_wait3A_309 = tpu.memref_squeeze %dma_wait3A_308 : memref<1x128x128xf32, #tpu.memory_space<vmem>> -> memref<128x128xf32, #tpu.memory_space<vmem>>
        %dma_wait3A_310 = arith.constant 0 : i32
        %dma_wait3A_311 = tpu.memref_slice %arg10[%add3A_304, %dma_wait3A_310] : memref<16x128xi32, #tpu.memory_space<vmem>> -> memref<1x128xi32, #tpu.memory_space<vmem>>
        %dma_wait3A_312 = tpu.memref_squeeze %dma_wait3A_311 : memref<1x128xi32, #tpu.memory_space<vmem>> -> memref<128xi32, #tpu.memory_space<vmem>>
        %dma_wait3A_313 = arith.constant 0 : i32
        %dma_wait3A_314 = arith.constant 0 : i32
        %dma_wait3A_315 = tpu.memref_slice %arg2[%dma_wait3A_313, %dma_wait3A_314] : memref<10112x128xf32, #tpu.memory_space<hbm>> -> memref<10112x128xf32, #tpu.memory_space<hbm>>
        tpu.wait_indirect_dma semaphore(%arg15 : memref<!tpu.dma_semaphore, #tpu.memory_space<semaphore_mem>>) src(%dma_wait3A_315 : memref<10112x128xf32, #tpu.memory_space<hbm>>) dst(%dma_wait3A_309 : memref<128x128xf32, #tpu.memory_space<vmem>>)
        %add3A_316 = arith.constant 1 : i32
        %add3A_317 = arith.addi %mul3A_276, %add3A_316 : i32
        %dma_start3A_318 = arith.constant 1 : i32
        %dma_start3A_319 = arith.constant 0 : i32
        %dma_start3A_320 = arith.constant 0 : i32
        %dma_start3A_321 = tpu.memref_slice %arg13[%dma_start3A_318, %dma_start3A_319, %dma_start3A_320] : memref<2x128x128xf32, #tpu.memory_space<vmem>> -> memref<1x128x128xf32, #tpu.memory_space<vmem>>
        %dma_start3A_322 = tpu.memref_squeeze %dma_start3A_321 : memref<1x128x128xf32, #tpu.memory_space<vmem>> -> memref<128x128xf32, #tpu.memory_space<vmem>>
        %dma_start3A_323 = arith.constant 0 : i32
        %dma_start3A_324 = tpu.memref_slice %arg11[%add3A_317, %dma_start3A_323] : memref<16x128xi32, #tpu.memory_space<vmem>> -> memref<1x128xi32, #tpu.memory_space<vmem>>
        %dma_start3A_325 = tpu.memref_squeeze %dma_start3A_324 : memref<1x128xi32, #tpu.memory_space<vmem>> -> memref<128xi32, #tpu.memory_space<vmem>>
        %dma_start3A_326 = arith.constant 0 : i32
        %dma_start3A_327 = arith.constant 0 : i32
        %dma_start3A_328 = tpu.memref_slice %arg9[%dma_start3A_326, %dma_start3A_327] : memref<10112x128xf32, #tpu.memory_space<vmem_shared>> -> memref<10112x128xf32, #tpu.memory_space<vmem_shared>>
        tpu.enqueue_indirect_dma source(%dma_start3A_322 : memref<128x128xf32, #tpu.memory_space<vmem>>) target(%dma_start3A_328 : memref<10112x128xf32, #tpu.memory_space<vmem_shared>>) offsets(%dma_start3A_325 : memref<128xi32, #tpu.memory_space<vmem>>) semaphore(%arg17 : memref<!tpu.dma_semaphore, #tpu.memory_space<semaphore_mem>>) {add = true}
        %add3A_329 = arith.constant 0 : i32
        %add3A_330 = arith.addi %mul3A_276, %add3A_329 : i32
        %dma_wait3A_331 = arith.constant 0 : i32
        %dma_wait3A_332 = arith.constant 0 : i32
        %dma_wait3A_333 = arith.constant 0 : i32
        %dma_wait3A_334 = tpu.memref_slice %arg13[%dma_wait3A_331, %dma_wait3A_332, %dma_wait3A_333] : memref<2x128x128xf32, #tpu.memory_space<vmem>> -> memref<1x128x128xf32, #tpu.memory_space<vmem>>
        %dma_wait3A_335 = tpu.memref_squeeze %dma_wait3A_334 : memref<1x128x128xf32, #tpu.memory_space<vmem>> -> memref<128x128xf32, #tpu.memory_space<vmem>>
        %dma_wait3A_336 = arith.constant 0 : i32
        %dma_wait3A_337 = tpu.memref_slice %arg11[%add3A_330, %dma_wait3A_336] : memref<16x128xi32, #tpu.memory_space<vmem>> -> memref<1x128xi32, #tpu.memory_space<vmem>>
        %dma_wait3A_338 = tpu.memref_squeeze %dma_wait3A_337 : memref<1x128xi32, #tpu.memory_space<vmem>> -> memref<128xi32, #tpu.memory_space<vmem>>
        %dma_wait3A_339 = arith.constant 0 : i32
        %dma_wait3A_340 = arith.constant 0 : i32
        %dma_wait3A_341 = tpu.memref_slice %arg9[%dma_wait3A_339, %dma_wait3A_340] : memref<10112x128xf32, #tpu.memory_space<vmem_shared>> -> memref<10112x128xf32, #tpu.memory_space<vmem_shared>>
        tpu.wait_indirect_dma semaphore(%arg16 : memref<!tpu.dma_semaphore, #tpu.memory_space<semaphore_mem>>) src(%dma_wait3A_335 : memref<128x128xf32, #tpu.memory_space<vmem>>) dst(%dma_wait3A_341 : memref<10112x128xf32, #tpu.memory_space<vmem_shared>>)
        %add3A_342 = arith.constant 2 : i32
        %add3A_343 = arith.addi %mul3A_276, %add3A_342 : i32
        %add3A_344 = arith.constant 0 : i32
        %add3A_345 = arith.addi %add3A_343, %add3A_344 : i32
        %dma_start3A_346 = arith.constant 0 : i32
        %dma_start3A_347 = arith.constant 0 : i32
        %dma_start3A_348 = arith.constant 0 : i32
        %dma_start3A_349 = tpu.memref_slice %arg13[%dma_start3A_346, %dma_start3A_347, %dma_start3A_348] : memref<2x128x128xf32, #tpu.memory_space<vmem>> -> memref<1x128x128xf32, #tpu.memory_space<vmem>>
        %dma_start3A_350 = tpu.memref_squeeze %dma_start3A_349 : memref<1x128x128xf32, #tpu.memory_space<vmem>> -> memref<128x128xf32, #tpu.memory_space<vmem>>
        %dma_start3A_351 = arith.constant 0 : i32
        %dma_start3A_352 = tpu.memref_slice %arg10[%add3A_345, %dma_start3A_351] : memref<16x128xi32, #tpu.memory_space<vmem>> -> memref<1x128xi32, #tpu.memory_space<vmem>>
        %dma_start3A_353 = tpu.memref_squeeze %dma_start3A_352 : memref<1x128xi32, #tpu.memory_space<vmem>> -> memref<128xi32, #tpu.memory_space<vmem>>
        %dma_start3A_354 = arith.constant 0 : i32
        %dma_start3A_355 = arith.constant 0 : i32
        %dma_start3A_356 = tpu.memref_slice %arg2[%dma_start3A_354, %dma_start3A_355] : memref<10112x128xf32, #tpu.memory_space<hbm>> -> memref<10112x128xf32, #tpu.memory_space<hbm>>
        tpu.enqueue_indirect_dma source(%dma_start3A_356 : memref<10112x128xf32, #tpu.memory_space<hbm>>) target(%dma_start3A_350 : memref<128x128xf32, #tpu.memory_space<vmem>>) offsets(%dma_start3A_353 : memref<128xi32, #tpu.memory_space<vmem>>) semaphore(%arg14 : memref<!tpu.dma_semaphore, #tpu.memory_space<semaphore_mem>>)
        %add3A_357 = arith.constant 1 : i32
        %add3A_358 = arith.addi %mul3A_276, %add3A_357 : i32
        %dma_wait3A_359 = arith.constant 1 : i32
        %dma_wait3A_360 = arith.constant 0 : i32
        %dma_wait3A_361 = arith.constant 0 : i32
        %dma_wait3A_362 = tpu.memref_slice %arg13[%dma_wait3A_359, %dma_wait3A_360, %dma_wait3A_361] : memref<2x128x128xf32, #tpu.memory_space<vmem>> -> memref<1x128x128xf32, #tpu.memory_space<vmem>>
        %dma_wait3A_363 = tpu.memref_squeeze %dma_wait3A_362 : memref<1x128x128xf32, #tpu.memory_space<vmem>> -> memref<128x128xf32, #tpu.memory_space<vmem>>
        %dma_wait3A_364 = arith.constant 0 : i32
        %dma_wait3A_365 = tpu.memref_slice %arg11[%add3A_358, %dma_wait3A_364] : memref<16x128xi32, #tpu.memory_space<vmem>> -> memref<1x128xi32, #tpu.memory_space<vmem>>
        %dma_wait3A_366 = tpu.memref_squeeze %dma_wait3A_365 : memref<1x128xi32, #tpu.memory_space<vmem>> -> memref<128xi32, #tpu.memory_space<vmem>>
        %dma_wait3A_367 = arith.constant 0 : i32
        %dma_wait3A_368 = arith.constant 0 : i32
        %dma_wait3A_369 = tpu.memref_slice %arg9[%dma_wait3A_367, %dma_wait3A_368] : memref<10112x128xf32, #tpu.memory_space<vmem_shared>> -> memref<10112x128xf32, #tpu.memory_space<vmem_shared>>
        tpu.wait_indirect_dma semaphore(%arg17 : memref<!tpu.dma_semaphore, #tpu.memory_space<semaphore_mem>>) src(%dma_wait3A_363 : memref<128x128xf32, #tpu.memory_space<vmem>>) dst(%dma_wait3A_369 : memref<10112x128xf32, #tpu.memory_space<vmem_shared>>)
        %add3A_370 = arith.constant 2 : i32
        %add3A_371 = arith.addi %mul3A_276, %add3A_370 : i32
        %add3A_372 = arith.constant 1 : i32
        %add3A_373 = arith.addi %add3A_371, %add3A_372 : i32
        %dma_start3A_374 = arith.constant 1 : i32
        %dma_start3A_375 = arith.constant 0 : i32
        %dma_start3A_376 = arith.constant 0 : i32
        %dma_start3A_377 = tpu.memref_slice %arg13[%dma_start3A_374, %dma_start3A_375, %dma_start3A_376] : memref<2x128x128xf32, #tpu.memory_space<vmem>> -> memref<1x128x128xf32, #tpu.memory_space<vmem>>
        %dma_start3A_378 = tpu.memref_squeeze %dma_start3A_377 : memref<1x128x128xf32, #tpu.memory_space<vmem>> -> memref<128x128xf32, #tpu.memory_space<vmem>>
        %dma_start3A_379 = arith.constant 0 : i32
        %dma_start3A_380 = tpu.memref_slice %arg10[%add3A_373, %dma_start3A_379] : memref<16x128xi32, #tpu.memory_space<vmem>> -> memref<1x128xi32, #tpu.memory_space<vmem>>
        %dma_start3A_381 = tpu.memref_squeeze %dma_start3A_380 : memref<1x128xi32, #tpu.memory_space<vmem>> -> memref<128xi32, #tpu.memory_space<vmem>>
        %dma_start3A_382 = arith.constant 0 : i32
        %dma_start3A_383 = arith.constant 0 : i32
        %dma_start3A_384 = tpu.memref_slice %arg2[%dma_start3A_382, %dma_start3A_383] : memref<10112x128xf32, #tpu.memory_space<hbm>> -> memref<10112x128xf32, #tpu.memory_space<hbm>>
        tpu.enqueue_indirect_dma source(%dma_start3A_384 : memref<10112x128xf32, #tpu.memory_space<hbm>>) target(%dma_start3A_378 : memref<128x128xf32, #tpu.memory_space<vmem>>) offsets(%dma_start3A_381 : memref<128xi32, #tpu.memory_space<vmem>>) semaphore(%arg15 : memref<!tpu.dma_semaphore, #tpu.memory_space<semaphore_mem>>)
      }
      %scan3A_197 = arith.constant 7 : i32
      %dma_wait3A_198 = arith.constant 14 : i32
      %dma_wait3A_199 = arith.constant 0 : i32
      %dma_wait3A_200 = arith.constant 0 : i32
      %dma_wait3A_201 = arith.constant 0 : i32
      %dma_wait3A_202 = tpu.memref_slice %arg13[%dma_wait3A_199, %dma_wait3A_200, %dma_wait3A_201] : memref<2x128x128xf32, #tpu.memory_space<vmem>> -> memref<1x128x128xf32, #tpu.memory_space<vmem>>
      %dma_wait3A_203 = tpu.memref_squeeze %dma_wait3A_202 : memref<1x128x128xf32, #tpu.memory_space<vmem>> -> memref<128x128xf32, #tpu.memory_space<vmem>>
      %dma_wait3A_204 = arith.constant 0 : i32
      %dma_wait3A_205 = tpu.memref_slice %arg10[%dma_wait3A_198, %dma_wait3A_204] : memref<16x128xi32, #tpu.memory_space<vmem>> -> memref<1x128xi32, #tpu.memory_space<vmem>>
      %dma_wait3A_206 = tpu.memref_squeeze %dma_wait3A_205 : memref<1x128xi32, #tpu.memory_space<vmem>> -> memref<128xi32, #tpu.memory_space<vmem>>
      %dma_wait3A_207 = arith.constant 0 : i32
      %dma_wait3A_208 = arith.constant 0 : i32
      %dma_wait3A_209 = tpu.memref_slice %arg2[%dma_wait3A_207, %dma_wait3A_208] : memref<10112x128xf32, #tpu.memory_space<hbm>> -> memref<10112x128xf32, #tpu.memory_space<hbm>>
      tpu.wait_indirect_dma semaphore(%arg14 : memref<!tpu.dma_semaphore, #tpu.memory_space<semaphore_mem>>) src(%dma_wait3A_209 : memref<10112x128xf32, #tpu.memory_space<hbm>>) dst(%dma_wait3A_203 : memref<128x128xf32, #tpu.memory_space<vmem>>)
      %dma_start3A_210 = arith.constant 0 : i32
      %dma_start3A_211 = arith.constant 14 : i32
      %dma_start3A_212 = arith.constant 0 : i32
      %dma_start3A_213 = arith.constant 0 : i32
      %dma_start3A_214 = tpu.memref_slice %arg13[%dma_start3A_210, %dma_start3A_212, %dma_start3A_213] : memref<2x128x128xf32, #tpu.memory_space<vmem>> -> memref<1x128x128xf32, #tpu.memory_space<vmem>>
      %dma_start3A_215 = tpu.memref_squeeze %dma_start3A_214 : memref<1x128x128xf32, #tpu.memory_space<vmem>> -> memref<128x128xf32, #tpu.memory_space<vmem>>
      %dma_start3A_216 = arith.constant 0 : i32
      %dma_start3A_217 = tpu.memref_slice %arg11[%dma_start3A_211, %dma_start3A_216] : memref<16x128xi32, #tpu.memory_space<vmem>> -> memref<1x128xi32, #tpu.memory_space<vmem>>
      %dma_start3A_218 = tpu.memref_squeeze %dma_start3A_217 : memref<1x128xi32, #tpu.memory_space<vmem>> -> memref<128xi32, #tpu.memory_space<vmem>>
      %dma_start3A_219 = arith.constant 0 : i32
      %dma_start3A_220 = arith.constant 0 : i32
      %dma_start3A_221 = tpu.memref_slice %arg9[%dma_start3A_219, %dma_start3A_220] : memref<10112x128xf32, #tpu.memory_space<vmem_shared>> -> memref<10112x128xf32, #tpu.memory_space<vmem_shared>>
      tpu.enqueue_indirect_dma source(%dma_start3A_215 : memref<128x128xf32, #tpu.memory_space<vmem>>) target(%dma_start3A_221 : memref<10112x128xf32, #tpu.memory_space<vmem_shared>>) offsets(%dma_start3A_218 : memref<128xi32, #tpu.memory_space<vmem>>) semaphore(%arg16 : memref<!tpu.dma_semaphore, #tpu.memory_space<semaphore_mem>>) {add = true}
      %dma_wait3A_222 = arith.constant 15 : i32
      %dma_wait3A_223 = arith.constant 1 : i32
      %dma_wait3A_224 = arith.constant 0 : i32
      %dma_wait3A_225 = arith.constant 0 : i32
      %dma_wait3A_226 = tpu.memref_slice %arg13[%dma_wait3A_223, %dma_wait3A_224, %dma_wait3A_225] : memref<2x128x128xf32, #tpu.memory_space<vmem>> -> memref<1x128x128xf32, #tpu.memory_space<vmem>>
      %dma_wait3A_227 = tpu.memref_squeeze %dma_wait3A_226 : memref<1x128x128xf32, #tpu.memory_space<vmem>> -> memref<128x128xf32, #tpu.memory_space<vmem>>
      %dma_wait3A_228 = arith.constant 0 : i32
      %dma_wait3A_229 = tpu.memref_slice %arg10[%dma_wait3A_222, %dma_wait3A_228] : memref<16x128xi32, #tpu.memory_space<vmem>> -> memref<1x128xi32, #tpu.memory_space<vmem>>
      %dma_wait3A_230 = tpu.memref_squeeze %dma_wait3A_229 : memref<1x128xi32, #tpu.memory_space<vmem>> -> memref<128xi32, #tpu.memory_space<vmem>>
      %dma_wait3A_231 = arith.constant 0 : i32
      %dma_wait3A_232 = arith.constant 0 : i32
      %dma_wait3A_233 = tpu.memref_slice %arg2[%dma_wait3A_231, %dma_wait3A_232] : memref<10112x128xf32, #tpu.memory_space<hbm>> -> memref<10112x128xf32, #tpu.memory_space<hbm>>
      tpu.wait_indirect_dma semaphore(%arg15 : memref<!tpu.dma_semaphore, #tpu.memory_space<semaphore_mem>>) src(%dma_wait3A_233 : memref<10112x128xf32, #tpu.memory_space<hbm>>) dst(%dma_wait3A_227 : memref<128x128xf32, #tpu.memory_space<vmem>>)
      %dma_start3A_234 = arith.constant 1 : i32
      %dma_start3A_235 = arith.constant 15 : i32
      %dma_start3A_236 = arith.constant 0 : i32
      %dma_start3A_237 = arith.constant 0 : i32
      %dma_start3A_238 = tpu.memref_slice %arg13[%dma_start3A_234, %dma_start3A_236, %dma_start3A_237] : memref<2x128x128xf32, #tpu.memory_space<vmem>> -> memref<1x128x128xf32, #tpu.memory_space<vmem>>
      %dma_start3A_239 = tpu.memref_squeeze %dma_start3A_238 : memref<1x128x128xf32, #tpu.memory_space<vmem>> -> memref<128x128xf32, #tpu.memory_space<vmem>>
      %dma_start3A_240 = arith.constant 0 : i32
      %dma_start3A_241 = tpu.memref_slice %arg11[%dma_start3A_235, %dma_start3A_240] : memref<16x128xi32, #tpu.memory_space<vmem>> -> memref<1x128xi32, #tpu.memory_space<vmem>>
      %dma_start3A_242 = tpu.memref_squeeze %dma_start3A_241 : memref<1x128xi32, #tpu.memory_space<vmem>> -> memref<128xi32, #tpu.memory_space<vmem>>
      %dma_start3A_243 = arith.constant 0 : i32
      %dma_start3A_244 = arith.constant 0 : i32
      %dma_start3A_245 = tpu.memref_slice %arg9[%dma_start3A_243, %dma_start3A_244] : memref<10112x128xf32, #tpu.memory_space<vmem_shared>> -> memref<10112x128xf32, #tpu.memory_space<vmem_shared>>
      tpu.enqueue_indirect_dma source(%dma_start3A_239 : memref<128x128xf32, #tpu.memory_space<vmem>>) target(%dma_start3A_245 : memref<10112x128xf32, #tpu.memory_space<vmem_shared>>) offsets(%dma_start3A_242 : memref<128xi32, #tpu.memory_space<vmem>>) semaphore(%arg17 : memref<!tpu.dma_semaphore, #tpu.memory_space<semaphore_mem>>) {add = true}
      %dma_wait3A_246 = arith.constant 0 : i32
      %dma_wait3A_247 = arith.constant 14 : i32
      %dma_wait3A_248 = arith.constant 0 : i32
      %dma_wait3A_249 = arith.constant 0 : i32
      %dma_wait3A_250 = tpu.memref_slice %arg13[%dma_wait3A_246, %dma_wait3A_248, %dma_wait3A_249] : memref<2x128x128xf32, #tpu.memory_space<vmem>> -> memref<1x128x128xf32, #tpu.memory_space<vmem>>
      %dma_wait3A_251 = tpu.memref_squeeze %dma_wait3A_250 : memref<1x128x128xf32, #tpu.memory_space<vmem>> -> memref<128x128xf32, #tpu.memory_space<vmem>>
      %dma_wait3A_252 = arith.constant 0 : i32
      %dma_wait3A_253 = tpu.memref_slice %arg11[%dma_wait3A_247, %dma_wait3A_252] : memref<16x128xi32, #tpu.memory_space<vmem>> -> memref<1x128xi32, #tpu.memory_space<vmem>>
      %dma_wait3A_254 = tpu.memref_squeeze %dma_wait3A_253 : memref<1x128xi32, #tpu.memory_space<vmem>> -> memref<128xi32, #tpu.memory_space<vmem>>
      %dma_wait3A_255 = arith.constant 0 : i32
      %dma_wait3A_256 = arith.constant 0 : i32
      %dma_wait3A_257 = tpu.memref_slice %arg9[%dma_wait3A_255, %dma_wait3A_256] : memref<10112x128xf32, #tpu.memory_space<vmem_shared>> -> memref<10112x128xf32, #tpu.memory_space<vmem_shared>>
      tpu.wait_indirect_dma semaphore(%arg16 : memref<!tpu.dma_semaphore, #tpu.memory_space<semaphore_mem>>) src(%dma_wait3A_251 : memref<128x128xf32, #tpu.memory_space<vmem>>) dst(%dma_wait3A_257 : memref<10112x128xf32, #tpu.memory_space<vmem_shared>>)
      %dma_wait3A_258 = arith.constant 1 : i32
      %dma_wait3A_259 = arith.constant 15 : i32
      %dma_wait3A_260 = arith.constant 0 : i32
      %dma_wait3A_261 = arith.constant 0 : i32
      %dma_wait3A_262 = tpu.memref_slice %arg13[%dma_wait3A_258, %dma_wait3A_260, %dma_wait3A_261] : memref<2x128x128xf32, #tpu.memory_space<vmem>> -> memref<1x128x128xf32, #tpu.memory_space<vmem>>
      %dma_wait3A_263 = tpu.memref_squeeze %dma_wait3A_262 : memref<1x128x128xf32, #tpu.memory_space<vmem>> -> memref<128x128xf32, #tpu.memory_space<vmem>>
      %dma_wait3A_264 = arith.constant 0 : i32
      %dma_wait3A_265 = tpu.memref_slice %arg11[%dma_wait3A_259, %dma_wait3A_264] : memref<16x128xi32, #tpu.memory_space<vmem>> -> memref<1x128xi32, #tpu.memory_space<vmem>>
      %dma_wait3A_266 = tpu.memref_squeeze %dma_wait3A_265 : memref<1x128xi32, #tpu.memory_space<vmem>> -> memref<128xi32, #tpu.memory_space<vmem>>
      %dma_wait3A_267 = arith.constant 0 : i32
      %dma_wait3A_268 = arith.constant 0 : i32
      %dma_wait3A_269 = tpu.memref_slice %arg9[%dma_wait3A_267, %dma_wait3A_268] : memref<10112x128xf32, #tpu.memory_space<vmem_shared>> -> memref<10112x128xf32, #tpu.memory_space<vmem_shared>>
      tpu.wait_indirect_dma semaphore(%arg17 : memref<!tpu.dma_semaphore, #tpu.memory_space<semaphore_mem>>) src(%dma_wait3A_263 : memref<128x128xf32, #tpu.memory_space<vmem>>) dst(%dma_wait3A_269 : memref<10112x128xf32, #tpu.memory_space<vmem_shared>>)
    }
    %scan3A_23 = arith.constant 10 : i32
    %barrier3A_24 = arith.constant 0 : index
    tpu.barrier barrier_id(%barrier3A_24)
    %dma_start3A = arith.constant 0 : i32
    %dma_start3A_25 = arith.constant 0 : i32
    %dma_start3A_26 = arith.constant 0 : i32
    %dma_start3A_27 = arith.constant 0 : i32
    %dma_start3A_28 = tpu.memref_slice %arg13[%dma_start3A_25, %dma_start3A_26, %dma_start3A_27] : memref<2x128x128xf32, #tpu.memory_space<vmem>> -> memref<1x128x128xf32, #tpu.memory_space<vmem>>
    %dma_start3A_29 = tpu.memref_squeeze %dma_start3A_28 : memref<1x128x128xf32, #tpu.memory_space<vmem>> -> memref<128x128xf32, #tpu.memory_space<vmem>>
    %dma_start3A_30 = arith.constant 0 : i32
    %dma_start3A_31 = tpu.memref_slice %arg12[%dma_start3A, %dma_start3A_30] : memref<8x128xi32, #tpu.memory_space<vmem>> -> memref<1x128xi32, #tpu.memory_space<vmem>>
    %dma_start3A_32 = tpu.memref_squeeze %dma_start3A_31 : memref<1x128xi32, #tpu.memory_space<vmem>> -> memref<128xi32, #tpu.memory_space<vmem>>
    %dma_start3A_33 = arith.constant 0 : i32
    %dma_start3A_34 = arith.constant 0 : i32
    %dma_start3A_35 = tpu.memref_slice %arg9[%dma_start3A_33, %dma_start3A_34] : memref<10112x128xf32, #tpu.memory_space<vmem_shared>> -> memref<10112x128xf32, #tpu.memory_space<vmem_shared>>
    tpu.enqueue_indirect_dma source(%dma_start3A_35 : memref<10112x128xf32, #tpu.memory_space<vmem_shared>>) target(%dma_start3A_29 : memref<128x128xf32, #tpu.memory_space<vmem>>) offsets(%dma_start3A_32 : memref<128xi32, #tpu.memory_space<vmem>>) semaphore(%arg14 : memref<!tpu.dma_semaphore, #tpu.memory_space<semaphore_mem>>)
    %dma_wait3A = arith.constant 0 : i32
    %dma_wait3A_36 = arith.constant 0 : i32
    %dma_wait3A_37 = arith.constant 0 : i32
    %dma_wait3A_38 = arith.constant 0 : i32
    %dma_wait3A_39 = tpu.memref_slice %arg13[%dma_wait3A_36, %dma_wait3A_37, %dma_wait3A_38] : memref<2x128x128xf32, #tpu.memory_space<vmem>> -> memref<1x128x128xf32, #tpu.memory_space<vmem>>
    %dma_wait3A_40 = tpu.memref_squeeze %dma_wait3A_39 : memref<1x128x128xf32, #tpu.memory_space<vmem>> -> memref<128x128xf32, #tpu.memory_space<vmem>>
    %dma_wait3A_41 = arith.constant 0 : i32
    %dma_wait3A_42 = tpu.memref_slice %arg12[%dma_wait3A, %dma_wait3A_41] : memref<8x128xi32, #tpu.memory_space<vmem>> -> memref<1x128xi32, #tpu.memory_space<vmem>>
    %dma_wait3A_43 = tpu.memref_squeeze %dma_wait3A_42 : memref<1x128xi32, #tpu.memory_space<vmem>> -> memref<128xi32, #tpu.memory_space<vmem>>
    %dma_wait3A_44 = arith.constant 0 : i32
    %dma_wait3A_45 = arith.constant 0 : i32
    %dma_wait3A_46 = tpu.memref_slice %arg9[%dma_wait3A_44, %dma_wait3A_45] : memref<10112x128xf32, #tpu.memory_space<vmem_shared>> -> memref<10112x128xf32, #tpu.memory_space<vmem_shared>>
    tpu.wait_indirect_dma semaphore(%arg14 : memref<!tpu.dma_semaphore, #tpu.memory_space<semaphore_mem>>) src(%dma_wait3A_46 : memref<10112x128xf32, #tpu.memory_space<vmem_shared>>) dst(%dma_wait3A_40 : memref<128x128xf32, #tpu.memory_space<vmem>>)
    %add3A_47 = arith.constant 0 : i32
    %add3A_48 = arith.addi %add3A_7, %add3A_47 : i32
    %run_scoped3A_49 = arith.constant 0 : i32
    "tpu.region"() ({
      %run_scoped3A_158 = tpu.sem_alloc : memref<!tpu.dma_semaphore, #tpu.memory_space<semaphore_mem>>
      %dma_start3A_159 = arith.constant 0 : i32
      %dma_start3A_160 = arith.constant 0 : i32
      %dma_start3A_161 = tpu.memref_slice %arg13[%run_scoped3A_49, %dma_start3A_159, %dma_start3A_160] : memref<2x128x128xf32, #tpu.memory_space<vmem>> -> memref<1x128x128xf32, #tpu.memory_space<vmem>>
      %dma_start3A_162 = tpu.memref_squeeze %dma_start3A_161 : memref<1x128x128xf32, #tpu.memory_space<vmem>> -> memref<128x128xf32, #tpu.memory_space<vmem>>
      %dma_start3A_163 = arith.constant 0 : i32
      %dma_start3A_164 = tpu.memref_slice %arg8[%add3A_48, %dma_start3A_163] : memref<20224x128xf32, #tpu.memory_space<hbm>> -> memref<128x128xf32, #tpu.memory_space<hbm>>
      %dma_start3A_165 = arith.constant 0 : i32
      %dma_start3A_166 = tpu.memref_slice %arg8[%add3A_48, %dma_start3A_165] : memref<20224x128xf32, #tpu.memory_space<hbm>> -> memref<128x128xf32, #tpu.memory_space<hbm>>
      %dma_start3A_167 = arith.constant 0 : i32
      %dma_start3A_168 = arith.constant 0 : i32
      %dma_start3A_169 = tpu.memref_slice %arg13[%run_scoped3A_49, %dma_start3A_167, %dma_start3A_168] : memref<2x128x128xf32, #tpu.memory_space<vmem>> -> memref<1x128x128xf32, #tpu.memory_space<vmem>>
      %dma_start3A_170 = tpu.memref_squeeze %dma_start3A_169 : memref<1x128x128xf32, #tpu.memory_space<vmem>> -> memref<128x128xf32, #tpu.memory_space<vmem>>
      tpu.enqueue_dma source(%dma_start3A_170 : memref<128x128xf32, #tpu.memory_space<vmem>>) target(%dma_start3A_166 : memref<128x128xf32, #tpu.memory_space<hbm>>) target_semaphore(%run_scoped3A_158 : memref<!tpu.dma_semaphore, #tpu.memory_space<semaphore_mem>>)
      %dma_wait3A_171 = arith.constant 0 : i32
      %dma_wait3A_172 = arith.constant 0 : i32
      %dma_wait3A_173 = tpu.memref_slice %arg13[%run_scoped3A_49, %dma_wait3A_171, %dma_wait3A_172] : memref<2x128x128xf32, #tpu.memory_space<vmem>> -> memref<1x128x128xf32, #tpu.memory_space<vmem>>
      %dma_wait3A_174 = tpu.memref_squeeze %dma_wait3A_173 : memref<1x128x128xf32, #tpu.memory_space<vmem>> -> memref<128x128xf32, #tpu.memory_space<vmem>>
      %dma_wait3A_175 = arith.constant 0 : i32
      %dma_wait3A_176 = tpu.memref_slice %arg8[%add3A_48, %dma_wait3A_175] : memref<20224x128xf32, #tpu.memory_space<hbm>> -> memref<128x128xf32, #tpu.memory_space<hbm>>
      %dma_wait3A_177 = arith.constant 0 : i32
      %dma_wait3A_178 = tpu.memref_slice %arg8[%add3A_48, %dma_wait3A_177] : memref<20224x128xf32, #tpu.memory_space<hbm>> -> memref<128x128xf32, #tpu.memory_space<hbm>>
      %dma_wait3A_179 = arith.constant 0 : i32
      %dma_wait3A_180 = arith.constant 0 : i32
      %dma_wait3A_181 = tpu.memref_slice %arg13[%run_scoped3A_49, %dma_wait3A_179, %dma_wait3A_180] : memref<2x128x128xf32, #tpu.memory_space<vmem>> -> memref<1x128x128xf32, #tpu.memory_space<vmem>>
      %dma_wait3A_182 = tpu.memref_squeeze %dma_wait3A_181 : memref<1x128x128xf32, #tpu.memory_space<vmem>> -> memref<128x128xf32, #tpu.memory_space<vmem>>
      tpu.wait_dma2 semaphore(%run_scoped3A_158 : memref<!tpu.dma_semaphore, #tpu.memory_space<semaphore_mem>>) src(%dma_wait3A_182 : memref<128x128xf32, #tpu.memory_space<vmem>>) dst(%dma_wait3A_178 : memref<128x128xf32, #tpu.memory_space<hbm>>)
      tpu.yield
    }) : () -> ()
    %dma_start3A_50 = arith.constant 1 : i32
    %dma_start3A_51 = arith.constant 0 : i32
    %dma_start3A_52 = arith.constant 0 : i32
    %dma_start3A_53 = arith.constant 0 : i32
    %dma_start3A_54 = tpu.memref_slice %arg13[%dma_start3A_51, %dma_start3A_52, %dma_start3A_53] : memref<2x128x128xf32, #tpu.memory_space<vmem>> -> memref<1x128x128xf32, #tpu.memory_space<vmem>>
    %dma_start3A_55 = tpu.memref_squeeze %dma_start3A_54 : memref<1x128x128xf32, #tpu.memory_space<vmem>> -> memref<128x128xf32, #tpu.memory_space<vmem>>
    %dma_start3A_56 = arith.constant 0 : i32
    %dma_start3A_57 = tpu.memref_slice %arg12[%dma_start3A_50, %dma_start3A_56] : memref<8x128xi32, #tpu.memory_space<vmem>> -> memref<1x128xi32, #tpu.memory_space<vmem>>
    %dma_start3A_58 = tpu.memref_squeeze %dma_start3A_57 : memref<1x128xi32, #tpu.memory_space<vmem>> -> memref<128xi32, #tpu.memory_space<vmem>>
    %dma_start3A_59 = arith.constant 0 : i32
    %dma_start3A_60 = arith.constant 0 : i32
    %dma_start3A_61 = tpu.memref_slice %arg9[%dma_start3A_59, %dma_start3A_60] : memref<10112x128xf32, #tpu.memory_space<vmem_shared>> -> memref<10112x128xf32, #tpu.memory_space<vmem_shared>>
    tpu.enqueue_indirect_dma source(%dma_start3A_61 : memref<10112x128xf32, #tpu.memory_space<vmem_shared>>) target(%dma_start3A_55 : memref<128x128xf32, #tpu.memory_space<vmem>>) offsets(%dma_start3A_58 : memref<128xi32, #tpu.memory_space<vmem>>) semaphore(%arg14 : memref<!tpu.dma_semaphore, #tpu.memory_space<semaphore_mem>>)
    %dma_wait3A_62 = arith.constant 1 : i32
    %dma_wait3A_63 = arith.constant 0 : i32
    %dma_wait3A_64 = arith.constant 0 : i32
    %dma_wait3A_65 = arith.constant 0 : i32
    %dma_wait3A_66 = tpu.memref_slice %arg13[%dma_wait3A_63, %dma_wait3A_64, %dma_wait3A_65] : memref<2x128x128xf32, #tpu.memory_space<vmem>> -> memref<1x128x128xf32, #tpu.memory_space<vmem>>
    %dma_wait3A_67 = tpu.memref_squeeze %dma_wait3A_66 : memref<1x128x128xf32, #tpu.memory_space<vmem>> -> memref<128x128xf32, #tpu.memory_space<vmem>>
    %dma_wait3A_68 = arith.constant 0 : i32
    %dma_wait3A_69 = tpu.memref_slice %arg12[%dma_wait3A_62, %dma_wait3A_68] : memref<8x128xi32, #tpu.memory_space<vmem>> -> memref<1x128xi32, #tpu.memory_space<vmem>>
    %dma_wait3A_70 = tpu.memref_squeeze %dma_wait3A_69 : memref<1x128xi32, #tpu.memory_space<vmem>> -> memref<128xi32, #tpu.memory_space<vmem>>
    %dma_wait3A_71 = arith.constant 0 : i32
    %dma_wait3A_72 = arith.constant 0 : i32
    %dma_wait3A_73 = tpu.memref_slice %arg9[%dma_wait3A_71, %dma_wait3A_72] : memref<10112x128xf32, #tpu.memory_space<vmem_shared>> -> memref<10112x128xf32, #tpu.memory_space<vmem_shared>>
    tpu.wait_indirect_dma semaphore(%arg14 : memref<!tpu.dma_semaphore, #tpu.memory_space<semaphore_mem>>) src(%dma_wait3A_73 : memref<10112x128xf32, #tpu.memory_space<vmem_shared>>) dst(%dma_wait3A_67 : memref<128x128xf32, #tpu.memory_space<vmem>>)
    %add3A_74 = arith.constant 128 : i32
    %add3A_75 = arith.addi %add3A_7, %add3A_74 : i32
    %run_scoped3A_76 = arith.constant 0 : i32
    "tpu.region"() ({
      %run_scoped3A_158 = tpu.sem_alloc : memref<!tpu.dma_semaphore, #tpu.memory_space<semaphore_mem>>
      %dma_start3A_159 = arith.constant 0 : i32
      %dma_start3A_160 = arith.constant 0 : i32
      %dma_start3A_161 = tpu.memref_slice %arg13[%run_scoped3A_76, %dma_start3A_159, %dma_start3A_160] : memref<2x128x128xf32, #tpu.memory_space<vmem>> -> memref<1x128x128xf32, #tpu.memory_space<vmem>>
      %dma_start3A_162 = tpu.memref_squeeze %dma_start3A_161 : memref<1x128x128xf32, #tpu.memory_space<vmem>> -> memref<128x128xf32, #tpu.memory_space<vmem>>
      %dma_start3A_163 = arith.constant 0 : i32
      %dma_start3A_164 = tpu.memref_slice %arg8[%add3A_75, %dma_start3A_163] : memref<20224x128xf32, #tpu.memory_space<hbm>> -> memref<128x128xf32, #tpu.memory_space<hbm>>
      %dma_start3A_165 = arith.constant 0 : i32
      %dma_start3A_166 = tpu.memref_slice %arg8[%add3A_75, %dma_start3A_165] : memref<20224x128xf32, #tpu.memory_space<hbm>> -> memref<128x128xf32, #tpu.memory_space<hbm>>
      %dma_start3A_167 = arith.constant 0 : i32
      %dma_start3A_168 = arith.constant 0 : i32
      %dma_start3A_169 = tpu.memref_slice %arg13[%run_scoped3A_76, %dma_start3A_167, %dma_start3A_168] : memref<2x128x128xf32, #tpu.memory_space<vmem>> -> memref<1x128x128xf32, #tpu.memory_space<vmem>>
      %dma_start3A_170 = tpu.memref_squeeze %dma_start3A_169 : memref<1x128x128xf32, #tpu.memory_space<vmem>> -> memref<128x128xf32, #tpu.memory_space<vmem>>
      tpu.enqueue_dma source(%dma_start3A_170 : memref<128x128xf32, #tpu.memory_space<vmem>>) target(%dma_start3A_166 : memref<128x128xf32, #tpu.memory_space<hbm>>) target_semaphore(%run_scoped3A_158 : memref<!tpu.dma_semaphore, #tpu.memory_space<semaphore_mem>>)
      %dma_wait3A_171 = arith.constant 0 : i32
      %dma_wait3A_172 = arith.constant 0 : i32
      %dma_wait3A_173 = tpu.memref_slice %arg13[%run_scoped3A_76, %dma_wait3A_171, %dma_wait3A_172] : memref<2x128x128xf32, #tpu.memory_space<vmem>> -> memref<1x128x128xf32, #tpu.memory_space<vmem>>
      %dma_wait3A_174 = tpu.memref_squeeze %dma_wait3A_173 : memref<1x128x128xf32, #tpu.memory_space<vmem>> -> memref<128x128xf32, #tpu.memory_space<vmem>>
      %dma_wait3A_175 = arith.constant 0 : i32
      %dma_wait3A_176 = tpu.memref_slice %arg8[%add3A_75, %dma_wait3A_175] : memref<20224x128xf32, #tpu.memory_space<hbm>> -> memref<128x128xf32, #tpu.memory_space<hbm>>
      %dma_wait3A_177 = arith.constant 0 : i32
      %dma_wait3A_178 = tpu.memref_slice %arg8[%add3A_75, %dma_wait3A_177] : memref<20224x128xf32, #tpu.memory_space<hbm>> -> memref<128x128xf32, #tpu.memory_space<hbm>>
      %dma_wait3A_179 = arith.constant 0 : i32
      %dma_wait3A_180 = arith.constant 0 : i32
      %dma_wait3A_181 = tpu.memref_slice %arg13[%run_scoped3A_76, %dma_wait3A_179, %dma_wait3A_180] : memref<2x128x128xf32, #tpu.memory_space<vmem>> -> memref<1x128x128xf32, #tpu.memory_space<vmem>>
      %dma_wait3A_182 = tpu.memref_squeeze %dma_wait3A_181 : memref<1x128x128xf32, #tpu.memory_space<vmem>> -> memref<128x128xf32, #tpu.memory_space<vmem>>
      tpu.wait_dma2 semaphore(%run_scoped3A_158 : memref<!tpu.dma_semaphore, #tpu.memory_space<semaphore_mem>>) src(%dma_wait3A_182 : memref<128x128xf32, #tpu.memory_space<vmem>>) dst(%dma_wait3A_178 : memref<128x128xf32, #tpu.memory_space<hbm>>)
      tpu.yield
    }) : () -> ()
    %dma_start3A_77 = arith.constant 2 : i32
    %dma_start3A_78 = arith.constant 0 : i32
    %dma_start3A_79 = arith.constant 0 : i32
    %dma_start3A_80 = arith.constant 0 : i32
    %dma_start3A_81 = tpu.memref_slice %arg13[%dma_start3A_78, %dma_start3A_79, %dma_start3A_80] : memref<2x128x128xf32, #tpu.memory_space<vmem>> -> memref<1x128x128xf32, #tpu.memory_space<vmem>>
    %dma_start3A_82 = tpu.memref_squeeze %dma_start3A_81 : memref<1x128x128xf32, #tpu.memory_space<vmem>> -> memref<128x128xf32, #tpu.memory_space<vmem>>
    %dma_start3A_83 = arith.constant 0 : i32
    %dma_start3A_84 = tpu.memref_slice %arg12[%dma_start3A_77, %dma_start3A_83] : memref<8x128xi32, #tpu.memory_space<vmem>> -> memref<1x128xi32, #tpu.memory_space<vmem>>
    %dma_start3A_85 = tpu.memref_squeeze %dma_start3A_84 : memref<1x128xi32, #tpu.memory_space<vmem>> -> memref<128xi32, #tpu.memory_space<vmem>>
    %dma_start3A_86 = arith.constant 0 : i32
    %dma_start3A_87 = arith.constant 0 : i32
    %dma_start3A_88 = tpu.memref_slice %arg9[%dma_start3A_86, %dma_start3A_87] : memref<10112x128xf32, #tpu.memory_space<vmem_shared>> -> memref<10112x128xf32, #tpu.memory_space<vmem_shared>>
    tpu.enqueue_indirect_dma source(%dma_start3A_88 : memref<10112x128xf32, #tpu.memory_space<vmem_shared>>) target(%dma_start3A_82 : memref<128x128xf32, #tpu.memory_space<vmem>>) offsets(%dma_start3A_85 : memref<128xi32, #tpu.memory_space<vmem>>) semaphore(%arg14 : memref<!tpu.dma_semaphore, #tpu.memory_space<semaphore_mem>>)
    %dma_wait3A_89 = arith.constant 2 : i32
    %dma_wait3A_90 = arith.constant 0 : i32
    %dma_wait3A_91 = arith.constant 0 : i32
    %dma_wait3A_92 = arith.constant 0 : i32
    %dma_wait3A_93 = tpu.memref_slice %arg13[%dma_wait3A_90, %dma_wait3A_91, %dma_wait3A_92] : memref<2x128x128xf32, #tpu.memory_space<vmem>> -> memref<1x128x128xf32, #tpu.memory_space<vmem>>
    %dma_wait3A_94 = tpu.memref_squeeze %dma_wait3A_93 : memref<1x128x128xf32, #tpu.memory_space<vmem>> -> memref<128x128xf32, #tpu.memory_space<vmem>>
    %dma_wait3A_95 = arith.constant 0 : i32
    %dma_wait3A_96 = tpu.memref_slice %arg12[%dma_wait3A_89, %dma_wait3A_95] : memref<8x128xi32, #tpu.memory_space<vmem>> -> memref<1x128xi32, #tpu.memory_space<vmem>>
    %dma_wait3A_97 = tpu.memref_squeeze %dma_wait3A_96 : memref<1x128xi32, #tpu.memory_space<vmem>> -> memref<128xi32, #tpu.memory_space<vmem>>
    %dma_wait3A_98 = arith.constant 0 : i32
    %dma_wait3A_99 = arith.constant 0 : i32
    %dma_wait3A_100 = tpu.memref_slice %arg9[%dma_wait3A_98, %dma_wait3A_99] : memref<10112x128xf32, #tpu.memory_space<vmem_shared>> -> memref<10112x128xf32, #tpu.memory_space<vmem_shared>>
    tpu.wait_indirect_dma semaphore(%arg14 : memref<!tpu.dma_semaphore, #tpu.memory_space<semaphore_mem>>) src(%dma_wait3A_100 : memref<10112x128xf32, #tpu.memory_space<vmem_shared>>) dst(%dma_wait3A_94 : memref<128x128xf32, #tpu.memory_space<vmem>>)
    %add3A_101 = arith.constant 256 : i32
    %add3A_102 = arith.addi %add3A_7, %add3A_101 : i32
    %run_scoped3A_103 = arith.constant 0 : i32
    "tpu.region"() ({
      %run_scoped3A_158 = tpu.sem_alloc : memref<!tpu.dma_semaphore, #tpu.memory_space<semaphore_mem>>
      %dma_start3A_159 = arith.constant 0 : i32
      %dma_start3A_160 = arith.constant 0 : i32
      %dma_start3A_161 = tpu.memref_slice %arg13[%run_scoped3A_103, %dma_start3A_159, %dma_start3A_160] : memref<2x128x128xf32, #tpu.memory_space<vmem>> -> memref<1x128x128xf32, #tpu.memory_space<vmem>>
      %dma_start3A_162 = tpu.memref_squeeze %dma_start3A_161 : memref<1x128x128xf32, #tpu.memory_space<vmem>> -> memref<128x128xf32, #tpu.memory_space<vmem>>
      %dma_start3A_163 = arith.constant 0 : i32
      %dma_start3A_164 = tpu.memref_slice %arg8[%add3A_102, %dma_start3A_163] : memref<20224x128xf32, #tpu.memory_space<hbm>> -> memref<128x128xf32, #tpu.memory_space<hbm>>
      %dma_start3A_165 = arith.constant 0 : i32
      %dma_start3A_166 = tpu.memref_slice %arg8[%add3A_102, %dma_start3A_165] : memref<20224x128xf32, #tpu.memory_space<hbm>> -> memref<128x128xf32, #tpu.memory_space<hbm>>
      %dma_start3A_167 = arith.constant 0 : i32
      %dma_start3A_168 = arith.constant 0 : i32
      %dma_start3A_169 = tpu.memref_slice %arg13[%run_scoped3A_103, %dma_start3A_167, %dma_start3A_168] : memref<2x128x128xf32, #tpu.memory_space<vmem>> -> memref<1x128x128xf32, #tpu.memory_space<vmem>>
      %dma_start3A_170 = tpu.memref_squeeze %dma_start3A_169 : memref<1x128x128xf32, #tpu.memory_space<vmem>> -> memref<128x128xf32, #tpu.memory_space<vmem>>
      tpu.enqueue_dma source(%dma_start3A_170 : memref<128x128xf32, #tpu.memory_space<vmem>>) target(%dma_start3A_166 : memref<128x128xf32, #tpu.memory_space<hbm>>) target_semaphore(%run_scoped3A_158 : memref<!tpu.dma_semaphore, #tpu.memory_space<semaphore_mem>>)
      %dma_wait3A_171 = arith.constant 0 : i32
      %dma_wait3A_172 = arith.constant 0 : i32
      %dma_wait3A_173 = tpu.memref_slice %arg13[%run_scoped3A_103, %dma_wait3A_171, %dma_wait3A_172] : memref<2x128x128xf32, #tpu.memory_space<vmem>> -> memref<1x128x128xf32, #tpu.memory_space<vmem>>
      %dma_wait3A_174 = tpu.memref_squeeze %dma_wait3A_173 : memref<1x128x128xf32, #tpu.memory_space<vmem>> -> memref<128x128xf32, #tpu.memory_space<vmem>>
      %dma_wait3A_175 = arith.constant 0 : i32
      %dma_wait3A_176 = tpu.memref_slice %arg8[%add3A_102, %dma_wait3A_175] : memref<20224x128xf32, #tpu.memory_space<hbm>> -> memref<128x128xf32, #tpu.memory_space<hbm>>
      %dma_wait3A_177 = arith.constant 0 : i32
      %dma_wait3A_178 = tpu.memref_slice %arg8[%add3A_102, %dma_wait3A_177] : memref<20224x128xf32, #tpu.memory_space<hbm>> -> memref<128x128xf32, #tpu.memory_space<hbm>>
      %dma_wait3A_179 = arith.constant 0 : i32
      %dma_wait3A_180 = arith.constant 0 : i32
      %dma_wait3A_181 = tpu.memref_slice %arg13[%run_scoped3A_103, %dma_wait3A_179, %dma_wait3A_180] : memref<2x128x128xf32, #tpu.memory_space<vmem>> -> memref<1x128x128xf32, #tpu.memory_space<vmem>>
      %dma_wait3A_182 = tpu.memref_squeeze %dma_wait3A_181 : memref<1x128x128xf32, #tpu.memory_space<vmem>> -> memref<128x128xf32, #tpu.memory_space<vmem>>
      tpu.wait_dma2 semaphore(%run_scoped3A_158 : memref<!tpu.dma_semaphore, #tpu.memory_space<semaphore_mem>>) src(%dma_wait3A_182 : memref<128x128xf32, #tpu.memory_space<vmem>>) dst(%dma_wait3A_178 : memref<128x128xf32, #tpu.memory_space<hbm>>)
      tpu.yield
    }) : () -> ()
    %dma_start3A_104 = arith.constant 3 : i32
    %dma_start3A_105 = arith.constant 0 : i32
    %dma_start3A_106 = arith.constant 0 : i32
    %dma_start3A_107 = arith.constant 0 : i32
    %dma_start3A_108 = tpu.memref_slice %arg13[%dma_start3A_105, %dma_start3A_106, %dma_start3A_107] : memref<2x128x128xf32, #tpu.memory_space<vmem>> -> memref<1x128x128xf32, #tpu.memory_space<vmem>>
    %dma_start3A_109 = tpu.memref_squeeze %dma_start3A_108 : memref<1x128x128xf32, #tpu.memory_space<vmem>> -> memref<128x128xf32, #tpu.memory_space<vmem>>
    %dma_start3A_110 = arith.constant 0 : i32
    %dma_start3A_111 = tpu.memref_slice %arg12[%dma_start3A_104, %dma_start3A_110] : memref<8x128xi32, #tpu.memory_space<vmem>> -> memref<1x128xi32, #tpu.memory_space<vmem>>
    %dma_start3A_112 = tpu.memref_squeeze %dma_start3A_111 : memref<1x128xi32, #tpu.memory_space<vmem>> -> memref<128xi32, #tpu.memory_space<vmem>>
    %dma_start3A_113 = arith.constant 0 : i32
    %dma_start3A_114 = arith.constant 0 : i32
    %dma_start3A_115 = tpu.memref_slice %arg9[%dma_start3A_113, %dma_start3A_114] : memref<10112x128xf32, #tpu.memory_space<vmem_shared>> -> memref<10112x128xf32, #tpu.memory_space<vmem_shared>>
    tpu.enqueue_indirect_dma source(%dma_start3A_115 : memref<10112x128xf32, #tpu.memory_space<vmem_shared>>) target(%dma_start3A_109 : memref<128x128xf32, #tpu.memory_space<vmem>>) offsets(%dma_start3A_112 : memref<128xi32, #tpu.memory_space<vmem>>) semaphore(%arg14 : memref<!tpu.dma_semaphore, #tpu.memory_space<semaphore_mem>>)
    %dma_wait3A_116 = arith.constant 3 : i32
    %dma_wait3A_117 = arith.constant 0 : i32
    %dma_wait3A_118 = arith.constant 0 : i32
    %dma_wait3A_119 = arith.constant 0 : i32
    %dma_wait3A_120 = tpu.memref_slice %arg13[%dma_wait3A_117, %dma_wait3A_118, %dma_wait3A_119] : memref<2x128x128xf32, #tpu.memory_space<vmem>> -> memref<1x128x128xf32, #tpu.memory_space<vmem>>
    %dma_wait3A_121 = tpu.memref_squeeze %dma_wait3A_120 : memref<1x128x128xf32, #tpu.memory_space<vmem>> -> memref<128x128xf32, #tpu.memory_space<vmem>>
    %dma_wait3A_122 = arith.constant 0 : i32
    %dma_wait3A_123 = tpu.memref_slice %arg12[%dma_wait3A_116, %dma_wait3A_122] : memref<8x128xi32, #tpu.memory_space<vmem>> -> memref<1x128xi32, #tpu.memory_space<vmem>>
    %dma_wait3A_124 = tpu.memref_squeeze %dma_wait3A_123 : memref<1x128xi32, #tpu.memory_space<vmem>> -> memref<128xi32, #tpu.memory_space<vmem>>
    %dma_wait3A_125 = arith.constant 0 : i32
    %dma_wait3A_126 = arith.constant 0 : i32
    %dma_wait3A_127 = tpu.memref_slice %arg9[%dma_wait3A_125, %dma_wait3A_126] : memref<10112x128xf32, #tpu.memory_space<vmem_shared>> -> memref<10112x128xf32, #tpu.memory_space<vmem_shared>>
    tpu.wait_indirect_dma semaphore(%arg14 : memref<!tpu.dma_semaphore, #tpu.memory_space<semaphore_mem>>) src(%dma_wait3A_127 : memref<10112x128xf32, #tpu.memory_space<vmem_shared>>) dst(%dma_wait3A_121 : memref<128x128xf32, #tpu.memory_space<vmem>>)
    %add3A_128 = arith.constant 384 : i32
    %add3A_129 = arith.addi %add3A_7, %add3A_128 : i32
    %run_scoped3A_130 = arith.constant 0 : i32
    "tpu.region"() ({
      %run_scoped3A_158 = tpu.sem_alloc : memref<!tpu.dma_semaphore, #tpu.memory_space<semaphore_mem>>
      %dma_start3A_159 = arith.constant 0 : i32
      %dma_start3A_160 = arith.constant 0 : i32
      %dma_start3A_161 = tpu.memref_slice %arg13[%run_scoped3A_130, %dma_start3A_159, %dma_start3A_160] : memref<2x128x128xf32, #tpu.memory_space<vmem>> -> memref<1x128x128xf32, #tpu.memory_space<vmem>>
      %dma_start3A_162 = tpu.memref_squeeze %dma_start3A_161 : memref<1x128x128xf32, #tpu.memory_space<vmem>> -> memref<128x128xf32, #tpu.memory_space<vmem>>
      %dma_start3A_163 = arith.constant 0 : i32
      %dma_start3A_164 = tpu.memref_slice %arg8[%add3A_129, %dma_start3A_163] : memref<20224x128xf32, #tpu.memory_space<hbm>> -> memref<128x128xf32, #tpu.memory_space<hbm>>
      %dma_start3A_165 = arith.constant 0 : i32
      %dma_start3A_166 = tpu.memref_slice %arg8[%add3A_129, %dma_start3A_165] : memref<20224x128xf32, #tpu.memory_space<hbm>> -> memref<128x128xf32, #tpu.memory_space<hbm>>
      %dma_start3A_167 = arith.constant 0 : i32
      %dma_start3A_168 = arith.constant 0 : i32
      %dma_start3A_169 = tpu.memref_slice %arg13[%run_scoped3A_130, %dma_start3A_167, %dma_start3A_168] : memref<2x128x128xf32, #tpu.memory_space<vmem>> -> memref<1x128x128xf32, #tpu.memory_space<vmem>>
      %dma_start3A_170 = tpu.memref_squeeze %dma_start3A_169 : memref<1x128x128xf32, #tpu.memory_space<vmem>> -> memref<128x128xf32, #tpu.memory_space<vmem>>
      tpu.enqueue_dma source(%dma_start3A_170 : memref<128x128xf32, #tpu.memory_space<vmem>>) target(%dma_start3A_166 : memref<128x128xf32, #tpu.memory_space<hbm>>) target_semaphore(%run_scoped3A_158 : memref<!tpu.dma_semaphore, #tpu.memory_space<semaphore_mem>>)
      %dma_wait3A_171 = arith.constant 0 : i32
      %dma_wait3A_172 = arith.constant 0 : i32
      %dma_wait3A_173 = tpu.memref_slice %arg13[%run_scoped3A_130, %dma_wait3A_171, %dma_wait3A_172] : memref<2x128x128xf32, #tpu.memory_space<vmem>> -> memref<1x128x128xf32, #tpu.memory_space<vmem>>
      %dma_wait3A_174 = tpu.memref_squeeze %dma_wait3A_173 : memref<1x128x128xf32, #tpu.memory_space<vmem>> -> memref<128x128xf32, #tpu.memory_space<vmem>>
      %dma_wait3A_175 = arith.constant 0 : i32
      %dma_wait3A_176 = tpu.memref_slice %arg8[%add3A_129, %dma_wait3A_175] : memref<20224x128xf32, #tpu.memory_space<hbm>> -> memref<128x128xf32, #tpu.memory_space<hbm>>
      %dma_wait3A_177 = arith.constant 0 : i32
      %dma_wait3A_178 = tpu.memref_slice %arg8[%add3A_129, %dma_wait3A_177] : memref<20224x128xf32, #tpu.memory_space<hbm>> -> memref<128x128xf32, #tpu.memory_space<hbm>>
      %dma_wait3A_179 = arith.constant 0 : i32
      %dma_wait3A_180 = arith.constant 0 : i32
      %dma_wait3A_181 = tpu.memref_slice %arg13[%run_scoped3A_130, %dma_wait3A_179, %dma_wait3A_180] : memref<2x128x128xf32, #tpu.memory_space<vmem>> -> memref<1x128x128xf32, #tpu.memory_space<vmem>>
      %dma_wait3A_182 = tpu.memref_squeeze %dma_wait3A_181 : memref<1x128x128xf32, #tpu.memory_space<vmem>> -> memref<128x128xf32, #tpu.memory_space<vmem>>
      tpu.wait_dma2 semaphore(%run_scoped3A_158 : memref<!tpu.dma_semaphore, #tpu.memory_space<semaphore_mem>>) src(%dma_wait3A_182 : memref<128x128xf32, #tpu.memory_space<vmem>>) dst(%dma_wait3A_178 : memref<128x128xf32, #tpu.memory_space<hbm>>)
      tpu.yield
    }) : () -> ()
    %dma_start3A_131 = arith.constant 4 : i32
    %dma_start3A_132 = arith.constant 0 : i32
    %dma_start3A_133 = arith.constant 0 : i32
    %dma_start3A_134 = arith.constant 0 : i32
    %dma_start3A_135 = tpu.memref_slice %arg13[%dma_start3A_132, %dma_start3A_133, %dma_start3A_134] : memref<2x128x128xf32, #tpu.memory_space<vmem>> -> memref<1x128x128xf32, #tpu.memory_space<vmem>>
    %dma_start3A_136 = tpu.memref_squeeze %dma_start3A_135 : memref<1x128x128xf32, #tpu.memory_space<vmem>> -> memref<128x128xf32, #tpu.memory_space<vmem>>
    %dma_start3A_137 = arith.constant 0 : i32
    %dma_start3A_138 = tpu.memref_slice %arg12[%dma_start3A_131, %dma_start3A_137] : memref<8x128xi32, #tpu.memory_space<vmem>> -> memref<1x128xi32, #tpu.memory_space<vmem>>
    %dma_start3A_139 = tpu.memref_squeeze %dma_start3A_138 : memref<1x128xi32, #tpu.memory_space<vmem>> -> memref<128xi32, #tpu.memory_space<vmem>>
    %dma_start3A_140 = arith.constant 0 : i32
    %dma_start3A_141 = arith.constant 0 : i32
    %dma_start3A_142 = tpu.memref_slice %arg9[%dma_start3A_140, %dma_start3A_141] : memref<10112x128xf32, #tpu.memory_space<vmem_shared>> -> memref<10112x128xf32, #tpu.memory_space<vmem_shared>>
    tpu.enqueue_indirect_dma source(%dma_start3A_142 : memref<10112x128xf32, #tpu.memory_space<vmem_shared>>) target(%dma_start3A_136 : memref<128x128xf32, #tpu.memory_space<vmem>>) offsets(%dma_start3A_139 : memref<128xi32, #tpu.memory_space<vmem>>) semaphore(%arg14 : memref<!tpu.dma_semaphore, #tpu.memory_space<semaphore_mem>>)
    %dma_wait3A_143 = arith.constant 4 : i32
    %dma_wait3A_144 = arith.constant 0 : i32
    %dma_wait3A_145 = arith.constant 0 : i32
    %dma_wait3A_146 = arith.constant 0 : i32
    %dma_wait3A_147 = tpu.memref_slice %arg13[%dma_wait3A_144, %dma_wait3A_145, %dma_wait3A_146] : memref<2x128x128xf32, #tpu.memory_space<vmem>> -> memref<1x128x128xf32, #tpu.memory_space<vmem>>
    %dma_wait3A_148 = tpu.memref_squeeze %dma_wait3A_147 : memref<1x128x128xf32, #tpu.memory_space<vmem>> -> memref<128x128xf32, #tpu.memory_space<vmem>>
    %dma_wait3A_149 = arith.constant 0 : i32
    %dma_wait3A_150 = tpu.memref_slice %arg12[%dma_wait3A_143, %dma_wait3A_149] : memref<8x128xi32, #tpu.memory_space<vmem>> -> memref<1x128xi32, #tpu.memory_space<vmem>>
    %dma_wait3A_151 = tpu.memref_squeeze %dma_wait3A_150 : memref<1x128xi32, #tpu.memory_space<vmem>> -> memref<128xi32, #tpu.memory_space<vmem>>
    %dma_wait3A_152 = arith.constant 0 : i32
    %dma_wait3A_153 = arith.constant 0 : i32
    %dma_wait3A_154 = tpu.memref_slice %arg9[%dma_wait3A_152, %dma_wait3A_153] : memref<10112x128xf32, #tpu.memory_space<vmem_shared>> -> memref<10112x128xf32, #tpu.memory_space<vmem_shared>>
    tpu.wait_indirect_dma semaphore(%arg14 : memref<!tpu.dma_semaphore, #tpu.memory_space<semaphore_mem>>) src(%dma_wait3A_154 : memref<10112x128xf32, #tpu.memory_space<vmem_shared>>) dst(%dma_wait3A_148 : memref<128x128xf32, #tpu.memory_space<vmem>>)
    %add3A_155 = arith.constant 512 : i32
    %add3A_156 = arith.addi %add3A_7, %add3A_155 : i32
    %run_scoped3A_157 = arith.constant 0 : i32
    "tpu.region"() ({
      %run_scoped3A_158 = tpu.sem_alloc : memref<!tpu.dma_semaphore, #tpu.memory_space<semaphore_mem>>
      %dma_start3A_159 = arith.constant 0 : i32
      %dma_start3A_160 = arith.constant 0 : i32
      %dma_start3A_161 = tpu.memref_slice %arg13[%run_scoped3A_157, %dma_start3A_159, %dma_start3A_160] : memref<2x128x128xf32, #tpu.memory_space<vmem>> -> memref<1x120x128xf32, #tpu.memory_space<vmem>>
      %dma_start3A_162 = tpu.memref_squeeze %dma_start3A_161 : memref<1x120x128xf32, #tpu.memory_space<vmem>> -> memref<120x128xf32, #tpu.memory_space<vmem>>
      %dma_start3A_163 = arith.constant 0 : i32
      %dma_start3A_164 = tpu.memref_slice %arg8[%add3A_156, %dma_start3A_163] : memref<20224x128xf32, #tpu.memory_space<hbm>> -> memref<120x128xf32, #tpu.memory_space<hbm>>
      %dma_start3A_165 = arith.constant 0 : i32
      %dma_start3A_166 = tpu.memref_slice %arg8[%add3A_156, %dma_start3A_165] : memref<20224x128xf32, #tpu.memory_space<hbm>> -> memref<120x128xf32, #tpu.memory_space<hbm>>
      %dma_start3A_167 = arith.constant 0 : i32
      %dma_start3A_168 = arith.constant 0 : i32
      %dma_start3A_169 = tpu.memref_slice %arg13[%run_scoped3A_157, %dma_start3A_167, %dma_start3A_168] : memref<2x128x128xf32, #tpu.memory_space<vmem>> -> memref<1x120x128xf32, #tpu.memory_space<vmem>>
      %dma_start3A_170 = tpu.memref_squeeze %dma_start3A_169 : memref<1x120x128xf32, #tpu.memory_space<vmem>> -> memref<120x128xf32, #tpu.memory_space<vmem>>
      tpu.enqueue_dma source(%dma_start3A_170 : memref<120x128xf32, #tpu.memory_space<vmem>>) target(%dma_start3A_166 : memref<120x128xf32, #tpu.memory_space<hbm>>) target_semaphore(%run_scoped3A_158 : memref<!tpu.dma_semaphore, #tpu.memory_space<semaphore_mem>>)
      %dma_wait3A_171 = arith.constant 0 : i32
      %dma_wait3A_172 = arith.constant 0 : i32
      %dma_wait3A_173 = tpu.memref_slice %arg13[%run_scoped3A_157, %dma_wait3A_171, %dma_wait3A_172] : memref<2x128x128xf32, #tpu.memory_space<vmem>> -> memref<1x120x128xf32, #tpu.memory_space<vmem>>
      %dma_wait3A_174 = tpu.memref_squeeze %dma_wait3A_173 : memref<1x120x128xf32, #tpu.memory_space<vmem>> -> memref<120x128xf32, #tpu.memory_space<vmem>>
      %dma_wait3A_175 = arith.constant 0 : i32
      %dma_wait3A_176 = tpu.memref_slice %arg8[%add3A_156, %dma_wait3A_175] : memref<20224x128xf32, #tpu.memory_space<hbm>> -> memref<120x128xf32, #tpu.memory_space<hbm>>
      %dma_wait3A_177 = arith.constant 0 : i32
      %dma_wait3A_178 = tpu.memref_slice %arg8[%add3A_156, %dma_wait3A_177] : memref<20224x128xf32, #tpu.memory_space<hbm>> -> memref<120x128xf32, #tpu.memory_space<hbm>>
      %dma_wait3A_179 = arith.constant 0 : i32
      %dma_wait3A_180 = arith.constant 0 : i32
      %dma_wait3A_181 = tpu.memref_slice %arg13[%run_scoped3A_157, %dma_wait3A_179, %dma_wait3A_180] : memref<2x128x128xf32, #tpu.memory_space<vmem>> -> memref<1x120x128xf32, #tpu.memory_space<vmem>>
      %dma_wait3A_182 = tpu.memref_squeeze %dma_wait3A_181 : memref<1x120x128xf32, #tpu.memory_space<vmem>> -> memref<120x128xf32, #tpu.memory_space<vmem>>
      tpu.wait_dma2 semaphore(%run_scoped3A_158 : memref<!tpu.dma_semaphore, #tpu.memory_space<semaphore_mem>>) src(%dma_wait3A_182 : memref<120x128xf32, #tpu.memory_space<vmem>>) dst(%dma_wait3A_178 : memref<120x128xf32, #tpu.memory_space<hbm>>)
      tpu.yield
    }) : () -> ()
    return
  }
}

module attributes {stable_mosaic.version = 14 : i64} {
  func.func @body(%arg0: memref<2x10112x128xf32, #tpu.memory_space<vmem>>, %arg1: memref<2x10112x128xf32, #tpu.memory_space<vmem>>, %arg2: memref<128x128xf32, #tpu.memory_space<vmem>>, %arg3: memref<1x128xf32, #tpu.memory_space<vmem>>, %arg4: memref<128x128xf32, #tpu.memory_space<vmem>>, %arg5: memref<1x128xf32, #tpu.memory_space<vmem>>, %arg6: memref<10112x128xf32, #tpu.memory_space<vmem>>) attributes {dimension_semantics = [], scalar_prefetch = 0 : i64, scratch_operands = 0 : i64, tpu.core_type = #tpu.core_type<tc>} {
    %get3A = arith.constant 0 : index
    %get3A_0 = arith.constant 0 : index
    %get3A_1 = arith.constant 0 : index
    %get3A_2 = vector.load %arg1[%get3A, %get3A_0, %get3A_1] : memref<2x10112x128xf32, #tpu.memory_space<vmem>>, vector<1x10112x128xf32>
    %get3A_3 = vector.shape_cast %get3A_2 : vector<1x10112x128xf32> to vector<10112x128xf32>
    %slice3A = vector.extract_strided_slice %get3A_3 {offsets = [0, 0], sizes = [10112, 1], strides = [1, 1]} : vector<10112x128xf32> to vector<10112x1xf32>
    %get3A_4 = arith.constant 1 : index
    %get3A_5 = arith.constant 0 : index
    %get3A_6 = arith.constant 0 : index
    %get3A_7 = vector.load %arg1[%get3A_4, %get3A_5, %get3A_6] : memref<2x10112x128xf32, #tpu.memory_space<vmem>>, vector<1x10112x128xf32>
    %get3A_8 = vector.shape_cast %get3A_7 : vector<1x10112x128xf32> to vector<10112x128xf32>
    %slice3A_9 = vector.extract_strided_slice %get3A_8 {offsets = [0, 0], sizes = [10112, 1], strides = [1, 1]} : vector<10112x128xf32> to vector<10112x1xf32>
    %get3A_10 = arith.constant 0 : index
    %get3A_11 = arith.constant 0 : index
    %get3A_12 = arith.constant 0 : index
    %get3A_13 = vector.load %arg0[%get3A_10, %get3A_11, %get3A_12] : memref<2x10112x128xf32, #tpu.memory_space<vmem>>, vector<1x10112x128xf32>
    %get3A_14 = vector.shape_cast %get3A_13 : vector<1x10112x128xf32> to vector<10112x128xf32>
    %max3A = arith.constant 1.000000e+00 : f32
    %max3A_15 = vector.broadcast %max3A : f32 to vector<10112x1xf32>
    %max3A_16 = arith.maximumf %slice3A, %max3A_15 : vector<10112x1xf32>
    %div3A = vector.broadcast %max3A_16 : vector<10112x1xf32> to vector<10112x128xf32>
    %div3A_17 = arith.divf %get3A_14, %div3A : vector<10112x128xf32>
    %get3A_18 = arith.constant 1 : index
    %get3A_19 = arith.constant 0 : index
    %get3A_20 = arith.constant 0 : index
    %get3A_21 = vector.load %arg0[%get3A_18, %get3A_19, %get3A_20] : memref<2x10112x128xf32, #tpu.memory_space<vmem>>, vector<1x10112x128xf32>
    %get3A_22 = vector.shape_cast %get3A_21 : vector<1x10112x128xf32> to vector<10112x128xf32>
    %max3A_23 = arith.constant 1.000000e+00 : f32
    %max3A_24 = vector.broadcast %max3A_23 : f32 to vector<10112x1xf32>
    %max3A_25 = arith.maximumf %slice3A_9, %max3A_24 : vector<10112x1xf32>
    %div3A_26 = vector.broadcast %max3A_25 : vector<10112x1xf32> to vector<10112x128xf32>
    %div3A_27 = arith.divf %get3A_22, %div3A_26 : vector<10112x128xf32>
    %get3A_28 = arith.constant 0 : index
    %get3A_29 = arith.constant 0 : index
    %get3A_30 = vector.load %arg2[%get3A_28, %get3A_29] : memref<128x128xf32, #tpu.memory_space<vmem>>, vector<128x128xf32>
    %dot_general3A = arith.constant dense<0.000000e+00> : vector<10112x128xf32>
    %dot_general3A_31 = tpu.matmul %div3A_17, %get3A_30, %dot_general3A {dimension_numbers = #tpu.dot_dimension_numbers<[1], [0], [0], [1], [0, 0, 1, 1], [], []>, transpose_lhs_hint = false} : vector<10112x128xf32>, vector<128x128xf32>, vector<10112x128xf32> -> vector<10112x128xf32>
    %get3A_32 = arith.constant 0 : index
    %get3A_33 = arith.constant 0 : index
    %get3A_34 = vector.load %arg4[%get3A_32, %get3A_33] : memref<128x128xf32, #tpu.memory_space<vmem>>, vector<128x128xf32>
    %dot_general3A_35 = arith.constant dense<0.000000e+00> : vector<10112x128xf32>
    %dot_general3A_36 = tpu.matmul %div3A_27, %get3A_34, %dot_general3A_35 {dimension_numbers = #tpu.dot_dimension_numbers<[1], [0], [0], [1], [0, 0, 1, 1], [], []>, transpose_lhs_hint = false} : vector<10112x128xf32>, vector<128x128xf32>, vector<10112x128xf32> -> vector<10112x128xf32>
    %add3A = arith.addf %dot_general3A_31, %dot_general3A_36 : vector<10112x128xf32>
    %gt3A = arith.constant 0.000000e+00 : f32
    %gt3A_37 = vector.broadcast %gt3A : f32 to vector<10112x1xf32>
    %gt3A_38 = arith.cmpf ogt, %slice3A, %gt3A_37 : vector<10112x1xf32>
    %jit3A = arith.constant 1.000000e+00 : f32
    %jit3A_39 = arith.constant 0.000000e+00 : f32
    %broadcast_in_dim3A = vector.broadcast %jit3A : f32 to vector<10112x1xf32>
    %broadcast_in_dim3A_40 = vector.broadcast %jit3A_39 : f32 to vector<10112x1xf32>
    %select_n3A = arith.select %gt3A_38, %broadcast_in_dim3A, %broadcast_in_dim3A_40 : vector<10112x1xi1>, vector<10112x1xf32>
    %get3A_41 = arith.constant 0 : index
    %get3A_42 = arith.constant 0 : index
    %get3A_43 = vector.load %arg3[%get3A_41, %get3A_42] : memref<1x128xf32, #tpu.memory_space<vmem>>, vector<1x128xf32>
    %mul3A = vector.broadcast %select_n3A : vector<10112x1xf32> to vector<10112x128xf32>
    %mul3A_44 = vector.broadcast %get3A_43 : vector<1x128xf32> to vector<10112x128xf32>
    %mul3A_45 = arith.mulf %mul3A, %mul3A_44 : vector<10112x128xf32>
    %add3A_46 = arith.addf %add3A, %mul3A_45 : vector<10112x128xf32>
    %gt3A_47 = arith.constant 0.000000e+00 : f32
    %gt3A_48 = vector.broadcast %gt3A_47 : f32 to vector<10112x1xf32>
    %gt3A_49 = arith.cmpf ogt, %slice3A_9, %gt3A_48 : vector<10112x1xf32>
    %jit3A_50 = arith.constant 1.000000e+00 : f32
    %jit3A_51 = arith.constant 0.000000e+00 : f32
    %broadcast_in_dim3A_52 = vector.broadcast %jit3A_50 : f32 to vector<10112x1xf32>
    %broadcast_in_dim3A_53 = vector.broadcast %jit3A_51 : f32 to vector<10112x1xf32>
    %select_n3A_54 = arith.select %gt3A_49, %broadcast_in_dim3A_52, %broadcast_in_dim3A_53 : vector<10112x1xi1>, vector<10112x1xf32>
    %get3A_55 = arith.constant 0 : index
    %get3A_56 = arith.constant 0 : index
    %get3A_57 = vector.load %arg5[%get3A_55, %get3A_56] : memref<1x128xf32, #tpu.memory_space<vmem>>, vector<1x128xf32>
    %mul3A_58 = vector.broadcast %select_n3A_54 : vector<10112x1xf32> to vector<10112x128xf32>
    %mul3A_59 = vector.broadcast %get3A_57 : vector<1x128xf32> to vector<10112x128xf32>
    %mul3A_60 = arith.mulf %mul3A_58, %mul3A_59 : vector<10112x128xf32>
    %add3A_61 = arith.addf %add3A_46, %mul3A_60 : vector<10112x128xf32>
    %ge3A = arith.constant 0.000000e+00 : f32
    %ge3A_62 = vector.broadcast %ge3A : f32 to vector<10112x128xf32>
    %ge3A_63 = arith.cmpf oge, %add3A_61, %ge3A_62 : vector<10112x128xf32>
    %mul3A_64 = arith.constant 0.00999999977 : f32
    %mul3A_65 = vector.broadcast %mul3A_64 : f32 to vector<10112x128xf32>
    %mul3A_66 = arith.mulf %mul3A_65, %add3A_61 : vector<10112x128xf32>
    %select_n3A_67 = arith.select %ge3A_63, %add3A_61, %mul3A_66 : vector<10112x128xi1>, vector<10112x128xf32>
    %swap3A = arith.constant 0 : index
    %swap3A_68 = arith.constant 0 : index
    %swap3A_69 = vector.load %arg6[%swap3A, %swap3A_68] : memref<10112x128xf32, #tpu.memory_space<vmem>>, vector<10112x128xf32>
    tpu.vector_store %arg6[%swap3A, %swap3A_68], %select_n3A_67 {strides = array<i32>} : memref<10112x128xf32, #tpu.memory_space<vmem>>, vector<10112x128xf32>,
    return
  }
}

module attributes {stable_mosaic.version = 14 : i64} {
  func.func @body(%arg0: memref<2x10112x128xf32, #tpu.memory_space<vmem>>, %arg1: memref<2x10112x128xf32, #tpu.memory_space<vmem>>, %arg2: memref<128x128xf32, #tpu.memory_space<vmem>>, %arg3: memref<1x128xf32, #tpu.memory_space<vmem>>, %arg4: memref<128x128xf32, #tpu.memory_space<vmem>>, %arg5: memref<1x128xf32, #tpu.memory_space<vmem>>, %arg6: memref<10112x128xf32, #tpu.memory_space<vmem>>) attributes {dimension_semantics = [], scalar_prefetch = 0 : i64, scratch_operands = 0 : i64, tpu.core_type = #tpu.core_type<tc>} {
    %get3A = arith.constant 0 : index
    %get3A_0 = arith.constant 0 : index
    %get3A_1 = arith.constant 0 : index
    %get3A_2 = vector.load %arg1[%get3A, %get3A_0, %get3A_1] : memref<2x10112x128xf32, #tpu.memory_space<vmem>>, vector<1x10112x128xf32>
    %get3A_3 = vector.shape_cast %get3A_2 : vector<1x10112x128xf32> to vector<10112x128xf32>
    %slice3A = vector.extract_strided_slice %get3A_3 {offsets = [0, 0], sizes = [10112, 1], strides = [1, 1]} : vector<10112x128xf32> to vector<10112x1xf32>
    %get3A_4 = arith.constant 1 : index
    %get3A_5 = arith.constant 0 : index
    %get3A_6 = arith.constant 0 : index
    %get3A_7 = vector.load %arg1[%get3A_4, %get3A_5, %get3A_6] : memref<2x10112x128xf32, #tpu.memory_space<vmem>>, vector<1x10112x128xf32>
    %get3A_8 = vector.shape_cast %get3A_7 : vector<1x10112x128xf32> to vector<10112x128xf32>
    %slice3A_9 = vector.extract_strided_slice %get3A_8 {offsets = [0, 0], sizes = [10112, 1], strides = [1, 1]} : vector<10112x128xf32> to vector<10112x1xf32>
    %get3A_10 = arith.constant 0 : index
    %get3A_11 = arith.constant 0 : index
    %get3A_12 = arith.constant 0 : index
    %get3A_13 = vector.load %arg0[%get3A_10, %get3A_11, %get3A_12] : memref<2x10112x128xf32, #tpu.memory_space<vmem>>, vector<1x10112x128xf32>
    %get3A_14 = vector.shape_cast %get3A_13 : vector<1x10112x128xf32> to vector<10112x128xf32>
    %max3A = arith.constant 1.000000e+00 : f32
    %max3A_15 = vector.broadcast %max3A : f32 to vector<10112x1xf32>
    %max3A_16 = arith.maximumf %slice3A, %max3A_15 : vector<10112x1xf32>
    %div3A = vector.broadcast %max3A_16 : vector<10112x1xf32> to vector<10112x128xf32>
    %div3A_17 = arith.divf %get3A_14, %div3A : vector<10112x128xf32>
    %get3A_18 = arith.constant 1 : index
    %get3A_19 = arith.constant 0 : index
    %get3A_20 = arith.constant 0 : index
    %get3A_21 = vector.load %arg0[%get3A_18, %get3A_19, %get3A_20] : memref<2x10112x128xf32, #tpu.memory_space<vmem>>, vector<1x10112x128xf32>
    %get3A_22 = vector.shape_cast %get3A_21 : vector<1x10112x128xf32> to vector<10112x128xf32>
    %max3A_23 = arith.constant 1.000000e+00 : f32
    %max3A_24 = vector.broadcast %max3A_23 : f32 to vector<10112x1xf32>
    %max3A_25 = arith.maximumf %slice3A_9, %max3A_24 : vector<10112x1xf32>
    %div3A_26 = vector.broadcast %max3A_25 : vector<10112x1xf32> to vector<10112x128xf32>
    %div3A_27 = arith.divf %get3A_22, %div3A_26 : vector<10112x128xf32>
    %get3A_28 = arith.constant 0 : index
    %get3A_29 = arith.constant 0 : index
    %get3A_30 = vector.load %arg2[%get3A_28, %get3A_29] : memref<128x128xf32, #tpu.memory_space<vmem>>, vector<128x128xf32>
    %dot_general3A = arith.constant dense<0.000000e+00> : vector<10112x128xf32>
    %dot_general3A_31 = tpu.matmul %div3A_17, %get3A_30, %dot_general3A {dimension_numbers = #tpu.dot_dimension_numbers<[1], [0], [0], [1], [0, 0, 1, 1], [], []>, transpose_lhs_hint = false} : vector<10112x128xf32>, vector<128x128xf32>, vector<10112x128xf32> -> vector<10112x128xf32>
    %get3A_32 = arith.constant 0 : index
    %get3A_33 = arith.constant 0 : index
    %get3A_34 = vector.load %arg4[%get3A_32, %get3A_33] : memref<128x128xf32, #tpu.memory_space<vmem>>, vector<128x128xf32>
    %dot_general3A_35 = arith.constant dense<0.000000e+00> : vector<10112x128xf32>
    %dot_general3A_36 = tpu.matmul %div3A_27, %get3A_34, %dot_general3A_35 {dimension_numbers = #tpu.dot_dimension_numbers<[1], [0], [0], [1], [0, 0, 1, 1], [], []>, transpose_lhs_hint = false} : vector<10112x128xf32>, vector<128x128xf32>, vector<10112x128xf32> -> vector<10112x128xf32>
    %add3A = arith.addf %dot_general3A_31, %dot_general3A_36 : vector<10112x128xf32>
    %gt3A = arith.constant 0.000000e+00 : f32
    %gt3A_37 = vector.broadcast %gt3A : f32 to vector<10112x1xf32>
    %gt3A_38 = arith.cmpf ogt, %slice3A, %gt3A_37 : vector<10112x1xf32>
    %jit3A = arith.constant 1.000000e+00 : f32
    %jit3A_39 = arith.constant 0.000000e+00 : f32
    %broadcast_in_dim3A = vector.broadcast %jit3A : f32 to vector<10112x1xf32>
    %broadcast_in_dim3A_40 = vector.broadcast %jit3A_39 : f32 to vector<10112x1xf32>
    %select_n3A = arith.select %gt3A_38, %broadcast_in_dim3A, %broadcast_in_dim3A_40 : vector<10112x1xi1>, vector<10112x1xf32>
    %get3A_41 = arith.constant 0 : index
    %get3A_42 = arith.constant 0 : index
    %get3A_43 = vector.load %arg3[%get3A_41, %get3A_42] : memref<1x128xf32, #tpu.memory_space<vmem>>, vector<1x128xf32>
    %mul3A = vector.broadcast %select_n3A : vector<10112x1xf32> to vector<10112x128xf32>
    %mul3A_44 = vector.broadcast %get3A_43 : vector<1x128xf32> to vector<10112x128xf32>
    %mul3A_45 = arith.mulf %mul3A, %mul3A_44 : vector<10112x128xf32>
    %add3A_46 = arith.addf %add3A, %mul3A_45 : vector<10112x128xf32>
    %gt3A_47 = arith.constant 0.000000e+00 : f32
    %gt3A_48 = vector.broadcast %gt3A_47 : f32 to vector<10112x1xf32>
    %gt3A_49 = arith.cmpf ogt, %slice3A_9, %gt3A_48 : vector<10112x1xf32>
    %jit3A_50 = arith.constant 1.000000e+00 : f32
    %jit3A_51 = arith.constant 0.000000e+00 : f32
    %broadcast_in_dim3A_52 = vector.broadcast %jit3A_50 : f32 to vector<10112x1xf32>
    %broadcast_in_dim3A_53 = vector.broadcast %jit3A_51 : f32 to vector<10112x1xf32>
    %select_n3A_54 = arith.select %gt3A_49, %broadcast_in_dim3A_52, %broadcast_in_dim3A_53 : vector<10112x1xi1>, vector<10112x1xf32>
    %get3A_55 = arith.constant 0 : index
    %get3A_56 = arith.constant 0 : index
    %get3A_57 = vector.load %arg5[%get3A_55, %get3A_56] : memref<1x128xf32, #tpu.memory_space<vmem>>, vector<1x128xf32>
    %mul3A_58 = vector.broadcast %select_n3A_54 : vector<10112x1xf32> to vector<10112x128xf32>
    %mul3A_59 = vector.broadcast %get3A_57 : vector<1x128xf32> to vector<10112x128xf32>
    %mul3A_60 = arith.mulf %mul3A_58, %mul3A_59 : vector<10112x128xf32>
    %add3A_61 = arith.addf %add3A_46, %mul3A_60 : vector<10112x128xf32>
    %swap3A = arith.constant 0 : index
    %swap3A_62 = arith.constant 0 : index
    %swap3A_63 = vector.load %arg6[%swap3A, %swap3A_62] : memref<10112x128xf32, #tpu.memory_space<vmem>>, vector<10112x128xf32>
    tpu.vector_store %arg6[%swap3A, %swap3A_62], %add3A_61 {strides = array<i32>} : memref<10112x128xf32, #tpu.memory_space<vmem>>, vector<10112x128xf32>,
    return
  }
}

</mosaic_0001>

<sc_bundles>
// kernel: kernel.6.cloned.1.call-start
scs
__scs_entry_jumppad:
0x0: {  	(pc) =	sbr.rel $0x88, $3  }
0x1: {  	(tag) =	ssettag $0x0;
	lr =	simm.s32 $0x1  }
0x2: {  	[smem:$0x3F96] =	sst lr;
	_ =	strace $0xD0000000  }
0x3: {  	_ = 	snop  }
0x4: {  	_ = 	snop  }
0x5: {  	_ = 	snop  }
0x6: {  	_ = 	snop  }
0x7: {  	_ = 	snop  }
__scs_overlays_trampoline_lowered:
0x8: {  	[smem:$0x3FA5] =	sst s0  }
0x9: {  	[smem:$0x3FA6] =	sst s1  }
0xa: {  	[smem:$0x3FA7] =	sst s2  }
0xb: {  	[smem:$0x3FA8] =	sst s3  }
0xc: {  	[smem:$0x3FA9] =	sst s4  }
0xd: {  	[smem:$0x3FAA] =	sst s5  }
0xe: {  	[smem:$0x3FAB] =	sst s6  }
0xf: {  	[smem:$0x3FAC] =	sst s7  }
0x10: {  	[smem:$0x3FAD] =	sst s8  }
0x11: {  	[smem:$0x3FAE] =	sst s9;
	s0 =	simm.s32 @!p0 $0x0  }
0x12: {  	s1 =	sld [smem:$0x3F94];
	s0 =	simm.s32 @p0 $0x1  }
0x13: {  	[smem:$0x3FAF] =	sst s0;
	s0 =	simm.s32 @!p1 $0x0  }
0x14: {  	s2 =	sld [smem:$0x3F93];
	s0 =	simm.s32 @p1 $0x1  }
0x15: {  	[smem:$0x3FB0] =	sst s0;
	s0 =	simm.s32 @!p2 $0x0  }
0x16: {  	s3 =	sld [smem:$0x3FDB];
	s0 =	simm.s32 @p2 $0x1  }
0x17: {  	s4 =	simm.s32 $0x1BF5;
	[smem:$0x3FB2] =	sst s0  }
0x18: {  	s0 =	sld [smem:$0x3F95];
	_ =	swait.ge [sflag:s4], $0x0  }
0x19: {  	s7 =	sld [smem:$0x3F96]  }
0x1a: {  	s8 =	sadd.s32 $0xFFFFE003, lr  }
0x1b: {  	s9 =	sadd.s32 $0xFFFFFEF7, lr;
	s5 =	simm.s32 $0xFFFFFFFF;
	p2 =	slt.u32 s8, $0xFFFFF086  }
0x1c: {  	p1 =	slt.u32 s9, $0xF7A;
	s5 =	simm.s32 @!p2 $0x0  }
0x1d: {  	s5 =	simm.s32 @p1 $0x1;
	p0 =	seq.s32 s7, s2  }
0x1e: {  	s7 =	smul.u32 @!p0 $0xF7A, s2;
	p2 =	seq.s32 @!p0 s5, $0x0  }
0x1f: {  	s9 =	smul.u32 $0xF7A, s1;
	s8 =	simm.s32 @!p0 $0x1BF5;
	p2 =	por !p2, p0  }
0x20: {  	[sflag:s8] =	ssyncset.s32 @!p0 $0xFFFFF086;
	s6 =	sadd.s32 @!p0 s3, s7;
	s7 =	simm.s32 @!p0 $0x108  }
0x21: {  	s3 =	sadd.s32 s3, s9;
	s6 =	sadd.s32 @!p0 $0x88, s6;
	s7 =	simm.s32 @p2 $0x1082  }
0x22: {  	[simem:s7], [sflag:s8] =	dma.local @!p0 [hbm:s6], $0xF7A  }
0x23: {  	s9 =	sor.u32 $0xD0000000, s2;
	s6 =	simm.s32 $0x108;
	_ =	swait.ge @!p0 [sflag:s8], $0x0  }
0x24: {  	s3 =	sadd.s32 $0x88, s3;
	s6 =	simm.s32 @!p1 $0x1082;
	[sflag:s4] =	ssyncset.s32 $0xFFFFF086  }
0x25: {  	[simem:s6], [sflag:s4] =	dma.local [hbm:s3], $0xF7A  }
0x26: {  	[smem:$0x3F96] =	sst s1;
	(tag) =	ssettag s2;
	_ =	strace s9  }
0x27: {  	s1 =	sld [smem:$0x3FA6]  }
0x28: {  	s2 =	sld [smem:$0x3FA7]  }
0x29: {  	s4 =	sld [smem:$0x3FA9]  }
0x2a: {  	p0 =	seq.s32 s5, $0x0;
	s5 =	sld [smem:$0x3FAA]  }
0x2b: {  	s6 =	sld [smem:$0x3FAB]  }
0x2c: {  	s7 =	sld [smem:$0x3FAC]  }
0x2d: {  	s3 =	simm.s32 $0x108;
	s8 =	sld [smem:$0x3FAD]  }
0x2e: {  	s3 =	simm.s32 @!p0 $0x1082;
	s9 =	sld [smem:$0x3FAE]  }
0x2f: {  	lr =	sadd.s32 s0, s3;
	s0 =	sld [smem:$0x3FA5]  }
0x30: {  	s3 =	sld [smem:$0x3FA8]  }
0x31: {  	[smem:$0x3FB1] =	sst s10  }
0x32: {  	s10 =	sld [smem:$0x3FAF];
	_ =	sdelay $0x3  }
0x33: {  	p0 =	seq.s32 s10, $0x1;
	s10 =	sld [smem:$0x3FB1];
	_ =	sdelay $0x3  }
0x34: {  	[smem:$0x3FB1] =	sst s10  }
0x35: {  	s10 =	sld [smem:$0x3FB0];
	_ =	sdelay $0x3  }
0x36: {  	p1 =	seq.s32 s10, $0x1;
	s10 =	sld [smem:$0x3FB1];
	_ =	sdelay $0x3  }
0x37: {  	[smem:$0x3FB1] =	sst s10  }
0x38: {  	s10 =	sld [smem:$0x3FB2]  }
0x39: {  	_ = 	snop;
	(pc) =	sbr.ind lr, $3  }
0x3a: {  	_ = 	snop  }
0x3b: {  	_ = 	snop  }
0x3c: {  	p2 =	seq.s32 s10, $0x1;
	s10 =	sld [smem:$0x3FB1]  }
0x3d: {  	_ =	shalt  }
0x3e: {  	_ =	shalt  }
0x3f: {  	_ =	shalt  }
0x40: {  	_ =	shalt  }
0x41: {  	_ =	shalt  }
0x42: {  	_ =	shalt  }
0x43: {  	_ =	shalt  }
0x44: {  	_ =	shalt  }
0x45: {  	_ =	shalt  }
0x46: {  	_ =	shalt  }
0x47: {  	_ =	shalt  }
0x48: {  	_ =	shalt  }
0x49: {  	_ =	shalt  }
0x4a: {  	_ =	shalt  }
0x4b: {  	_ =	shalt  }
0x4c: {  	_ =	shalt  }
0x4d: {  	_ =	shalt  }
0x4e: {  	_ =	shalt  }
0x4f: {  	_ =	shalt  }
0x50: {  	_ =	shalt  }
0x51: {  	_ =	shalt  }
0x52: {  	_ =	shalt  }
0x53: {  	_ =	shalt  }
0x54: {  	_ =	shalt  }
0x55: {  	_ =	shalt  }
0x56: {  	_ =	shalt  }
0x57: {  	_ =	shalt  }
0x58: {  	_ =	shalt  }
0x59: {  	_ =	shalt  }
0x5a: {  	_ =	shalt  }
0x5b: {  	_ =	shalt  }
0x5c: {  	_ =	shalt  }
0x5d: {  	_ =	shalt  }
0x5e: {  	_ =	shalt  }
0x5f: {  	_ =	shalt  }
0x60: {  	_ =	shalt  }
0x61: {  	_ =	shalt  }
0x62: {  	_ =	shalt  }
0x63: {  	_ =	shalt  }
0x64: {  	_ =	shalt  }
0x65: {  	_ =	shalt  }
0x66: {  	_ =	shalt  }
0x67: {  	_ =	shalt  }
0x68: {  	_ =	shalt  }
0x69: {  	_ =	shalt  }
0x6a: {  	_ =	shalt  }
0x6b: {  	_ =	shalt  }
0x6c: {  	_ =	shalt  }
0x6d: {  	_ =	shalt  }
0x6e: {  	_ =	shalt  }
0x6f: {  	_ =	shalt  }
0x70: {  	_ =	shalt  }
0x71: {  	_ =	shalt  }
0x72: {  	_ =	shalt  }
0x73: {  	_ =	shalt  }
0x74: {  	_ =	shalt  }
0x75: {  	_ =	shalt  }
0x76: {  	_ =	shalt  }
0x77: {  	_ =	shalt  }
0x78: {  	_ =	shalt  }
0x79: {  	_ =	shalt  }
0x7a: {  	_ =	shalt  }
0x7b: {  	_ =	shalt  }
0x7c: {  	_ =	shalt  }
0x7d: {  	_ =	shalt  }
0x7e: {  	_ =	shalt  }
0x7f: {  	_ =	shalt  }
0x80: {  	_ =	shalt  }
0x81: {  	_ =	shalt  }
0x82: {  	_ =	shalt  }
0x83: {  	_ =	shalt  }
0x84: {  	_ =	shalt  }
0x85: {  	_ =	shalt  }
0x86: {  	_ =	shalt  }
0x87: {  	_ =	shalt  }
.Lfunc_end0:
.L_simem_size_0:
called_computation_lowered:
.L_overlay_start_0:
0x88: {  	s2 =	sld [smem:$0x3FD9]  }
0x89: {  	s3 =	sld [smem:$0x3FFE];
	_ =	sdelay $0x1  }
0x8a: {  	s1 =	srdreg.scid  }
0x8b: {  	s0 =	sand.u32 $0x1, s1  }
0x8c: {  	s17 =	sshll.u32 s0, $0xA;
	s2 =	sadd.s32 s3, s2  }
0x8d: {  	s2 =	sadd.s32 s2, s17  }
0x8e: {  	[smem:$0x3FBD] =	sst s2  }
0x8f: {  	_ = 	snop  }
0x90: {  	s2 =	sld [smem:$0x3FD0];
	(tm) =	ssettm $0x1  }
0x91: {  	s18 =	sld [smem:$0x3FFB];
	_ =	sdelay $0x3  }
0x92: {  	_ =	strace s18  }
0x93: {  	s3 =	sld [smem:$0x3FFC];
	_ =	sdelay $0x3  }
0x94: {  	_ =	strace s3  }
0x95: {  	s3 =	sld [smem:$0x3FFD];
	_ =	sdelay $0x3  }
0x96: {  	_ =	strace s3  }
0x97: {  	_ =	strace $0x8FFFFFFF  }
0x98: {  	s19 =	sld [smem:$0x3FDB];
	_ =	sdelay $0x1  }
0x99: {  	s4 =	simm.s32 $_scs_section_size  }
0x9a: {  	s5 =	simm.s32 $_size__tile_overlayer_lowered;
	s6 =	simm.s32 $_tile_overlayer_lowered  }
0x9b: {  	s22 =	simm.s32 $0x1BFF;
	s21 =	sshll.u32 s6, $0x1;
	s3 =	sadd.s32 s4, s19  }
0x9c: {  	s7 =	simm.s32 $0x0;
	s20 =	sshll.u32 s5, $0x1;
	s5 =	sadd.s32 s21, s3  }
0x9d: {  	[timem:s7], [sflag:s22] =	dma.local [hbm:s5], s20  }
0x9e: {  	_ =	swait.ge [sflag:s22], s20  }
0x9f: {  	s4 =	ssub.s32 $0x0, s20;
	[sflag:s22] =	ssyncset.done $0x0  }
0xa0: {  	[sflag:s22] =	ssyncadd.s32 s4;
	_ =	sdelay $0x1  }
0xa1: {  	s23 =	simm.s32 $0x1B8B  }
0xa2: {  	_ =	swait.ge [sflag:s23], $0x1  }
0xa3: {  	[sflag:s23] =	ssyncset.done $0x0  }
0xa4: {  	s25 =	simm.s32 $0x1B8E;
	s24 =	sld [smem:$0x3FFE];
	[sflag:s23] =	ssyncadd.s32 $0xFFFFFFFF  }
0xa5: {  	s26 =	simm.s32 $execute0_lowered;
	[smem:$0x3FD2] =	sst s25  }
0xa6: {  	s5 =	sshll.u32 s26, $0x1;
	_ =	strace $0x80000046;
	[dreg:$0x1] =	wrdreg $0xFFFFFFFF  }
0xa7: {  	s28 =	simm.s32 $_size_execute0_lowered;
	s3 =	sadd.s32 s3, s5;
	[dreg:$0x0] =	wrdreg $0x0  }
0xa8: {  	s5 =	sshll.u32 s28, $0x1;
	[dreg:$0x2] =	wrdreg s3  }
0xa9: {  	[dreg:$0x3] =	wrdreg s5  }
0xaa: {  	[dreg:$0x4] =	wrdreg $0xC0  }
0xab: {  	_ =	task [dreg:s7], $0x5FFFF  }
0xac: {  	[dreg:$0x1] =	wrdreg $0xFFFFFFFF  }
0xad: {  	[dreg:$0x0] =	wrdreg $0x60  }
0xae: {  	[dreg:$0x2] =	wrdreg s24  }
0xaf: {  	[dreg:$0x3] =	wrdreg s2  }
0xb0: {  	[dreg:$0x4] =	wrdreg $0x0  }
0xb1: {  	[dreg:$0x5] =	wrdreg $0x9  }
0xb2: {  	_ =	task.clear_ibuf [dreg:s7], $0x6FFFF;
	_ =	strace $0x90000046  }
0xb3: {  	s29 =	simm.s32 $0x9;
	_ =	strace $0x80000048  }
0xb4: {  	_ =	swait.ge [sflag:s29], $0x1  }
0xb5: {  	[sflag:s29] =	ssyncadd.s32 $0xFFFFFFFF  }
0xb6: {  	_ =	strace $0x90000048  }
0xb7: {  	_ =	sfence  }
0xb8: {  	s30 =	sld [smem:$0x0];
	_ =	sdelay $0x2  }
0xb9: {  	s31 =	sshll.u32 s1, $0xD;
	s1 =	sshrl.u32 s1, $0x2  }
0xba: {  	s3 =	sand.u32 $0x4000, s31;
	s1 =	sadd.s32 s1, s30  }
0xbb: {  	s0 =	sor.u32 s3, s0;
	s1 =	sshll.u32 s1, $0x11  }
0xbc: {  	s0 =	sor.u32 s1, s0  }
0xbd: {  	s0 =	sadd.s32 $0x8F2B, s0  }
0xbe: {  	[sflag:s0] =	ssyncadd.remote.s32 $0x1  }
0xbf: {  	_ =	sfence.sel $0xFFFF  }
0xc0: {  	[dreg:$0x0] =	wrdreg $0xFFFFFFFF;
	(pc) =	sbr.abs _section_cstart, $3  }
0xc1: {  	[dreg:$0x1] =	wrdreg $0xFFFFFFFF  }
0xc2: {  	_ =	task.clear_ibuf [dreg:s7], $0x2FFFF;
	_ =	strace $0x9FFFFFFF  }
0xc3: {  	(tm) =	ssettm $0x7FFFFFFF  }
tec
execute0_lowered:
.L_overlay_start_1:
0x0: {  	(tag) =	ssettag $0x1  }
0x1: {  	s0 =	rddreg [dreg:$0x0]  }
0x2: {  	s1 =	rddreg [dreg:$0x1];
	s3 =	srdreg.scid  }
0x3: {  	s2 =	rddreg [dreg:$0x2];
	s8 =	stileid.u32;
	s10 =	simm.s32 $0x0  }
0x4: {  	s18 =	simm.s32 $0x13C80;
	s20 =	simm.s32 $0x13D00;
	s22 =	simm.s32 $0x13D80  }
0x5: {  	s24 =	simm.s32 $0x13E00;
	s25 =	simm.s32 $0x13E80;
	s31 =	simm.s32 $0x14D00  }
0x6: {  	s30 =	simm.s32 $0x14D80;
	[smem:$0x7FF] =	sst s10;
	s12 =	sadd.s32 $0x3E800, s0  }
0x7: {  	s29 =	simm.s32 $0x14B80;
	_ =	strace $0x80000047;
	[dreg:$0x16] =	wrdreg s12  }
0x8: {  	s28 =	simm.s32 $0x4;
	s5 =	sand.u32 $0x1, s3;
	[dreg:$0x5] =	wrdreg s18  }
0x9: {  	s7 =	smul.u32 $0x5000, s8;
	s4 =	sadd.s32 $0x16000, s0;
	[dreg:$0x6] =	wrdreg s20  }
0xa: {  	s11 =	sshll.u32 s8, $0x7;
	s8 =	smul.u32 $0x278, s8;
	[dreg:$0x7] =	wrdreg s22  }
0xb: {  	s3 =	simm.s32 $0x13F00;
	s6 =	smul.u32 $0x50000, s5;
	[dreg:$0x8] =	wrdreg s24  }
0xc: {  	s10 =	smul.u32 $0x2780, s5;
	s5 =	ssub.s32 $0x2, s5;
	[dreg:$0x9] =	wrdreg s25  }
0xd: {  	[dreg:$0xa] =	wrdreg s3;
	s24 =	simm.s32 $0x14280;
	s25 =	simm.s32 $0x14300  }
0xe: {  	s3 =	simm.s32 $0x14B00;
	s12 =	sshrl.u32 s5, $0x1;
	[dreg:$0x11] =	wrdreg s24  }
0xf: {  	[dreg:$0x12] =	wrdreg s25;
	s24 =	simm.s32 $0x19000;
	s25 =	simm.s32 $0x2  }
0x10: {  	s6 =	sadd.s32 s7, s6;
	s7 =	sadd.s32 s11, s0;
	s11 =	sadd.s32 $0x3F000, s0  }
0x11: {  	s8 =	sadd.s32 s8, s10;
	s5 =	ssub.s32 s5, s12;
	s10 =	simm.s32 $0x14700  }
0x12: {  	s12 =	simm.s32 $0x14800;
	s6 =	sshrl.u32 s6, $0x3;
	[dreg:$0x15] =	wrdreg s11  }
0x13: {  	s11 =	sadd.s32 $0x3F800, s0;
	s8 =	sshll.u32 s8, $0x4;
	s7 =	sadd.s32 $0x3D800, s7  }
0x14: {  	s20 =	smax.u32 s5, $0x1;
	s5 =	simm.s32 $0x14A80;
	[dreg:$0x17] =	wrdreg s7  }
0x15: {  	s9 =	sadd.s32 s6, s0;
	s1 =	sadd.s32 s6, s1;
	[smem:$0x7FD] =	sst s20  }
0x16: {  	s0 =	sadd.s32 $0x8E800, s0;
	s26 =	sadd.s32 s11, s8;
	[dreg:$0x4] =	wrdreg s1  }
0x17: {  	s14 =	sadd.s32 $0x800, s8;
	s13 =	sadd.s32 s0, s8;
	[dreg:$0x1d] =	wrdreg s26  }
0x18: {  	s16 =	sadd.s32 $0x1000, s8;
	s15 =	sadd.s32 s0, s14;
	[dreg:$0x18] =	wrdreg s13  }
0x19: {  	s19 =	sadd.s32 $0x1800, s8;
	s17 =	sadd.s32 s0, s16;
	[dreg:$0x19] =	wrdreg s15  }
0x1a: {  	s23 =	sadd.s32 $0x2000, s8;
	s21 =	sadd.s32 s0, s19;
	[dreg:$0x1a] =	wrdreg s17  }
0x1b: {  	s6 =	simm.s32 $0x14C00;
	s0 =	sadd.s32 s0, s23;
	[dreg:$0x1b] =	wrdreg s21  }
0x1c: {  	s20 =	simm.s32 $0x14E00;
	s8 =	sadd.s32 s11, s14;
	[dreg:$0x1c] =	wrdreg s0  }
0x1d: {  	s7 =	simm.s32 $0x14580;
	s14 =	sadd.s32 s11, s16;
	[dreg:$0x1e] =	wrdreg s8  }
0x1e: {  	s16 =	sadd.s32 s11, s19;
	s18 =	sadd.s32 s11, s23;
	[dreg:$0x1f] =	wrdreg s14  }
0x1f: {  	s19 =	simm.s32 $0x14100;
	s22 =	sadd.s32 $0x2000, s9;
	[smem:$0x7FB] =	sst s16  }
0x20: {  	s23 =	simm.s32 $0x14200;
	s26 =	simm.s32 $0x14380;
	[smem:$0x7FC] =	sst s18  }
0x21: {  	s9 =	simm.s32 $0x14680;
	s11 =	simm.s32 $0x14780;
	[dreg:$0xe] =	wrdreg s19  }
0x22: {  	s1 =	simm.s32 $0x0;
	s13 =	simm.s32 $0x13F80;
	[dreg:$0x14] =	wrdreg s22  }
0x23: {  	s15 =	simm.s32 $0x14000;
	s17 =	simm.s32 $0x14080;
	[dreg:$0x10] =	wrdreg s23  }
0x24: {  	s21 =	simm.s32 $0x14180;
	s22 =	simm.s32 $0x15000;
	[dreg:$0x13] =	wrdreg s26  }
0x25: {  	s23 =	simm.s32 $0x80;
	s19 =	simm.s32 $0x14C80;
	[dreg:$0xb] =	wrdreg s13  }
0x26: {  	s8 =	simm.s32 $0x14600;
	s14 =	simm.s32 $0x14900;
	[dreg:$0xc] =	wrdreg s15  }
0x27: {  	s16 =	simm.s32 $0x14A00;
	s18 =	simm.s32 $0x1;
	[dreg:$0xd] =	wrdreg s17  }
0x28: {  	s26 =	simm.s32 $0x3;
	[dreg:$0xf] =	wrdreg s21;
	s21 =	simm.s32 $0x6  }
0x29: {  	s13 =	simm.s32 $0x14880;
	s15 =	simm.s32 $0x14980;
	s17 =	simm.s32 $0x5  }
.LBB2_1:
0x2a: {  	[smem:$0x7FA] =	sst s1  }
0x2b: {  	s0 =	rddreg [dreg:$0x17];
	s1 =	simm.s32 $0x0  }
0x2c: {  	[tilespmem:s6], [sflag:$0x6] =	stream.linear.gather [hbm4b:s0+s1], $0x400, $0x38;
	[tilespmem:$0x1D000] =	vst v63  }
0x2d: {  	_ =	swait.ge [sflag:s21], $0x400  }
0x2e: {  	[sflag:s21] =	ssyncset.done $0x0  }
0x2f: {  	s0 =	rddreg [dreg:$0x15];
	[sflag:s21] =	ssyncadd.s32 $0xFFFFFC00  }
0x30: {  	[tilespmem:s22], [sflag:$0x6] =	stream.linear.gather [hbm4b:s0+s1], $0x4000, $0x38;
	[tilespmem:$0x1D000] =	vst v63  }
0x31: {  	_ =	swait.ge [sflag:s21], $0x4000  }
0x32: {  	[sflag:s21] =	ssyncset.done $0x0  }
0x33: {  	[sflag:s21] =	ssyncadd.s32 $0xFFFFC000  }
0x34: {  	[spmem:s2] =	stream.indirect.scatter [tilespmem:s22], [sflag:$0x6], $0x80, s6, s23, $0xb8;
	[tilespmem:$0x1D000] =	vst v63  }
0x35: {  	_ =	swait.ge [sflag:s21], $0x4000  }
0x36: {  	[sflag:s21] =	ssyncset.done $0x0  }
0x37: {  	[sflag:s21] =	ssyncadd.s32 $0xFFFFC000  }
0x38: {  	[spmem:s2] =	stream.indirect.scatter [tilespmem:s22], [sflag:$0x6], $0x80, s19, s23, $0xb8;
	[tilespmem:$0x1D000] =	vst v63  }
0x39: {  	_ =	swait.ge [sflag:s21], $0x4000  }
0x3a: {  	[sflag:s21] =	ssyncset.done $0x0  }
0x3b: {  	[sflag:s21] =	ssyncadd.s32 $0xFFFFC000  }
0x3c: {  	[spmem:s2] =	stream.indirect.scatter [tilespmem:s22], [sflag:$0x6], $0x80, s31, s23, $0xb8;
	[tilespmem:$0x1D000] =	vst v63  }
0x3d: {  	_ =	swait.ge [sflag:s21], $0x4000  }
0x3e: {  	[sflag:s21] =	ssyncset.done $0x0  }
0x3f: {  	[sflag:s21] =	ssyncadd.s32 $0xFFFFC000  }
0x40: {  	[spmem:s2] =	stream.indirect.scatter [tilespmem:s22], [sflag:$0x6], $0x80, s30, s23, $0xb8;
	[tilespmem:$0x1D000] =	vst v63  }
0x41: {  	_ =	swait.ge [sflag:s21], $0x4000  }
0x42: {  	[sflag:s21] =	ssyncset.done $0x0  }
0x43: {  	[sflag:s21] =	ssyncadd.s32 $0xFFFFC000  }
0x44: {  	[spmem:s2] =	stream.indirect.scatter [tilespmem:s22], [sflag:$0x6], $0x80, s20, s23, $0xb8;
	[tilespmem:$0x1D000] =	vst v63  }
0x45: {  	_ =	swait.ge [sflag:s21], $0x4000  }
0x46: {  	[sflag:s21] =	ssyncset.done $0x0  }
0x47: {  	s20 =	rddreg [dreg:$0x16];
	[sflag:s21] =	ssyncadd.s32 $0xFFFFC000  }
0x48: {  	[tilespmem:s22], [sflag:$0x6] =	stream.linear.gather [hbm4b:s20+s1], $0x4000, $0x38;
	[tilespmem:$0x1D000] =	vst v63  }
0x49: {  	_ =	swait.ge [sflag:s21], $0x4000  }
0x4a: {  	[sflag:s21] =	ssyncset.done $0x0  }
0x4b: {  	[sflag:s21] =	ssyncadd.s32 $0xFFFFC000  }
0x4c: {  	[bflag:$0x0] =	sbarrier.arrive $0xFFFF  }
0x4d: {  	s30 =	rddreg [dreg:$0x14]  }
0x4e: {  	s19 =	simm.s32 $0x14400;
	s6 =	sadd.s32 $0x0, s30  }
0x4f: {  	[tilespmem:s19], [sflag:$0x6] =	stream.linear.gather [hbm4b:s6+s1], $0x800, $0x38;
	[tilespmem:$0x1D000] =	vst v63  }
0x50: {  	_ =	swait.ge [sflag:s21], $0x800  }
0x51: {  	[sflag:s21] =	ssyncset.done $0x0  }
0x52: {  	[sflag:s21] =	ssyncadd.s32 $0xFFFFF800  }
0x53: {  	[spmem:s2] =	stream.indirect.scatter.add.f32 [tilespmem:s22], [sflag:$0x5], $0x80, s19, s23, $0xb8;
	[tilespmem:$0x1D000] =	vst v63  }
0x54: {  	s20 =	simm.s32 $0x14480  }
0x55: {  	[spmem:s2] =	stream.indirect.scatter.add.f32 [tilespmem:s22], [sflag:$0x5], $0x80, s20, s23, $0xb8;
	[tilespmem:$0x1D000] =	vst v63  }
0x56: {  	s30 =	simm.s32 $0x14500  }
0x57: {  	[spmem:s2] =	stream.indirect.scatter.add.f32 [tilespmem:s22], [sflag:$0x5], $0x80, s30, s23, $0xb8;
	[tilespmem:$0x1D000] =	vst v63  }
0x58: {  	_ = 	snop  }
0x59: {  	[spmem:s2] =	stream.indirect.scatter.add.f32 [tilespmem:s22], [sflag:$0x5], $0x80, s7, s23, $0xb8;
	[tilespmem:$0x1D000] =	vst v63  }
0x5a: {  	_ = 	snop  }
0x5b: {  	[spmem:s2] =	stream.indirect.scatter.add.f32 [tilespmem:s22], [sflag:$0x5], $0x80, s8, s23, $0xb8;
	[tilespmem:$0x1D000] =	vst v63  }
0x5c: {  	_ = 	snop  }
0x5d: {  	[spmem:s2] =	stream.indirect.scatter.add.f32 [tilespmem:s22], [sflag:$0x5], $0x80, s9, s23, $0xb8;
	[tilespmem:$0x1D000] =	vst v63  }
0x5e: {  	_ = 	snop  }
0x5f: {  	[spmem:s2] =	stream.indirect.scatter.add.f32 [tilespmem:s22], [sflag:$0x5], $0x80, s10, s23, $0xb8;
	[tilespmem:$0x1D000] =	vst v63  }
0x60: {  	_ = 	snop  }
0x61: {  	[spmem:s2] =	stream.indirect.scatter.add.f32 [tilespmem:s22], [sflag:$0x5], $0x80, s11, s23, $0xb8;
	[tilespmem:$0x1D000] =	vst v63  }
0x62: {  	_ = 	snop  }
0x63: {  	[spmem:s2] =	stream.indirect.scatter.add.f32 [tilespmem:s22], [sflag:$0x5], $0x80, s12, s23, $0xb8;
	[tilespmem:$0x1D000] =	vst v63  }
0x64: {  	_ = 	snop  }
0x65: {  	[spmem:s2] =	stream.indirect.scatter.add.f32 [tilespmem:s22], [sflag:$0x5], $0x80, s13, s23, $0xb8;
	[tilespmem:$0x1D000] =	vst v63  }
0x66: {  	_ = 	snop  }
0x67: {  	[spmem:s2] =	stream.indirect.scatter.add.f32 [tilespmem:s22], [sflag:$0x5], $0x80, s14, s23, $0xb8;
	[tilespmem:$0x1D000] =	vst v63  }
0x68: {  	_ = 	snop  }
0x69: {  	[spmem:s2] =	stream.indirect.scatter.add.f32 [tilespmem:s22], [sflag:$0x5], $0x80, s15, s23, $0xb8;
	[tilespmem:$0x1D000] =	vst v63  }
0x6a: {  	_ = 	snop  }
0x6b: {  	[spmem:s2] =	stream.indirect.scatter.add.f32 [tilespmem:s22], [sflag:$0x5], $0x80, s16, s23, $0xb8;
	[tilespmem:$0x1D000] =	vst v63  }
0x6c: {  	_ = 	snop  }
0x6d: {  	[spmem:s2] =	stream.indirect.scatter.add.f32 [tilespmem:s22], [sflag:$0x5], $0x80, s5, s23, $0xb8;
	[tilespmem:$0x1D000] =	vst v63  }
0x6e: {  	_ = 	snop  }
0x6f: {  	[spmem:s2] =	stream.indirect.scatter.add.f32 [tilespmem:s22], [sflag:$0x5], $0x80, s3, s23, $0xb8;
	[tilespmem:$0x1D000] =	vst v63  }
0x70: {  	_ = 	snop  }
0x71: {  	[spmem:s2] =	stream.indirect.scatter.add.f32 [tilespmem:s22], [sflag:$0x5], $0x80, s29, s23, $0xb8;
	[tilespmem:$0x1D000] =	vst v63  }
0x72: {  	_ =	swait.ge [sflag:s17], $0x4000  }
0x73: {  	[sflag:s17] =	ssyncset.done $0x0  }
0x74: {  	[sflag:s17] =	ssyncadd.s32 $0xFFFFC000  }
0x75: {  	_ =	swait.ge [sflag:s17], $0x4000  }
0x76: {  	[sflag:s17] =	ssyncset.done $0x0  }
0x77: {  	[sflag:s17] =	ssyncadd.s32 $0xFFFFC000  }
0x78: {  	_ =	swait.ge [sflag:s17], $0x4000  }
0x79: {  	[sflag:s17] =	ssyncset.done $0x0  }
0x7a: {  	[sflag:s17] =	ssyncadd.s32 $0xFFFFC000  }
0x7b: {  	_ =	swait.ge [sflag:s17], $0x4000  }
0x7c: {  	[sflag:s17] =	ssyncset.done $0x0  }
0x7d: {  	[sflag:s17] =	ssyncadd.s32 $0xFFFFC000  }
0x7e: {  	_ =	swait.ge [sflag:s17], $0x4000  }
0x7f: {  	[sflag:s17] =	ssyncset.done $0x0  }
0x80: {  	[sflag:s17] =	ssyncadd.s32 $0xFFFFC000  }
0x81: {  	_ =	swait.ge [sflag:s17], $0x4000  }
0x82: {  	[sflag:s17] =	ssyncset.done $0x0  }
0x83: {  	[sflag:s17] =	ssyncadd.s32 $0xFFFFC000  }
0x84: {  	_ =	swait.ge [sflag:s17], $0x4000  }
0x85: {  	[sflag:s17] =	ssyncset.done $0x0  }
0x86: {  	[sflag:s17] =	ssyncadd.s32 $0xFFFFC000  }
0x87: {  	_ =	swait.ge [sflag:s17], $0x4000  }
0x88: {  	[sflag:s17] =	ssyncset.done $0x0  }
0x89: {  	[sflag:s17] =	ssyncadd.s32 $0xFFFFC000  }
0x8a: {  	_ =	swait.ge [sflag:s17], $0x4000  }
0x8b: {  	[sflag:s17] =	ssyncset.done $0x0  }
0x8c: {  	[sflag:s17] =	ssyncadd.s32 $0xFFFFC000  }
0x8d: {  	_ =	swait.ge [sflag:s17], $0x4000  }
0x8e: {  	[sflag:s17] =	ssyncset.done $0x0  }
0x8f: {  	[sflag:s17] =	ssyncadd.s32 $0xFFFFC000  }
0x90: {  	_ =	swait.ge [sflag:s17], $0x4000  }
0x91: {  	[sflag:s17] =	ssyncset.done $0x0  }
0x92: {  	[sflag:s17] =	ssyncadd.s32 $0xFFFFC000  }
0x93: {  	_ =	swait.ge [sflag:s17], $0x4000  }
0x94: {  	[sflag:s17] =	ssyncset.done $0x0  }
0x95: {  	[sflag:s17] =	ssyncadd.s32 $0xFFFFC000  }
0x96: {  	_ =	swait.ge [sflag:s17], $0x4000  }
0x97: {  	[sflag:s17] =	ssyncset.done $0x0  }
0x98: {  	[sflag:s17] =	ssyncadd.s32 $0xFFFFC000  }
0x99: {  	_ =	swait.ge [sflag:s17], $0x4000  }
0x9a: {  	[sflag:s17] =	ssyncset.done $0x0  }
0x9b: {  	[sflag:s17] =	ssyncadd.s32 $0xFFFFC000  }
0x9c: {  	_ =	swait.ge [sflag:s17], $0x4000  }
0x9d: {  	[sflag:s17] =	ssyncset.done $0x0  }
0x9e: {  	[sflag:s17] =	ssyncadd.s32 $0xFFFFC000  }
0x9f: {  	_ =	swait.ge [sflag:s17], $0x4000  }
0xa0: {  	s31 =	simm.s32 $0x200;
	s20 =	simm.s32 $0x100;
	[sflag:s17] =	ssyncset.done $0x0  }
.LBB2_2:
0xa1: {  	s0 =	rddreg [dreg:$0x14];
	[sflag:s17] =	ssyncadd.s32 $0xFFFFC000  }
0xa2: {  	s19 =	simm.s32 $0x14400;
	s1 =	simm.s32 $0x0;
	s0 =	sadd.s32 s20, s0  }
0xa3: {  	[tilespmem:s19], [sflag:$0x6] =	stream.linear.gather [hbm4b:s0+s1], $0x800, $0x38;
	[tilespmem:$0x1D000] =	vst v63  }
0xa4: {  	_ =	swait.ge [sflag:s21], $0x800  }
0xa5: {  	[sflag:s21] =	ssyncset.done $0x0  }
0xa6: {  	[sflag:s21] =	ssyncadd.s32 $0xFFFFF800  }
0xa7: {  	[spmem:s2] =	stream.indirect.scatter.add.f32 [tilespmem:s22], [sflag:$0x5], $0x80, s19, s23, $0xb8;
	[tilespmem:$0x1D000] =	vst v63  }
0xa8: {  	s6 =	simm.s32 $0x14480  }
0xa9: {  	[spmem:s2] =	stream.indirect.scatter.add.f32 [tilespmem:s22], [sflag:$0x5], $0x80, s6, s23, $0xb8;
	[tilespmem:$0x1D000] =	vst v63  }
0xaa: {  	s19 =	simm.s32 $0x14500  }
0xab: {  	[spmem:s2] =	stream.indirect.scatter.add.f32 [tilespmem:s22], [sflag:$0x5], $0x80, s19, s23, $0xb8;
	[tilespmem:$0x1D000] =	vst v63  }
0xac: {  	_ = 	snop  }
0xad: {  	[spmem:s2] =	stream.indirect.scatter.add.f32 [tilespmem:s22], [sflag:$0x5], $0x80, s7, s23, $0xb8;
	[tilespmem:$0x1D000] =	vst v63  }
0xae: {  	_ = 	snop  }
0xaf: {  	[spmem:s2] =	stream.indirect.scatter.add.f32 [tilespmem:s22], [sflag:$0x5], $0x80, s8, s23, $0xb8;
	[tilespmem:$0x1D000] =	vst v63  }
0xb0: {  	_ = 	snop  }
0xb1: {  	[spmem:s2] =	stream.indirect.scatter.add.f32 [tilespmem:s22], [sflag:$0x5], $0x80, s9, s23, $0xb8;
	[tilespmem:$0x1D000] =	vst v63  }
0xb2: {  	_ = 	snop  }
0xb3: {  	[spmem:s2] =	stream.indirect.scatter.add.f32 [tilespmem:s22], [sflag:$0x5], $0x80, s10, s23, $0xb8;
	[tilespmem:$0x1D000] =	vst v63  }
0xb4: {  	_ = 	snop  }
0xb5: {  	[spmem:s2] =	stream.indirect.scatter.add.f32 [tilespmem:s22], [sflag:$0x5], $0x80, s11, s23, $0xb8;
	[tilespmem:$0x1D000] =	vst v63  }
0xb6: {  	_ = 	snop  }
0xb7: {  	[spmem:s2] =	stream.indirect.scatter.add.f32 [tilespmem:s22], [sflag:$0x5], $0x80, s12, s23, $0xb8;
	[tilespmem:$0x1D000] =	vst v63  }
0xb8: {  	_ = 	snop  }
0xb9: {  	[spmem:s2] =	stream.indirect.scatter.add.f32 [tilespmem:s22], [sflag:$0x5], $0x80, s13, s23, $0xb8;
	[tilespmem:$0x1D000] =	vst v63  }
0xba: {  	_ = 	snop  }
0xbb: {  	[spmem:s2] =	stream.indirect.scatter.add.f32 [tilespmem:s22], [sflag:$0x5], $0x80, s14, s23, $0xb8;
	[tilespmem:$0x1D000] =	vst v63  }
0xbc: {  	_ = 	snop  }
0xbd: {  	[spmem:s2] =	stream.indirect.scatter.add.f32 [tilespmem:s22], [sflag:$0x5], $0x80, s15, s23, $0xb8;
	[tilespmem:$0x1D000] =	vst v63  }
0xbe: {  	_ = 	snop  }
0xbf: {  	[spmem:s2] =	stream.indirect.scatter.add.f32 [tilespmem:s22], [sflag:$0x5], $0x80, s16, s23, $0xb8;
	[tilespmem:$0x1D000] =	vst v63  }
0xc0: {  	_ = 	snop  }
0xc1: {  	[spmem:s2] =	stream.indirect.scatter.add.f32 [tilespmem:s22], [sflag:$0x5], $0x80, s5, s23, $0xb8;
	[tilespmem:$0x1D000] =	vst v63  }
0xc2: {  	_ = 	snop  }
0xc3: {  	[spmem:s2] =	stream.indirect.scatter.add.f32 [tilespmem:s22], [sflag:$0x5], $0x80, s3, s23, $0xb8;
	[tilespmem:$0x1D000] =	vst v63  }
0xc4: {  	_ = 	snop  }
0xc5: {  	[spmem:s2] =	stream.indirect.scatter.add.f32 [tilespmem:s22], [sflag:$0x5], $0x80, s29, s23, $0xb8;
	[tilespmem:$0x1D000] =	vst v63  }
0xc6: {  	_ =	swait.ge [sflag:s17], $0x4000  }
0xc7: {  	[sflag:s17] =	ssyncset.done $0x0  }
0xc8: {  	[sflag:s17] =	ssyncadd.s32 $0xFFFFC000  }
0xc9: {  	_ =	swait.ge [sflag:s17], $0x4000  }
0xca: {  	[sflag:s17] =	ssyncset.done $0x0  }
0xcb: {  	[sflag:s17] =	ssyncadd.s32 $0xFFFFC000  }
0xcc: {  	_ =	swait.ge [sflag:s17], $0x4000  }
0xcd: {  	[sflag:s17] =	ssyncset.done $0x0  }
0xce: {  	[sflag:s17] =	ssyncadd.s32 $0xFFFFC000  }
0xcf: {  	_ =	swait.ge [sflag:s17], $0x4000  }
0xd0: {  	[sflag:s17] =	ssyncset.done $0x0  }
0xd1: {  	[sflag:s17] =	ssyncadd.s32 $0xFFFFC000  }
0xd2: {  	_ =	swait.ge [sflag:s17], $0x4000  }
0xd3: {  	[sflag:s17] =	ssyncset.done $0x0  }
0xd4: {  	[sflag:s17] =	ssyncadd.s32 $0xFFFFC000  }
0xd5: {  	_ =	swait.ge [sflag:s17], $0x4000  }
0xd6: {  	[sflag:s17] =	ssyncset.done $0x0  }
0xd7: {  	[sflag:s17] =	ssyncadd.s32 $0xFFFFC000  }
0xd8: {  	_ =	swait.ge [sflag:s17], $0x4000  }
0xd9: {  	[sflag:s17] =	ssyncset.done $0x0  }
0xda: {  	[sflag:s17] =	ssyncadd.s32 $0xFFFFC000  }
0xdb: {  	_ =	swait.ge [sflag:s17], $0x4000  }
0xdc: {  	[sflag:s17] =	ssyncset.done $0x0  }
0xdd: {  	[sflag:s17] =	ssyncadd.s32 $0xFFFFC000  }
0xde: {  	_ =	swait.ge [sflag:s17], $0x4000  }
0xdf: {  	[sflag:s17] =	ssyncset.done $0x0  }
0xe0: {  	[sflag:s17] =	ssyncadd.s32 $0xFFFFC000  }
0xe1: {  	_ =	swait.ge [sflag:s17], $0x4000  }
0xe2: {  	[sflag:s17] =	ssyncset.done $0x0  }
0xe3: {  	[sflag:s17] =	ssyncadd.s32 $0xFFFFC000  }
0xe4: {  	_ =	swait.ge [sflag:s17], $0x4000  }
0xe5: {  	[sflag:s17] =	ssyncset.done $0x0  }
0xe6: {  	[sflag:s17] =	ssyncadd.s32 $0xFFFFC000  }
0xe7: {  	_ =	swait.ge [sflag:s17], $0x4000  }
0xe8: {  	[sflag:s17] =	ssyncset.done $0x0  }
0xe9: {  	[sflag:s17] =	ssyncadd.s32 $0xFFFFC000  }
0xea: {  	_ =	swait.ge [sflag:s17], $0x4000  }
0xeb: {  	[sflag:s17] =	ssyncset.done $0x0  }
0xec: {  	[sflag:s17] =	ssyncadd.s32 $0xFFFFC000  }
0xed: {  	_ =	swait.ge [sflag:s17], $0x4000  }
0xee: {  	[sflag:s17] =	ssyncset.done $0x0  }
0xef: {  	p0 =	sne.s32 s31, $0x900;
	[sflag:s17] =	ssyncadd.s32 $0xFFFFC000  }
.Ltmp0:
0xf0: {  	_ =	swait.ge [sflag:s17], $0x4000;
	(pc) =	sbr.rel @p0 .LBB2_2-.Ltmp0, $4  }
0xf1: {  	[sflag:s17] =	ssyncset.done $0x0  }
0xf2: {  	[sflag:s17] =	ssyncadd.s32 $0xFFFFC000  }
0xf3: {  	s30 =	sadd.s32 $0x100, s31;
	_ =	swait.ge [sflag:s17], $0x4000  }
0xf4: {  	s20 =	smov.u32 s31;
	s31 =	smov.u32 s30;
	[sflag:s17] =	ssyncset.done $0x0  }
0xf5: {  	s3 =	rddreg [dreg:$0x14];
	[sflag:s17] =	ssyncadd.s32 $0xFFFFC000  }
0xf6: {  	s8 =	simm.s32 $0x0;
	s7 =	simm.s32 $0x14400;
	s0 =	sadd.s32 s20, s3  }
0xf7: {  	[tilespmem:s7], [sflag:$0x6] =	stream.linear.gather [hbm4b:s0+s8], $0x800, $0x38;
	[tilespmem:$0x1D000] =	vst v63  }
0xf8: {  	_ =	swait.ge [sflag:s21], $0x800  }
0xf9: {  	[sflag:s21] =	ssyncset.done $0x0  }
0xfa: {  	[sflag:s21] =	ssyncadd.s32 $0xFFFFF800  }
0xfb: {  	[spmem:s2] =	stream.indirect.scatter.add.f32 [tilespmem:s22], [sflag:$0x5], $0x80, s7, s23, $0xb8;
	[tilespmem:$0x1D000] =	vst v63  }
0xfc: {  	s15 =	simm.s32 $0x14480  }
0xfd: {  	[spmem:s2] =	stream.indirect.scatter.add.f32 [tilespmem:s22], [sflag:$0x5], $0x80, s15, s23, $0xb8;
	[tilespmem:$0x1D000] =	vst v63  }
0xfe: {  	s16 =	simm.s32 $0x14500  }
0xff: {  	[spmem:s2] =	stream.indirect.scatter.add.f32 [tilespmem:s22], [sflag:$0x5], $0x80, s16, s23, $0xb8;
	[tilespmem:$0x1D000] =	vst v63  }
0x100: {  	s20 =	simm.s32 $0x14580  }
0x101: {  	[spmem:s2] =	stream.indirect.scatter.add.f32 [tilespmem:s22], [sflag:$0x5], $0x80, s20, s23, $0xb8;
	[tilespmem:$0x1D000] =	vst v63  }
0x102: {  	s9 =	simm.s32 $0x14600  }
0x103: {  	[spmem:s2] =	stream.indirect.scatter.add.f32 [tilespmem:s22], [sflag:$0x5], $0x80, s9, s23, $0xb8;
	[tilespmem:$0x1D000] =	vst v63  }
0x104: {  	s10 =	simm.s32 $0x14680  }
0x105: {  	[spmem:s2] =	stream.indirect.scatter.add.f32 [tilespmem:s22], [sflag:$0x5], $0x80, s10, s23, $0xb8;
	[tilespmem:$0x1D000] =	vst v63  }
0x106: {  	s11 =	simm.s32 $0x14700  }
0x107: {  	[spmem:s2] =	stream.indirect.scatter.add.f32 [tilespmem:s22], [sflag:$0x5], $0x80, s11, s23, $0xb8;
	[tilespmem:$0x1D000] =	vst v63  }
0x108: {  	s12 =	simm.s32 $0x14780  }
0x109: {  	[spmem:s2] =	stream.indirect.scatter.add.f32 [tilespmem:s22], [sflag:$0x5], $0x80, s12, s23, $0xb8;
	[tilespmem:$0x1D000] =	vst v63  }
0x10a: {  	s13 =	simm.s32 $0x14800  }
0x10b: {  	[spmem:s2] =	stream.indirect.scatter.add.f32 [tilespmem:s22], [sflag:$0x5], $0x80, s13, s23, $0xb8;
	[tilespmem:$0x1D000] =	vst v63  }
0x10c: {  	s14 =	simm.s32 $0x14880  }
0x10d: {  	[spmem:s2] =	stream.indirect.scatter.add.f32 [tilespmem:s22], [sflag:$0x5], $0x80, s14, s23, $0xb8;
	[tilespmem:$0x1D000] =	vst v63  }
0x10e: {  	s15 =	simm.s32 $0x14900  }
0x10f: {  	[spmem:s2] =	stream.indirect.scatter.add.f32 [tilespmem:s22], [sflag:$0x5], $0x80, s15, s23, $0xb8;
	[tilespmem:$0x1D000] =	vst v63  }
0x110: {  	s16 =	simm.s32 $0x14980  }
0x111: {  	[spmem:s2] =	stream.indirect.scatter.add.f32 [tilespmem:s22], [sflag:$0x5], $0x80, s16, s23, $0xb8;
	[tilespmem:$0x1D000] =	vst v63  }
0x112: {  	s1 =	simm.s32 $0x14A00  }
0x113: {  	[spmem:s2] =	stream.indirect.scatter.add.f32 [tilespmem:s22], [sflag:$0x5], $0x80, s1, s23, $0xb8;
	[tilespmem:$0x1D000] =	vst v63  }
0x114: {  	s5 =	simm.s32 $0x14A80  }
0x115: {  	[spmem:s2] =	stream.indirect.scatter.add.f32 [tilespmem:s22], [sflag:$0x5], $0x80, s5, s23, $0xb8;
	[tilespmem:$0x1D000] =	vst v63  }
0x116: {  	s6 =	simm.s32 $0x14B00  }
0x117: {  	[spmem:s2] =	stream.indirect.scatter.add.f32 [tilespmem:s22], [sflag:$0x5], $0x80, s6, s23, $0xb8;
	[tilespmem:$0x1D000] =	vst v63  }
0x118: {  	s20 =	simm.s32 $0x14B80  }
0x119: {  	[spmem:s2] =	stream.indirect.scatter.add.f32 [tilespmem:s22], [sflag:$0x5], $0x80, s20, s23, $0xb8;
	[tilespmem:$0x1D000] =	vst v63  }
0x11a: {  	_ =	swait.ge [sflag:s17], $0x4000  }
0x11b: {  	[sflag:s17] =	ssyncset.done $0x0  }
0x11c: {  	[sflag:s17] =	ssyncadd.s32 $0xFFFFC000  }
0x11d: {  	_ =	swait.ge [sflag:s17], $0x4000  }
0x11e: {  	[sflag:s17] =	ssyncset.done $0x0  }
0x11f: {  	[sflag:s17] =	ssyncadd.s32 $0xFFFFC000  }
0x120: {  	_ =	swait.ge [sflag:s17], $0x4000  }
0x121: {  	[sflag:s17] =	ssyncset.done $0x0  }
0x122: {  	[sflag:s17] =	ssyncadd.s32 $0xFFFFC000  }
0x123: {  	_ =	swait.ge [sflag:s17], $0x4000  }
0x124: {  	[sflag:s17] =	ssyncset.done $0x0  }
0x125: {  	[sflag:s17] =	ssyncadd.s32 $0xFFFFC000  }
0x126: {  	_ =	swait.ge [sflag:s17], $0x4000  }
0x127: {  	[sflag:s17] =	ssyncset.done $0x0  }
0x128: {  	[sflag:s17] =	ssyncadd.s32 $0xFFFFC000  }
0x129: {  	_ =	swait.ge [sflag:s17], $0x4000  }
0x12a: {  	[sflag:s17] =	ssyncset.done $0x0  }
0x12b: {  	[sflag:s17] =	ssyncadd.s32 $0xFFFFC000  }
0x12c: {  	_ =	swait.ge [sflag:s17], $0x4000  }
0x12d: {  	[sflag:s17] =	ssyncset.done $0x0  }
0x12e: {  	[sflag:s17] =	ssyncadd.s32 $0xFFFFC000  }
0x12f: {  	_ =	swait.ge [sflag:s17], $0x4000  }
0x130: {  	[sflag:s17] =	ssyncset.done $0x0  }
0x131: {  	[sflag:s17] =	ssyncadd.s32 $0xFFFFC000  }
0x132: {  	_ =	swait.ge [sflag:s17], $0x4000  }
0x133: {  	[sflag:s17] =	ssyncset.done $0x0  }
0x134: {  	[sflag:s17] =	ssyncadd.s32 $0xFFFFC000  }
0x135: {  	_ =	swait.ge [sflag:s17], $0x4000  }
0x136: {  	[sflag:s17] =	ssyncset.done $0x0  }
0x137: {  	[sflag:s17] =	ssyncadd.s32 $0xFFFFC000  }
0x138: {  	_ =	swait.ge [sflag:s17], $0x4000  }
0x139: {  	[sflag:s17] =	ssyncset.done $0x0  }
0x13a: {  	[sflag:s17] =	ssyncadd.s32 $0xFFFFC000  }
0x13b: {  	_ =	swait.ge [sflag:s17], $0x4000  }
0x13c: {  	[sflag:s17] =	ssyncset.done $0x0  }
0x13d: {  	[sflag:s17] =	ssyncadd.s32 $0xFFFFC000  }
0x13e: {  	_ =	swait.ge [sflag:s17], $0x4000  }
0x13f: {  	[sflag:s17] =	ssyncset.done $0x0  }
0x140: {  	[sflag:s17] =	ssyncadd.s32 $0xFFFFC000  }
0x141: {  	_ =	swait.ge [sflag:s17], $0x4000  }
0x142: {  	[sflag:s17] =	ssyncset.done $0x0  }
0x143: {  	[sflag:s17] =	ssyncadd.s32 $0xFFFFC000  }
0x144: {  	_ =	swait.ge [sflag:s17], $0x4000  }
0x145: {  	[sflag:s17] =	ssyncset.done $0x0  }
0x146: {  	[sflag:s17] =	ssyncadd.s32 $0xFFFFC000  }
0x147: {  	_ =	swait.ge [sflag:s17], $0x4000  }
0x148: {  	[sflag:s17] =	ssyncset.done $0x0  }
0x149: {  	[sflag:s17] =	ssyncadd.s32 $0xFFFFC000  }
0x14a: {  	s6 =	simm.s32 $0x14C00;
	[bflag:$0x0] =	sbarrier.arrive $0xFFFF  }
0x14b: {  	[tilespmem:s22], [sflag:$0x1] =	stream.indirect.gather [spmem:s2], $0x80, s6, s23, $0xb8;
	[tilespmem:$0x1D000] =	vst v63  }
0x14c: {  	_ =	swait.ge [sflag:s18], $0x4000  }
0x14d: {  	[sflag:s18] =	ssyncset.done $0x0  }
0x14e: {  	s0 =	simm.s32 $0x0;
	s1 =	rddreg [dreg:$0x18];
	[sflag:s18] =	ssyncadd.s32 $0xFFFFC000  }
0x14f: {  	[hbm4b:s1+s0] =	stream.linear.scatter [tilespmem:s22], [sflag:$0x6], $0x4000, $0x38;
	[tilespmem:$0x1D000] =	vst v63  }
0x150: {  	_ =	swait.ge [sflag:s21], $0x4000  }
0x151: {  	[sflag:s21] =	ssyncset.done $0x0  }
0x152: {  	s5 =	simm.s32 $0x14C80;
	[sflag:s21] =	ssyncadd.s32 $0xFFFFC000  }
0x153: {  	[tilespmem:s22], [sflag:$0x1] =	stream.indirect.gather [spmem:s2], $0x80, s5, s23, $0xb8;
	[tilespmem:$0x1D000] =	vst v63  }
0x154: {  	_ =	swait.ge [sflag:s18], $0x4000  }
0x155: {  	[sflag:s18] =	ssyncset.done $0x0  }
0x156: {  	s1 =	rddreg [dreg:$0x19];
	[sflag:s18] =	ssyncadd.s32 $0xFFFFC000  }
0x157: {  	[hbm4b:s1+s0] =	stream.linear.scatter [tilespmem:s22], [sflag:$0x6], $0x4000, $0x38;
	[tilespmem:$0x1D000] =	vst v63  }
0x158: {  	_ =	swait.ge [sflag:s21], $0x4000  }
0x159: {  	[sflag:s21] =	ssyncset.done $0x0  }
0x15a: {  	s1 =	simm.s32 $0x14D00;
	[sflag:s21] =	ssyncadd.s32 $0xFFFFC000  }
0x15b: {  	[tilespmem:s22], [sflag:$0x1] =	stream.indirect.gather [spmem:s2], $0x80, s1, s23, $0xb8;
	[tilespmem:$0x1D000] =	vst v63  }
0x15c: {  	_ =	swait.ge [sflag:s18], $0x4000  }
0x15d: {  	[sflag:s18] =	ssyncset.done $0x0  }
0x15e: {  	s20 =	rddreg [dreg:$0x1a];
	[sflag:s18] =	ssyncadd.s32 $0xFFFFC000  }
0x15f: {  	[hbm4b:s20+s0] =	stream.linear.scatter [tilespmem:s22], [sflag:$0x6], $0x4000, $0x38;
	[tilespmem:$0x1D000] =	vst v63  }
0x160: {  	_ =	swait.ge [sflag:s21], $0x4000  }
0x161: {  	[sflag:s21] =	ssyncset.done $0x0  }
0x162: {  	s31 =	simm.s32 $0x14D80;
	[sflag:s21] =	ssyncadd.s32 $0xFFFFC000  }
0x163: {  	[tilespmem:s22], [sflag:$0x1] =	stream.indirect.gather [spmem:s2], $0x80, s31, s23, $0xb8;
	[tilespmem:$0x1D000] =	vst v63  }
0x164: {  	_ =	swait.ge [sflag:s18], $0x4000  }
0x165: {  	[sflag:s18] =	ssyncset.done $0x0  }
0x166: {  	s20 =	rddreg [dreg:$0x1b];
	[sflag:s18] =	ssyncadd.s32 $0xFFFFC000  }
0x167: {  	[hbm4b:s20+s0] =	stream.linear.scatter [tilespmem:s22], [sflag:$0x6], $0x4000, $0x38;
	[tilespmem:$0x1D000] =	vst v63  }
0x168: {  	_ =	swait.ge [sflag:s21], $0x4000  }
0x169: {  	[sflag:s21] =	ssyncset.done $0x0  }
0x16a: {  	s30 =	simm.s32 $0x14E00;
	[sflag:s21] =	ssyncadd.s32 $0xFFFFC000  }
0x16b: {  	[tilespmem:s22], [sflag:$0x1] =	stream.indirect.gather [spmem:s2], $0x80, s30, s23, $0xb8;
	[tilespmem:$0x1D000] =	vst v63  }
0x16c: {  	_ =	swait.ge [sflag:s18], $0x4000  }
0x16d: {  	[sflag:s18] =	ssyncset.done $0x0  }
0x16e: {  	s20 =	rddreg [dreg:$0x1c];
	[sflag:s18] =	ssyncadd.s32 $0xFFFFC000  }
0x16f: {  	[hbm4b:s20+s0] =	stream.linear.scatter [tilespmem:s22], [sflag:$0x6], $0x3C00, $0x38;
	[tilespmem:$0x1D000] =	vst v63  }
0x170: {  	_ =	swait.ge [sflag:s21], $0x3C00  }
0x171: {  	[sflag:s21] =	ssyncset.done $0x0  }
0x172: {  	s20 =	rddreg [dreg:$0x15];
	[sflag:s21] =	ssyncadd.s32 $0xFFFFC400  }
0x173: {  	[tilespmem:s22], [sflag:$0x6] =	stream.linear.gather [hbm4b:s20+s0], $0x4000, $0x38;
	[tilespmem:$0x1D000] =	vst v63  }
0x174: {  	_ =	swait.ge [sflag:s21], $0x4000  }
0x175: {  	[sflag:s21] =	ssyncset.done $0x0  }
0x176: {  	[sflag:s21] =	ssyncadd.s32 $0xFFFFC000  }
0x177: {  	[spmem:s2] =	stream.indirect.scatter [tilespmem:s22], [sflag:$0x6], $0x80, s6, s23, $0xb8;
	[tilespmem:$0x1D000] =	vst v63  }
0x178: {  	_ =	swait.ge [sflag:s21], $0x4000  }
0x179: {  	[sflag:s21] =	ssyncset.done $0x0  }
0x17a: {  	s5 =	simm.s32 $0x14C80;
	[sflag:s21] =	ssyncadd.s32 $0xFFFFC000  }
0x17b: {  	[spmem:s2] =	stream.indirect.scatter [tilespmem:s22], [sflag:$0x6], $0x80, s5, s23, $0xb8;
	[tilespmem:$0x1D000] =	vst v63  }
0x17c: {  	_ =	swait.ge [sflag:s21], $0x4000  }
0x17d: {  	[sflag:s21] =	ssyncset.done $0x0  }
0x17e: {  	s1 =	simm.s32 $0x14D00;
	[sflag:s21] =	ssyncadd.s32 $0xFFFFC000  }
0x17f: {  	[spmem:s2] =	stream.indirect.scatter [tilespmem:s22], [sflag:$0x6], $0x80, s1, s23, $0xb8;
	[tilespmem:$0x1D000] =	vst v63  }
0x180: {  	_ =	swait.ge [sflag:s21], $0x4000  }
0x181: {  	[sflag:s21] =	ssyncset.done $0x0  }
0x182: {  	[sflag:s21] =	ssyncadd.s32 $0xFFFFC000  }
0x183: {  	[spmem:s2] =	stream.indirect.scatter [tilespmem:s22], [sflag:$0x6], $0x80, s31, s23, $0xb8;
	[tilespmem:$0x1D000] =	vst v63  }
0x184: {  	_ =	swait.ge [sflag:s21], $0x4000  }
0x185: {  	[sflag:s21] =	ssyncset.done $0x0  }
0x186: {  	[sflag:s21] =	ssyncadd.s32 $0xFFFFC000  }
0x187: {  	[spmem:s2] =	stream.indirect.scatter [tilespmem:s22], [sflag:$0x6], $0x80, s30, s23, $0xb8;
	[tilespmem:$0x1D000] =	vst v63  }
0x188: {  	_ =	swait.ge [sflag:s21], $0x4000  }
0x189: {  	[sflag:s21] =	ssyncset.done $0x0  }
0x18a: {  	[sflag:s21] =	ssyncadd.s32 $0xFFFFC000  }
0x18b: {  	[bflag:$0x0] =	sbarrier.arrive $0xFFFF  }
0x18c: {  	s20 =	rddreg [dreg:$0x4]  }
0x18d: {  	s1 =	simm.s32 $0x13C00;
	s0 =	sadd.s32 $0x0, s20  }
0x18e: {  	[tilespmem:s1], [sflag:$0x6] =	stream.linear.gather [hbm4b:s0+s8], $0x800, $0x38;
	[tilespmem:$0x1D000] =	vst v63  }
0x18f: {  	_ =	swait.ge [sflag:s21], $0x800  }
0x190: {  	[sflag:s21] =	ssyncset.done $0x0  }
0x191: {  	s5 =	sadd.s32 $0x0, s3;
	[sflag:s21] =	ssyncadd.s32 $0xFFFFF800  }
0x192: {  	[tilespmem:s7], [sflag:$0x6] =	stream.linear.gather [hbm4b:s5+s8], $0x800, $0x38;
	[tilespmem:$0x1D000] =	vst v63  }
0x193: {  	_ =	swait.ge [sflag:s21], $0x800  }
0x194: {  	[sflag:s21] =	ssyncset.done $0x0  }
0x195: {  	s1 =	simm.s32 $0x13C00;
	[sflag:s21] =	ssyncadd.s32 $0xFFFFF800  }
0x196: {  	[tilespmem:s22], [sflag:$0x1] =	stream.indirect.gather [hbm4b:s4+s23], $0x80, s1, s23, $0xb8;
	[tilespmem:$0x1D000] =	vst v63  }
0x197: {  	s6 =	rddreg [dreg:$0x5]  }
0x198: {  	[tilespmem:s24], [sflag:$0x2] =	stream.indirect.gather [hbm4b:s4+s23], $0x80, s6, s23, $0xb8;
	[tilespmem:$0x1D000] =	vst v63  }
0x199: {  	_ =	swait.ge [sflag:s18], $0x4000  }
0x19a: {  	[sflag:s18] =	ssyncset.done $0x0  }
0x19b: {  	[sflag:s18] =	ssyncadd.s32 $0xFFFFC000  }
0x19c: {  	[spmem:s2] =	stream.indirect.scatter.add.f32 [tilespmem:s22], [sflag:$0x3], $0x80, s7, s23, $0xb8;
	[tilespmem:$0x1D000] =	vst v63  }
0x19d: {  	_ =	swait.ge [sflag:s25], $0x4000  }
0x19e: {  	[sflag:s25] =	ssyncset.done $0x0  }
0x19f: {  	s19 =	simm.s32 $0x14480;
	[sflag:s25] =	ssyncadd.s32 $0xFFFFC000  }
0x1a0: {  	[spmem:s2] =	stream.indirect.scatter.add.f32 [tilespmem:s24], [sflag:$0x4], $0x80, s19, s23, $0xb8;
	[tilespmem:$0x1D000] =	vst v63  }
0x1a1: {  	_ =	swait.ge [sflag:s26], $0x4000  }
0x1a2: {  	[sflag:s26] =	ssyncset.done $0x0  }
0x1a3: {  	s8 =	rddreg [dreg:$0x6];
	[sflag:s26] =	ssyncadd.s32 $0xFFFFC000  }
0x1a4: {  	[tilespmem:s22], [sflag:$0x1] =	stream.indirect.gather [hbm4b:s4+s23], $0x80, s8, s23, $0xb8;
	[tilespmem:$0x1D000] =	vst v63  }
0x1a5: {  	_ =	swait.ge [sflag:s28], $0x4000  }
0x1a6: {  	[sflag:s28] =	ssyncset.done $0x0  }
0x1a7: {  	s19 =	rddreg [dreg:$0x7];
	[sflag:s28] =	ssyncadd.s32 $0xFFFFC000  }
0x1a8: {  	[tilespmem:s24], [sflag:$0x2] =	stream.indirect.gather [hbm4b:s4+s23], $0x80, s19, s23, $0xb8;
	[tilespmem:$0x1D000] =	vst v63  }
0x1a9: {  	_ =	swait.ge [sflag:s18], $0x4000  }
0x1aa: {  	[sflag:s18] =	ssyncset.done $0x0  }
0x1ab: {  	s29 =	simm.s32 $0x14500;
	[sflag:s18] =	ssyncadd.s32 $0xFFFFC000  }
0x1ac: {  	[spmem:s2] =	stream.indirect.scatter.add.f32 [tilespmem:s22], [sflag:$0x3], $0x80, s29, s23, $0xb8;
	[tilespmem:$0x1D000] =	vst v63  }
0x1ad: {  	_ =	swait.ge [sflag:s25], $0x4000  }
0x1ae: {  	[sflag:s25] =	ssyncset.done $0x0  }
0x1af: {  	s20 =	simm.s32 $0x14580;
	[sflag:s25] =	ssyncadd.s32 $0xFFFFC000  }
0x1b0: {  	[spmem:s2] =	stream.indirect.scatter.add.f32 [tilespmem:s24], [sflag:$0x4], $0x80, s20, s23, $0xb8;
	[tilespmem:$0x1D000] =	vst v63  }
0x1b1: {  	_ =	swait.ge [sflag:s26], $0x4000  }
0x1b2: {  	[sflag:s26] =	ssyncset.done $0x0  }
0x1b3: {  	s3 =	rddreg [dreg:$0x8];
	[sflag:s26] =	ssyncadd.s32 $0xFFFFC000  }
0x1b4: {  	[tilespmem:s22], [sflag:$0x1] =	stream.indirect.gather [hbm4b:s4+s23], $0x80, s3, s23, $0xb8;
	[tilespmem:$0x1D000] =	vst v63  }
0x1b5: {  	_ =	swait.ge [sflag:s28], $0x4000  }
0x1b6: {  	[sflag:s28] =	ssyncset.done $0x0  }
0x1b7: {  	s5 =	rddreg [dreg:$0x9];
	[sflag:s28] =	ssyncadd.s32 $0xFFFFC000  }
0x1b8: {  	[tilespmem:s24], [sflag:$0x2] =	stream.indirect.gather [hbm4b:s4+s23], $0x80, s5, s23, $0xb8;
	[tilespmem:$0x1D000] =	vst v63  }
0x1b9: {  	_ =	swait.ge [sflag:s18], $0x4000  }
0x1ba: {  	[sflag:s18] =	ssyncset.done $0x0  }
0x1bb: {  	[sflag:s18] =	ssyncadd.s32 $0xFFFFC000  }
0x1bc: {  	[spmem:s2] =	stream.indirect.scatter.add.f32 [tilespmem:s22], [sflag:$0x3], $0x80, s9, s23, $0xb8;
	[tilespmem:$0x1D000] =	vst v63  }
0x1bd: {  	_ =	swait.ge [sflag:s25], $0x4000  }
0x1be: {  	[sflag:s25] =	ssyncset.done $0x0  }
0x1bf: {  	[sflag:s25] =	ssyncadd.s32 $0xFFFFC000  }
0x1c0: {  	[spmem:s2] =	stream.indirect.scatter.add.f32 [tilespmem:s24], [sflag:$0x4], $0x80, s10, s23, $0xb8;
	[tilespmem:$0x1D000] =	vst v63  }
0x1c1: {  	_ =	swait.ge [sflag:s26], $0x4000  }
0x1c2: {  	[sflag:s26] =	ssyncset.done $0x0  }
0x1c3: {  	s6 =	rddreg [dreg:$0xa];
	[sflag:s26] =	ssyncadd.s32 $0xFFFFC000  }
0x1c4: {  	[tilespmem:s22], [sflag:$0x1] =	stream.indirect.gather [hbm4b:s4+s23], $0x80, s6, s23, $0xb8;
	[tilespmem:$0x1D000] =	vst v63  }
0x1c5: {  	_ =	swait.ge [sflag:s28], $0x4000  }
0x1c6: {  	[sflag:s28] =	ssyncset.done $0x0  }
0x1c7: {  	s10 =	rddreg [dreg:$0xb];
	[sflag:s28] =	ssyncadd.s32 $0xFFFFC000  }
0x1c8: {  	[tilespmem:s24], [sflag:$0x2] =	stream.indirect.gather [hbm4b:s4+s23], $0x80, s10, s23, $0xb8;
	[tilespmem:$0x1D000] =	vst v63  }
0x1c9: {  	_ =	swait.ge [sflag:s18], $0x4000  }
0x1ca: {  	[sflag:s18] =	ssyncset.done $0x0  }
0x1cb: {  	[sflag:s18] =	ssyncadd.s32 $0xFFFFC000  }
0x1cc: {  	[spmem:s2] =	stream.indirect.scatter.add.f32 [tilespmem:s22], [sflag:$0x3], $0x80, s11, s23, $0xb8;
	[tilespmem:$0x1D000] =	vst v63  }
0x1cd: {  	_ =	swait.ge [sflag:s25], $0x4000  }
0x1ce: {  	[sflag:s25] =	ssyncset.done $0x0  }
0x1cf: {  	[sflag:s25] =	ssyncadd.s32 $0xFFFFC000  }
0x1d0: {  	[spmem:s2] =	stream.indirect.scatter.add.f32 [tilespmem:s24], [sflag:$0x4], $0x80, s12, s23, $0xb8;
	[tilespmem:$0x1D000] =	vst v63  }
0x1d1: {  	_ =	swait.ge [sflag:s26], $0x4000  }
0x1d2: {  	[sflag:s26] =	ssyncset.done $0x0  }
0x1d3: {  	s19 =	rddreg [dreg:$0xc];
	[sflag:s26] =	ssyncadd.s32 $0xFFFFC000  }
0x1d4: {  	[tilespmem:s22], [sflag:$0x1] =	stream.indirect.gather [hbm4b:s4+s23], $0x80, s19, s23, $0xb8;
	[tilespmem:$0x1D000] =	vst v63  }
0x1d5: {  	_ =	swait.ge [sflag:s28], $0x4000  }
0x1d6: {  	[sflag:s28] =	ssyncset.done $0x0  }
0x1d7: {  	s20 =	rddreg [dreg:$0xd];
	[sflag:s28] =	ssyncadd.s32 $0xFFFFC000  }
0x1d8: {  	[tilespmem:s24], [sflag:$0x2] =	stream.indirect.gather [hbm4b:s4+s23], $0x80, s20, s23, $0xb8;
	[tilespmem:$0x1D000] =	vst v63  }
0x1d9: {  	_ =	swait.ge [sflag:s18], $0x4000  }
0x1da: {  	[sflag:s18] =	ssyncset.done $0x0  }
0x1db: {  	[sflag:s18] =	ssyncadd.s32 $0xFFFFC000  }
0x1dc: {  	[spmem:s2] =	stream.indirect.scatter.add.f32 [tilespmem:s22], [sflag:$0x3], $0x80, s13, s23, $0xb8;
	[tilespmem:$0x1D000] =	vst v63  }
0x1dd: {  	_ =	swait.ge [sflag:s25], $0x4000  }
0x1de: {  	[sflag:s25] =	ssyncset.done $0x0  }
0x1df: {  	[sflag:s25] =	ssyncadd.s32 $0xFFFFC000  }
0x1e0: {  	[spmem:s2] =	stream.indirect.scatter.add.f32 [tilespmem:s24], [sflag:$0x4], $0x80, s14, s23, $0xb8;
	[tilespmem:$0x1D000] =	vst v63  }
0x1e1: {  	_ =	swait.ge [sflag:s26], $0x4000  }
0x1e2: {  	[sflag:s26] =	ssyncset.done $0x0  }
0x1e3: {  	s3 =	rddreg [dreg:$0xe];
	[sflag:s26] =	ssyncadd.s32 $0xFFFFC000  }
0x1e4: {  	[tilespmem:s22], [sflag:$0x1] =	stream.indirect.gather [hbm4b:s4+s23], $0x80, s3, s23, $0xb8;
	[tilespmem:$0x1D000] =	vst v63  }
0x1e5: {  	_ =	swait.ge [sflag:s28], $0x4000  }
0x1e6: {  	[sflag:s28] =	ssyncset.done $0x0  }
0x1e7: {  	s5 =	rddreg [dreg:$0xf];
	[sflag:s28] =	ssyncadd.s32 $0xFFFFC000  }
0x1e8: {  	[tilespmem:s24], [sflag:$0x2] =	stream.indirect.gather [hbm4b:s4+s23], $0x80, s5, s23, $0xb8;
	[tilespmem:$0x1D000] =	vst v63  }
0x1e9: {  	_ =	swait.ge [sflag:s18], $0x4000  }
0x1ea: {  	[sflag:s18] =	ssyncset.done $0x0  }
0x1eb: {  	[sflag:s18] =	ssyncadd.s32 $0xFFFFC000  }
0x1ec: {  	[spmem:s2] =	stream.indirect.scatter.add.f32 [tilespmem:s22], [sflag:$0x3], $0x80, s15, s23, $0xb8;
	[tilespmem:$0x1D000] =	vst v63  }
0x1ed: {  	_ =	swait.ge [sflag:s25], $0x4000  }
0x1ee: {  	[sflag:s25] =	ssyncset.done $0x0  }
0x1ef: {  	[sflag:s25] =	ssyncadd.s32 $0xFFFFC000  }
0x1f0: {  	[spmem:s2] =	stream.indirect.scatter.add.f32 [tilespmem:s24], [sflag:$0x4], $0x80, s16, s23, $0xb8;
	[tilespmem:$0x1D000] =	vst v63  }
0x1f1: {  	_ =	swait.ge [sflag:s26], $0x4000  }
0x1f2: {  	[sflag:s26] =	ssyncset.done $0x0  }
0x1f3: {  	s6 =	rddreg [dreg:$0x10];
	[sflag:s26] =	ssyncadd.s32 $0xFFFFC000  }
0x1f4: {  	[tilespmem:s22], [sflag:$0x1] =	stream.indirect.gather [hbm4b:s4+s23], $0x80, s6, s23, $0xb8;
	[tilespmem:$0x1D000] =	vst v63  }
0x1f5: {  	_ =	swait.ge [sflag:s28], $0x4000  }
0x1f6: {  	[sflag:s28] =	ssyncset.done $0x0  }
0x1f7: {  	s16 =	rddreg [dreg:$0x11];
	[sflag:s28] =	ssyncadd.s32 $0xFFFFC000  }
0x1f8: {  	[tilespmem:s24], [sflag:$0x2] =	stream.indirect.gather [hbm4b:s4+s23], $0x80, s16, s23, $0xb8;
	[tilespmem:$0x1D000] =	vst v63  }
0x1f9: {  	_ =	swait.ge [sflag:s18], $0x4000  }
0x1fa: {  	[sflag:s18] =	ssyncset.done $0x0  }
0x1fb: {  	s19 =	simm.s32 $0x14A00;
	[sflag:s18] =	ssyncadd.s32 $0xFFFFC000  }
0x1fc: {  	[spmem:s2] =	stream.indirect.scatter.add.f32 [tilespmem:s22], [sflag:$0x3], $0x80, s19, s23, $0xb8;
	[tilespmem:$0x1D000] =	vst v63  }
0x1fd: {  	_ =	swait.ge [sflag:s25], $0x4000  }
0x1fe: {  	[sflag:s25] =	ssyncset.done $0x0  }
0x1ff: {  	s20 =	simm.s32 $0x14A80;
	[sflag:s25] =	ssyncadd.s32 $0xFFFFC000  }
0x200: {  	[spmem:s2] =	stream.indirect.scatter.add.f32 [tilespmem:s24], [sflag:$0x4], $0x80, s20, s23, $0xb8;
	[tilespmem:$0x1D000] =	vst v63  }
0x201: {  	_ =	swait.ge [sflag:s26], $0x4000  }
0x202: {  	[sflag:s26] =	ssyncset.done $0x0  }
0x203: {  	s3 =	rddreg [dreg:$0x12];
	[sflag:s26] =	ssyncadd.s32 $0xFFFFC000  }
0x204: {  	[tilespmem:s22], [sflag:$0x1] =	stream.indirect.gather [hbm4b:s4+s23], $0x80, s3, s23, $0xb8;
	[tilespmem:$0x1D000] =	vst v63  }
0x205: {  	_ =	swait.ge [sflag:s28], $0x4000  }
0x206: {  	[sflag:s28] =	ssyncset.done $0x0  }
0x207: {  	s6 =	rddreg [dreg:$0x13];
	[sflag:s28] =	ssyncadd.s32 $0xFFFFC000  }
0x208: {  	[tilespmem:s24], [sflag:$0x2] =	stream.indirect.gather [hbm4b:s4+s23], $0x80, s6, s23, $0xb8;
	[tilespmem:$0x1D000] =	vst v63  }
0x209: {  	_ =	swait.ge [sflag:s18], $0x4000  }
0x20a: {  	[sflag:s18] =	ssyncset.done $0x0  }
0x20b: {  	s30 =	simm.s32 $0x200;
	s19 =	simm.s32 $0x14B00;
	[sflag:s18] =	ssyncadd.s32 $0xFFFFC000  }
0x20c: {  	[spmem:s2] =	stream.indirect.scatter.add.f32 [tilespmem:s22], [sflag:$0x3], $0x80, s19, s23, $0xb8;
	[tilespmem:$0x1D000] =	vst v63  }
0x20d: {  	s7 =	simm.s32 $0x14580;
	s8 =	simm.s32 $0x14600;
	_ =	swait.ge [sflag:s25], $0x4000  }
0x20e: {  	s29 =	simm.s32 $0x14B80;
	s9 =	simm.s32 $0x14680;
	[sflag:s25] =	ssyncset.done $0x0  }
0x20f: {  	s10 =	simm.s32 $0x14700;
	s20 =	simm.s32 $0x14B80;
	[sflag:s25] =	ssyncadd.s32 $0xFFFFC000  }
0x210: {  	[spmem:s2] =	stream.indirect.scatter.add.f32 [tilespmem:s24], [sflag:$0x4], $0x80, s20, s23, $0xb8;
	[tilespmem:$0x1D000] =	vst v63  }
0x211: {  	s11 =	simm.s32 $0x14780;
	s12 =	simm.s32 $0x14800;
	_ =	swait.ge [sflag:s26], $0x4000  }
0x212: {  	s13 =	simm.s32 $0x14880;
	s14 =	simm.s32 $0x14900;
	[sflag:s26] =	ssyncset.done $0x0  }
0x213: {  	s5 =	simm.s32 $0x14A80;
	s15 =	simm.s32 $0x14980;
	[sflag:s26] =	ssyncadd.s32 $0xFFFFC000  }
0x214: {  	s16 =	simm.s32 $0x14A00;
	s3 =	simm.s32 $0x14B00;
	_ =	swait.ge [sflag:s28], $0x4000  }
0x215: {  	s20 =	simm.s32 $0x100;
	s31 =	rddreg [dreg:$0x4];
	[sflag:s28] =	ssyncset.done $0x0  }
.LBB2_4:
0x216: {  	[sflag:s28] =	ssyncadd.s32 $0xFFFFC000;
	s31 =	sadd.s32 s20, s31;
	s19 =	simm.s32 $0x0  }
0x217: {  	[tilespmem:s1], [sflag:$0x6] =	stream.linear.gather [hbm4b:s31+s19], $0x800, $0x38;
	[tilespmem:$0x1D000] =	vst v63  }
0x218: {  	_ =	swait.ge [sflag:s21], $0x800  }
0x219: {  	[sflag:s21] =	ssyncset.done $0x0;
	s31 =	rddreg [dreg:$0x14]  }
0x21a: {  	s1 =	simm.s32 $0x14400;
	[sflag:s21] =	ssyncadd.s32 $0xFFFFF800;
	s31 =	sadd.s32 s20, s31  }
0x21b: {  	[tilespmem:s1], [sflag:$0x6] =	stream.linear.gather [hbm4b:s31+s19], $0x800, $0x38;
	[tilespmem:$0x1D000] =	vst v63  }
0x21c: {  	_ =	swait.ge [sflag:s21], $0x800  }
0x21d: {  	[sflag:s21] =	ssyncset.done $0x0  }
0x21e: {  	s6 =	simm.s32 $0x13C00;
	[sflag:s21] =	ssyncadd.s32 $0xFFFFF800  }
0x21f: {  	[tilespmem:s22], [sflag:$0x1] =	stream.indirect.gather [hbm4b:s4+s23], $0x80, s6, s23, $0xb8;
	[tilespmem:$0x1D000] =	vst v63  }
0x220: {  	s19 =	rddreg [dreg:$0x5]  }
0x221: {  	[tilespmem:s24], [sflag:$0x2] =	stream.indirect.gather [hbm4b:s4+s23], $0x80, s19, s23, $0xb8;
	[tilespmem:$0x1D000] =	vst v63  }
0x222: {  	_ =	swait.ge [sflag:s18], $0x4000  }
0x223: {  	[sflag:s18] =	ssyncset.done $0x0  }
0x224: {  	[sflag:s18] =	ssyncadd.s32 $0xFFFFC000  }
0x225: {  	[spmem:s2] =	stream.indirect.scatter.add.f32 [tilespmem:s22], [sflag:$0x3], $0x80, s1, s23, $0xb8;
	[tilespmem:$0x1D000] =	vst v63  }
0x226: {  	_ =	swait.ge [sflag:s25], $0x4000  }
0x227: {  	[sflag:s25] =	ssyncset.done $0x0  }
0x228: {  	s6 =	simm.s32 $0x14480;
	[sflag:s25] =	ssyncadd.s32 $0xFFFFC000  }
0x229: {  	[spmem:s2] =	stream.indirect.scatter.add.f32 [tilespmem:s24], [sflag:$0x4], $0x80, s6, s23, $0xb8;
	[tilespmem:$0x1D000] =	vst v63  }
0x22a: {  	_ =	swait.ge [sflag:s26], $0x4000  }
0x22b: {  	[sflag:s26] =	ssyncset.done $0x0  }
0x22c: {  	s19 =	rddreg [dreg:$0x6];
	[sflag:s26] =	ssyncadd.s32 $0xFFFFC000  }
0x22d: {  	[tilespmem:s22], [sflag:$0x1] =	stream.indirect.gather [hbm4b:s4+s23], $0x80, s19, s23, $0xb8;
	[tilespmem:$0x1D000] =	vst v63  }
0x22e: {  	_ =	swait.ge [sflag:s28], $0x4000  }
0x22f: {  	[sflag:s28] =	ssyncset.done $0x0  }
0x230: {  	s6 =	rddreg [dreg:$0x7];
	[sflag:s28] =	ssyncadd.s32 $0xFFFFC000  }
0x231: {  	[tilespmem:s24], [sflag:$0x2] =	stream.indirect.gather [hbm4b:s4+s23], $0x80, s6, s23, $0xb8;
	[tilespmem:$0x1D000] =	vst v63  }
0x232: {  	_ =	swait.ge [sflag:s18], $0x4000  }
0x233: {  	[sflag:s18] =	ssyncset.done $0x0  }
0x234: {  	s19 =	simm.s32 $0x14500;
	[sflag:s18] =	ssyncadd.s32 $0xFFFFC000  }
0x235: {  	[spmem:s2] =	stream.indirect.scatter.add.f32 [tilespmem:s22], [sflag:$0x3], $0x80, s19, s23, $0xb8;
	[tilespmem:$0x1D000] =	vst v63  }
0x236: {  	_ =	swait.ge [sflag:s25], $0x4000  }
0x237: {  	[sflag:s25] =	ssyncset.done $0x0  }
0x238: {  	[sflag:s25] =	ssyncadd.s32 $0xFFFFC000  }
0x239: {  	[spmem:s2] =	stream.indirect.scatter.add.f32 [tilespmem:s24], [sflag:$0x4], $0x80, s7, s23, $0xb8;
	[tilespmem:$0x1D000] =	vst v63  }
0x23a: {  	_ =	swait.ge [sflag:s26], $0x4000  }
0x23b: {  	[sflag:s26] =	ssyncset.done $0x0  }
0x23c: {  	s6 =	rddreg [dreg:$0x8];
	[sflag:s26] =	ssyncadd.s32 $0xFFFFC000  }
0x23d: {  	[tilespmem:s22], [sflag:$0x1] =	stream.indirect.gather [hbm4b:s4+s23], $0x80, s6, s23, $0xb8;
	[tilespmem:$0x1D000] =	vst v63  }
0x23e: {  	_ =	swait.ge [sflag:s28], $0x4000  }
0x23f: {  	[sflag:s28] =	ssyncset.done $0x0  }
0x240: {  	s19 =	rddreg [dreg:$0x9];
	[sflag:s28] =	ssyncadd.s32 $0xFFFFC000  }
0x241: {  	[tilespmem:s24], [sflag:$0x2] =	stream.indirect.gather [hbm4b:s4+s23], $0x80, s19, s23, $0xb8;
	[tilespmem:$0x1D000] =	vst v63  }
0x242: {  	_ =	swait.ge [sflag:s18], $0x4000  }
0x243: {  	[sflag:s18] =	ssyncset.done $0x0  }
0x244: {  	[sflag:s18] =	ssyncadd.s32 $0xFFFFC000  }
0x245: {  	[spmem:s2] =	stream.indirect.scatter.add.f32 [tilespmem:s22], [sflag:$0x3], $0x80, s8, s23, $0xb8;
	[tilespmem:$0x1D000] =	vst v63  }
0x246: {  	_ =	swait.ge [sflag:s25], $0x4000  }
0x247: {  	[sflag:s25] =	ssyncset.done $0x0  }
0x248: {  	[sflag:s25] =	ssyncadd.s32 $0xFFFFC000  }
0x249: {  	[spmem:s2] =	stream.indirect.scatter.add.f32 [tilespmem:s24], [sflag:$0x4], $0x80, s9, s23, $0xb8;
	[tilespmem:$0x1D000] =	vst v63  }
0x24a: {  	_ =	swait.ge [sflag:s26], $0x4000  }
0x24b: {  	[sflag:s26] =	ssyncset.done $0x0  }
0x24c: {  	s6 =	rddreg [dreg:$0xa];
	[sflag:s26] =	ssyncadd.s32 $0xFFFFC000  }
0x24d: {  	[tilespmem:s22], [sflag:$0x1] =	stream.indirect.gather [hbm4b:s4+s23], $0x80, s6, s23, $0xb8;
	[tilespmem:$0x1D000] =	vst v63  }
0x24e: {  	_ =	swait.ge [sflag:s28], $0x4000  }
0x24f: {  	[sflag:s28] =	ssyncset.done $0x0  }
0x250: {  	s19 =	rddreg [dreg:$0xb];
	[sflag:s28] =	ssyncadd.s32 $0xFFFFC000  }
0x251: {  	[tilespmem:s24], [sflag:$0x2] =	stream.indirect.gather [hbm4b:s4+s23], $0x80, s19, s23, $0xb8;
	[tilespmem:$0x1D000] =	vst v63  }
0x252: {  	_ =	swait.ge [sflag:s18], $0x4000  }
0x253: {  	[sflag:s18] =	ssyncset.done $0x0  }
0x254: {  	[sflag:s18] =	ssyncadd.s32 $0xFFFFC000  }
0x255: {  	[spmem:s2] =	stream.indirect.scatter.add.f32 [tilespmem:s22], [sflag:$0x3], $0x80, s10, s23, $0xb8;
	[tilespmem:$0x1D000] =	vst v63  }
0x256: {  	_ =	swait.ge [sflag:s25], $0x4000  }
0x257: {  	[sflag:s25] =	ssyncset.done $0x0  }
0x258: {  	[sflag:s25] =	ssyncadd.s32 $0xFFFFC000  }
0x259: {  	[spmem:s2] =	stream.indirect.scatter.add.f32 [tilespmem:s24], [sflag:$0x4], $0x80, s11, s23, $0xb8;
	[tilespmem:$0x1D000] =	vst v63  }
0x25a: {  	_ =	swait.ge [sflag:s26], $0x4000  }
0x25b: {  	[sflag:s26] =	ssyncset.done $0x0  }
0x25c: {  	s6 =	rddreg [dreg:$0xc];
	[sflag:s26] =	ssyncadd.s32 $0xFFFFC000  }
0x25d: {  	[tilespmem:s22], [sflag:$0x1] =	stream.indirect.gather [hbm4b:s4+s23], $0x80, s6, s23, $0xb8;
	[tilespmem:$0x1D000] =	vst v63  }
0x25e: {  	_ =	swait.ge [sflag:s28], $0x4000  }
0x25f: {  	[sflag:s28] =	ssyncset.done $0x0  }
0x260: {  	s19 =	rddreg [dreg:$0xd];
	[sflag:s28] =	ssyncadd.s32 $0xFFFFC000  }
0x261: {  	[tilespmem:s24], [sflag:$0x2] =	stream.indirect.gather [hbm4b:s4+s23], $0x80, s19, s23, $0xb8;
	[tilespmem:$0x1D000] =	vst v63  }
0x262: {  	_ =	swait.ge [sflag:s18], $0x4000  }
0x263: {  	[sflag:s18] =	ssyncset.done $0x0  }
0x264: {  	[sflag:s18] =	ssyncadd.s32 $0xFFFFC000  }
0x265: {  	[spmem:s2] =	stream.indirect.scatter.add.f32 [tilespmem:s22], [sflag:$0x3], $0x80, s12, s23, $0xb8;
	[tilespmem:$0x1D000] =	vst v63  }
0x266: {  	_ =	swait.ge [sflag:s25], $0x4000  }
0x267: {  	[sflag:s25] =	ssyncset.done $0x0  }
0x268: {  	[sflag:s25] =	ssyncadd.s32 $0xFFFFC000  }
0x269: {  	[spmem:s2] =	stream.indirect.scatter.add.f32 [tilespmem:s24], [sflag:$0x4], $0x80, s13, s23, $0xb8;
	[tilespmem:$0x1D000] =	vst v63  }
0x26a: {  	_ =	swait.ge [sflag:s26], $0x4000  }
0x26b: {  	[sflag:s26] =	ssyncset.done $0x0  }
0x26c: {  	s6 =	rddreg [dreg:$0xe];
	[sflag:s26] =	ssyncadd.s32 $0xFFFFC000  }
0x26d: {  	[tilespmem:s22], [sflag:$0x1] =	stream.indirect.gather [hbm4b:s4+s23], $0x80, s6, s23, $0xb8;
	[tilespmem:$0x1D000] =	vst v63  }
0x26e: {  	_ =	swait.ge [sflag:s28], $0x4000  }
0x26f: {  	[sflag:s28] =	ssyncset.done $0x0  }
0x270: {  	s19 =	rddreg [dreg:$0xf];
	[sflag:s28] =	ssyncadd.s32 $0xFFFFC000  }
0x271: {  	[tilespmem:s24], [sflag:$0x2] =	stream.indirect.gather [hbm4b:s4+s23], $0x80, s19, s23, $0xb8;
	[tilespmem:$0x1D000] =	vst v63  }
0x272: {  	_ =	swait.ge [sflag:s18], $0x4000  }
0x273: {  	[sflag:s18] =	ssyncset.done $0x0  }
0x274: {  	[sflag:s18] =	ssyncadd.s32 $0xFFFFC000  }
0x275: {  	[spmem:s2] =	stream.indirect.scatter.add.f32 [tilespmem:s22], [sflag:$0x3], $0x80, s14, s23, $0xb8;
	[tilespmem:$0x1D000] =	vst v63  }
0x276: {  	_ =	swait.ge [sflag:s25], $0x4000  }
0x277: {  	[sflag:s25] =	ssyncset.done $0x0  }
0x278: {  	[sflag:s25] =	ssyncadd.s32 $0xFFFFC000  }
0x279: {  	[spmem:s2] =	stream.indirect.scatter.add.f32 [tilespmem:s24], [sflag:$0x4], $0x80, s15, s23, $0xb8;
	[tilespmem:$0x1D000] =	vst v63  }
0x27a: {  	_ =	swait.ge [sflag:s26], $0x4000  }
0x27b: {  	[sflag:s26] =	ssyncset.done $0x0  }
0x27c: {  	s6 =	rddreg [dreg:$0x10];
	[sflag:s26] =	ssyncadd.s32 $0xFFFFC000  }
0x27d: {  	[tilespmem:s22], [sflag:$0x1] =	stream.indirect.gather [hbm4b:s4+s23], $0x80, s6, s23, $0xb8;
	[tilespmem:$0x1D000] =	vst v63  }
0x27e: {  	_ =	swait.ge [sflag:s28], $0x4000  }
0x27f: {  	[sflag:s28] =	ssyncset.done $0x0  }
0x280: {  	s19 =	rddreg [dreg:$0x11];
	[sflag:s28] =	ssyncadd.s32 $0xFFFFC000  }
0x281: {  	[tilespmem:s24], [sflag:$0x2] =	stream.indirect.gather [hbm4b:s4+s23], $0x80, s19, s23, $0xb8;
	[tilespmem:$0x1D000] =	vst v63  }
0x282: {  	_ =	swait.ge [sflag:s18], $0x4000  }
0x283: {  	[sflag:s18] =	ssyncset.done $0x0  }
0x284: {  	[sflag:s18] =	ssyncadd.s32 $0xFFFFC000  }
0x285: {  	[spmem:s2] =	stream.indirect.scatter.add.f32 [tilespmem:s22], [sflag:$0x3], $0x80, s16, s23, $0xb8;
	[tilespmem:$0x1D000] =	vst v63  }
0x286: {  	_ =	swait.ge [sflag:s25], $0x4000  }
0x287: {  	[sflag:s25] =	ssyncset.done $0x0  }
0x288: {  	[sflag:s25] =	ssyncadd.s32 $0xFFFFC000  }
0x289: {  	[spmem:s2] =	stream.indirect.scatter.add.f32 [tilespmem:s24], [sflag:$0x4], $0x80, s5, s23, $0xb8;
	[tilespmem:$0x1D000] =	vst v63  }
0x28a: {  	_ =	swait.ge [sflag:s26], $0x4000  }
0x28b: {  	[sflag:s26] =	ssyncset.done $0x0  }
0x28c: {  	s6 =	rddreg [dreg:$0x12];
	[sflag:s26] =	ssyncadd.s32 $0xFFFFC000  }
0x28d: {  	[tilespmem:s22], [sflag:$0x1] =	stream.indirect.gather [hbm4b:s4+s23], $0x80, s6, s23, $0xb8;
	[tilespmem:$0x1D000] =	vst v63  }
0x28e: {  	_ =	swait.ge [sflag:s28], $0x4000  }
0x28f: {  	[sflag:s28] =	ssyncset.done $0x0  }
0x290: {  	s19 =	rddreg [dreg:$0x13];
	[sflag:s28] =	ssyncadd.s32 $0xFFFFC000  }
0x291: {  	[tilespmem:s24], [sflag:$0x2] =	stream.indirect.gather [hbm4b:s4+s23], $0x80, s19, s23, $0xb8;
	[tilespmem:$0x1D000] =	vst v63  }
0x292: {  	_ =	swait.ge [sflag:s18], $0x4000  }
0x293: {  	[sflag:s18] =	ssyncset.done $0x0  }
0x294: {  	[sflag:s18] =	ssyncadd.s32 $0xFFFFC000  }
0x295: {  	[spmem:s2] =	stream.indirect.scatter.add.f32 [tilespmem:s22], [sflag:$0x3], $0x80, s3, s23, $0xb8;
	[tilespmem:$0x1D000] =	vst v63  }
0x296: {  	_ =	swait.ge [sflag:s25], $0x4000  }
0x297: {  	[sflag:s25] =	ssyncset.done $0x0  }
0x298: {  	p0 =	sne.s32 s30, $0x900;
	[sflag:s25] =	ssyncadd.s32 $0xFFFFC000  }
0x299: {  	[spmem:s2] =	stream.indirect.scatter.add.f32 [tilespmem:s24], [sflag:$0x4], $0x80, s29, s23, $0xb8;
	[tilespmem:$0x1D000] =	vst v63  }
.Ltmp1:
0x29a: {  	_ =	swait.ge [sflag:s26], $0x4000;
	(pc) =	sbr.rel @p0 .LBB2_4-.Ltmp1, $4  }
0x29b: {  	[sflag:s26] =	ssyncset.done $0x0  }
0x29c: {  	s0 =	smov.u32 s30;
	[sflag:s26] =	ssyncadd.s32 $0xFFFFC000  }
0x29d: {  	s30 =	sadd.s32 $0x100, s30;
	s20 =	smov.u32 s0;
	_ =	swait.ge [sflag:s28], $0x4000  }
0x29e: {  	s1 =	simm.s32 $0x13C00;
	s31 =	rddreg [dreg:$0x4];
	[sflag:s28] =	ssyncset.done $0x0  }
0x29f: {  	[sflag:s28] =	ssyncadd.s32 $0xFFFFC000;
	s0 =	sadd.s32 s20, s31;
	s19 =	simm.s32 $0x0  }
0x2a0: {  	[tilespmem:s1], [sflag:$0x6] =	stream.linear.gather [hbm4b:s0+s19], $0x800, $0x38;
	[tilespmem:$0x1D000] =	vst v63  }
0x2a1: {  	_ =	swait.ge [sflag:s21], $0x800  }
0x2a2: {  	[sflag:s21] =	ssyncset.done $0x0;
	s6 =	rddreg [dreg:$0x14]  }
0x2a3: {  	s1 =	simm.s32 $0x14400;
	[sflag:s21] =	ssyncadd.s32 $0xFFFFF800;
	s0 =	sadd.s32 s20, s6  }
0x2a4: {  	[tilespmem:s1], [sflag:$0x6] =	stream.linear.gather [hbm4b:s0+s19], $0x800, $0x38;
	[tilespmem:$0x1D000] =	vst v63  }
0x2a5: {  	_ =	swait.ge [sflag:s21], $0x800  }
0x2a6: {  	[sflag:s21] =	ssyncset.done $0x0  }
0x2a7: {  	s6 =	simm.s32 $0x13C00;
	[sflag:s21] =	ssyncadd.s32 $0xFFFFF800  }
0x2a8: {  	[tilespmem:s22], [sflag:$0x1] =	stream.indirect.gather [hbm4b:s4+s23], $0x80, s6, s23, $0xb8;
	[tilespmem:$0x1D000] =	vst v63  }
0x2a9: {  	s20 =	rddreg [dreg:$0x5]  }
0x2aa: {  	[tilespmem:s24], [sflag:$0x2] =	stream.indirect.gather [hbm4b:s4+s23], $0x80, s20, s23, $0xb8;
	[tilespmem:$0x1D000] =	vst v63  }
0x2ab: {  	_ =	swait.ge [sflag:s18], $0x4000  }
0x2ac: {  	[sflag:s18] =	ssyncset.done $0x0  }
0x2ad: {  	[sflag:s18] =	ssyncadd.s32 $0xFFFFC000  }
0x2ae: {  	[spmem:s2] =	stream.indirect.scatter.add.f32 [tilespmem:s22], [sflag:$0x3], $0x80, s1, s23, $0xb8;
	[tilespmem:$0x1D000] =	vst v63  }
0x2af: {  	_ =	swait.ge [sflag:s25], $0x4000  }
0x2b0: {  	[sflag:s25] =	ssyncset.done $0x0  }
0x2b1: {  	s6 =	simm.s32 $0x14480;
	[sflag:s25] =	ssyncadd.s32 $0xFFFFC000  }
0x2b2: {  	[spmem:s2] =	stream.indirect.scatter.add.f32 [tilespmem:s24], [sflag:$0x4], $0x80, s6, s23, $0xb8;
	[tilespmem:$0x1D000] =	vst v63  }
0x2b3: {  	_ =	swait.ge [sflag:s26], $0x4000  }
0x2b4: {  	[sflag:s26] =	ssyncset.done $0x0  }
0x2b5: {  	s20 =	rddreg [dreg:$0x6];
	[sflag:s26] =	ssyncadd.s32 $0xFFFFC000  }
0x2b6: {  	[tilespmem:s22], [sflag:$0x1] =	stream.indirect.gather [hbm4b:s4+s23], $0x80, s20, s23, $0xb8;
	[tilespmem:$0x1D000] =	vst v63  }
0x2b7: {  	_ =	swait.ge [sflag:s28], $0x4000  }
0x2b8: {  	[sflag:s28] =	ssyncset.done $0x0  }
0x2b9: {  	s1 =	rddreg [dreg:$0x7];
	[sflag:s28] =	ssyncadd.s32 $0xFFFFC000  }
0x2ba: {  	[tilespmem:s24], [sflag:$0x2] =	stream.indirect.gather [hbm4b:s4+s23], $0x80, s1, s23, $0xb8;
	[tilespmem:$0x1D000] =	vst v63  }
0x2bb: {  	_ =	swait.ge [sflag:s18], $0x4000  }
0x2bc: {  	[sflag:s18] =	ssyncset.done $0x0  }
0x2bd: {  	s6 =	simm.s32 $0x14500;
	[sflag:s18] =	ssyncadd.s32 $0xFFFFC000  }
0x2be: {  	[spmem:s2] =	stream.indirect.scatter.add.f32 [tilespmem:s22], [sflag:$0x3], $0x80, s6, s23, $0xb8;
	[tilespmem:$0x1D000] =	vst v63  }
0x2bf: {  	_ =	swait.ge [sflag:s25], $0x4000  }
0x2c0: {  	[sflag:s25] =	ssyncset.done $0x0  }
0x2c1: {  	[sflag:s25] =	ssyncadd.s32 $0xFFFFC000  }
0x2c2: {  	[spmem:s2] =	stream.indirect.scatter.add.f32 [tilespmem:s24], [sflag:$0x4], $0x80, s7, s23, $0xb8;
	[tilespmem:$0x1D000] =	vst v63  }
0x2c3: {  	_ =	swait.ge [sflag:s26], $0x4000  }
0x2c4: {  	[sflag:s26] =	ssyncset.done $0x0  }
0x2c5: {  	s20 =	rddreg [dreg:$0x8];
	[sflag:s26] =	ssyncadd.s32 $0xFFFFC000  }
0x2c6: {  	[tilespmem:s22], [sflag:$0x1] =	stream.indirect.gather [hbm4b:s4+s23], $0x80, s20, s23, $0xb8;
	[tilespmem:$0x1D000] =	vst v63  }
0x2c7: {  	_ =	swait.ge [sflag:s28], $0x4000  }
0x2c8: {  	[sflag:s28] =	ssyncset.done $0x0  }
0x2c9: {  	s1 =	rddreg [dreg:$0x9];
	[sflag:s28] =	ssyncadd.s32 $0xFFFFC000  }
0x2ca: {  	[tilespmem:s24], [sflag:$0x2] =	stream.indirect.gather [hbm4b:s4+s23], $0x80, s1, s23, $0xb8;
	[tilespmem:$0x1D000] =	vst v63  }
0x2cb: {  	_ =	swait.ge [sflag:s18], $0x4000  }
0x2cc: {  	[sflag:s18] =	ssyncset.done $0x0  }
0x2cd: {  	[sflag:s18] =	ssyncadd.s32 $0xFFFFC000  }
0x2ce: {  	[spmem:s2] =	stream.indirect.scatter.add.f32 [tilespmem:s22], [sflag:$0x3], $0x80, s8, s23, $0xb8;
	[tilespmem:$0x1D000] =	vst v63  }
0x2cf: {  	_ =	swait.ge [sflag:s25], $0x4000  }
0x2d0: {  	[sflag:s25] =	ssyncset.done $0x0  }
0x2d1: {  	[sflag:s25] =	ssyncadd.s32 $0xFFFFC000  }
0x2d2: {  	[spmem:s2] =	stream.indirect.scatter.add.f32 [tilespmem:s24], [sflag:$0x4], $0x80, s9, s23, $0xb8;
	[tilespmem:$0x1D000] =	vst v63  }
0x2d3: {  	_ =	swait.ge [sflag:s26], $0x4000  }
0x2d4: {  	[sflag:s26] =	ssyncset.done $0x0  }
0x2d5: {  	s6 =	rddreg [dreg:$0xa];
	[sflag:s26] =	ssyncadd.s32 $0xFFFFC000  }
0x2d6: {  	[tilespmem:s22], [sflag:$0x1] =	stream.indirect.gather [hbm4b:s4+s23], $0x80, s6, s23, $0xb8;
	[tilespmem:$0x1D000] =	vst v63  }
0x2d7: {  	_ =	swait.ge [sflag:s28], $0x4000  }
0x2d8: {  	[sflag:s28] =	ssyncset.done $0x0  }
0x2d9: {  	s20 =	rddreg [dreg:$0xb];
	[sflag:s28] =	ssyncadd.s32 $0xFFFFC000  }
0x2da: {  	[tilespmem:s24], [sflag:$0x2] =	stream.indirect.gather [hbm4b:s4+s23], $0x80, s20, s23, $0xb8;
	[tilespmem:$0x1D000] =	vst v63  }
0x2db: {  	_ =	swait.ge [sflag:s18], $0x4000  }
0x2dc: {  	[sflag:s18] =	ssyncset.done $0x0  }
0x2dd: {  	[sflag:s18] =	ssyncadd.s32 $0xFFFFC000  }
0x2de: {  	[spmem:s2] =	stream.indirect.scatter.add.f32 [tilespmem:s22], [sflag:$0x3], $0x80, s10, s23, $0xb8;
	[tilespmem:$0x1D000] =	vst v63  }
0x2df: {  	_ =	swait.ge [sflag:s25], $0x4000  }
0x2e0: {  	[sflag:s25] =	ssyncset.done $0x0  }
0x2e1: {  	[sflag:s25] =	ssyncadd.s32 $0xFFFFC000  }
0x2e2: {  	[spmem:s2] =	stream.indirect.scatter.add.f32 [tilespmem:s24], [sflag:$0x4], $0x80, s11, s23, $0xb8;
	[tilespmem:$0x1D000] =	vst v63  }
0x2e3: {  	_ =	swait.ge [sflag:s26], $0x4000  }
0x2e4: {  	[sflag:s26] =	ssyncset.done $0x0  }
0x2e5: {  	s1 =	rddreg [dreg:$0xc];
	[sflag:s26] =	ssyncadd.s32 $0xFFFFC000  }
0x2e6: {  	[tilespmem:s22], [sflag:$0x1] =	stream.indirect.gather [hbm4b:s4+s23], $0x80, s1, s23, $0xb8;
	[tilespmem:$0x1D000] =	vst v63  }
0x2e7: {  	_ =	swait.ge [sflag:s28], $0x4000  }
0x2e8: {  	[sflag:s28] =	ssyncset.done $0x0  }
0x2e9: {  	s6 =	rddreg [dreg:$0xd];
	[sflag:s28] =	ssyncadd.s32 $0xFFFFC000  }
0x2ea: {  	[tilespmem:s24], [sflag:$0x2] =	stream.indirect.gather [hbm4b:s4+s23], $0x80, s6, s23, $0xb8;
	[tilespmem:$0x1D000] =	vst v63  }
0x2eb: {  	_ =	swait.ge [sflag:s18], $0x4000  }
0x2ec: {  	[sflag:s18] =	ssyncset.done $0x0  }
0x2ed: {  	[sflag:s18] =	ssyncadd.s32 $0xFFFFC000  }
0x2ee: {  	[spmem:s2] =	stream.indirect.scatter.add.f32 [tilespmem:s22], [sflag:$0x3], $0x80, s12, s23, $0xb8;
	[tilespmem:$0x1D000] =	vst v63  }
0x2ef: {  	_ =	swait.ge [sflag:s25], $0x4000  }
0x2f0: {  	[sflag:s25] =	ssyncset.done $0x0  }
0x2f1: {  	[sflag:s25] =	ssyncadd.s32 $0xFFFFC000  }
0x2f2: {  	[spmem:s2] =	stream.indirect.scatter.add.f32 [tilespmem:s24], [sflag:$0x4], $0x80, s13, s23, $0xb8;
	[tilespmem:$0x1D000] =	vst v63  }
0x2f3: {  	_ =	swait.ge [sflag:s26], $0x4000  }
0x2f4: {  	[sflag:s26] =	ssyncset.done $0x0  }
0x2f5: {  	s20 =	rddreg [dreg:$0xe];
	[sflag:s26] =	ssyncadd.s32 $0xFFFFC000  }
0x2f6: {  	[tilespmem:s22], [sflag:$0x1] =	stream.indirect.gather [hbm4b:s4+s23], $0x80, s20, s23, $0xb8;
	[tilespmem:$0x1D000] =	vst v63  }
0x2f7: {  	_ =	swait.ge [sflag:s28], $0x4000  }
0x2f8: {  	[sflag:s28] =	ssyncset.done $0x0  }
0x2f9: {  	s1 =	rddreg [dreg:$0xf];
	[sflag:s28] =	ssyncadd.s32 $0xFFFFC000  }
0x2fa: {  	[tilespmem:s24], [sflag:$0x2] =	stream.indirect.gather [hbm4b:s4+s23], $0x80, s1, s23, $0xb8;
	[tilespmem:$0x1D000] =	vst v63  }
0x2fb: {  	_ =	swait.ge [sflag:s18], $0x4000  }
0x2fc: {  	[sflag:s18] =	ssyncset.done $0x0  }
0x2fd: {  	[sflag:s18] =	ssyncadd.s32 $0xFFFFC000  }
0x2fe: {  	[spmem:s2] =	stream.indirect.scatter.add.f32 [tilespmem:s22], [sflag:$0x3], $0x80, s14, s23, $0xb8;
	[tilespmem:$0x1D000] =	vst v63  }
0x2ff: {  	_ =	swait.ge [sflag:s25], $0x4000  }
0x300: {  	[sflag:s25] =	ssyncset.done $0x0  }
0x301: {  	[sflag:s25] =	ssyncadd.s32 $0xFFFFC000  }
0x302: {  	[spmem:s2] =	stream.indirect.scatter.add.f32 [tilespmem:s24], [sflag:$0x4], $0x80, s15, s23, $0xb8;
	[tilespmem:$0x1D000] =	vst v63  }
0x303: {  	_ =	swait.ge [sflag:s26], $0x4000  }
0x304: {  	[sflag:s26] =	ssyncset.done $0x0  }
0x305: {  	s6 =	rddreg [dreg:$0x10];
	[sflag:s26] =	ssyncadd.s32 $0xFFFFC000  }
0x306: {  	[tilespmem:s22], [sflag:$0x1] =	stream.indirect.gather [hbm4b:s4+s23], $0x80, s6, s23, $0xb8;
	[tilespmem:$0x1D000] =	vst v63  }
0x307: {  	_ =	swait.ge [sflag:s28], $0x4000  }
0x308: {  	[sflag:s28] =	ssyncset.done $0x0  }
0x309: {  	s20 =	rddreg [dreg:$0x11];
	[sflag:s28] =	ssyncadd.s32 $0xFFFFC000  }
0x30a: {  	[tilespmem:s24], [sflag:$0x2] =	stream.indirect.gather [hbm4b:s4+s23], $0x80, s20, s23, $0xb8;
	[tilespmem:$0x1D000] =	vst v63  }
0x30b: {  	_ =	swait.ge [sflag:s18], $0x4000  }
0x30c: {  	[sflag:s18] =	ssyncset.done $0x0  }
0x30d: {  	[sflag:s18] =	ssyncadd.s32 $0xFFFFC000  }
0x30e: {  	[spmem:s2] =	stream.indirect.scatter.add.f32 [tilespmem:s22], [sflag:$0x3], $0x80, s16, s23, $0xb8;
	[tilespmem:$0x1D000] =	vst v63  }
0x30f: {  	_ =	swait.ge [sflag:s25], $0x4000  }
0x310: {  	[sflag:s25] =	ssyncset.done $0x0  }
0x311: {  	[sflag:s25] =	ssyncadd.s32 $0xFFFFC000  }
0x312: {  	[spmem:s2] =	stream.indirect.scatter.add.f32 [tilespmem:s24], [sflag:$0x4], $0x80, s5, s23, $0xb8;
	[tilespmem:$0x1D000] =	vst v63  }
0x313: {  	_ =	swait.ge [sflag:s26], $0x4000  }
0x314: {  	[sflag:s26] =	ssyncset.done $0x0  }
0x315: {  	s1 =	rddreg [dreg:$0x12];
	[sflag:s26] =	ssyncadd.s32 $0xFFFFC000  }
0x316: {  	[tilespmem:s22], [sflag:$0x1] =	stream.indirect.gather [hbm4b:s4+s23], $0x80, s1, s23, $0xb8;
	[tilespmem:$0x1D000] =	vst v63  }
0x317: {  	_ =	swait.ge [sflag:s28], $0x4000  }
0x318: {  	[sflag:s28] =	ssyncset.done $0x0  }
0x319: {  	s6 =	rddreg [dreg:$0x13];
	[sflag:s28] =	ssyncadd.s32 $0xFFFFC000  }
0x31a: {  	[tilespmem:s24], [sflag:$0x2] =	stream.indirect.gather [hbm4b:s4+s23], $0x80, s6, s23, $0xb8;
	[tilespmem:$0x1D000] =	vst v63  }
0x31b: {  	_ =	swait.ge [sflag:s18], $0x4000  }
0x31c: {  	[sflag:s18] =	ssyncset.done $0x0  }
0x31d: {  	[sflag:s18] =	ssyncadd.s32 $0xFFFFC000  }
0x31e: {  	[spmem:s2] =	stream.indirect.scatter.add.f32 [tilespmem:s22], [sflag:$0x3], $0x80, s3, s23, $0xb8;
	[tilespmem:$0x1D000] =	vst v63  }
0x31f: {  	_ =	swait.ge [sflag:s25], $0x4000  }
0x320: {  	[sflag:s25] =	ssyncset.done $0x0  }
0x321: {  	[sflag:s25] =	ssyncadd.s32 $0xFFFFC000  }
0x322: {  	[spmem:s2] =	stream.indirect.scatter.add.f32 [tilespmem:s24], [sflag:$0x4], $0x80, s29, s23, $0xb8;
	[tilespmem:$0x1D000] =	vst v63  }
0x323: {  	_ =	swait.ge [sflag:s26], $0x4000  }
0x324: {  	[sflag:s26] =	ssyncset.done $0x0  }
0x325: {  	[sflag:s26] =	ssyncadd.s32 $0xFFFFC000  }
0x326: {  	_ =	swait.ge [sflag:s28], $0x4000  }
0x327: {  	[sflag:s28] =	ssyncset.done $0x0  }
0x328: {  	[sflag:s28] =	ssyncadd.s32 $0xFFFFC000  }
0x329: {  	s6 =	simm.s32 $0x14C00;
	[bflag:$0x0] =	sbarrier.arrive $0xFFFF  }
0x32a: {  	[tilespmem:s22], [sflag:$0x1] =	stream.indirect.gather [spmem:s2], $0x80, s6, s23, $0xb8;
	[tilespmem:$0x1D000] =	vst v63  }
0x32b: {  	_ =	swait.ge [sflag:s18], $0x4000  }
0x32c: {  	[sflag:s18] =	ssyncset.done $0x0  }
0x32d: {  	s20 =	rddreg [dreg:$0x1d];
	[sflag:s18] =	ssyncadd.s32 $0xFFFFC000  }
0x32e: {  	[hbm4b:s20+s19] =	stream.linear.scatter [tilespmem:s22], [sflag:$0x6], $0x4000, $0x38;
	[tilespmem:$0x1D000] =	vst v63  }
0x32f: {  	_ =	swait.ge [sflag:s21], $0x4000  }
0x330: {  	[sflag:s21] =	ssyncset.done $0x0  }
0x331: {  	s1 =	simm.s32 $0x14C80;
	[sflag:s21] =	ssyncadd.s32 $0xFFFFC000  }
0x332: {  	[tilespmem:s22], [sflag:$0x1] =	stream.indirect.gather [spmem:s2], $0x80, s1, s23, $0xb8;
	[tilespmem:$0x1D000] =	vst v63  }
0x333: {  	_ =	swait.ge [sflag:s18], $0x4000  }
0x334: {  	[sflag:s18] =	ssyncset.done $0x0  }
0x335: {  	s20 =	rddreg [dreg:$0x1e];
	[sflag:s18] =	ssyncadd.s32 $0xFFFFC000  }
0x336: {  	[hbm4b:s20+s19] =	stream.linear.scatter [tilespmem:s22], [sflag:$0x6], $0x4000, $0x38;
	[tilespmem:$0x1D000] =	vst v63  }
0x337: {  	_ =	swait.ge [sflag:s21], $0x4000  }
0x338: {  	[sflag:s21] =	ssyncset.done $0x0  }
0x339: {  	s31 =	simm.s32 $0x14D00;
	[sflag:s21] =	ssyncadd.s32 $0xFFFFC000  }
0x33a: {  	[tilespmem:s22], [sflag:$0x1] =	stream.indirect.gather [spmem:s2], $0x80, s31, s23, $0xb8;
	[tilespmem:$0x1D000] =	vst v63  }
0x33b: {  	_ =	swait.ge [sflag:s18], $0x4000  }
0x33c: {  	[sflag:s18] =	ssyncset.done $0x0  }
0x33d: {  	s1 =	rddreg [dreg:$0x1f];
	[sflag:s18] =	ssyncadd.s32 $0xFFFFC000  }
0x33e: {  	[hbm4b:s1+s19] =	stream.linear.scatter [tilespmem:s22], [sflag:$0x6], $0x4000, $0x38;
	[tilespmem:$0x1D000] =	vst v63  }
0x33f: {  	_ =	swait.ge [sflag:s21], $0x4000  }
0x340: {  	[sflag:s21] =	ssyncset.done $0x0  }
0x341: {  	s30 =	simm.s32 $0x14D80;
	[sflag:s21] =	ssyncadd.s32 $0xFFFFC000  }
0x342: {  	[tilespmem:s22], [sflag:$0x1] =	stream.indirect.gather [spmem:s2], $0x80, s30, s23, $0xb8;
	[tilespmem:$0x1D000] =	vst v63  }
0x343: {  	_ =	swait.ge [sflag:s18], $0x4000  }
0x344: {  	s20 =	sld [smem:$0x7FB]  }
0x345: {  	[sflag:s18] =	ssyncset.done $0x0  }
0x346: {  	[sflag:s18] =	ssyncadd.s32 $0xFFFFC000  }
0x347: {  	[hbm4b:s20+s19] =	stream.linear.scatter [tilespmem:s22], [sflag:$0x6], $0x4000, $0x38;
	[tilespmem:$0x1D000] =	vst v63  }
0x348: {  	_ =	swait.ge [sflag:s21], $0x4000  }
0x349: {  	[sflag:s21] =	ssyncset.done $0x0  }
0x34a: {  	s20 =	simm.s32 $0x14E00;
	[sflag:s21] =	ssyncadd.s32 $0xFFFFC000  }
0x34b: {  	[tilespmem:s22], [sflag:$0x1] =	stream.indirect.gather [spmem:s2], $0x80, s20, s23, $0xb8;
	[tilespmem:$0x1D000] =	vst v63  }
0x34c: {  	_ =	swait.ge [sflag:s18], $0x4000  }
0x34d: {  	s1 =	sld [smem:$0x7FC]  }
0x34e: {  	[sflag:s18] =	ssyncset.done $0x0  }
0x34f: {  	[sflag:s18] =	ssyncadd.s32 $0xFFFFC000  }
0x350: {  	[hbm4b:s1+s19] =	stream.linear.scatter [tilespmem:s22], [sflag:$0x6], $0x3C00, $0x38;
	[tilespmem:$0x1D000] =	vst v63  }
0x351: {  	_ =	swait.ge [sflag:s21], $0x3C00  }
0x352: {  	s0 =	sld [smem:$0x7FA];
	_ =	sdelay $0x2  }
0x353: {  	s1 =	sadd.s32 $0x1, s0;
	s0 =	sld [smem:$0x7FD];
	_ =	sdelay $0x2  }
0x354: {  	p0 =	sne.s32 s1, s0  }
.Ltmp2:
0x355: {  	_ = 	snop;
	(pc) =	sbr.rel @p0 .LBB2_1-.Ltmp2, $3  }
0x356: {  	_ =	sdelay $0x1  }
0x357: {  	[sflag:s21] =	ssyncset.done $0x0  }
0x358: {  	s19 =	simm.s32 $0x14C80;
	[sflag:s21] =	ssyncadd.s32 $0xFFFFC400  }
0x359: {  	_ =	sfence.sel $0x180000  }
0x35a: {  	[bflag:$0x0] =	sbarrier.arrive $0xFFFF  }
0x35b: {  	_ =	strace $0x90000047  }
0x35c: {  	s0 =	stileid.u32;
	[bflag:$0x2] =	sbarrier.arrive $0xFFFF  }
0x35d: {  	p0 =	sne.s32 s0, $0x0;
	s0 =	rddreg [dreg:$0x3]  }
0x35e: {  	s0 =	sadd.s32 @!p0 $0x100000, s0  }
0x35f: {  	[sflag:s0] =	ssyncadd.tile.s32 @!p0 $0x1;
	_ =	shalt  }
.Lfunc_end2:
_tile_overlayer_lowered:
.L_overlay_start_2:
0x360: {  	(tag) =	ssettag $0x2  }
0x361: {  	s0 =	rddreg [dreg:$0x0];
	s2 =	stileid.u32  }
0x362: {  	s1 =	rddreg [dreg:$0x1];
	p0 =	sne.s32 s2, $0x0  }
0x363: {  	s3 =	rddreg [dreg:$0x2];
	[bflag:$0x3] =	sbarrier.arrive $0xFFFF;
	s2 =	simm.s32 @!p0 $0x1C06  }
0x364: {  	[timem:s3], [sflag:s2] =	dma.local @!p0 [hbm:s0], s1  }
0x365: {  	s0 =	simm.s32 @!p0 $0x6  }
0x366: {  	_ =	swait.ge @!p0 [sflag:s0], s1  }
0x367: {  	s1 =	ssub.s32 @!p0 $0x0, s1;
	[sflag:s0] =	ssyncset.done @!p0 $0x0  }
0x368: {  	[sflag:s0] =	ssyncadd.s32 @!p0 s1  }
0x369: {  	[bflag:$0x3] =	sbarrier.arrive $0xFFFF  }
0x36a: {  	_ =	shalt  }

// kernel: kernel.9.cloned.1.call-start
scs
__scs_entry_jumppad:
0x0: {  	(pc) =	sbr.rel $0x88, $3  }
0x1: {  	(tag) =	ssettag $0x0;
	lr =	simm.s32 $0x1  }
0x2: {  	[smem:$0x3F96] =	sst lr;
	_ =	strace $0xD0000000  }
0x3: {  	_ = 	snop  }
0x4: {  	_ = 	snop  }
0x5: {  	_ = 	snop  }
0x6: {  	_ = 	snop  }
0x7: {  	_ = 	snop  }
__scs_overlays_trampoline_lowered:
0x8: {  	[smem:$0x3FA5] =	sst s0  }
0x9: {  	[smem:$0x3FA6] =	sst s1  }
0xa: {  	[smem:$0x3FA7] =	sst s2  }
0xb: {  	[smem:$0x3FA8] =	sst s3  }
0xc: {  	[smem:$0x3FA9] =	sst s4  }
0xd: {  	[smem:$0x3FAA] =	sst s5  }
0xe: {  	[smem:$0x3FAB] =	sst s6  }
0xf: {  	[smem:$0x3FAC] =	sst s7  }
0x10: {  	[smem:$0x3FAD] =	sst s8  }
0x11: {  	[smem:$0x3FAE] =	sst s9;
	s0 =	simm.s32 @!p0 $0x0  }
0x12: {  	s1 =	sld [smem:$0x3F94];
	s0 =	simm.s32 @p0 $0x1  }
0x13: {  	[smem:$0x3FAF] =	sst s0;
	s0 =	simm.s32 @!p1 $0x0  }
0x14: {  	s2 =	sld [smem:$0x3F93];
	s0 =	simm.s32 @p1 $0x1  }
0x15: {  	[smem:$0x3FB0] =	sst s0;
	s0 =	simm.s32 @!p2 $0x0  }
0x16: {  	s3 =	sld [smem:$0x3FDB];
	s0 =	simm.s32 @p2 $0x1  }
0x17: {  	s4 =	simm.s32 $0x1BF5;
	[smem:$0x3FB2] =	sst s0  }
0x18: {  	s0 =	sld [smem:$0x3F95];
	_ =	swait.ge [sflag:s4], $0x0  }
0x19: {  	s7 =	sld [smem:$0x3F96]  }
0x1a: {  	s8 =	sadd.s32 $0xFFFFE003, lr  }
0x1b: {  	s9 =	sadd.s32 $0xFFFFFEF7, lr;
	s5 =	simm.s32 $0xFFFFFFFF;
	p2 =	slt.u32 s8, $0xFFFFF086  }
0x1c: {  	p1 =	slt.u32 s9, $0xF7A;
	s5 =	simm.s32 @!p2 $0x0  }
0x1d: {  	s5 =	simm.s32 @p1 $0x1;
	p0 =	seq.s32 s7, s2  }
0x1e: {  	s7 =	smul.u32 @!p0 $0xF7A, s2;
	p2 =	seq.s32 @!p0 s5, $0x0  }
0x1f: {  	s9 =	smul.u32 $0xF7A, s1;
	s8 =	simm.s32 @!p0 $0x1BF5;
	p2 =	por !p2, p0  }
0x20: {  	[sflag:s8] =	ssyncset.s32 @!p0 $0xFFFFF086;
	s6 =	sadd.s32 @!p0 s3, s7;
	s7 =	simm.s32 @!p0 $0x108  }
0x21: {  	s3 =	sadd.s32 s3, s9;
	s6 =	sadd.s32 @!p0 $0x88, s6;
	s7 =	simm.s32 @p2 $0x1082  }
0x22: {  	[simem:s7], [sflag:s8] =	dma.local @!p0 [hbm:s6], $0xF7A  }
0x23: {  	s9 =	sor.u32 $0xD0000000, s2;
	s6 =	simm.s32 $0x108;
	_ =	swait.ge @!p0 [sflag:s8], $0x0  }
0x24: {  	s3 =	sadd.s32 $0x88, s3;
	s6 =	simm.s32 @!p1 $0x1082;
	[sflag:s4] =	ssyncset.s32 $0xFFFFF086  }
0x25: {  	[simem:s6], [sflag:s4] =	dma.local [hbm:s3], $0xF7A  }
0x26: {  	[smem:$0x3F96] =	sst s1;
	(tag) =	ssettag s2;
	_ =	strace s9  }
0x27: {  	s1 =	sld [smem:$0x3FA6]  }
0x28: {  	s2 =	sld [smem:$0x3FA7]  }
0x29: {  	s4 =	sld [smem:$0x3FA9]  }
0x2a: {  	p0 =	seq.s32 s5, $0x0;
	s5 =	sld [smem:$0x3FAA]  }
0x2b: {  	s6 =	sld [smem:$0x3FAB]  }
0x2c: {  	s7 =	sld [smem:$0x3FAC]  }
0x2d: {  	s3 =	simm.s32 $0x108;
	s8 =	sld [smem:$0x3FAD]  }
0x2e: {  	s3 =	simm.s32 @!p0 $0x1082;
	s9 =	sld [smem:$0x3FAE]  }
0x2f: {  	lr =	sadd.s32 s0, s3;
	s0 =	sld [smem:$0x3FA5]  }
0x30: {  	s3 =	sld [smem:$0x3FA8]  }
0x31: {  	[smem:$0x3FB1] =	sst s10  }
0x32: {  	s10 =	sld [smem:$0x3FAF];
	_ =	sdelay $0x3  }
0x33: {  	p0 =	seq.s32 s10, $0x1;
	s10 =	sld [smem:$0x3FB1];
	_ =	sdelay $0x3  }
0x34: {  	[smem:$0x3FB1] =	sst s10  }
0x35: {  	s10 =	sld [smem:$0x3FB0];
	_ =	sdelay $0x3  }
0x36: {  	p1 =	seq.s32 s10, $0x1;
	s10 =	sld [smem:$0x3FB1];
	_ =	sdelay $0x3  }
0x37: {  	[smem:$0x3FB1] =	sst s10  }
0x38: {  	s10 =	sld [smem:$0x3FB2]  }
0x39: {  	_ = 	snop;
	(pc) =	sbr.ind lr, $3  }
0x3a: {  	_ = 	snop  }
0x3b: {  	_ = 	snop  }
0x3c: {  	p2 =	seq.s32 s10, $0x1;
	s10 =	sld [smem:$0x3FB1]  }
0x3d: {  	_ =	shalt  }
0x3e: {  	_ =	shalt  }
0x3f: {  	_ =	shalt  }
0x40: {  	_ =	shalt  }
0x41: {  	_ =	shalt  }
0x42: {  	_ =	shalt  }
0x43: {  	_ =	shalt  }
0x44: {  	_ =	shalt  }
0x45: {  	_ =	shalt  }
0x46: {  	_ =	shalt  }
0x47: {  	_ =	shalt  }
0x48: {  	_ =	shalt  }
0x49: {  	_ =	shalt  }
0x4a: {  	_ =	shalt  }
0x4b: {  	_ =	shalt  }
0x4c: {  	_ =	shalt  }
0x4d: {  	_ =	shalt  }
0x4e: {  	_ =	shalt  }
0x4f: {  	_ =	shalt  }
0x50: {  	_ =	shalt  }
0x51: {  	_ =	shalt  }
0x52: {  	_ =	shalt  }
0x53: {  	_ =	shalt  }
0x54: {  	_ =	shalt  }
0x55: {  	_ =	shalt  }
0x56: {  	_ =	shalt  }
0x57: {  	_ =	shalt  }
0x58: {  	_ =	shalt  }
0x59: {  	_ =	shalt  }
0x5a: {  	_ =	shalt  }
0x5b: {  	_ =	shalt  }
0x5c: {  	_ =	shalt  }
0x5d: {  	_ =	shalt  }
0x5e: {  	_ =	shalt  }
0x5f: {  	_ =	shalt  }
0x60: {  	_ =	shalt  }
0x61: {  	_ =	shalt  }
0x62: {  	_ =	shalt  }
0x63: {  	_ =	shalt  }
0x64: {  	_ =	shalt  }
0x65: {  	_ =	shalt  }
0x66: {  	_ =	shalt  }
0x67: {  	_ =	shalt  }
0x68: {  	_ =	shalt  }
0x69: {  	_ =	shalt  }
0x6a: {  	_ =	shalt  }
0x6b: {  	_ =	shalt  }
0x6c: {  	_ =	shalt  }
0x6d: {  	_ =	shalt  }
0x6e: {  	_ =	shalt  }
0x6f: {  	_ =	shalt  }
0x70: {  	_ =	shalt  }
0x71: {  	_ =	shalt  }
0x72: {  	_ =	shalt  }
0x73: {  	_ =	shalt  }
0x74: {  	_ =	shalt  }
0x75: {  	_ =	shalt  }
0x76: {  	_ =	shalt  }
0x77: {  	_ =	shalt  }
0x78: {  	_ =	shalt  }
0x79: {  	_ =	shalt  }
0x7a: {  	_ =	shalt  }
0x7b: {  	_ =	shalt  }
0x7c: {  	_ =	shalt  }
0x7d: {  	_ =	shalt  }
0x7e: {  	_ =	shalt  }
0x7f: {  	_ =	shalt  }
0x80: {  	_ =	shalt  }
0x81: {  	_ =	shalt  }
0x82: {  	_ =	shalt  }
0x83: {  	_ =	shalt  }
0x84: {  	_ =	shalt  }
0x85: {  	_ =	shalt  }
0x86: {  	_ =	shalt  }
0x87: {  	_ =	shalt  }
.Lfunc_end0:
.L_simem_size_0:
called_computation.1_lowered:
.L_overlay_start_0:
0x88: {  	s2 =	sld [smem:$0x3FD9]  }
0x89: {  	s3 =	sld [smem:$0x3FFE];
	_ =	sdelay $0x1  }
0x8a: {  	s1 =	srdreg.scid  }
0x8b: {  	s0 =	sand.u32 $0x1, s1  }
0x8c: {  	s17 =	sshll.u32 s0, $0xA;
	s2 =	sadd.s32 s3, s2  }
0x8d: {  	s2 =	sadd.s32 s2, s17  }
0x8e: {  	[smem:$0x3FBD] =	sst s2  }
0x8f: {  	_ = 	snop  }
0x90: {  	s2 =	sld [smem:$0x3FD0];
	(tm) =	ssettm $0x1  }
0x91: {  	s18 =	sld [smem:$0x3FFB];
	_ =	sdelay $0x3  }
0x92: {  	_ =	strace s18  }
0x93: {  	s3 =	sld [smem:$0x3FFC];
	_ =	sdelay $0x3  }
0x94: {  	_ =	strace s3  }
0x95: {  	s3 =	sld [smem:$0x3FFD];
	_ =	sdelay $0x3  }
0x96: {  	_ =	strace s3  }
0x97: {  	_ =	strace $0x8FFFFFFF  }
0x98: {  	s19 =	sld [smem:$0x3FDB];
	_ =	sdelay $0x1  }
0x99: {  	s4 =	simm.s32 $_scs_section_size  }
0x9a: {  	s5 =	simm.s32 $_size__tile_overlayer_lowered;
	s6 =	simm.s32 $_tile_overlayer_lowered  }
0x9b: {  	s22 =	simm.s32 $0x1BFF;
	s21 =	sshll.u32 s6, $0x1;
	s3 =	sadd.s32 s4, s19  }
0x9c: {  	s7 =	simm.s32 $0x0;
	s20 =	sshll.u32 s5, $0x1;
	s5 =	sadd.s32 s21, s3  }
0x9d: {  	[timem:s7], [sflag:s22] =	dma.local [hbm:s5], s20  }
0x9e: {  	_ =	swait.ge [sflag:s22], s20  }
0x9f: {  	s4 =	ssub.s32 $0x0, s20;
	[sflag:s22] =	ssyncset.done $0x0  }
0xa0: {  	[sflag:s22] =	ssyncadd.s32 s4;
	_ =	sdelay $0x1  }
0xa1: {  	s23 =	simm.s32 $0x1B8B  }
0xa2: {  	_ =	swait.ge [sflag:s23], $0x1  }
0xa3: {  	[sflag:s23] =	ssyncset.done $0x0  }
0xa4: {  	s25 =	simm.s32 $0x1B8E;
	s24 =	sld [smem:$0x3FFE];
	[sflag:s23] =	ssyncadd.s32 $0xFFFFFFFF  }
0xa5: {  	s26 =	simm.s32 $execute0_lowered;
	[smem:$0x3FD2] =	sst s25  }
0xa6: {  	s5 =	sshll.u32 s26, $0x1;
	_ =	strace $0x80000049;
	[dreg:$0x1] =	wrdreg $0xFFFFFFFF  }
0xa7: {  	s28 =	simm.s32 $_size_execute0_lowered;
	s3 =	sadd.s32 s3, s5;
	[dreg:$0x0] =	wrdreg $0x0  }
0xa8: {  	s5 =	sshll.u32 s28, $0x1;
	[dreg:$0x2] =	wrdreg s3  }
0xa9: {  	[dreg:$0x3] =	wrdreg s5  }
0xaa: {  	[dreg:$0x4] =	wrdreg $0xC0  }
0xab: {  	_ =	task [dreg:s7], $0x5FFFF  }
0xac: {  	[dreg:$0x1] =	wrdreg $0xFFFFFFFF  }
0xad: {  	[dreg:$0x0] =	wrdreg $0x60  }
0xae: {  	[dreg:$0x2] =	wrdreg s24  }
0xaf: {  	[dreg:$0x3] =	wrdreg s2  }
0xb0: {  	[dreg:$0x4] =	wrdreg $0x0  }
0xb1: {  	[dreg:$0x5] =	wrdreg $0x9  }
0xb2: {  	_ =	task.clear_ibuf [dreg:s7], $0x6FFFF;
	_ =	strace $0x90000049  }
0xb3: {  	s29 =	simm.s32 $0x9;
	_ =	strace $0x8000004B  }
0xb4: {  	_ =	swait.ge [sflag:s29], $0x1  }
0xb5: {  	[sflag:s29] =	ssyncadd.s32 $0xFFFFFFFF  }
0xb6: {  	_ =	strace $0x9000004B  }
0xb7: {  	_ =	sfence  }
0xb8: {  	s30 =	sld [smem:$0x0];
	_ =	sdelay $0x2  }
0xb9: {  	s31 =	sshll.u32 s1, $0xD;
	s1 =	sshrl.u32 s1, $0x2  }
0xba: {  	s3 =	sand.u32 $0x4000, s31;
	s1 =	sadd.s32 s1, s30  }
0xbb: {  	s0 =	sor.u32 s3, s0;
	s1 =	sshll.u32 s1, $0x11  }
0xbc: {  	s0 =	sor.u32 s1, s0  }
0xbd: {  	s0 =	sadd.s32 $0x8F2B, s0  }
0xbe: {  	[sflag:s0] =	ssyncadd.remote.s32 $0x1  }
0xbf: {  	_ =	sfence.sel $0xFFFF  }
0xc0: {  	[dreg:$0x0] =	wrdreg $0xFFFFFFFF;
	(pc) =	sbr.abs _section_cstart, $3  }
0xc1: {  	[dreg:$0x1] =	wrdreg $0xFFFFFFFF  }
0xc2: {  	_ =	task.clear_ibuf [dreg:s7], $0x2FFFF;
	_ =	strace $0x9FFFFFFF  }
0xc3: {  	(tm) =	ssettm $0x7FFFFFFF  }
tec
execute0_lowered:
.L_overlay_start_1:
0x0: {  	(tag) =	ssettag $0x1  }
0x1: {  	s0 =	rddreg [dreg:$0x0];
	s1 =	srdreg.scid  }
0x2: {  	s5 =	rddreg [dreg:$0x1];
	s10 =	stileid.u32  }
0x3: {  	s2 =	rddreg [dreg:$0x2];
	s3 =	simm.s32 $0x0;
	s11 =	simm.s32 $0x13D00  }
0x4: {  	s13 =	simm.s32 $0x13D80;
	s14 =	simm.s32 $0x14500;
	s15 =	simm.s32 $0x14580  }
0x5: {  	s20 =	simm.s32 $0x14C00;
	s16 =	simm.s32 $0x13E00;
	s17 =	simm.s32 $0x13E80  }
0x6: {  	s18 =	simm.s32 $0x14600;
	[smem:$0x7FF] =	sst s3;
	s22 =	sadd.s32 $0x3F000, s0  }
0x7: {  	s19 =	simm.s32 $0x14680;
	_ =	strace $0x8000004A;
	[dreg:$0x16] =	wrdreg s22  }
0x8: {  	s28 =	simm.s32 $0x4;
	s29 =	simm.s32 $0x14800;
	[dreg:$0x8] =	wrdreg s11  }
0x9: {  	s30 =	simm.s32 $0x14880;
	s6 =	smul.u32 $0x5000, s10;
	[dreg:$0x9] =	wrdreg s13  }
0xa: {  	s1 =	sand.u32 $0x1, s1;
	s21 =	smul.u32 $0x278, s10;
	[dreg:$0xa] =	wrdreg s14  }
0xb: {  	s31 =	simm.s32 $0x14100;
	s4 =	smul.u32 $0x50000, s1;
	[dreg:$0xb] =	wrdreg s15  }
0xc: {  	s10 =	sshll.u32 s10, $0x7;
	s8 =	smul.u32 $0x2780, s1;
	[dreg:$0xc] =	wrdreg s16  }
0xd: {  	s10 =	sadd.s32 s10, s0;
	s1 =	ssub.s32 $0x2, s1;
	[dreg:$0xd] =	wrdreg s17  }
0xe: {  	s14 =	simm.s32 $0x5;
	s15 =	simm.s32 $0x15000;
	[dreg:$0xe] =	wrdreg s18  }
0xf: {  	s16 =	simm.s32 $0x80;
	[dreg:$0xf] =	wrdreg s19;
	s22 =	simm.s32 $0x13F80  }
0x10: {  	s19 =	simm.s32 $0x14D80;
	s18 =	simm.s32 $0x14E00;
	s11 =	simm.s32 $0x14380  }
0x11: {  	s17 =	simm.s32 $0x14B80;
	s13 =	simm.s32 $0x0;
	s23 =	sshrl.u32 s1, $0x1  }
0x12: {  	s25 =	sadd.s32 $0x3E000, s10;
	[dreg:$0x11] =	wrdreg s22;
	s22 =	simm.s32 $0x14400  }
0x13: {  	[dreg:$0x1e] =	wrdreg s13;
	s4 =	sadd.s32 s6, s4;
	s6 =	sadd.s32 s21, s8  }
0x14: {  	s1 =	ssub.s32 s1, s23;
	[dreg:$0x17] =	wrdreg s25;
	s21 =	simm.s32 $0x13F00  }
0x15: {  	s23 =	simm.s32 $0x14700;
	s25 =	simm.s32 $0x14000;
	[dreg:$0x10] =	wrdreg s21  }
0x16: {  	s7 =	sshrl.u32 s4, $0x3;
	s4 =	sadd.s32 $0x16000, s0;
	[dreg:$0x12] =	wrdreg s23  }
0x17: {  	s6 =	sshll.u32 s6, $0x4;
	s1 =	smax.u32 s1, $0x1;
	[dreg:$0x14] =	wrdreg s25  }
0x18: {  	s21 =	simm.s32 $0x13C00;
	s5 =	sadd.s32 s7, s5;
	[dreg:$0x1d] =	wrdreg s1  }
0x19: {  	s9 =	sadd.s32 s7, s0;
	s7 =	simm.s32 $0x13C80;
	[dreg:$0x5] =	wrdreg s5  }
0x1a: {  	s0 =	sadd.s32 s6, s0;
	s24 =	sadd.s32 $0x2000, s9;
	[dreg:$0x6] =	wrdreg s7  }
0x1b: {  	s23 =	simm.s32 $0x19000;
	s26 =	sadd.s32 $0x3F800, s0;
	[dreg:$0x4] =	wrdreg s24  }
0x1c: {  	s25 =	simm.s32 $0x2;
	s8 =	sadd.s32 $0x40000, s0;
	[dreg:$0x18] =	wrdreg s26  }
0x1d: {  	s1 =	simm.s32 $0x14180;
	s10 =	sadd.s32 $0x40800, s0;
	[dreg:$0x19] =	wrdreg s8  }
0x1e: {  	s6 =	simm.s32 $0x14200;
	s9 =	simm.s32 $0x14480;
	[dreg:$0x1a] =	wrdreg s10  }
0x1f: {  	s12 =	sadd.s32 $0x41000, s0;
	s0 =	sadd.s32 $0x41800, s0;
	[dreg:$0x7] =	wrdreg s9  }
0x20: {  	s5 =	simm.s32 $0x14980;
	s7 =	simm.s32 $0x14280;
	[dreg:$0x1b] =	wrdreg s12  }
0x21: {  	[dreg:$0x1c] =	wrdreg s0;
	s24 =	simm.s32 $0x14780;
	s26 =	simm.s32 $0x14080  }
0x22: {  	s0 =	simm.s32 $0x14900;
	s8 =	simm.s32 $0x14A00;
	s9 =	simm.s32 $0x14A80  }
0x23: {  	s10 =	simm.s32 $0x14300;
	s12 =	simm.s32 $0x14B00;
	[dreg:$0x13] =	wrdreg s24  }
0x24: {  	s24 =	simm.s32 $0x1;
	[dreg:$0x15] =	wrdreg s26;
	s26 =	simm.s32 $0x3  }
.LBB2_1:
0x25: {  	s13 =	rddreg [dreg:$0x17]  }
0x26: {  	[tilespmem:s20], [sflag:$0x5] =	stream.linear.gather [hbm4b:s13+s3], $0x400, $0x38;
	[tilespmem:$0x1D000] =	vst v63  }
0x27: {  	_ =	swait.ge [sflag:s14], $0x400  }
0x28: {  	[sflag:s14] =	ssyncset.done $0x0  }
0x29: {  	s13 =	rddreg [dreg:$0x16];
	[sflag:s14] =	ssyncadd.s32 $0xFFFFFC00  }
0x2a: {  	[tilespmem:s15], [sflag:$0x5] =	stream.linear.gather [hbm4b:s13+s3], $0x4000, $0x38;
	[tilespmem:$0x1D000] =	vst v63  }
0x2b: {  	_ =	swait.ge [sflag:s14], $0x4000  }
0x2c: {  	[sflag:s14] =	ssyncset.done $0x0  }
0x2d: {  	[sflag:s14] =	ssyncadd.s32 $0xFFFFC000  }
0x2e: {  	[spmem:s2] =	stream.indirect.scatter [tilespmem:s15], [sflag:$0x5], $0x80, s20, s16, $0xb8;
	[tilespmem:$0x1D000] =	vst v63  }
0x2f: {  	_ =	swait.ge [sflag:s14], $0x4000  }
0x30: {  	[sflag:s14] =	ssyncset.done $0x0  }
0x31: {  	s20 =	simm.s32 $0x14C80;
	[sflag:s14] =	ssyncadd.s32 $0xFFFFC000  }
0x32: {  	[spmem:s2] =	stream.indirect.scatter [tilespmem:s15], [sflag:$0x5], $0x80, s20, s16, $0xb8;
	[tilespmem:$0x1D000] =	vst v63  }
0x33: {  	_ =	swait.ge [sflag:s14], $0x4000  }
0x34: {  	[sflag:s14] =	ssyncset.done $0x0  }
0x35: {  	s20 =	simm.s32 $0x14D00;
	[sflag:s14] =	ssyncadd.s32 $0xFFFFC000  }
0x36: {  	[spmem:s2] =	stream.indirect.scatter [tilespmem:s15], [sflag:$0x5], $0x80, s20, s16, $0xb8;
	[tilespmem:$0x1D000] =	vst v63  }
0x37: {  	_ =	swait.ge [sflag:s14], $0x4000  }
0x38: {  	[sflag:s14] =	ssyncset.done $0x0  }
0x39: {  	[sflag:s14] =	ssyncadd.s32 $0xFFFFC000  }
0x3a: {  	[spmem:s2] =	stream.indirect.scatter [tilespmem:s15], [sflag:$0x5], $0x80, s19, s16, $0xb8;
	[tilespmem:$0x1D000] =	vst v63  }
0x3b: {  	_ =	swait.ge [sflag:s14], $0x4000  }
0x3c: {  	[sflag:s14] =	ssyncset.done $0x0  }
0x3d: {  	[sflag:s14] =	ssyncadd.s32 $0xFFFFC000  }
0x3e: {  	[spmem:s2] =	stream.indirect.scatter [tilespmem:s15], [sflag:$0x5], $0x80, s18, s16, $0xb8;
	[tilespmem:$0x1D000] =	vst v63  }
0x3f: {  	_ =	swait.ge [sflag:s14], $0x4000  }
0x40: {  	[sflag:s14] =	ssyncset.done $0x0  }
0x41: {  	[sflag:s14] =	ssyncadd.s32 $0xFFFFC000  }
0x42: {  	[bflag:$0x0] =	sbarrier.arrive $0xFFFF  }
0x43: {  	s18 =	rddreg [dreg:$0x5]  }
0x44: {  	s13 =	sadd.s32 $0x0, s18  }
0x45: {  	[tilespmem:s21], [sflag:$0x5] =	stream.linear.gather [hbm4b:s13+s3], $0x800, $0x38;
	[tilespmem:$0x1D000] =	vst v63  }
0x46: {  	_ =	swait.ge [sflag:s14], $0x800  }
0x47: {  	s19 =	rddreg [dreg:$0x4];
	[sflag:s14] =	ssyncset.done $0x0  }
0x48: {  	[sflag:s14] =	ssyncadd.s32 $0xFFFFF800;
	s13 =	sadd.s32 $0x0, s19  }
0x49: {  	[tilespmem:s22], [sflag:$0x5] =	stream.linear.gather [hbm4b:s13+s3], $0x800, $0x38;
	[tilespmem:$0x1D000] =	vst v63  }
0x4a: {  	_ =	swait.ge [sflag:s14], $0x800  }
0x4b: {  	[sflag:s14] =	ssyncset.done $0x0  }
0x4c: {  	[sflag:s14] =	ssyncadd.s32 $0xFFFFF800  }
0x4d: {  	[tilespmem:s15], [sflag:$0x1] =	stream.indirect.gather [hbm4b:s4+s16], $0x80, s21, s16, $0xb8;
	[tilespmem:$0x1D000] =	vst v63  }
0x4e: {  	s20 =	rddreg [dreg:$0x6]  }
0x4f: {  	[tilespmem:s23], [sflag:$0x2] =	stream.indirect.gather [hbm4b:s4+s16], $0x80, s20, s16, $0xb8;
	[tilespmem:$0x1D000] =	vst v63  }
0x50: {  	_ =	swait.ge [sflag:s24], $0x4000  }
0x51: {  	[sflag:s24] =	ssyncset.done $0x0  }
0x52: {  	[sflag:s24] =	ssyncadd.s32 $0xFFFFC000  }
0x53: {  	[spmem:s2] =	stream.indirect.scatter.add.f32 [tilespmem:s15], [sflag:$0x3], $0x80, s22, s16, $0xb8;
	[tilespmem:$0x1D000] =	vst v63  }
0x54: {  	_ =	swait.ge [sflag:s25], $0x4000  }
0x55: {  	[sflag:s25] =	ssyncset.done $0x0  }
0x56: {  	s18 =	rddreg [dreg:$0x7];
	[sflag:s25] =	ssyncadd.s32 $0xFFFFC000  }
0x57: {  	[spmem:s2] =	stream.indirect.scatter.add.f32 [tilespmem:s23], [sflag:$0x4], $0x80, s18, s16, $0xb8;
	[tilespmem:$0x1D000] =	vst v63  }
0x58: {  	_ =	swait.ge [sflag:s26], $0x4000  }
0x59: {  	[sflag:s26] =	ssyncset.done $0x0  }
0x5a: {  	s19 =	rddreg [dreg:$0x8];
	[sflag:s26] =	ssyncadd.s32 $0xFFFFC000  }
0x5b: {  	[tilespmem:s15], [sflag:$0x1] =	stream.indirect.gather [hbm4b:s4+s16], $0x80, s19, s16, $0xb8;
	[tilespmem:$0x1D000] =	vst v63  }
0x5c: {  	_ =	swait.ge [sflag:s28], $0x4000  }
0x5d: {  	[sflag:s28] =	ssyncset.done $0x0  }
0x5e: {  	s20 =	rddreg [dreg:$0x9];
	[sflag:s28] =	ssyncadd.s32 $0xFFFFC000  }
0x5f: {  	[tilespmem:s23], [sflag:$0x2] =	stream.indirect.gather [hbm4b:s4+s16], $0x80, s20, s16, $0xb8;
	[tilespmem:$0x1D000] =	vst v63  }
0x60: {  	_ =	swait.ge [sflag:s24], $0x4000  }
0x61: {  	[sflag:s24] =	ssyncset.done $0x0  }
0x62: {  	s18 =	rddreg [dreg:$0xa];
	[sflag:s24] =	ssyncadd.s32 $0xFFFFC000  }
0x63: {  	[spmem:s2] =	stream.indirect.scatter.add.f32 [tilespmem:s15], [sflag:$0x3], $0x80, s18, s16, $0xb8;
	[tilespmem:$0x1D000] =	vst v63  }
0x64: {  	_ =	swait.ge [sflag:s25], $0x4000  }
0x65: {  	[sflag:s25] =	ssyncset.done $0x0  }
0x66: {  	s19 =	rddreg [dreg:$0xb];
	[sflag:s25] =	ssyncadd.s32 $0xFFFFC000  }
0x67: {  	[spmem:s2] =	stream.indirect.scatter.add.f32 [tilespmem:s23], [sflag:$0x4], $0x80, s19, s16, $0xb8;
	[tilespmem:$0x1D000] =	vst v63  }
0x68: {  	_ =	swait.ge [sflag:s26], $0x4000  }
0x69: {  	[sflag:s26] =	ssyncset.done $0x0  }
0x6a: {  	s20 =	rddreg [dreg:$0xc];
	[sflag:s26] =	ssyncadd.s32 $0xFFFFC000  }
0x6b: {  	[tilespmem:s15], [sflag:$0x1] =	stream.indirect.gather [hbm4b:s4+s16], $0x80, s20, s16, $0xb8;
	[tilespmem:$0x1D000] =	vst v63  }
0x6c: {  	_ =	swait.ge [sflag:s28], $0x4000  }
0x6d: {  	[sflag:s28] =	ssyncset.done $0x0  }
0x6e: {  	s18 =	rddreg [dreg:$0xd];
	[sflag:s28] =	ssyncadd.s32 $0xFFFFC000  }
0x6f: {  	[tilespmem:s23], [sflag:$0x2] =	stream.indirect.gather [hbm4b:s4+s16], $0x80, s18, s16, $0xb8;
	[tilespmem:$0x1D000] =	vst v63  }
0x70: {  	_ =	swait.ge [sflag:s24], $0x4000  }
0x71: {  	[sflag:s24] =	ssyncset.done $0x0  }
0x72: {  	s19 =	rddreg [dreg:$0xe];
	[sflag:s24] =	ssyncadd.s32 $0xFFFFC000  }
0x73: {  	[spmem:s2] =	stream.indirect.scatter.add.f32 [tilespmem:s15], [sflag:$0x3], $0x80, s19, s16, $0xb8;
	[tilespmem:$0x1D000] =	vst v63  }
0x74: {  	_ =	swait.ge [sflag:s25], $0x4000  }
0x75: {  	[sflag:s25] =	ssyncset.done $0x0  }
0x76: {  	s20 =	rddreg [dreg:$0xf];
	[sflag:s25] =	ssyncadd.s32 $0xFFFFC000  }
0x77: {  	[spmem:s2] =	stream.indirect.scatter.add.f32 [tilespmem:s23], [sflag:$0x4], $0x80, s20, s16, $0xb8;
	[tilespmem:$0x1D000] =	vst v63  }
0x78: {  	_ =	swait.ge [sflag:s26], $0x4000  }
0x79: {  	[sflag:s26] =	ssyncset.done $0x0  }
0x7a: {  	s18 =	rddreg [dreg:$0x10];
	[sflag:s26] =	ssyncadd.s32 $0xFFFFC000  }
0x7b: {  	[tilespmem:s15], [sflag:$0x1] =	stream.indirect.gather [hbm4b:s4+s16], $0x80, s18, s16, $0xb8;
	[tilespmem:$0x1D000] =	vst v63  }
0x7c: {  	_ =	swait.ge [sflag:s28], $0x4000  }
0x7d: {  	[sflag:s28] =	ssyncset.done $0x0  }
0x7e: {  	s19 =	rddreg [dreg:$0x11];
	[sflag:s28] =	ssyncadd.s32 $0xFFFFC000  }
0x7f: {  	[tilespmem:s23], [sflag:$0x2] =	stream.indirect.gather [hbm4b:s4+s16], $0x80, s19, s16, $0xb8;
	[tilespmem:$0x1D000] =	vst v63  }
0x80: {  	_ =	swait.ge [sflag:s24], $0x4000  }
0x81: {  	[sflag:s24] =	ssyncset.done $0x0  }
0x82: {  	s20 =	rddreg [dreg:$0x12];
	[sflag:s24] =	ssyncadd.s32 $0xFFFFC000  }
0x83: {  	[spmem:s2] =	stream.indirect.scatter.add.f32 [tilespmem:s15], [sflag:$0x3], $0x80, s20, s16, $0xb8;
	[tilespmem:$0x1D000] =	vst v63  }
0x84: {  	_ =	swait.ge [sflag:s25], $0x4000  }
0x85: {  	[sflag:s25] =	ssyncset.done $0x0  }
0x86: {  	s18 =	rddreg [dreg:$0x13];
	[sflag:s25] =	ssyncadd.s32 $0xFFFFC000  }
0x87: {  	[spmem:s2] =	stream.indirect.scatter.add.f32 [tilespmem:s23], [sflag:$0x4], $0x80, s18, s16, $0xb8;
	[tilespmem:$0x1D000] =	vst v63  }
0x88: {  	_ =	swait.ge [sflag:s26], $0x4000  }
0x89: {  	[sflag:s26] =	ssyncset.done $0x0  }
0x8a: {  	s19 =	rddreg [dreg:$0x14];
	[sflag:s26] =	ssyncadd.s32 $0xFFFFC000  }
0x8b: {  	[tilespmem:s15], [sflag:$0x1] =	stream.indirect.gather [hbm4b:s4+s16], $0x80, s19, s16, $0xb8;
	[tilespmem:$0x1D000] =	vst v63  }
0x8c: {  	_ =	swait.ge [sflag:s28], $0x4000  }
0x8d: {  	[sflag:s28] =	ssyncset.done $0x0  }
0x8e: {  	s20 =	rddreg [dreg:$0x15];
	[sflag:s28] =	ssyncadd.s32 $0xFFFFC000  }
0x8f: {  	[tilespmem:s23], [sflag:$0x2] =	stream.indirect.gather [hbm4b:s4+s16], $0x80, s20, s16, $0xb8;
	[tilespmem:$0x1D000] =	vst v63  }
0x90: {  	_ =	swait.ge [sflag:s24], $0x4000  }
0x91: {  	[sflag:s24] =	ssyncset.done $0x0  }
0x92: {  	[sflag:s24] =	ssyncadd.s32 $0xFFFFC000  }
0x93: {  	[spmem:s2] =	stream.indirect.scatter.add.f32 [tilespmem:s15], [sflag:$0x3], $0x80, s29, s16, $0xb8;
	[tilespmem:$0x1D000] =	vst v63  }
0x94: {  	_ =	swait.ge [sflag:s25], $0x4000  }
0x95: {  	[sflag:s25] =	ssyncset.done $0x0  }
0x96: {  	[sflag:s25] =	ssyncadd.s32 $0xFFFFC000  }
0x97: {  	[spmem:s2] =	stream.indirect.scatter.add.f32 [tilespmem:s23], [sflag:$0x4], $0x80, s30, s16, $0xb8;
	[tilespmem:$0x1D000] =	vst v63  }
0x98: {  	_ =	swait.ge [sflag:s26], $0x4000  }
0x99: {  	[sflag:s26] =	ssyncset.done $0x0  }
0x9a: {  	[sflag:s26] =	ssyncadd.s32 $0xFFFFC000  }
0x9b: {  	[tilespmem:s15], [sflag:$0x1] =	stream.indirect.gather [hbm4b:s4+s16], $0x80, s31, s16, $0xb8;
	[tilespmem:$0x1D000] =	vst v63  }
0x9c: {  	_ =	swait.ge [sflag:s28], $0x4000  }
0x9d: {  	[sflag:s28] =	ssyncset.done $0x0  }
0x9e: {  	[sflag:s28] =	ssyncadd.s32 $0xFFFFC000  }
0x9f: {  	[tilespmem:s23], [sflag:$0x2] =	stream.indirect.gather [hbm4b:s4+s16], $0x80, s1, s16, $0xb8;
	[tilespmem:$0x1D000] =	vst v63  }
0xa0: {  	_ =	swait.ge [sflag:s24], $0x4000  }
0xa1: {  	[sflag:s24] =	ssyncset.done $0x0  }
0xa2: {  	[sflag:s24] =	ssyncadd.s32 $0xFFFFC000  }
0xa3: {  	[spmem:s2] =	stream.indirect.scatter.add.f32 [tilespmem:s15], [sflag:$0x3], $0x80, s0, s16, $0xb8;
	[tilespmem:$0x1D000] =	vst v63  }
0xa4: {  	_ =	swait.ge [sflag:s25], $0x4000  }
0xa5: {  	[sflag:s25] =	ssyncset.done $0x0  }
0xa6: {  	[sflag:s25] =	ssyncadd.s32 $0xFFFFC000  }
0xa7: {  	[spmem:s2] =	stream.indirect.scatter.add.f32 [tilespmem:s23], [sflag:$0x4], $0x80, s5, s16, $0xb8;
	[tilespmem:$0x1D000] =	vst v63  }
0xa8: {  	_ =	swait.ge [sflag:s26], $0x4000  }
0xa9: {  	[sflag:s26] =	ssyncset.done $0x0  }
0xaa: {  	[sflag:s26] =	ssyncadd.s32 $0xFFFFC000  }
0xab: {  	[tilespmem:s15], [sflag:$0x1] =	stream.indirect.gather [hbm4b:s4+s16], $0x80, s6, s16, $0xb8;
	[tilespmem:$0x1D000] =	vst v63  }
0xac: {  	_ =	swait.ge [sflag:s28], $0x4000  }
0xad: {  	[sflag:s28] =	ssyncset.done $0x0  }
0xae: {  	[sflag:s28] =	ssyncadd.s32 $0xFFFFC000  }
0xaf: {  	[tilespmem:s23], [sflag:$0x2] =	stream.indirect.gather [hbm4b:s4+s16], $0x80, s7, s16, $0xb8;
	[tilespmem:$0x1D000] =	vst v63  }
0xb0: {  	_ =	swait.ge [sflag:s24], $0x4000  }
0xb1: {  	[sflag:s24] =	ssyncset.done $0x0  }
0xb2: {  	[sflag:s24] =	ssyncadd.s32 $0xFFFFC000  }
0xb3: {  	[spmem:s2] =	stream.indirect.scatter.add.f32 [tilespmem:s15], [sflag:$0x3], $0x80, s8, s16, $0xb8;
	[tilespmem:$0x1D000] =	vst v63  }
0xb4: {  	_ =	swait.ge [sflag:s25], $0x4000  }
0xb5: {  	[sflag:s25] =	ssyncset.done $0x0  }
0xb6: {  	[sflag:s25] =	ssyncadd.s32 $0xFFFFC000  }
0xb7: {  	[spmem:s2] =	stream.indirect.scatter.add.f32 [tilespmem:s23], [sflag:$0x4], $0x80, s9, s16, $0xb8;
	[tilespmem:$0x1D000] =	vst v63  }
0xb8: {  	_ =	swait.ge [sflag:s26], $0x4000  }
0xb9: {  	[sflag:s26] =	ssyncset.done $0x0  }
0xba: {  	[sflag:s26] =	ssyncadd.s32 $0xFFFFC000  }
0xbb: {  	[tilespmem:s15], [sflag:$0x1] =	stream.indirect.gather [hbm4b:s4+s16], $0x80, s10, s16, $0xb8;
	[tilespmem:$0x1D000] =	vst v63  }
0xbc: {  	_ =	swait.ge [sflag:s28], $0x4000  }
0xbd: {  	[sflag:s28] =	ssyncset.done $0x0  }
0xbe: {  	[sflag:s28] =	ssyncadd.s32 $0xFFFFC000  }
0xbf: {  	[tilespmem:s23], [sflag:$0x2] =	stream.indirect.gather [hbm4b:s4+s16], $0x80, s11, s16, $0xb8;
	[tilespmem:$0x1D000] =	vst v63  }
0xc0: {  	_ =	swait.ge [sflag:s24], $0x4000  }
0xc1: {  	[sflag:s24] =	ssyncset.done $0x0  }
0xc2: {  	[sflag:s24] =	ssyncadd.s32 $0xFFFFC000  }
0xc3: {  	[spmem:s2] =	stream.indirect.scatter.add.f32 [tilespmem:s15], [sflag:$0x3], $0x80, s12, s16, $0xb8;
	[tilespmem:$0x1D000] =	vst v63  }
0xc4: {  	_ =	swait.ge [sflag:s25], $0x4000  }
0xc5: {  	[sflag:s25] =	ssyncset.done $0x0  }
0xc6: {  	[sflag:s25] =	ssyncadd.s32 $0xFFFFC000  }
0xc7: {  	[spmem:s2] =	stream.indirect.scatter.add.f32 [tilespmem:s23], [sflag:$0x4], $0x80, s17, s16, $0xb8;
	[tilespmem:$0x1D000] =	vst v63  }
0xc8: {  	_ =	swait.ge [sflag:s26], $0x4000  }
0xc9: {  	[sflag:s26] =	ssyncset.done $0x0  }
0xca: {  	[sflag:s26] =	ssyncadd.s32 $0xFFFFC000  }
0xcb: {  	s19 =	simm.s32 $0x100;
	_ =	swait.ge [sflag:s28], $0x4000  }
0xcc: {  	s20 =	simm.s32 $0x200;
	s13 =	rddreg [dreg:$0x5];
	[sflag:s28] =	ssyncset.done $0x0  }
.LBB2_2:
0xcd: {  	[sflag:s28] =	ssyncadd.s32 $0xFFFFC000;
	s13 =	sadd.s32 s19, s13  }
0xce: {  	[tilespmem:s21], [sflag:$0x5] =	stream.linear.gather [hbm4b:s13+s3], $0x800, $0x38;
	[tilespmem:$0x1D000] =	vst v63  }
0xcf: {  	_ =	swait.ge [sflag:s14], $0x800  }
0xd0: {  	s13 =	rddreg [dreg:$0x4];
	[sflag:s14] =	ssyncset.done $0x0  }
0xd1: {  	[sflag:s14] =	ssyncadd.s32 $0xFFFFF800;
	s13 =	sadd.s32 s19, s13  }
0xd2: {  	[tilespmem:s22], [sflag:$0x5] =	stream.linear.gather [hbm4b:s13+s3], $0x800, $0x38;
	[tilespmem:$0x1D000] =	vst v63  }
0xd3: {  	_ =	swait.ge [sflag:s14], $0x800  }
0xd4: {  	[sflag:s14] =	ssyncset.done $0x0  }
0xd5: {  	s18 =	smov.u32 s20;
	[sflag:s14] =	ssyncadd.s32 $0xFFFFF800  }
0xd6: {  	[tilespmem:s15], [sflag:$0x1] =	stream.indirect.gather [hbm4b:s4+s16], $0x80, s21, s16, $0xb8;
	[tilespmem:$0x1D000] =	vst v63  }
0xd7: {  	s19 =	smov.u32 s18;
	s18 =	rddreg [dreg:$0x6]  }
0xd8: {  	[tilespmem:s23], [sflag:$0x2] =	stream.indirect.gather [hbm4b:s4+s16], $0x80, s18, s16, $0xb8;
	[tilespmem:$0x1D000] =	vst v63  }
0xd9: {  	_ =	swait.ge [sflag:s24], $0x4000  }
0xda: {  	[sflag:s24] =	ssyncset.done $0x0  }
0xdb: {  	[sflag:s24] =	ssyncadd.s32 $0xFFFFC000  }
0xdc: {  	[spmem:s2] =	stream.indirect.scatter.add.f32 [tilespmem:s15], [sflag:$0x3], $0x80, s22, s16, $0xb8;
	[tilespmem:$0x1D000] =	vst v63  }
0xdd: {  	_ =	swait.ge [sflag:s25], $0x4000  }
0xde: {  	[sflag:s25] =	ssyncset.done $0x0  }
0xdf: {  	s18 =	rddreg [dreg:$0x7];
	[sflag:s25] =	ssyncadd.s32 $0xFFFFC000  }
0xe0: {  	[spmem:s2] =	stream.indirect.scatter.add.f32 [tilespmem:s23], [sflag:$0x4], $0x80, s18, s16, $0xb8;
	[tilespmem:$0x1D000] =	vst v63  }
0xe1: {  	_ =	swait.ge [sflag:s26], $0x4000  }
0xe2: {  	[sflag:s26] =	ssyncset.done $0x0  }
0xe3: {  	s18 =	rddreg [dreg:$0x8];
	[sflag:s26] =	ssyncadd.s32 $0xFFFFC000  }
0xe4: {  	[tilespmem:s15], [sflag:$0x1] =	stream.indirect.gather [hbm4b:s4+s16], $0x80, s18, s16, $0xb8;
	[tilespmem:$0x1D000] =	vst v63  }
0xe5: {  	_ =	swait.ge [sflag:s28], $0x4000  }
0xe6: {  	[sflag:s28] =	ssyncset.done $0x0  }
0xe7: {  	s18 =	rddreg [dreg:$0x9];
	[sflag:s28] =	ssyncadd.s32 $0xFFFFC000  }
0xe8: {  	[tilespmem:s23], [sflag:$0x2] =	stream.indirect.gather [hbm4b:s4+s16], $0x80, s18, s16, $0xb8;
	[tilespmem:$0x1D000] =	vst v63  }
0xe9: {  	_ =	swait.ge [sflag:s24], $0x4000  }
0xea: {  	[sflag:s24] =	ssyncset.done $0x0  }
0xeb: {  	s18 =	rddreg [dreg:$0xa];
	[sflag:s24] =	ssyncadd.s32 $0xFFFFC000  }
0xec: {  	[spmem:s2] =	stream.indirect.scatter.add.f32 [tilespmem:s15], [sflag:$0x3], $0x80, s18, s16, $0xb8;
	[tilespmem:$0x1D000] =	vst v63  }
0xed: {  	_ =	swait.ge [sflag:s25], $0x4000  }
0xee: {  	[sflag:s25] =	ssyncset.done $0x0  }
0xef: {  	s18 =	rddreg [dreg:$0xb];
	[sflag:s25] =	ssyncadd.s32 $0xFFFFC000  }
0xf0: {  	[spmem:s2] =	stream.indirect.scatter.add.f32 [tilespmem:s23], [sflag:$0x4], $0x80, s18, s16, $0xb8;
	[tilespmem:$0x1D000] =	vst v63  }
0xf1: {  	_ =	swait.ge [sflag:s26], $0x4000  }
0xf2: {  	[sflag:s26] =	ssyncset.done $0x0  }
0xf3: {  	s18 =	rddreg [dreg:$0xc];
	[sflag:s26] =	ssyncadd.s32 $0xFFFFC000  }
0xf4: {  	[tilespmem:s15], [sflag:$0x1] =	stream.indirect.gather [hbm4b:s4+s16], $0x80, s18, s16, $0xb8;
	[tilespmem:$0x1D000] =	vst v63  }
0xf5: {  	_ =	swait.ge [sflag:s28], $0x4000  }
0xf6: {  	[sflag:s28] =	ssyncset.done $0x0  }
0xf7: {  	s18 =	rddreg [dreg:$0xd];
	[sflag:s28] =	ssyncadd.s32 $0xFFFFC000  }
0xf8: {  	[tilespmem:s23], [sflag:$0x2] =	stream.indirect.gather [hbm4b:s4+s16], $0x80, s18, s16, $0xb8;
	[tilespmem:$0x1D000] =	vst v63  }
0xf9: {  	_ =	swait.ge [sflag:s24], $0x4000  }
0xfa: {  	[sflag:s24] =	ssyncset.done $0x0  }
0xfb: {  	s18 =	rddreg [dreg:$0xe];
	[sflag:s24] =	ssyncadd.s32 $0xFFFFC000  }
0xfc: {  	[spmem:s2] =	stream.indirect.scatter.add.f32 [tilespmem:s15], [sflag:$0x3], $0x80, s18, s16, $0xb8;
	[tilespmem:$0x1D000] =	vst v63  }
0xfd: {  	_ =	swait.ge [sflag:s25], $0x4000  }
0xfe: {  	[sflag:s25] =	ssyncset.done $0x0  }
0xff: {  	s18 =	rddreg [dreg:$0xf];
	[sflag:s25] =	ssyncadd.s32 $0xFFFFC000  }
0x100: {  	[spmem:s2] =	stream.indirect.scatter.add.f32 [tilespmem:s23], [sflag:$0x4], $0x80, s18, s16, $0xb8;
	[tilespmem:$0x1D000] =	vst v63  }
0x101: {  	_ =	swait.ge [sflag:s26], $0x4000  }
0x102: {  	[sflag:s26] =	ssyncset.done $0x0  }
0x103: {  	s18 =	rddreg [dreg:$0x10];
	[sflag:s26] =	ssyncadd.s32 $0xFFFFC000  }
0x104: {  	[tilespmem:s15], [sflag:$0x1] =	stream.indirect.gather [hbm4b:s4+s16], $0x80, s18, s16, $0xb8;
	[tilespmem:$0x1D000] =	vst v63  }
0x105: {  	_ =	swait.ge [sflag:s28], $0x4000  }
0x106: {  	[sflag:s28] =	ssyncset.done $0x0  }
0x107: {  	s18 =	rddreg [dreg:$0x11];
	[sflag:s28] =	ssyncadd.s32 $0xFFFFC000  }
0x108: {  	[tilespmem:s23], [sflag:$0x2] =	stream.indirect.gather [hbm4b:s4+s16], $0x80, s18, s16, $0xb8;
	[tilespmem:$0x1D000] =	vst v63  }
0x109: {  	_ =	swait.ge [sflag:s24], $0x4000  }
0x10a: {  	[sflag:s24] =	ssyncset.done $0x0  }
0x10b: {  	s18 =	rddreg [dreg:$0x12];
	[sflag:s24] =	ssyncadd.s32 $0xFFFFC000  }
0x10c: {  	[spmem:s2] =	stream.indirect.scatter.add.f32 [tilespmem:s15], [sflag:$0x3], $0x80, s18, s16, $0xb8;
	[tilespmem:$0x1D000] =	vst v63  }
0x10d: {  	_ =	swait.ge [sflag:s25], $0x4000  }
0x10e: {  	[sflag:s25] =	ssyncset.done $0x0  }
0x10f: {  	s18 =	rddreg [dreg:$0x13];
	[sflag:s25] =	ssyncadd.s32 $0xFFFFC000  }
0x110: {  	[spmem:s2] =	stream.indirect.scatter.add.f32 [tilespmem:s23], [sflag:$0x4], $0x80, s18, s16, $0xb8;
	[tilespmem:$0x1D000] =	vst v63  }
0x111: {  	_ =	swait.ge [sflag:s26], $0x4000  }
0x112: {  	[sflag:s26] =	ssyncset.done $0x0  }
0x113: {  	s18 =	rddreg [dreg:$0x14];
	[sflag:s26] =	ssyncadd.s32 $0xFFFFC000  }
0x114: {  	[tilespmem:s15], [sflag:$0x1] =	stream.indirect.gather [hbm4b:s4+s16], $0x80, s18, s16, $0xb8;
	[tilespmem:$0x1D000] =	vst v63  }
0x115: {  	_ =	swait.ge [sflag:s28], $0x4000  }
0x116: {  	[sflag:s28] =	ssyncset.done $0x0  }
0x117: {  	s18 =	rddreg [dreg:$0x15];
	[sflag:s28] =	ssyncadd.s32 $0xFFFFC000  }
0x118: {  	[tilespmem:s23], [sflag:$0x2] =	stream.indirect.gather [hbm4b:s4+s16], $0x80, s18, s16, $0xb8;
	[tilespmem:$0x1D000] =	vst v63  }
0x119: {  	_ =	swait.ge [sflag:s24], $0x4000  }
0x11a: {  	[sflag:s24] =	ssyncset.done $0x0  }
0x11b: {  	[sflag:s24] =	ssyncadd.s32 $0xFFFFC000  }
0x11c: {  	[spmem:s2] =	stream.indirect.scatter.add.f32 [tilespmem:s15], [sflag:$0x3], $0x80, s29, s16, $0xb8;
	[tilespmem:$0x1D000] =	vst v63  }
0x11d: {  	_ =	swait.ge [sflag:s25], $0x4000  }
0x11e: {  	[sflag:s25] =	ssyncset.done $0x0  }
0x11f: {  	[sflag:s25] =	ssyncadd.s32 $0xFFFFC000  }
0x120: {  	[spmem:s2] =	stream.indirect.scatter.add.f32 [tilespmem:s23], [sflag:$0x4], $0x80, s30, s16, $0xb8;
	[tilespmem:$0x1D000] =	vst v63  }
0x121: {  	_ =	swait.ge [sflag:s26], $0x4000  }
0x122: {  	[sflag:s26] =	ssyncset.done $0x0  }
0x123: {  	[sflag:s26] =	ssyncadd.s32 $0xFFFFC000  }
0x124: {  	[tilespmem:s15], [sflag:$0x1] =	stream.indirect.gather [hbm4b:s4+s16], $0x80, s31, s16, $0xb8;
	[tilespmem:$0x1D000] =	vst v63  }
0x125: {  	_ =	swait.ge [sflag:s28], $0x4000  }
0x126: {  	[sflag:s28] =	ssyncset.done $0x0  }
0x127: {  	[sflag:s28] =	ssyncadd.s32 $0xFFFFC000  }
0x128: {  	[tilespmem:s23], [sflag:$0x2] =	stream.indirect.gather [hbm4b:s4+s16], $0x80, s1, s16, $0xb8;
	[tilespmem:$0x1D000] =	vst v63  }
0x129: {  	_ =	swait.ge [sflag:s24], $0x4000  }
0x12a: {  	[sflag:s24] =	ssyncset.done $0x0  }
0x12b: {  	[sflag:s24] =	ssyncadd.s32 $0xFFFFC000  }
0x12c: {  	[spmem:s2] =	stream.indirect.scatter.add.f32 [tilespmem:s15], [sflag:$0x3], $0x80, s0, s16, $0xb8;
	[tilespmem:$0x1D000] =	vst v63  }
0x12d: {  	_ =	swait.ge [sflag:s25], $0x4000  }
0x12e: {  	[sflag:s25] =	ssyncset.done $0x0  }
0x12f: {  	[sflag:s25] =	ssyncadd.s32 $0xFFFFC000  }
0x130: {  	[spmem:s2] =	stream.indirect.scatter.add.f32 [tilespmem:s23], [sflag:$0x4], $0x80, s5, s16, $0xb8;
	[tilespmem:$0x1D000] =	vst v63  }
0x131: {  	_ =	swait.ge [sflag:s26], $0x4000  }
0x132: {  	[sflag:s26] =	ssyncset.done $0x0  }
0x133: {  	[sflag:s26] =	ssyncadd.s32 $0xFFFFC000  }
0x134: {  	[tilespmem:s15], [sflag:$0x1] =	stream.indirect.gather [hbm4b:s4+s16], $0x80, s6, s16, $0xb8;
	[tilespmem:$0x1D000] =	vst v63  }
0x135: {  	_ =	swait.ge [sflag:s28], $0x4000  }
0x136: {  	[sflag:s28] =	ssyncset.done $0x0  }
0x137: {  	[sflag:s28] =	ssyncadd.s32 $0xFFFFC000  }
0x138: {  	[tilespmem:s23], [sflag:$0x2] =	stream.indirect.gather [hbm4b:s4+s16], $0x80, s7, s16, $0xb8;
	[tilespmem:$0x1D000] =	vst v63  }
0x139: {  	_ =	swait.ge [sflag:s24], $0x4000  }
0x13a: {  	[sflag:s24] =	ssyncset.done $0x0  }
0x13b: {  	[sflag:s24] =	ssyncadd.s32 $0xFFFFC000  }
0x13c: {  	[spmem:s2] =	stream.indirect.scatter.add.f32 [tilespmem:s15], [sflag:$0x3], $0x80, s8, s16, $0xb8;
	[tilespmem:$0x1D000] =	vst v63  }
0x13d: {  	_ =	swait.ge [sflag:s25], $0x4000  }
0x13e: {  	[sflag:s25] =	ssyncset.done $0x0  }
0x13f: {  	[sflag:s25] =	ssyncadd.s32 $0xFFFFC000  }
0x140: {  	[spmem:s2] =	stream.indirect.scatter.add.f32 [tilespmem:s23], [sflag:$0x4], $0x80, s9, s16, $0xb8;
	[tilespmem:$0x1D000] =	vst v63  }
0x141: {  	_ =	swait.ge [sflag:s26], $0x4000  }
0x142: {  	[sflag:s26] =	ssyncset.done $0x0  }
0x143: {  	[sflag:s26] =	ssyncadd.s32 $0xFFFFC000  }
0x144: {  	[tilespmem:s15], [sflag:$0x1] =	stream.indirect.gather [hbm4b:s4+s16], $0x80, s10, s16, $0xb8;
	[tilespmem:$0x1D000] =	vst v63  }
0x145: {  	_ =	swait.ge [sflag:s28], $0x4000  }
0x146: {  	[sflag:s28] =	ssyncset.done $0x0  }
0x147: {  	[sflag:s28] =	ssyncadd.s32 $0xFFFFC000  }
0x148: {  	[tilespmem:s23], [sflag:$0x2] =	stream.indirect.gather [hbm4b:s4+s16], $0x80, s11, s16, $0xb8;
	[tilespmem:$0x1D000] =	vst v63  }
0x149: {  	_ =	swait.ge [sflag:s24], $0x4000  }
0x14a: {  	[sflag:s24] =	ssyncset.done $0x0  }
0x14b: {  	[sflag:s24] =	ssyncadd.s32 $0xFFFFC000  }
0x14c: {  	[spmem:s2] =	stream.indirect.scatter.add.f32 [tilespmem:s15], [sflag:$0x3], $0x80, s12, s16, $0xb8;
	[tilespmem:$0x1D000] =	vst v63  }
0x14d: {  	_ =	swait.ge [sflag:s25], $0x4000  }
0x14e: {  	[sflag:s25] =	ssyncset.done $0x0  }
0x14f: {  	p0 =	sne.s32 s20, $0x900;
	[sflag:s25] =	ssyncadd.s32 $0xFFFFC000  }
0x150: {  	[spmem:s2] =	stream.indirect.scatter.add.f32 [tilespmem:s23], [sflag:$0x4], $0x80, s17, s16, $0xb8;
	[tilespmem:$0x1D000] =	vst v63  }
.Ltmp0:
0x151: {  	_ =	swait.ge [sflag:s26], $0x4000;
	(pc) =	sbr.rel @p0 .LBB2_2-.Ltmp0, $4  }
0x152: {  	[sflag:s26] =	ssyncset.done $0x0  }
0x153: {  	[sflag:s26] =	ssyncadd.s32 $0xFFFFC000  }
0x154: {  	_ =	swait.ge [sflag:s28], $0x4000  }
0x155: {  	s20 =	sadd.s32 $0x100, s20;
	s13 =	rddreg [dreg:$0x5];
	[sflag:s28] =	ssyncset.done $0x0  }
0x156: {  	[sflag:s28] =	ssyncadd.s32 $0xFFFFC000;
	s13 =	sadd.s32 s19, s13  }
0x157: {  	[tilespmem:s21], [sflag:$0x5] =	stream.linear.gather [hbm4b:s13+s3], $0x800, $0x38;
	[tilespmem:$0x1D000] =	vst v63  }
0x158: {  	_ =	swait.ge [sflag:s14], $0x800  }
0x159: {  	s18 =	rddreg [dreg:$0x4];
	[sflag:s14] =	ssyncset.done $0x0  }
0x15a: {  	s13 =	sadd.s32 s19, s18;
	[sflag:s14] =	ssyncadd.s32 $0xFFFFF800  }
0x15b: {  	[tilespmem:s22], [sflag:$0x5] =	stream.linear.gather [hbm4b:s13+s3], $0x800, $0x38;
	[tilespmem:$0x1D000] =	vst v63  }
0x15c: {  	_ =	swait.ge [sflag:s14], $0x800  }
0x15d: {  	[sflag:s14] =	ssyncset.done $0x0  }
0x15e: {  	[sflag:s14] =	ssyncadd.s32 $0xFFFFF800  }
0x15f: {  	[tilespmem:s15], [sflag:$0x1] =	stream.indirect.gather [hbm4b:s4+s16], $0x80, s21, s16, $0xb8;
	[tilespmem:$0x1D000] =	vst v63  }
0x160: {  	s20 =	rddreg [dreg:$0x6]  }
0x161: {  	[tilespmem:s23], [sflag:$0x2] =	stream.indirect.gather [hbm4b:s4+s16], $0x80, s20, s16, $0xb8;
	[tilespmem:$0x1D000] =	vst v63  }
0x162: {  	_ =	swait.ge [sflag:s24], $0x4000  }
0x163: {  	[sflag:s24] =	ssyncset.done $0x0  }
0x164: {  	[sflag:s24] =	ssyncadd.s32 $0xFFFFC000  }
0x165: {  	[spmem:s2] =	stream.indirect.scatter.add.f32 [tilespmem:s15], [sflag:$0x3], $0x80, s22, s16, $0xb8;
	[tilespmem:$0x1D000] =	vst v63  }
0x166: {  	_ =	swait.ge [sflag:s25], $0x4000  }
0x167: {  	[sflag:s25] =	ssyncset.done $0x0  }
0x168: {  	s18 =	rddreg [dreg:$0x7];
	[sflag:s25] =	ssyncadd.s32 $0xFFFFC000  }
0x169: {  	[spmem:s2] =	stream.indirect.scatter.add.f32 [tilespmem:s23], [sflag:$0x4], $0x80, s18, s16, $0xb8;
	[tilespmem:$0x1D000] =	vst v63  }
0x16a: {  	_ =	swait.ge [sflag:s26], $0x4000  }
0x16b: {  	[sflag:s26] =	ssyncset.done $0x0  }
0x16c: {  	s19 =	rddreg [dreg:$0x8];
	[sflag:s26] =	ssyncadd.s32 $0xFFFFC000  }
0x16d: {  	[tilespmem:s15], [sflag:$0x1] =	stream.indirect.gather [hbm4b:s4+s16], $0x80, s19, s16, $0xb8;
	[tilespmem:$0x1D000] =	vst v63  }
0x16e: {  	_ =	swait.ge [sflag:s28], $0x4000  }
0x16f: {  	[sflag:s28] =	ssyncset.done $0x0  }
0x170: {  	s20 =	rddreg [dreg:$0x9];
	[sflag:s28] =	ssyncadd.s32 $0xFFFFC000  }
0x171: {  	[tilespmem:s23], [sflag:$0x2] =	stream.indirect.gather [hbm4b:s4+s16], $0x80, s20, s16, $0xb8;
	[tilespmem:$0x1D000] =	vst v63  }
0x172: {  	_ =	swait.ge [sflag:s24], $0x4000  }
0x173: {  	[sflag:s24] =	ssyncset.done $0x0  }
0x174: {  	s18 =	rddreg [dreg:$0xa];
	[sflag:s24] =	ssyncadd.s32 $0xFFFFC000  }
0x175: {  	[spmem:s2] =	stream.indirect.scatter.add.f32 [tilespmem:s15], [sflag:$0x3], $0x80, s18, s16, $0xb8;
	[tilespmem:$0x1D000] =	vst v63  }
0x176: {  	_ =	swait.ge [sflag:s25], $0x4000  }
0x177: {  	[sflag:s25] =	ssyncset.done $0x0  }
0x178: {  	s19 =	rddreg [dreg:$0xb];
	[sflag:s25] =	ssyncadd.s32 $0xFFFFC000  }
0x179: {  	[spmem:s2] =	stream.indirect.scatter.add.f32 [tilespmem:s23], [sflag:$0x4], $0x80, s19, s16, $0xb8;
	[tilespmem:$0x1D000] =	vst v63  }
0x17a: {  	_ =	swait.ge [sflag:s26], $0x4000  }
0x17b: {  	[sflag:s26] =	ssyncset.done $0x0  }
0x17c: {  	s20 =	rddreg [dreg:$0xc];
	[sflag:s26] =	ssyncadd.s32 $0xFFFFC000  }
0x17d: {  	[tilespmem:s15], [sflag:$0x1] =	stream.indirect.gather [hbm4b:s4+s16], $0x80, s20, s16, $0xb8;
	[tilespmem:$0x1D000] =	vst v63  }
0x17e: {  	_ =	swait.ge [sflag:s28], $0x4000  }
0x17f: {  	[sflag:s28] =	ssyncset.done $0x0  }
0x180: {  	s18 =	rddreg [dreg:$0xd];
	[sflag:s28] =	ssyncadd.s32 $0xFFFFC000  }
0x181: {  	[tilespmem:s23], [sflag:$0x2] =	stream.indirect.gather [hbm4b:s4+s16], $0x80, s18, s16, $0xb8;
	[tilespmem:$0x1D000] =	vst v63  }
0x182: {  	_ =	swait.ge [sflag:s24], $0x4000  }
0x183: {  	[sflag:s24] =	ssyncset.done $0x0  }
0x184: {  	s19 =	rddreg [dreg:$0xe];
	[sflag:s24] =	ssyncadd.s32 $0xFFFFC000  }
0x185: {  	[spmem:s2] =	stream.indirect.scatter.add.f32 [tilespmem:s15], [sflag:$0x3], $0x80, s19, s16, $0xb8;
	[tilespmem:$0x1D000] =	vst v63  }
0x186: {  	_ =	swait.ge [sflag:s25], $0x4000  }
0x187: {  	[sflag:s25] =	ssyncset.done $0x0  }
0x188: {  	s20 =	rddreg [dreg:$0xf];
	[sflag:s25] =	ssyncadd.s32 $0xFFFFC000  }
0x189: {  	[spmem:s2] =	stream.indirect.scatter.add.f32 [tilespmem:s23], [sflag:$0x4], $0x80, s20, s16, $0xb8;
	[tilespmem:$0x1D000] =	vst v63  }
0x18a: {  	_ =	swait.ge [sflag:s26], $0x4000  }
0x18b: {  	[sflag:s26] =	ssyncset.done $0x0  }
0x18c: {  	s18 =	rddreg [dreg:$0x10];
	[sflag:s26] =	ssyncadd.s32 $0xFFFFC000  }
0x18d: {  	[tilespmem:s15], [sflag:$0x1] =	stream.indirect.gather [hbm4b:s4+s16], $0x80, s18, s16, $0xb8;
	[tilespmem:$0x1D000] =	vst v63  }
0x18e: {  	_ =	swait.ge [sflag:s28], $0x4000  }
0x18f: {  	[sflag:s28] =	ssyncset.done $0x0  }
0x190: {  	s19 =	rddreg [dreg:$0x11];
	[sflag:s28] =	ssyncadd.s32 $0xFFFFC000  }
0x191: {  	[tilespmem:s23], [sflag:$0x2] =	stream.indirect.gather [hbm4b:s4+s16], $0x80, s19, s16, $0xb8;
	[tilespmem:$0x1D000] =	vst v63  }
0x192: {  	_ =	swait.ge [sflag:s24], $0x4000  }
0x193: {  	[sflag:s24] =	ssyncset.done $0x0  }
0x194: {  	s20 =	rddreg [dreg:$0x12];
	[sflag:s24] =	ssyncadd.s32 $0xFFFFC000  }
0x195: {  	[spmem:s2] =	stream.indirect.scatter.add.f32 [tilespmem:s15], [sflag:$0x3], $0x80, s20, s16, $0xb8;
	[tilespmem:$0x1D000] =	vst v63  }
0x196: {  	_ =	swait.ge [sflag:s25], $0x4000  }
0x197: {  	[sflag:s25] =	ssyncset.done $0x0  }
0x198: {  	s18 =	rddreg [dreg:$0x13];
	[sflag:s25] =	ssyncadd.s32 $0xFFFFC000  }
0x199: {  	[spmem:s2] =	stream.indirect.scatter.add.f32 [tilespmem:s23], [sflag:$0x4], $0x80, s18, s16, $0xb8;
	[tilespmem:$0x1D000] =	vst v63  }
0x19a: {  	_ =	swait.ge [sflag:s26], $0x4000  }
0x19b: {  	[sflag:s26] =	ssyncset.done $0x0  }
0x19c: {  	s19 =	rddreg [dreg:$0x14];
	[sflag:s26] =	ssyncadd.s32 $0xFFFFC000  }
0x19d: {  	[tilespmem:s15], [sflag:$0x1] =	stream.indirect.gather [hbm4b:s4+s16], $0x80, s19, s16, $0xb8;
	[tilespmem:$0x1D000] =	vst v63  }
0x19e: {  	_ =	swait.ge [sflag:s28], $0x4000  }
0x19f: {  	[sflag:s28] =	ssyncset.done $0x0  }
0x1a0: {  	s20 =	rddreg [dreg:$0x15];
	[sflag:s28] =	ssyncadd.s32 $0xFFFFC000  }
0x1a1: {  	[tilespmem:s23], [sflag:$0x2] =	stream.indirect.gather [hbm4b:s4+s16], $0x80, s20, s16, $0xb8;
	[tilespmem:$0x1D000] =	vst v63  }
0x1a2: {  	_ =	swait.ge [sflag:s24], $0x4000  }
0x1a3: {  	[sflag:s24] =	ssyncset.done $0x0  }
0x1a4: {  	[sflag:s24] =	ssyncadd.s32 $0xFFFFC000  }
0x1a5: {  	[spmem:s2] =	stream.indirect.scatter.add.f32 [tilespmem:s15], [sflag:$0x3], $0x80, s29, s16, $0xb8;
	[tilespmem:$0x1D000] =	vst v63  }
0x1a6: {  	_ =	swait.ge [sflag:s25], $0x4000  }
0x1a7: {  	[sflag:s25] =	ssyncset.done $0x0  }
0x1a8: {  	[sflag:s25] =	ssyncadd.s32 $0xFFFFC000  }
0x1a9: {  	[spmem:s2] =	stream.indirect.scatter.add.f32 [tilespmem:s23], [sflag:$0x4], $0x80, s30, s16, $0xb8;
	[tilespmem:$0x1D000] =	vst v63  }
0x1aa: {  	_ =	swait.ge [sflag:s26], $0x4000  }
0x1ab: {  	[sflag:s26] =	ssyncset.done $0x0  }
0x1ac: {  	[sflag:s26] =	ssyncadd.s32 $0xFFFFC000  }
0x1ad: {  	[tilespmem:s15], [sflag:$0x1] =	stream.indirect.gather [hbm4b:s4+s16], $0x80, s31, s16, $0xb8;
	[tilespmem:$0x1D000] =	vst v63  }
0x1ae: {  	_ =	swait.ge [sflag:s28], $0x4000  }
0x1af: {  	[sflag:s28] =	ssyncset.done $0x0  }
0x1b0: {  	[sflag:s28] =	ssyncadd.s32 $0xFFFFC000  }
0x1b1: {  	[tilespmem:s23], [sflag:$0x2] =	stream.indirect.gather [hbm4b:s4+s16], $0x80, s1, s16, $0xb8;
	[tilespmem:$0x1D000] =	vst v63  }
0x1b2: {  	_ =	swait.ge [sflag:s24], $0x4000  }
0x1b3: {  	[sflag:s24] =	ssyncset.done $0x0  }
0x1b4: {  	[sflag:s24] =	ssyncadd.s32 $0xFFFFC000  }
0x1b5: {  	[spmem:s2] =	stream.indirect.scatter.add.f32 [tilespmem:s15], [sflag:$0x3], $0x80, s0, s16, $0xb8;
	[tilespmem:$0x1D000] =	vst v63  }
0x1b6: {  	_ =	swait.ge [sflag:s25], $0x4000  }
0x1b7: {  	[sflag:s25] =	ssyncset.done $0x0  }
0x1b8: {  	[sflag:s25] =	ssyncadd.s32 $0xFFFFC000  }
0x1b9: {  	[spmem:s2] =	stream.indirect.scatter.add.f32 [tilespmem:s23], [sflag:$0x4], $0x80, s5, s16, $0xb8;
	[tilespmem:$0x1D000] =	vst v63  }
0x1ba: {  	_ =	swait.ge [sflag:s26], $0x4000  }
0x1bb: {  	[sflag:s26] =	ssyncset.done $0x0  }
0x1bc: {  	[sflag:s26] =	ssyncadd.s32 $0xFFFFC000  }
0x1bd: {  	[tilespmem:s15], [sflag:$0x1] =	stream.indirect.gather [hbm4b:s4+s16], $0x80, s6, s16, $0xb8;
	[tilespmem:$0x1D000] =	vst v63  }
0x1be: {  	_ =	swait.ge [sflag:s28], $0x4000  }
0x1bf: {  	[sflag:s28] =	ssyncset.done $0x0  }
0x1c0: {  	[sflag:s28] =	ssyncadd.s32 $0xFFFFC000  }
0x1c1: {  	[tilespmem:s23], [sflag:$0x2] =	stream.indirect.gather [hbm4b:s4+s16], $0x80, s7, s16, $0xb8;
	[tilespmem:$0x1D000] =	vst v63  }
0x1c2: {  	_ =	swait.ge [sflag:s24], $0x4000  }
0x1c3: {  	[sflag:s24] =	ssyncset.done $0x0  }
0x1c4: {  	[sflag:s24] =	ssyncadd.s32 $0xFFFFC000  }
0x1c5: {  	[spmem:s2] =	stream.indirect.scatter.add.f32 [tilespmem:s15], [sflag:$0x3], $0x80, s8, s16, $0xb8;
	[tilespmem:$0x1D000] =	vst v63  }
0x1c6: {  	_ =	swait.ge [sflag:s25], $0x4000  }
0x1c7: {  	[sflag:s25] =	ssyncset.done $0x0  }
0x1c8: {  	[sflag:s25] =	ssyncadd.s32 $0xFFFFC000  }
0x1c9: {  	[spmem:s2] =	stream.indirect.scatter.add.f32 [tilespmem:s23], [sflag:$0x4], $0x80, s9, s16, $0xb8;
	[tilespmem:$0x1D000] =	vst v63  }
0x1ca: {  	_ =	swait.ge [sflag:s26], $0x4000  }
0x1cb: {  	[sflag:s26] =	ssyncset.done $0x0  }
0x1cc: {  	[sflag:s26] =	ssyncadd.s32 $0xFFFFC000  }
0x1cd: {  	[tilespmem:s15], [sflag:$0x1] =	stream.indirect.gather [hbm4b:s4+s16], $0x80, s10, s16, $0xb8;
	[tilespmem:$0x1D000] =	vst v63  }
0x1ce: {  	_ =	swait.ge [sflag:s28], $0x4000  }
0x1cf: {  	[sflag:s28] =	ssyncset.done $0x0  }
0x1d0: {  	[sflag:s28] =	ssyncadd.s32 $0xFFFFC000  }
0x1d1: {  	[tilespmem:s23], [sflag:$0x2] =	stream.indirect.gather [hbm4b:s4+s16], $0x80, s11, s16, $0xb8;
	[tilespmem:$0x1D000] =	vst v63  }
0x1d2: {  	_ =	swait.ge [sflag:s24], $0x4000  }
0x1d3: {  	[sflag:s24] =	ssyncset.done $0x0  }
0x1d4: {  	[sflag:s24] =	ssyncadd.s32 $0xFFFFC000  }
0x1d5: {  	[spmem:s2] =	stream.indirect.scatter.add.f32 [tilespmem:s15], [sflag:$0x3], $0x80, s12, s16, $0xb8;
	[tilespmem:$0x1D000] =	vst v63  }
0x1d6: {  	_ =	swait.ge [sflag:s25], $0x4000  }
0x1d7: {  	[sflag:s25] =	ssyncset.done $0x0  }
0x1d8: {  	[sflag:s25] =	ssyncadd.s32 $0xFFFFC000  }
0x1d9: {  	[spmem:s2] =	stream.indirect.scatter.add.f32 [tilespmem:s23], [sflag:$0x4], $0x80, s17, s16, $0xb8;
	[tilespmem:$0x1D000] =	vst v63  }
0x1da: {  	_ =	swait.ge [sflag:s26], $0x4000  }
0x1db: {  	[sflag:s26] =	ssyncset.done $0x0  }
0x1dc: {  	[sflag:s26] =	ssyncadd.s32 $0xFFFFC000  }
0x1dd: {  	_ =	swait.ge [sflag:s28], $0x4000  }
0x1de: {  	[sflag:s28] =	ssyncset.done $0x0  }
0x1df: {  	[sflag:s28] =	ssyncadd.s32 $0xFFFFC000  }
0x1e0: {  	s18 =	simm.s32 $0x14C00;
	[bflag:$0x0] =	sbarrier.arrive $0xFFFF  }
0x1e1: {  	[tilespmem:s15], [sflag:$0x1] =	stream.indirect.gather [spmem:s2], $0x80, s18, s16, $0xb8;
	[tilespmem:$0x1D000] =	vst v63  }
0x1e2: {  	_ =	swait.ge [sflag:s24], $0x4000  }
0x1e3: {  	[sflag:s24] =	ssyncset.done $0x0  }
0x1e4: {  	s19 =	rddreg [dreg:$0x18];
	[sflag:s24] =	ssyncadd.s32 $0xFFFFC000  }
0x1e5: {  	[hbm4b:s19+s3] =	stream.linear.scatter [tilespmem:s15], [sflag:$0x5], $0x4000, $0x38;
	[tilespmem:$0x1D000] =	vst v63  }
0x1e6: {  	_ =	swait.ge [sflag:s14], $0x4000  }
0x1e7: {  	[sflag:s14] =	ssyncset.done $0x0  }
0x1e8: {  	s20 =	simm.s32 $0x14C80;
	[sflag:s14] =	ssyncadd.s32 $0xFFFFC000  }
0x1e9: {  	[tilespmem:s15], [sflag:$0x1] =	stream.indirect.gather [spmem:s2], $0x80, s20, s16, $0xb8;
	[tilespmem:$0x1D000] =	vst v63  }
0x1ea: {  	_ =	swait.ge [sflag:s24], $0x4000  }
0x1eb: {  	[sflag:s24] =	ssyncset.done $0x0  }
0x1ec: {  	s18 =	rddreg [dreg:$0x19];
	[sflag:s24] =	ssyncadd.s32 $0xFFFFC000  }
0x1ed: {  	[hbm4b:s18+s3] =	stream.linear.scatter [tilespmem:s15], [sflag:$0x5], $0x4000, $0x38;
	[tilespmem:$0x1D000] =	vst v63  }
0x1ee: {  	_ =	swait.ge [sflag:s14], $0x4000  }
0x1ef: {  	[sflag:s14] =	ssyncset.done $0x0  }
0x1f0: {  	s19 =	simm.s32 $0x14D00;
	[sflag:s14] =	ssyncadd.s32 $0xFFFFC000  }
0x1f1: {  	[tilespmem:s15], [sflag:$0x1] =	stream.indirect.gather [spmem:s2], $0x80, s19, s16, $0xb8;
	[tilespmem:$0x1D000] =	vst v63  }
0x1f2: {  	_ =	swait.ge [sflag:s24], $0x4000  }
0x1f3: {  	[sflag:s24] =	ssyncset.done $0x0  }
0x1f4: {  	s20 =	rddreg [dreg:$0x1a];
	[sflag:s24] =	ssyncadd.s32 $0xFFFFC000  }
0x1f5: {  	[hbm4b:s20+s3] =	stream.linear.scatter [tilespmem:s15], [sflag:$0x5], $0x4000, $0x38;
	[tilespmem:$0x1D000] =	vst v63  }
0x1f6: {  	_ =	swait.ge [sflag:s14], $0x4000  }
0x1f7: {  	[sflag:s14] =	ssyncset.done $0x0  }
0x1f8: {  	s19 =	simm.s32 $0x14D80;
	[sflag:s14] =	ssyncadd.s32 $0xFFFFC000  }
0x1f9: {  	[tilespmem:s15], [sflag:$0x1] =	stream.indirect.gather [spmem:s2], $0x80, s19, s16, $0xb8;
	[tilespmem:$0x1D000] =	vst v63  }
0x1fa: {  	_ =	swait.ge [sflag:s24], $0x4000  }
0x1fb: {  	[sflag:s24] =	ssyncset.done $0x0  }
0x1fc: {  	s18 =	rddreg [dreg:$0x1b];
	[sflag:s24] =	ssyncadd.s32 $0xFFFFC000  }
0x1fd: {  	[hbm4b:s18+s3] =	stream.linear.scatter [tilespmem:s15], [sflag:$0x5], $0x4000, $0x38;
	[tilespmem:$0x1D000] =	vst v63  }
0x1fe: {  	_ =	swait.ge [sflag:s14], $0x4000  }
0x1ff: {  	[sflag:s14] =	ssyncset.done $0x0  }
0x200: {  	s18 =	simm.s32 $0x14E00;
	[sflag:s14] =	ssyncadd.s32 $0xFFFFC000  }
0x201: {  	[tilespmem:s15], [sflag:$0x1] =	stream.indirect.gather [spmem:s2], $0x80, s18, s16, $0xb8;
	[tilespmem:$0x1D000] =	vst v63  }
0x202: {  	_ =	swait.ge [sflag:s24], $0x4000  }
0x203: {  	[sflag:s24] =	ssyncset.done $0x0  }
0x204: {  	s20 =	rddreg [dreg:$0x1c];
	[sflag:s24] =	ssyncadd.s32 $0xFFFFC000  }
0x205: {  	[hbm4b:s20+s3] =	stream.linear.scatter [tilespmem:s15], [sflag:$0x5], $0x3C00, $0x38;
	[tilespmem:$0x1D000] =	vst v63  }
0x206: {  	_ =	swait.ge [sflag:s14], $0x3C00  }
0x207: {  	s20 =	rddreg [dreg:$0x1e]  }
0x208: {  	s13 =	rddreg [dreg:$0x1d];
	s20 =	sadd.s32 $0x1, s20  }
0x209: {  	p0 =	sne.s32 s20, s13  }
.Ltmp1:
0x20a: {  	_ = 	snop;
	(pc) =	sbr.rel @p0 .LBB2_1-.Ltmp1, $3  }
0x20b: {  	_ =	sdelay $0x1  }
0x20c: {  	[sflag:s14] =	ssyncset.done $0x0  }
0x20d: {  	[sflag:s14] =	ssyncadd.s32 $0xFFFFC400;
	[dreg:$0x1e] =	wrdreg s20;
	s20 =	simm.s32 $0x14C00  }
0x20e: {  	_ =	sfence.sel $0x180000  }
0x20f: {  	[bflag:$0x0] =	sbarrier.arrive $0xFFFF  }
0x210: {  	_ =	strace $0x9000004A  }
0x211: {  	s0 =	stileid.u32;
	[bflag:$0x2] =	sbarrier.arrive $0xFFFF  }
0x212: {  	p0 =	sne.s32 s0, $0x0;
	s0 =	rddreg [dreg:$0x3]  }
0x213: {  	s0 =	sadd.s32 @!p0 $0x100000, s0  }
0x214: {  	[sflag:s0] =	ssyncadd.tile.s32 @!p0 $0x1;
	_ =	shalt  }
.Lfunc_end2:
_tile_overlayer_lowered:
.L_overlay_start_2:
0x215: {  	(tag) =	ssettag $0x2  }
0x216: {  	s0 =	rddreg [dreg:$0x0];
	s2 =	stileid.u32  }
0x217: {  	s1 =	rddreg [dreg:$0x1];
	p0 =	sne.s32 s2, $0x0  }
0x218: {  	s3 =	rddreg [dreg:$0x2];
	[bflag:$0x3] =	sbarrier.arrive $0xFFFF;
	s2 =	simm.s32 @!p0 $0x1C05  }
0x219: {  	[timem:s3], [sflag:s2] =	dma.local @!p0 [hbm:s0], s1  }
0x21a: {  	s0 =	simm.s32 @!p0 $0x5  }
0x21b: {  	_ =	swait.ge @!p0 [sflag:s0], s1  }
0x21c: {  	s1 =	ssub.s32 @!p0 $0x0, s1;
	[sflag:s0] =	ssyncset.done @!p0 $0x0  }
0x21d: {  	[sflag:s0] =	ssyncadd.s32 @!p0 s1  }
0x21e: {  	[bflag:$0x3] =	sbarrier.arrive $0xFFFF  }
0x21f: {  	_ =	shalt  }

</sc_bundles>
